<compile_context>
chip_gen: v7x
topology: tpu7x:2x2x1
jax: 0.10.2.dev20260603
libtpu: 0.0.44.dev20260713+nightly
codegen_flags: <defaults>
</compile_context>

<pallas_src>
import functools

import jax
import jax.numpy as jnp
from jax import lax
from jax.experimental import pallas as pl
from jax.experimental.pallas import tpu as pltpu
from jax.experimental.pallas import tpu_sc as plsc

N_OUT = 512
N_IN = 786432
NNZ = 8192
ROWS = 32
EPS = 1e-12
L = 16
NTILES = 32
G = 128
GSH = 7
NBLK = N_IN // (G * NTILES)
SLICE = NBLK * G
BIN_CAP = NNZ + 32
DUMP = NNZ + 16
NNZ_BLKS = NNZ // L

_mesh = plsc.VectorSubcoreMesh(core_axis_name="c", subcore_axis_name="s")


@functools.partial(
    pl.kernel,
    out_type=jax.ShapeDtypeStruct((ROWS, NBLK, NTILES, G), jnp.float32),
    mesh=_mesh,
    compiler_params=pltpu.CompilerParams(needs_layout_passes=False),
    scratch_types=[
        pltpu.VMEM((ROWS * N_OUT,), jnp.float32),
        pltpu.VMEM((NNZ,), jnp.int32),
        pltpu.VMEM((NNZ,), jnp.int32),
        pltpu.VMEM((NNZ,), jnp.float32),
        pltpu.VMEM((BIN_CAP,), jnp.int32),
        pltpu.VMEM((BIN_CAP,), jnp.int32),
        pltpu.VMEM((BIN_CAP,), jnp.float32),
        pltpu.VMEM((NBLK, G), jnp.float32),
        pltpu.VMEM((NBLK, G), jnp.float32),
        pltpu.SemaphoreType.DMA,
        pltpu.SemaphoreType.DMA,
    ],
)
def _sc_upsample(x_hbm, fine_hbm, coarse_hbm, mval_hbm, out_hbm,
                 xall, fine_v, coarse_v, w_v, loc_b, co_b, w_b,
                 bufA, bufB, semA, semB):
    wid = lax.axis_index("s") * 2 + lax.axis_index("c")

    in_descs = [pltpu.async_copy(src, dst, semA) for src, dst in
                ((x_hbm, xall), (fine_hbm, fine_v),
                 (coarse_hbm, coarse_v), (mval_hbm, w_v))]

    zf = jnp.zeros((L,), jnp.float32)
    zi = jnp.zeros((L,), jnp.int32)

    def _zero(buf):
        def body(i, _):
            for k in range(G // L):
                buf[i, pl.ds(k * L, L)] = zf
            return _
        lax.fori_loop(0, NBLK, body, 0)

    _zero(bufA)
    _zero(bufB)
    for d in in_descs:
        d.wait()

    lane = lax.iota(jnp.int32, L)
    def _bin(j, off):
        f = fine_v[pl.ds(j * L, L)]
        blk = lax.shift_right_logical(f, GSH)
        m = (blk & (NTILES - 1)) == wid
        loc = (lax.shift_right_logical(f, GSH + 5) << GSH) | (f & (G - 1))
        mi = m.astype(jnp.int32)
        pref = plsc.cumsum(mi)
        pos = jnp.where(m, off + pref - mi, DUMP + lane)
        plsc.store_scatter(loc_b, [pos], loc)
        plsc.store_scatter(co_b, [pos], coarse_v[pl.ds(j * L, L)])
        plsc.store_scatter(w_b, [pos], w_v[pl.ds(j * L, L)])
        return off + jnp.sum(mi)
    n = lax.fori_loop(0, NNZ_BLKS, _bin, jnp.int32(0))

    loc_b[pl.ds(n, L)] = zi
    co_b[pl.ds(n, L)] = zi
    w_b[pl.ds(n, L)] = zf
    nb = (n + (L - 1)) >> 4

    def _loc(i):
        lv = loc_b[pl.ds(i * L, L)]
        return lax.shift_right_logical(lv, GSH), lv & (G - 1)

    def _den_a(i, _):
        hi, so = _loc(i)
        plsc.addupdate_scatter(bufA, [hi, so], w_b[pl.ds(i * L, L)])
        return _
    lax.fori_loop(0, nb, _den_a, 0)

    def _den_b(i, _):
        hi, so = _loc(i)
        cs = plsc.load_gather(bufA, [hi, so])
        w_b[pl.ds(i * L, L)] = w_b[pl.ds(i * L, L)] / jnp.maximum(cs, EPS)
        return _
    lax.fori_loop(0, nb, _den_b, 0)

    def _den_c(i, _):
        hi, so = _loc(i)
        plsc.store_scatter(bufA, [hi, so], zf)
        return _
    lax.fori_loop(0, nb, _den_c, 0)

    def _acc(buf, r):
        def body(i, _):
            hi, so = _loc(i)
            co = co_b[pl.ds(i * L, L)]
            xv = plsc.load_gather(xall, [co + r * N_OUT])
            plsc.addupdate_scatter(buf, [hi, so],
                                   xv * w_b[pl.ds(i * L, L)])
            return _
        lax.fori_loop(0, nb, body, 0)

    def _clr(buf):
        def body(i, _):
            hi, so = _loc(i)
            plsc.store_scatter(buf, [hi, so], zf)
            return _
        lax.fori_loop(0, nb, body, 0)

    bufs = (bufA, bufB)
    sems = (semA, semB)
    descs = [None, None]
    for r in range(ROWS):
        s = r & 1
        if descs[s] is not None:
            descs[s].wait()
            _clr(bufs[s])
        _acc(bufs[s], r)
        descs[s] = pltpu.async_copy(bufs[s], out_hbm.at[r, :, wid, :],
                                    sems[s])
    descs[0].wait()
    descs[1].wait()


def kernel(x, M_coarse, M_fine, M_values, col_sum):
    del col_sum
    out4d = _sc_upsample(x.reshape(-1), M_fine, M_coarse, M_values)
    x_up = out4d.reshape(x.shape[0], x.shape[1], N_IN)
    cell_ids_in = jnp.arange(N_IN, dtype=jnp.int32)
    return (x_up, cell_ids_in)

# --- scband reference (transcript-rebuilt; emitter-appended) ---
"""Pipeline reference for scband-sphere-up-geo-72756745994743 (READ-ONLY COPY).

The authoritative reference and input builder live on the scoring server;
editing this copy changes nothing except your own understanding.
"""

import jax, jax.numpy as jnp
import numpy as np

NSIDE_OUT = 128
NSIDE_IN = 2 * NSIDE_OUT
N_IN = 12 * NSIDE_IN * NSIDE_IN  # 786432
K_OUT = 512
NNZ_PER_ROW = 16
EPS = 1e-12
B, C = 2, 16


def setup_inputs(seed: int = 0) -> dict:
    key = jax.random.key(seed)
    k1, k2, k3 = jax.random.split(key, 3)
    # forward input aligned with cell_ids_out order
    x = jax.random.normal(k1, (B, C, K_OUT), dtype=jnp.float32)
    # Build the sparse down-matrix M_down_sub [K_OUT, N_IN] (constant geometric buffer).
    # Each coarse pixel row contains its 4 NESTED children plus 12 smoothing-kernel
    # neighbors; row weights are positive and L1-normalized (weight_norm='l1').
    cell_ids_out = jnp.arange(K_OUT, dtype=jnp.int32)
    children = (4 * cell_ids_out)[:, None] + jnp.arange(4, dtype=jnp.int32)[None, :]  # [K,4]
    extras = jax.random.randint(k2, (K_OUT, NNZ_PER_ROW - 4), 0, N_IN, dtype=jnp.int32)  # [K,12]
    fine = jnp.concatenate([children, extras], axis=1)  # [K,16] fine-pixel column ids
    u = jax.random.uniform(k3, (K_OUT, NNZ_PER_ROW), minval=0.1, maxval=1.0, dtype=jnp.float32)
    vals = u / jnp.sum(u, axis=1, keepdims=True)  # l1 row normalization
    M_coarse = jnp.repeat(jnp.arange(K_OUT, dtype=jnp.int32), NNZ_PER_ROW)  # row idx of M_down (col idx of M^T)
    M_fine = fine.reshape(-1)  # col idx of M_down (row idx of M^T), values in [0, N_IN)
    M_values = vals.reshape(-1).astype(jnp.float32)
    # col_sum buffer: col_sum[i] = sum_k M[k, i]
    col_sum = jnp.zeros((N_IN,), dtype=jnp.float32).at[M_fine].add(M_values)
    return {"x": x, "M_coarse": M_coarse, "M_fine": M_fine, "M_values": M_values, "col_sum": col_sum}


def reference(x, M_coarse, M_fine, M_values, col_sum):
    # x: [B, C, K_OUT] -> x_up: [B, C, N_IN]; computes x_up = (M^T x) / col_sum (up_norm='col_l1')
    Bb, Cc, K = x.shape
    x_bc = x.reshape(Bb * Cc, K)
    # sparse M^T @ x_bc^T  ==  gather coarse values, scale, scatter-add into fine pixels
    gathered = jnp.take(x_bc, M_coarse, axis=1) * M_values[None, :]  # [B*C, nnz]
    x_up_bc = jnp.zeros((Bb * Cc, N_IN), dtype=x.dtype).at[:, M_fine].add(gathered)
    denom = jnp.maximum(col_sum.astype(x.dtype), EPS)  # clamp_min(eps)
    x_up = (x_up_bc / denom[None, :]).reshape(Bb, Cc, N_IN)
    cell_ids_in = jnp.arange(N_IN, dtype=jnp.int32)
    return (x_up, cell_ids_in)

if __name__ == "__main__":
    import jax
    _d = setup_inputs()
    print(jax.jit(kernel)(*tuple(_d.values())))

</pallas_src>

<mosaic_0001>
#map = affine_map<(d0, d1) -> (0)>
#map1 = affine_map<(d0, d1) -> (0, 0, 0, 0)>
module attributes {stable_mosaic.version = 14 : i64} {
  func.func @_sc_upsample(%arg0: i32, %arg1: i32, %arg2: memref<16384xf32, #tpu.memory_space<hbm>>, %arg3: memref<8192xi32, #tpu.memory_space<hbm>>, %arg4: memref<8192xi32, #tpu.memory_space<hbm>>, %arg5: memref<8192xf32, #tpu.memory_space<hbm>>, %arg6: memref<32x192x32x128xf32, #tpu.memory_space<hbm>>, %arg7: memref<16384xf32, #tpu.memory_space<vmem>>, %arg8: memref<8192xi32, #tpu.memory_space<vmem>>, %arg9: memref<8192xi32, #tpu.memory_space<vmem>>, %arg10: memref<8192xf32, #tpu.memory_space<vmem>>, %arg11: memref<8224xi32, #tpu.memory_space<vmem>>, %arg12: memref<8224xi32, #tpu.memory_space<vmem>>, %arg13: memref<8224xf32, #tpu.memory_space<vmem>>, %arg14: memref<192x128xf32, #tpu.memory_space<vmem>>, %arg15: memref<192x128xf32, #tpu.memory_space<vmem>>, %arg16: memref<!tpu.dma_semaphore, #tpu.memory_space<semaphore_mem>>, %arg17: memref<!tpu.dma_semaphore, #tpu.memory_space<semaphore_mem>>) attributes {dimension_semantics = [#tpu.dimension_semantics<core_parallel>, #tpu.dimension_semantics<subcore_parallel>], iteration_bounds = array<i64: 2, 16>, scalar_prefetch = 0 : i64, scratch_operands = 11 : i64, tpu.core_type = #tpu.core_type<sc_vector_subcore>, window_params = [{transform_indices = #map}, {transform_indices = #map}, {transform_indices = #map}, {transform_indices = #map}, {transform_indices = #map1}]} {
    %mul3A = arith.constant 2 : i32
    %mul3A_0 = arith.muli %arg1, %mul3A : i32
    %add3A = arith.addi %mul3A_0, %arg0 : i32
    tpu.enqueue_dma source(%arg2 : memref<16384xf32, #tpu.memory_space<hbm>>) target(%arg7 : memref<16384xf32, #tpu.memory_space<vmem>>) target_semaphore(%arg16 : memref<!tpu.dma_semaphore, #tpu.memory_space<semaphore_mem>>)
    tpu.enqueue_dma source(%arg3 : memref<8192xi32, #tpu.memory_space<hbm>>) target(%arg8 : memref<8192xi32, #tpu.memory_space<vmem>>) target_semaphore(%arg16 : memref<!tpu.dma_semaphore, #tpu.memory_space<semaphore_mem>>)
    tpu.enqueue_dma source(%arg4 : memref<8192xi32, #tpu.memory_space<hbm>>) target(%arg9 : memref<8192xi32, #tpu.memory_space<vmem>>) target_semaphore(%arg16 : memref<!tpu.dma_semaphore, #tpu.memory_space<semaphore_mem>>)
    tpu.enqueue_dma source(%arg5 : memref<8192xf32, #tpu.memory_space<hbm>>) target(%arg10 : memref<8192xf32, #tpu.memory_space<vmem>>) target_semaphore(%arg16 : memref<!tpu.dma_semaphore, #tpu.memory_space<semaphore_mem>>)
    %broadcast_in_dim3A = arith.constant 0.000000e+00 : f32
    %broadcast_in_dim3A_1 = vector.broadcast %broadcast_in_dim3A : f32 to vector<16xf32>
    %broadcast_in_dim3A_2 = arith.constant 0 : i32
    %broadcast_in_dim3A_3 = vector.broadcast %broadcast_in_dim3A_2 : i32 to vector<16xi32>
    %scan3A = arith.constant 0 : i32
    %scan3A_4 = arith.constant 0 : i32
    %scan3A_5 = arith.constant 192 : i32
    %scan3A_6 = arith.addi %scan3A_4, %scan3A_5 : i32
    %scan3A_7 = arith.constant 1 : i32
    scf.for %scan3A_1253 = %scan3A_4 to %scan3A_6 step %scan3A_7  : i32 {
      %swap3A_1254 = arith.index_cast %scan3A_1253 : i32 to index
      %swap3A_1255 = arith.constant 0 : index
      %swap3A_1256 = tpu.vector_load %arg14[%swap3A_1254, %swap3A_1255] {strides = array<i32>} : memref<192x128xf32, #tpu.memory_space<vmem>>, vector<16xf32>,
      tpu.vector_store %arg14[%swap3A_1254, %swap3A_1255], %broadcast_in_dim3A_1 {strides = array<i32>} : memref<192x128xf32, #tpu.memory_space<vmem>>, vector<16xf32>,
      %swap3A_1257 = arith.index_cast %scan3A_1253 : i32 to index
      %swap3A_1258 = arith.constant 16 : index
      %swap3A_1259 = tpu.vector_load %arg14[%swap3A_1257, %swap3A_1258] {strides = array<i32>} : memref<192x128xf32, #tpu.memory_space<vmem>>, vector<16xf32>,
      tpu.vector_store %arg14[%swap3A_1257, %swap3A_1258], %broadcast_in_dim3A_1 {strides = array<i32>} : memref<192x128xf32, #tpu.memory_space<vmem>>, vector<16xf32>,
      %swap3A_1260 = arith.index_cast %scan3A_1253 : i32 to index
      %swap3A_1261 = arith.constant 32 : index
      %swap3A_1262 = tpu.vector_load %arg14[%swap3A_1260, %swap3A_1261] {strides = array<i32>} : memref<192x128xf32, #tpu.memory_space<vmem>>, vector<16xf32>,
      tpu.vector_store %arg14[%swap3A_1260, %swap3A_1261], %broadcast_in_dim3A_1 {strides = array<i32>} : memref<192x128xf32, #tpu.memory_space<vmem>>, vector<16xf32>,
      %swap3A_1263 = arith.index_cast %scan3A_1253 : i32 to index
      %swap3A_1264 = arith.constant 48 : index
      %swap3A_1265 = tpu.vector_load %arg14[%swap3A_1263, %swap3A_1264] {strides = array<i32>} : memref<192x128xf32, #tpu.memory_space<vmem>>, vector<16xf32>,
      tpu.vector_store %arg14[%swap3A_1263, %swap3A_1264], %broadcast_in_dim3A_1 {strides = array<i32>} : memref<192x128xf32, #tpu.memory_space<vmem>>, vector<16xf32>,
      %swap3A_1266 = arith.index_cast %scan3A_1253 : i32 to index
      %swap3A_1267 = arith.constant 64 : index
      %swap3A_1268 = tpu.vector_load %arg14[%swap3A_1266, %swap3A_1267] {strides = array<i32>} : memref<192x128xf32, #tpu.memory_space<vmem>>, vector<16xf32>,
      tpu.vector_store %arg14[%swap3A_1266, %swap3A_1267], %broadcast_in_dim3A_1 {strides = array<i32>} : memref<192x128xf32, #tpu.memory_space<vmem>>, vector<16xf32>,
      %swap3A_1269 = arith.index_cast %scan3A_1253 : i32 to index
      %swap3A_1270 = arith.constant 80 : index
      %swap3A_1271 = tpu.vector_load %arg14[%swap3A_1269, %swap3A_1270] {strides = array<i32>} : memref<192x128xf32, #tpu.memory_space<vmem>>, vector<16xf32>,
      tpu.vector_store %arg14[%swap3A_1269, %swap3A_1270], %broadcast_in_dim3A_1 {strides = array<i32>} : memref<192x128xf32, #tpu.memory_space<vmem>>, vector<16xf32>,
      %swap3A_1272 = arith.index_cast %scan3A_1253 : i32 to index
      %swap3A_1273 = arith.constant 96 : index
      %swap3A_1274 = tpu.vector_load %arg14[%swap3A_1272, %swap3A_1273] {strides = array<i32>} : memref<192x128xf32, #tpu.memory_space<vmem>>, vector<16xf32>,
      tpu.vector_store %arg14[%swap3A_1272, %swap3A_1273], %broadcast_in_dim3A_1 {strides = array<i32>} : memref<192x128xf32, #tpu.memory_space<vmem>>, vector<16xf32>,
      %swap3A_1275 = arith.index_cast %scan3A_1253 : i32 to index
      %swap3A_1276 = arith.constant 112 : index
      %swap3A_1277 = tpu.vector_load %arg14[%swap3A_1275, %swap3A_1276] {strides = array<i32>} : memref<192x128xf32, #tpu.memory_space<vmem>>, vector<16xf32>,
      tpu.vector_store %arg14[%swap3A_1275, %swap3A_1276], %broadcast_in_dim3A_1 {strides = array<i32>} : memref<192x128xf32, #tpu.memory_space<vmem>>, vector<16xf32>,
    }
    %scan3A_8 = arith.constant 192 : i32
    %scan3A_9 = arith.constant 0 : i32
    %scan3A_10 = arith.constant 0 : i32
    %scan3A_11 = arith.constant 192 : i32
    %scan3A_12 = arith.addi %scan3A_10, %scan3A_11 : i32
    %scan3A_13 = arith.constant 1 : i32
    scf.for %scan3A_1253 = %scan3A_10 to %scan3A_12 step %scan3A_13  : i32 {
      %swap3A_1254 = arith.index_cast %scan3A_1253 : i32 to index
      %swap3A_1255 = arith.constant 0 : index
      %swap3A_1256 = tpu.vector_load %arg15[%swap3A_1254, %swap3A_1255] {strides = array<i32>} : memref<192x128xf32, #tpu.memory_space<vmem>>, vector<16xf32>,
      tpu.vector_store %arg15[%swap3A_1254, %swap3A_1255], %broadcast_in_dim3A_1 {strides = array<i32>} : memref<192x128xf32, #tpu.memory_space<vmem>>, vector<16xf32>,
      %swap3A_1257 = arith.index_cast %scan3A_1253 : i32 to index
      %swap3A_1258 = arith.constant 16 : index
      %swap3A_1259 = tpu.vector_load %arg15[%swap3A_1257, %swap3A_1258] {strides = array<i32>} : memref<192x128xf32, #tpu.memory_space<vmem>>, vector<16xf32>,
      tpu.vector_store %arg15[%swap3A_1257, %swap3A_1258], %broadcast_in_dim3A_1 {strides = array<i32>} : memref<192x128xf32, #tpu.memory_space<vmem>>, vector<16xf32>,
      %swap3A_1260 = arith.index_cast %scan3A_1253 : i32 to index
      %swap3A_1261 = arith.constant 32 : index
      %swap3A_1262 = tpu.vector_load %arg15[%swap3A_1260, %swap3A_1261] {strides = array<i32>} : memref<192x128xf32, #tpu.memory_space<vmem>>, vector<16xf32>,
      tpu.vector_store %arg15[%swap3A_1260, %swap3A_1261], %broadcast_in_dim3A_1 {strides = array<i32>} : memref<192x128xf32, #tpu.memory_space<vmem>>, vector<16xf32>,
      %swap3A_1263 = arith.index_cast %scan3A_1253 : i32 to index
      %swap3A_1264 = arith.constant 48 : index
      %swap3A_1265 = tpu.vector_load %arg15[%swap3A_1263, %swap3A_1264] {strides = array<i32>} : memref<192x128xf32, #tpu.memory_space<vmem>>, vector<16xf32>,
      tpu.vector_store %arg15[%swap3A_1263, %swap3A_1264], %broadcast_in_dim3A_1 {strides = array<i32>} : memref<192x128xf32, #tpu.memory_space<vmem>>, vector<16xf32>,
      %swap3A_1266 = arith.index_cast %scan3A_1253 : i32 to index
      %swap3A_1267 = arith.constant 64 : index
      %swap3A_1268 = tpu.vector_load %arg15[%swap3A_1266, %swap3A_1267] {strides = array<i32>} : memref<192x128xf32, #tpu.memory_space<vmem>>, vector<16xf32>,
      tpu.vector_store %arg15[%swap3A_1266, %swap3A_1267], %broadcast_in_dim3A_1 {strides = array<i32>} : memref<192x128xf32, #tpu.memory_space<vmem>>, vector<16xf32>,
      %swap3A_1269 = arith.index_cast %scan3A_1253 : i32 to index
      %swap3A_1270 = arith.constant 80 : index
      %swap3A_1271 = tpu.vector_load %arg15[%swap3A_1269, %swap3A_1270] {strides = array<i32>} : memref<192x128xf32, #tpu.memory_space<vmem>>, vector<16xf32>,
      tpu.vector_store %arg15[%swap3A_1269, %swap3A_1270], %broadcast_in_dim3A_1 {strides = array<i32>} : memref<192x128xf32, #tpu.memory_space<vmem>>, vector<16xf32>,
      %swap3A_1272 = arith.index_cast %scan3A_1253 : i32 to index
      %swap3A_1273 = arith.constant 96 : index
      %swap3A_1274 = tpu.vector_load %arg15[%swap3A_1272, %swap3A_1273] {strides = array<i32>} : memref<192x128xf32, #tpu.memory_space<vmem>>, vector<16xf32>,
      tpu.vector_store %arg15[%swap3A_1272, %swap3A_1273], %broadcast_in_dim3A_1 {strides = array<i32>} : memref<192x128xf32, #tpu.memory_space<vmem>>, vector<16xf32>,
      %swap3A_1275 = arith.index_cast %scan3A_1253 : i32 to index
      %swap3A_1276 = arith.constant 112 : index
      %swap3A_1277 = tpu.vector_load %arg15[%swap3A_1275, %swap3A_1276] {strides = array<i32>} : memref<192x128xf32, #tpu.memory_space<vmem>>, vector<16xf32>,
      tpu.vector_store %arg15[%swap3A_1275, %swap3A_1276], %broadcast_in_dim3A_1 {strides = array<i32>} : memref<192x128xf32, #tpu.memory_space<vmem>>, vector<16xf32>,
    }
    %scan3A_14 = arith.constant 192 : i32
    tpu.wait_dma2 semaphore(%arg16 : memref<!tpu.dma_semaphore, #tpu.memory_space<semaphore_mem>>) src(%arg2 : memref<16384xf32, #tpu.memory_space<hbm>>) dst(%arg7 : memref<16384xf32, #tpu.memory_space<vmem>>)
    tpu.wait_dma2 semaphore(%arg16 : memref<!tpu.dma_semaphore, #tpu.memory_space<semaphore_mem>>) src(%arg3 : memref<8192xi32, #tpu.memory_space<hbm>>) dst(%arg8 : memref<8192xi32, #tpu.memory_space<vmem>>)
    tpu.wait_dma2 semaphore(%arg16 : memref<!tpu.dma_semaphore, #tpu.memory_space<semaphore_mem>>) src(%arg4 : memref<8192xi32, #tpu.memory_space<hbm>>) dst(%arg9 : memref<8192xi32, #tpu.memory_space<vmem>>)
    tpu.wait_dma2 semaphore(%arg16 : memref<!tpu.dma_semaphore, #tpu.memory_space<semaphore_mem>>) src(%arg5 : memref<8192xf32, #tpu.memory_space<hbm>>) dst(%arg10 : memref<8192xf32, #tpu.memory_space<vmem>>)
    %iota3A = tpu.iota {dimensions = array<i32: 0>} : vector<16xi32>
    %scan3A_15 = arith.constant 0 : i32
    %scan3A_16 = arith.constant 0 : i32
    %scan3A_17 = arith.constant 512 : i32
    %scan3A_18 = arith.addi %scan3A_16, %scan3A_17 : i32
    %scan3A_19 = arith.constant 1 : i32
    %scan3A_20 = scf.for %scan3A_1253 = %scan3A_16 to %scan3A_18 step %scan3A_19 iter_args(%scan3A_1254 = %scan3A_15) -> (i32)  : i32 {
      %mul3A_1255 = arith.constant 16 : i32
      %mul3A_1256 = arith.muli %scan3A_1253, %mul3A_1255 : i32
      %get3A = arith.index_cast %mul3A_1256 : i32 to index
      %get3A_1257 = tpu.vector_load %arg8[%get3A] {strides = array<i32>} : memref<8192xi32, #tpu.memory_space<vmem>>, vector<16xi32>,
      %shift_right_logical3A = arith.constant 7 : i32
      %shift_right_logical3A_1258 = vector.broadcast %shift_right_logical3A : i32 to vector<16xi32>
      %shift_right_logical3A_1259 = arith.shrui %get3A_1257, %shift_right_logical3A_1258 : vector<16xi32>
      %and3A = arith.constant 31 : i32
      %and3A_1260 = vector.broadcast %and3A : i32 to vector<16xi32>
      %and3A_1261 = arith.andi %shift_right_logical3A_1259, %and3A_1260 : vector<16xi32>
      %eq3A = vector.broadcast %add3A : i32 to vector<16xi32>
      %eq3A_1262 = arith.cmpi eq, %and3A_1261, %eq3A : vector<16xi32>
      %shift_right_logical3A_1263 = arith.constant 12 : i32
      %shift_right_logical3A_1264 = vector.broadcast %shift_right_logical3A_1263 : i32 to vector<16xi32>
      %shift_right_logical3A_1265 = arith.shrui %get3A_1257, %shift_right_logical3A_1264 : vector<16xi32>
      %shift_left3A = arith.constant 7 : i32
      %shift_left3A_1266 = vector.broadcast %shift_left3A : i32 to vector<16xi32>
      %shift_left3A_1267 = arith.shli %shift_right_logical3A_1265, %shift_left3A_1266 : vector<16xi32>
      %and3A_1268 = arith.constant 127 : i32
      %and3A_1269 = vector.broadcast %and3A_1268 : i32 to vector<16xi32>
      %and3A_1270 = arith.andi %get3A_1257, %and3A_1269 : vector<16xi32>
      %or3A = arith.ori %shift_left3A_1267, %and3A_1270 : vector<16xi32>
      %convert_element_type3A = arith.extui %eq3A_1262 : vector<16xi1> to vector<16xi32>
      %broadcast_in_dim3A_1271 = arith.constant true
      %broadcast_in_dim3A_1272 = vector.broadcast %broadcast_in_dim3A_1271 : i1 to vector<16xi1>
      %masked_cumsum3A = tpu.scan <sum>, %convert_element_type3A masked %broadcast_in_dim3A_1272 : vector<16xi32>, vector<16xi1> -> vector<16xi32>
      %add3A_1273 = vector.broadcast %scan3A_1254 : i32 to vector<16xi32>
      %add3A_1274 = arith.addi %add3A_1273, %masked_cumsum3A : vector<16xi32>
      %sub3A = arith.subi %add3A_1274, %convert_element_type3A : vector<16xi32>
      %add3A_1275 = arith.constant 8208 : i32
      %add3A_1276 = vector.broadcast %add3A_1275 : i32 to vector<16xi32>
      %add3A_1277 = arith.addi %add3A_1276, %iota3A : vector<16xi32>
      %select_n3A = arith.select %eq3A_1262, %sub3A, %add3A_1277 : vector<16xi1>, vector<16xi32>
      tpu.vector_store_idx %arg11[%select_n3A], %or3A : memref<8224xi32, #tpu.memory_space<vmem>>[vector<16xi32>], vector<16xi32>,
      %mul3A_1278 = arith.constant 16 : i32
      %mul3A_1279 = arith.muli %scan3A_1253, %mul3A_1278 : i32
      %get3A_1280 = arith.index_cast %mul3A_1279 : i32 to index
      %get3A_1281 = tpu.vector_load %arg9[%get3A_1280] {strides = array<i32>} : memref<8192xi32, #tpu.memory_space<vmem>>, vector<16xi32>,
      tpu.vector_store_idx %arg12[%select_n3A], %get3A_1281 : memref<8224xi32, #tpu.memory_space<vmem>>[vector<16xi32>], vector<16xi32>,
      %mul3A_1282 = arith.constant 16 : i32
      %mul3A_1283 = arith.muli %scan3A_1253, %mul3A_1282 : i32
      %get3A_1284 = arith.index_cast %mul3A_1283 : i32 to index
      %get3A_1285 = tpu.vector_load %arg10[%get3A_1284] {strides = array<i32>} : memref<8192xf32, #tpu.memory_space<vmem>>, vector<16xf32>,
      tpu.vector_store_idx %arg13[%select_n3A], %get3A_1285 : memref<8224xf32, #tpu.memory_space<vmem>>[vector<16xi32>], vector<16xf32>,
      %reduce_sum3A = arith.constant true
      %reduce_sum3A_1286 = vector.broadcast %reduce_sum3A : i1 to vector<16xi1>
      %reduce_sum3A_1287 = tpu.scan <sum>, %convert_element_type3A masked %reduce_sum3A_1286 : vector<16xi32>, vector<16xi1> -> vector<16xi32>
      %reduce_sum3A_1288 = vector.extract %reduce_sum3A_1287[15] : i32 from vector<16xi32>
      %add3A_1289 = arith.addi %scan3A_1254, %reduce_sum3A_1288 : i32
      scf.yield %add3A_1289 : i32
    }
    %scan3A_21 = arith.constant 512 : i32
    %swap3A = arith.index_cast %scan3A_20 : i32 to index
    %swap3A_22 = tpu.vector_load %arg11[%swap3A] {strides = array<i32>} : memref<8224xi32, #tpu.memory_space<vmem>>, vector<16xi32>,
    tpu.vector_store %arg11[%swap3A], %broadcast_in_dim3A_3 {strides = array<i32>} : memref<8224xi32, #tpu.memory_space<vmem>>, vector<16xi32>,
    %swap3A_23 = arith.index_cast %scan3A_20 : i32 to index
    %swap3A_24 = tpu.vector_load %arg12[%swap3A_23] {strides = array<i32>} : memref<8224xi32, #tpu.memory_space<vmem>>, vector<16xi32>,
    tpu.vector_store %arg12[%swap3A_23], %broadcast_in_dim3A_3 {strides = array<i32>} : memref<8224xi32, #tpu.memory_space<vmem>>, vector<16xi32>,
    %swap3A_25 = arith.index_cast %scan3A_20 : i32 to index
    %swap3A_26 = tpu.vector_load %arg13[%swap3A_25] {strides = array<i32>} : memref<8224xf32, #tpu.memory_space<vmem>>, vector<16xf32>,
    tpu.vector_store %arg13[%swap3A_25], %broadcast_in_dim3A_1 {strides = array<i32>} : memref<8224xf32, #tpu.memory_space<vmem>>, vector<16xf32>,
    %add3A_27 = arith.constant 15 : i32
    %add3A_28 = arith.addi %scan3A_20, %add3A_27 : i32
    %shift_right_arithmetic3A = arith.constant 4 : i32
    %shift_right_arithmetic3A_29 = arith.shrsi %add3A_28, %shift_right_arithmetic3A : i32
    %while3A = arith.constant 0 : i32
    %while3A_30 = arith.constant 0 : i32
    %while3A_31 = arith.subi %shift_right_arithmetic3A_29, %while3A_30 : i32
    %while3A_32 = arith.addi %while3A_30, %while3A_31 : i32
    %while3A_33 = arith.constant 1 : i32
    %while3A_34 = arith.divsi %while3A_31, %while3A_33 : i32
    %while3A_35 = arith.muli %while3A_34, %while3A_33 : i32
    %while3A_36 = arith.addi %while3A_30, %while3A_35 : i32
    %while3A_37 = arith.constant 1 : i32
    scf.for %while3A_1253 = %while3A_30 to %while3A_36 step %while3A_37  : i32 {
      %mul3A_1254 = arith.constant 16 : i32
      %mul3A_1255 = arith.muli %while3A_1253, %mul3A_1254 : i32
      %get3A = arith.index_cast %mul3A_1255 : i32 to index
      %get3A_1256 = tpu.vector_load %arg11[%get3A] {strides = array<i32>} : memref<8224xi32, #tpu.memory_space<vmem>>, vector<16xi32>,
      %shift_right_logical3A = arith.constant 7 : i32
      %shift_right_logical3A_1257 = vector.broadcast %shift_right_logical3A : i32 to vector<16xi32>
      %shift_right_logical3A_1258 = arith.shrui %get3A_1256, %shift_right_logical3A_1257 : vector<16xi32>
      %and3A = arith.constant 127 : i32
      %and3A_1259 = vector.broadcast %and3A : i32 to vector<16xi32>
      %and3A_1260 = arith.andi %get3A_1256, %and3A_1259 : vector<16xi32>
      %mul3A_1261 = arith.constant 16 : i32
      %mul3A_1262 = arith.muli %while3A_1253, %mul3A_1261 : i32
      %get3A_1263 = arith.index_cast %mul3A_1262 : i32 to index
      %get3A_1264 = tpu.vector_load %arg13[%get3A_1263] {strides = array<i32>} : memref<8224xf32, #tpu.memory_space<vmem>>, vector<16xf32>,
      tpu.vector_store_idx %arg14[%shift_right_logical3A_1258, %and3A_1260], %get3A_1264 {add = true} : memref<192x128xf32, #tpu.memory_space<vmem>>[vector<16xi32>, vector<16xi32>], vector<16xf32>,
    }
    %while3A_38 = arith.constant 1 : i32
    scf.for %while3A_1253 = %while3A_36 to %while3A_32 step %while3A_38  : i32 {
      %mul3A_1254 = arith.constant 16 : i32
      %mul3A_1255 = arith.muli %while3A_1253, %mul3A_1254 : i32
      %get3A = arith.index_cast %mul3A_1255 : i32 to index
      %get3A_1256 = tpu.vector_load %arg11[%get3A] {strides = array<i32>} : memref<8224xi32, #tpu.memory_space<vmem>>, vector<16xi32>,
      %shift_right_logical3A = arith.constant 7 : i32
      %shift_right_logical3A_1257 = vector.broadcast %shift_right_logical3A : i32 to vector<16xi32>
      %shift_right_logical3A_1258 = arith.shrui %get3A_1256, %shift_right_logical3A_1257 : vector<16xi32>
      %and3A = arith.constant 127 : i32
      %and3A_1259 = vector.broadcast %and3A : i32 to vector<16xi32>
      %and3A_1260 = arith.andi %get3A_1256, %and3A_1259 : vector<16xi32>
      %mul3A_1261 = arith.constant 16 : i32
      %mul3A_1262 = arith.muli %while3A_1253, %mul3A_1261 : i32
      %get3A_1263 = arith.index_cast %mul3A_1262 : i32 to index
      %get3A_1264 = tpu.vector_load %arg13[%get3A_1263] {strides = array<i32>} : memref<8224xf32, #tpu.memory_space<vmem>>, vector<16xf32>,
      tpu.vector_store_idx %arg14[%shift_right_logical3A_1258, %and3A_1260], %get3A_1264 {add = true} : memref<192x128xf32, #tpu.memory_space<vmem>>[vector<16xi32>, vector<16xi32>], vector<16xf32>,
    }
    %while3A_39 = arith.constant 0 : i32
    %while3A_40 = arith.constant 0 : i32
    %while3A_41 = arith.subi %shift_right_arithmetic3A_29, %while3A_40 : i32
    %while3A_42 = arith.addi %while3A_40, %while3A_41 : i32
    %while3A_43 = arith.constant 1 : i32
    %while3A_44 = arith.divsi %while3A_41, %while3A_43 : i32
    %while3A_45 = arith.muli %while3A_44, %while3A_43 : i32
    %while3A_46 = arith.addi %while3A_40, %while3A_45 : i32
    %while3A_47 = arith.constant 1 : i32
    scf.for %while3A_1253 = %while3A_40 to %while3A_46 step %while3A_47  : i32 {
      %mul3A_1254 = arith.constant 16 : i32
      %mul3A_1255 = arith.muli %while3A_1253, %mul3A_1254 : i32
      %get3A = arith.index_cast %mul3A_1255 : i32 to index
      %get3A_1256 = tpu.vector_load %arg11[%get3A] {strides = array<i32>} : memref<8224xi32, #tpu.memory_space<vmem>>, vector<16xi32>,
      %shift_right_logical3A = arith.constant 7 : i32
      %shift_right_logical3A_1257 = vector.broadcast %shift_right_logical3A : i32 to vector<16xi32>
      %shift_right_logical3A_1258 = arith.shrui %get3A_1256, %shift_right_logical3A_1257 : vector<16xi32>
      %and3A = arith.constant 127 : i32
      %and3A_1259 = vector.broadcast %and3A : i32 to vector<16xi32>
      %and3A_1260 = arith.andi %get3A_1256, %and3A_1259 : vector<16xi32>
      %gather3A = tpu.vector_load_idx %arg14[%shift_right_logical3A_1258, %and3A_1260] : memref<192x128xf32, #tpu.memory_space<vmem>>[vector<16xi32>, vector<16xi32>], vector<16xf32>,
      %mul3A_1261 = arith.constant 16 : i32
      %mul3A_1262 = arith.muli %while3A_1253, %mul3A_1261 : i32
      %get3A_1263 = arith.index_cast %mul3A_1262 : i32 to index
      %get3A_1264 = tpu.vector_load %arg13[%get3A_1263] {strides = array<i32>} : memref<8224xf32, #tpu.memory_space<vmem>>, vector<16xf32>,
      %max3A = arith.constant 9.99999996E-13 : f32
      %max3A_1265 = vector.broadcast %max3A : f32 to vector<16xf32>
      %max3A_1266 = arith.maximumf %gather3A, %max3A_1265 : vector<16xf32>
      %div3A = arith.divf %get3A_1264, %max3A_1266 : vector<16xf32>
      %mul3A_1267 = arith.constant 16 : i32
      %mul3A_1268 = arith.muli %while3A_1253, %mul3A_1267 : i32
      %swap3A_1269 = arith.index_cast %mul3A_1268 : i32 to index
      %swap3A_1270 = tpu.vector_load %arg13[%swap3A_1269] {strides = array<i32>} : memref<8224xf32, #tpu.memory_space<vmem>>, vector<16xf32>,
      tpu.vector_store %arg13[%swap3A_1269], %div3A {strides = array<i32>} : memref<8224xf32, #tpu.memory_space<vmem>>, vector<16xf32>,
    }
    %while3A_48 = arith.constant 1 : i32
    scf.for %while3A_1253 = %while3A_46 to %while3A_42 step %while3A_48  : i32 {
      %mul3A_1254 = arith.constant 16 : i32
      %mul3A_1255 = arith.muli %while3A_1253, %mul3A_1254 : i32
      %get3A = arith.index_cast %mul3A_1255 : i32 to index
      %get3A_1256 = tpu.vector_load %arg11[%get3A] {strides = array<i32>} : memref<8224xi32, #tpu.memory_space<vmem>>, vector<16xi32>,
      %shift_right_logical3A = arith.constant 7 : i32
      %shift_right_logical3A_1257 = vector.broadcast %shift_right_logical3A : i32 to vector<16xi32>
      %shift_right_logical3A_1258 = arith.shrui %get3A_1256, %shift_right_logical3A_1257 : vector<16xi32>
      %and3A = arith.constant 127 : i32
      %and3A_1259 = vector.broadcast %and3A : i32 to vector<16xi32>
      %and3A_1260 = arith.andi %get3A_1256, %and3A_1259 : vector<16xi32>
      %gather3A = tpu.vector_load_idx %arg14[%shift_right_logical3A_1258, %and3A_1260] : memref<192x128xf32, #tpu.memory_space<vmem>>[vector<16xi32>, vector<16xi32>], vector<16xf32>,
      %mul3A_1261 = arith.constant 16 : i32
      %mul3A_1262 = arith.muli %while3A_1253, %mul3A_1261 : i32
      %get3A_1263 = arith.index_cast %mul3A_1262 : i32 to index
      %get3A_1264 = tpu.vector_load %arg13[%get3A_1263] {strides = array<i32>} : memref<8224xf32, #tpu.memory_space<vmem>>, vector<16xf32>,
      %max3A = arith.constant 9.99999996E-13 : f32
      %max3A_1265 = vector.broadcast %max3A : f32 to vector<16xf32>
      %max3A_1266 = arith.maximumf %gather3A, %max3A_1265 : vector<16xf32>
      %div3A = arith.divf %get3A_1264, %max3A_1266 : vector<16xf32>
      %mul3A_1267 = arith.constant 16 : i32
      %mul3A_1268 = arith.muli %while3A_1253, %mul3A_1267 : i32
      %swap3A_1269 = arith.index_cast %mul3A_1268 : i32 to index
      %swap3A_1270 = tpu.vector_load %arg13[%swap3A_1269] {strides = array<i32>} : memref<8224xf32, #tpu.memory_space<vmem>>, vector<16xf32>,
      tpu.vector_store %arg13[%swap3A_1269], %div3A {strides = array<i32>} : memref<8224xf32, #tpu.memory_space<vmem>>, vector<16xf32>,
    }
    %while3A_49 = arith.constant 0 : i32
    %while3A_50 = arith.constant 0 : i32
    %while3A_51 = arith.subi %shift_right_arithmetic3A_29, %while3A_50 : i32
    %while3A_52 = arith.addi %while3A_50, %while3A_51 : i32
    %while3A_53 = arith.constant 1 : i32
    %while3A_54 = arith.divsi %while3A_51, %while3A_53 : i32
    %while3A_55 = arith.muli %while3A_54, %while3A_53 : i32
    %while3A_56 = arith.addi %while3A_50, %while3A_55 : i32
    %while3A_57 = arith.constant 1 : i32
    scf.for %while3A_1253 = %while3A_50 to %while3A_56 step %while3A_57  : i32 {
      %mul3A_1254 = arith.constant 16 : i32
      %mul3A_1255 = arith.muli %while3A_1253, %mul3A_1254 : i32
      %get3A = arith.index_cast %mul3A_1255 : i32 to index
      %get3A_1256 = tpu.vector_load %arg11[%get3A] {strides = array<i32>} : memref<8224xi32, #tpu.memory_space<vmem>>, vector<16xi32>,
      %shift_right_logical3A = arith.constant 7 : i32
      %shift_right_logical3A_1257 = vector.broadcast %shift_right_logical3A : i32 to vector<16xi32>
      %shift_right_logical3A_1258 = arith.shrui %get3A_1256, %shift_right_logical3A_1257 : vector<16xi32>
      %and3A = arith.constant 127 : i32
      %and3A_1259 = vector.broadcast %and3A : i32 to vector<16xi32>
      %and3A_1260 = arith.andi %get3A_1256, %and3A_1259 : vector<16xi32>
      tpu.vector_store_idx %arg14[%shift_right_logical3A_1258, %and3A_1260], %broadcast_in_dim3A_1 : memref<192x128xf32, #tpu.memory_space<vmem>>[vector<16xi32>, vector<16xi32>], vector<16xf32>,
    }
    %while3A_58 = arith.constant 1 : i32
    scf.for %while3A_1253 = %while3A_56 to %while3A_52 step %while3A_58  : i32 {
      %mul3A_1254 = arith.constant 16 : i32
      %mul3A_1255 = arith.muli %while3A_1253, %mul3A_1254 : i32
      %get3A = arith.index_cast %mul3A_1255 : i32 to index
      %get3A_1256 = tpu.vector_load %arg11[%get3A] {strides = array<i32>} : memref<8224xi32, #tpu.memory_space<vmem>>, vector<16xi32>,
      %shift_right_logical3A = arith.constant 7 : i32
      %shift_right_logical3A_1257 = vector.broadcast %shift_right_logical3A : i32 to vector<16xi32>
      %shift_right_logical3A_1258 = arith.shrui %get3A_1256, %shift_right_logical3A_1257 : vector<16xi32>
      %and3A = arith.constant 127 : i32
      %and3A_1259 = vector.broadcast %and3A : i32 to vector<16xi32>
      %and3A_1260 = arith.andi %get3A_1256, %and3A_1259 : vector<16xi32>
      tpu.vector_store_idx %arg14[%shift_right_logical3A_1258, %and3A_1260], %broadcast_in_dim3A_1 : memref<192x128xf32, #tpu.memory_space<vmem>>[vector<16xi32>, vector<16xi32>], vector<16xf32>,
    }
    %while3A_59 = arith.constant 0 : i32
    %while3A_60 = arith.constant 0 : i32
    %while3A_61 = arith.subi %shift_right_arithmetic3A_29, %while3A_60 : i32
    %while3A_62 = arith.addi %while3A_60, %while3A_61 : i32
    %while3A_63 = arith.constant 1 : i32
    %while3A_64 = arith.divsi %while3A_61, %while3A_63 : i32
    %while3A_65 = arith.muli %while3A_64, %while3A_63 : i32
    %while3A_66 = arith.addi %while3A_60, %while3A_65 : i32
    %while3A_67 = arith.constant 1 : i32
    scf.for %while3A_1253 = %while3A_60 to %while3A_66 step %while3A_67  : i32 {
      %mul3A_1254 = arith.constant 16 : i32
      %mul3A_1255 = arith.muli %while3A_1253, %mul3A_1254 : i32
      %get3A = arith.index_cast %mul3A_1255 : i32 to index
      %get3A_1256 = tpu.vector_load %arg11[%get3A] {strides = array<i32>} : memref<8224xi32, #tpu.memory_space<vmem>>, vector<16xi32>,
      %shift_right_logical3A = arith.constant 7 : i32
      %shift_right_logical3A_1257 = vector.broadcast %shift_right_logical3A : i32 to vector<16xi32>
      %shift_right_logical3A_1258 = arith.shrui %get3A_1256, %shift_right_logical3A_1257 : vector<16xi32>
      %and3A = arith.constant 127 : i32
      %and3A_1259 = vector.broadcast %and3A : i32 to vector<16xi32>
      %and3A_1260 = arith.andi %get3A_1256, %and3A_1259 : vector<16xi32>
      %mul3A_1261 = arith.constant 16 : i32
      %mul3A_1262 = arith.muli %while3A_1253, %mul3A_1261 : i32
      %get3A_1263 = arith.index_cast %mul3A_1262 : i32 to index
      %get3A_1264 = tpu.vector_load %arg12[%get3A_1263] {strides = array<i32>} : memref<8224xi32, #tpu.memory_space<vmem>>, vector<16xi32>,
      %add3A_1265 = arith.constant 0 : i32
      %add3A_1266 = vector.broadcast %add3A_1265 : i32 to vector<16xi32>
      %add3A_1267 = arith.addi %get3A_1264, %add3A_1266 : vector<16xi32>
      %gather3A = tpu.vector_load_idx %arg7[%add3A_1267] : memref<16384xf32, #tpu.memory_space<vmem>>[vector<16xi32>], vector<16xf32>,
      %mul3A_1268 = arith.constant 16 : i32
      %mul3A_1269 = arith.muli %while3A_1253, %mul3A_1268 : i32
      %get3A_1270 = arith.index_cast %mul3A_1269 : i32 to index
      %get3A_1271 = tpu.vector_load %arg13[%get3A_1270] {strides = array<i32>} : memref<8224xf32, #tpu.memory_space<vmem>>, vector<16xf32>,
      %mul3A_1272 = arith.mulf %gather3A, %get3A_1271 : vector<16xf32>
      tpu.vector_store_idx %arg14[%shift_right_logical3A_1258, %and3A_1260], %mul3A_1272 {add = true} : memref<192x128xf32, #tpu.memory_space<vmem>>[vector<16xi32>, vector<16xi32>], vector<16xf32>,
    }
    %while3A_68 = arith.constant 1 : i32
    scf.for %while3A_1253 = %while3A_66 to %while3A_62 step %while3A_68  : i32 {
      %mul3A_1254 = arith.constant 16 : i32
      %mul3A_1255 = arith.muli %while3A_1253, %mul3A_1254 : i32
      %get3A = arith.index_cast %mul3A_1255 : i32 to index
      %get3A_1256 = tpu.vector_load %arg11[%get3A] {strides = array<i32>} : memref<8224xi32, #tpu.memory_space<vmem>>, vector<16xi32>,
      %shift_right_logical3A = arith.constant 7 : i32
      %shift_right_logical3A_1257 = vector.broadcast %shift_right_logical3A : i32 to vector<16xi32>
      %shift_right_logical3A_1258 = arith.shrui %get3A_1256, %shift_right_logical3A_1257 : vector<16xi32>
      %and3A = arith.constant 127 : i32
      %and3A_1259 = vector.broadcast %and3A : i32 to vector<16xi32>
      %and3A_1260 = arith.andi %get3A_1256, %and3A_1259 : vector<16xi32>
      %mul3A_1261 = arith.constant 16 : i32
      %mul3A_1262 = arith.muli %while3A_1253, %mul3A_1261 : i32
      %get3A_1263 = arith.index_cast %mul3A_1262 : i32 to index
      %get3A_1264 = tpu.vector_load %arg12[%get3A_1263] {strides = array<i32>} : memref<8224xi32, #tpu.memory_space<vmem>>, vector<16xi32>,
      %add3A_1265 = arith.constant 0 : i32
      %add3A_1266 = vector.broadcast %add3A_1265 : i32 to vector<16xi32>
      %add3A_1267 = arith.addi %get3A_1264, %add3A_1266 : vector<16xi32>
      %gather3A = tpu.vector_load_idx %arg7[%add3A_1267] : memref<16384xf32, #tpu.memory_space<vmem>>[vector<16xi32>], vector<16xf32>,
      %mul3A_1268 = arith.constant 16 : i32
      %mul3A_1269 = arith.muli %while3A_1253, %mul3A_1268 : i32
      %get3A_1270 = arith.index_cast %mul3A_1269 : i32 to index
      %get3A_1271 = tpu.vector_load %arg13[%get3A_1270] {strides = array<i32>} : memref<8224xf32, #tpu.memory_space<vmem>>, vector<16xf32>,
      %mul3A_1272 = arith.mulf %gather3A, %get3A_1271 : vector<16xf32>
      tpu.vector_store_idx %arg14[%shift_right_logical3A_1258, %and3A_1260], %mul3A_1272 {add = true} : memref<192x128xf32, #tpu.memory_space<vmem>>[vector<16xi32>, vector<16xi32>], vector<16xf32>,
    }
    %dma_start3A = arith.constant 0 : i32
    %dma_start3A_69 = arith.constant 0 : i32
    %dma_start3A_70 = arith.constant 0 : i32
    %dma_start3A_71 = tpu.memref_slice %arg6[%dma_start3A, %dma_start3A_69, %add3A, %dma_start3A_70] : memref<32x192x32x128xf32, #tpu.memory_space<hbm>> -> memref<1x192x1x128xf32, #tpu.memory_space<hbm>>
    %dma_start3A_72 = tpu.memref_squeeze %dma_start3A_71 : memref<1x192x1x128xf32, #tpu.memory_space<hbm>> -> memref<192x128xf32, #tpu.memory_space<hbm>>
    %dma_start3A_73 = arith.constant 0 : i32
    %dma_start3A_74 = arith.constant 0 : i32
    %dma_start3A_75 = tpu.memref_slice %arg6[%dma_start3A, %dma_start3A_73, %add3A, %dma_start3A_74] : memref<32x192x32x128xf32, #tpu.memory_space<hbm>> -> memref<1x192x1x128xf32, #tpu.memory_space<hbm>>
    %dma_start3A_76 = tpu.memref_squeeze %dma_start3A_75 : memref<1x192x1x128xf32, #tpu.memory_space<hbm>> -> memref<192x128xf32, #tpu.memory_space<hbm>>
    tpu.enqueue_dma source(%arg14 : memref<192x128xf32, #tpu.memory_space<vmem>>) target(%dma_start3A_76 : memref<192x128xf32, #tpu.memory_space<hbm>>) target_semaphore(%arg16 : memref<!tpu.dma_semaphore, #tpu.memory_space<semaphore_mem>>)
    %while3A_77 = arith.constant 0 : i32
    %while3A_78 = arith.constant 0 : i32
    %while3A_79 = arith.subi %shift_right_arithmetic3A_29, %while3A_78 : i32
    %while3A_80 = arith.addi %while3A_78, %while3A_79 : i32
    %while3A_81 = arith.constant 1 : i32
    %while3A_82 = arith.divsi %while3A_79, %while3A_81 : i32
    %while3A_83 = arith.muli %while3A_82, %while3A_81 : i32
    %while3A_84 = arith.addi %while3A_78, %while3A_83 : i32
    %while3A_85 = arith.constant 1 : i32
    scf.for %while3A_1253 = %while3A_78 to %while3A_84 step %while3A_85  : i32 {
      %mul3A_1254 = arith.constant 16 : i32
      %mul3A_1255 = arith.muli %while3A_1253, %mul3A_1254 : i32
      %get3A = arith.index_cast %mul3A_1255 : i32 to index
      %get3A_1256 = tpu.vector_load %arg11[%get3A] {strides = array<i32>} : memref<8224xi32, #tpu.memory_space<vmem>>, vector<16xi32>,
      %shift_right_logical3A = arith.constant 7 : i32
      %shift_right_logical3A_1257 = vector.broadcast %shift_right_logical3A : i32 to vector<16xi32>
      %shift_right_logical3A_1258 = arith.shrui %get3A_1256, %shift_right_logical3A_1257 : vector<16xi32>
      %and3A = arith.constant 127 : i32
      %and3A_1259 = vector.broadcast %and3A : i32 to vector<16xi32>
      %and3A_1260 = arith.andi %get3A_1256, %and3A_1259 : vector<16xi32>
      %mul3A_1261 = arith.constant 16 : i32
      %mul3A_1262 = arith.muli %while3A_1253, %mul3A_1261 : i32
      %get3A_1263 = arith.index_cast %mul3A_1262 : i32 to index
      %get3A_1264 = tpu.vector_load %arg12[%get3A_1263] {strides = array<i32>} : memref<8224xi32, #tpu.memory_space<vmem>>, vector<16xi32>,
      %add3A_1265 = arith.constant 512 : i32
      %add3A_1266 = vector.broadcast %add3A_1265 : i32 to vector<16xi32>
      %add3A_1267 = arith.addi %get3A_1264, %add3A_1266 : vector<16xi32>
      %gather3A = tpu.vector_load_idx %arg7[%add3A_1267] : memref<16384xf32, #tpu.memory_space<vmem>>[vector<16xi32>], vector<16xf32>,
      %mul3A_1268 = arith.constant 16 : i32
      %mul3A_1269 = arith.muli %while3A_1253, %mul3A_1268 : i32
      %get3A_1270 = arith.index_cast %mul3A_1269 : i32 to index
      %get3A_1271 = tpu.vector_load %arg13[%get3A_1270] {strides = array<i32>} : memref<8224xf32, #tpu.memory_space<vmem>>, vector<16xf32>,
      %mul3A_1272 = arith.mulf %gather3A, %get3A_1271 : vector<16xf32>
      tpu.vector_store_idx %arg15[%shift_right_logical3A_1258, %and3A_1260], %mul3A_1272 {add = true} : memref<192x128xf32, #tpu.memory_space<vmem>>[vector<16xi32>, vector<16xi32>], vector<16xf32>,
    }
    %while3A_86 = arith.constant 1 : i32
    scf.for %while3A_1253 = %while3A_84 to %while3A_80 step %while3A_86  : i32 {
      %mul3A_1254 = arith.constant 16 : i32
      %mul3A_1255 = arith.muli %while3A_1253, %mul3A_1254 : i32
      %get3A = arith.index_cast %mul3A_1255 : i32 to index
      %get3A_1256 = tpu.vector_load %arg11[%get3A] {strides = array<i32>} : memref<8224xi32, #tpu.memory_space<vmem>>, vector<16xi32>,
      %shift_right_logical3A = arith.constant 7 : i32
      %shift_right_logical3A_1257 = vector.broadcast %shift_right_logical3A : i32 to vector<16xi32>
      %shift_right_logical3A_1258 = arith.shrui %get3A_1256, %shift_right_logical3A_1257 : vector<16xi32>
      %and3A = arith.constant 127 : i32
      %and3A_1259 = vector.broadcast %and3A : i32 to vector<16xi32>
      %and3A_1260 = arith.andi %get3A_1256, %and3A_1259 : vector<16xi32>
      %mul3A_1261 = arith.constant 16 : i32
      %mul3A_1262 = arith.muli %while3A_1253, %mul3A_1261 : i32
      %get3A_1263 = arith.index_cast %mul3A_1262 : i32 to index
      %get3A_1264 = tpu.vector_load %arg12[%get3A_1263] {strides = array<i32>} : memref<8224xi32, #tpu.memory_space<vmem>>, vector<16xi32>,
      %add3A_1265 = arith.constant 512 : i32
      %add3A_1266 = vector.broadcast %add3A_1265 : i32 to vector<16xi32>
      %add3A_1267 = arith.addi %get3A_1264, %add3A_1266 : vector<16xi32>
      %gather3A = tpu.vector_load_idx %arg7[%add3A_1267] : memref<16384xf32, #tpu.memory_space<vmem>>[vector<16xi32>], vector<16xf32>,
      %mul3A_1268 = arith.constant 16 : i32
      %mul3A_1269 = arith.muli %while3A_1253, %mul3A_1268 : i32
      %get3A_1270 = arith.index_cast %mul3A_1269 : i32 to index
      %get3A_1271 = tpu.vector_load %arg13[%get3A_1270] {strides = array<i32>} : memref<8224xf32, #tpu.memory_space<vmem>>, vector<16xf32>,
      %mul3A_1272 = arith.mulf %gather3A, %get3A_1271 : vector<16xf32>
      tpu.vector_store_idx %arg15[%shift_right_logical3A_1258, %and3A_1260], %mul3A_1272 {add = true} : memref<192x128xf32, #tpu.memory_space<vmem>>[vector<16xi32>, vector<16xi32>], vector<16xf32>,
    }
    %dma_start3A_87 = arith.constant 1 : i32
    %dma_start3A_88 = arith.constant 0 : i32
    %dma_start3A_89 = arith.constant 0 : i32
    %dma_start3A_90 = tpu.memref_slice %arg6[%dma_start3A_87, %dma_start3A_88, %add3A, %dma_start3A_89] : memref<32x192x32x128xf32, #tpu.memory_space<hbm>> -> memref<1x192x1x128xf32, #tpu.memory_space<hbm>>
    %dma_start3A_91 = tpu.memref_squeeze %dma_start3A_90 : memref<1x192x1x128xf32, #tpu.memory_space<hbm>> -> memref<192x128xf32, #tpu.memory_space<hbm>>
    %dma_start3A_92 = arith.constant 0 : i32
    %dma_start3A_93 = arith.constant 0 : i32
    %dma_start3A_94 = tpu.memref_slice %arg6[%dma_start3A_87, %dma_start3A_92, %add3A, %dma_start3A_93] : memref<32x192x32x128xf32, #tpu.memory_space<hbm>> -> memref<1x192x1x128xf32, #tpu.memory_space<hbm>>
    %dma_start3A_95 = tpu.memref_squeeze %dma_start3A_94 : memref<1x192x1x128xf32, #tpu.memory_space<hbm>> -> memref<192x128xf32, #tpu.memory_space<hbm>>
    tpu.enqueue_dma source(%arg15 : memref<192x128xf32, #tpu.memory_space<vmem>>) target(%dma_start3A_95 : memref<192x128xf32, #tpu.memory_space<hbm>>) target_semaphore(%arg17 : memref<!tpu.dma_semaphore, #tpu.memory_space<semaphore_mem>>)
    %dma_wait3A = arith.constant 0 : i32
    %dma_wait3A_96 = arith.constant 0 : i32
    %dma_wait3A_97 = arith.constant 0 : i32
    %dma_wait3A_98 = tpu.memref_slice %arg6[%dma_wait3A, %dma_wait3A_96, %add3A, %dma_wait3A_97] : memref<32x192x32x128xf32, #tpu.memory_space<hbm>> -> memref<1x192x1x128xf32, #tpu.memory_space<hbm>>
    %dma_wait3A_99 = tpu.memref_squeeze %dma_wait3A_98 : memref<1x192x1x128xf32, #tpu.memory_space<hbm>> -> memref<192x128xf32, #tpu.memory_space<hbm>>
    %dma_wait3A_100 = arith.constant 0 : i32
    %dma_wait3A_101 = arith.constant 0 : i32
    %dma_wait3A_102 = tpu.memref_slice %arg6[%dma_wait3A, %dma_wait3A_100, %add3A, %dma_wait3A_101] : memref<32x192x32x128xf32, #tpu.memory_space<hbm>> -> memref<1x192x1x128xf32, #tpu.memory_space<hbm>>
    %dma_wait3A_103 = tpu.memref_squeeze %dma_wait3A_102 : memref<1x192x1x128xf32, #tpu.memory_space<hbm>> -> memref<192x128xf32, #tpu.memory_space<hbm>>
    tpu.wait_dma2 semaphore(%arg16 : memref<!tpu.dma_semaphore, #tpu.memory_space<semaphore_mem>>) src(%arg14 : memref<192x128xf32, #tpu.memory_space<vmem>>) dst(%dma_wait3A_103 : memref<192x128xf32, #tpu.memory_space<hbm>>)
    %while3A_104 = arith.constant 0 : i32
    %while3A_105 = arith.constant 0 : i32
    %while3A_106 = arith.subi %shift_right_arithmetic3A_29, %while3A_105 : i32
    %while3A_107 = arith.addi %while3A_105, %while3A_106 : i32
    %while3A_108 = arith.constant 1 : i32
    %while3A_109 = arith.divsi %while3A_106, %while3A_108 : i32
    %while3A_110 = arith.muli %while3A_109, %while3A_108 : i32
    %while3A_111 = arith.addi %while3A_105, %while3A_110 : i32
    %while3A_112 = arith.constant 1 : i32
    scf.for %while3A_1253 = %while3A_105 to %while3A_111 step %while3A_112  : i32 {
      %mul3A_1254 = arith.constant 16 : i32
      %mul3A_1255 = arith.muli %while3A_1253, %mul3A_1254 : i32
      %get3A = arith.index_cast %mul3A_1255 : i32 to index
      %get3A_1256 = tpu.vector_load %arg11[%get3A] {strides = array<i32>} : memref<8224xi32, #tpu.memory_space<vmem>>, vector<16xi32>,
      %shift_right_logical3A = arith.constant 7 : i32
      %shift_right_logical3A_1257 = vector.broadcast %shift_right_logical3A : i32 to vector<16xi32>
      %shift_right_logical3A_1258 = arith.shrui %get3A_1256, %shift_right_logical3A_1257 : vector<16xi32>
      %and3A = arith.constant 127 : i32
      %and3A_1259 = vector.broadcast %and3A : i32 to vector<16xi32>
      %and3A_1260 = arith.andi %get3A_1256, %and3A_1259 : vector<16xi32>
      tpu.vector_store_idx %arg14[%shift_right_logical3A_1258, %and3A_1260], %broadcast_in_dim3A_1 : memref<192x128xf32, #tpu.memory_space<vmem>>[vector<16xi32>, vector<16xi32>], vector<16xf32>,
    }
    %while3A_113 = arith.constant 1 : i32
    scf.for %while3A_1253 = %while3A_111 to %while3A_107 step %while3A_113  : i32 {
      %mul3A_1254 = arith.constant 16 : i32
      %mul3A_1255 = arith.muli %while3A_1253, %mul3A_1254 : i32
      %get3A = arith.index_cast %mul3A_1255 : i32 to index
      %get3A_1256 = tpu.vector_load %arg11[%get3A] {strides = array<i32>} : memref<8224xi32, #tpu.memory_space<vmem>>, vector<16xi32>,
      %shift_right_logical3A = arith.constant 7 : i32
      %shift_right_logical3A_1257 = vector.broadcast %shift_right_logical3A : i32 to vector<16xi32>
      %shift_right_logical3A_1258 = arith.shrui %get3A_1256, %shift_right_logical3A_1257 : vector<16xi32>
      %and3A = arith.constant 127 : i32
      %and3A_1259 = vector.broadcast %and3A : i32 to vector<16xi32>
      %and3A_1260 = arith.andi %get3A_1256, %and3A_1259 : vector<16xi32>
      tpu.vector_store_idx %arg14[%shift_right_logical3A_1258, %and3A_1260], %broadcast_in_dim3A_1 : memref<192x128xf32, #tpu.memory_space<vmem>>[vector<16xi32>, vector<16xi32>], vector<16xf32>,
    }
    %while3A_114 = arith.constant 0 : i32
    %while3A_115 = arith.constant 0 : i32
    %while3A_116 = arith.subi %shift_right_arithmetic3A_29, %while3A_115 : i32
    %while3A_117 = arith.addi %while3A_115, %while3A_116 : i32
    %while3A_118 = arith.constant 1 : i32
    %while3A_119 = arith.divsi %while3A_116, %while3A_118 : i32
    %while3A_120 = arith.muli %while3A_119, %while3A_118 : i32
    %while3A_121 = arith.addi %while3A_115, %while3A_120 : i32
    %while3A_122 = arith.constant 1 : i32
    scf.for %while3A_1253 = %while3A_115 to %while3A_121 step %while3A_122  : i32 {
      %mul3A_1254 = arith.constant 16 : i32
      %mul3A_1255 = arith.muli %while3A_1253, %mul3A_1254 : i32
      %get3A = arith.index_cast %mul3A_1255 : i32 to index
      %get3A_1256 = tpu.vector_load %arg11[%get3A] {strides = array<i32>} : memref<8224xi32, #tpu.memory_space<vmem>>, vector<16xi32>,
      %shift_right_logical3A = arith.constant 7 : i32
      %shift_right_logical3A_1257 = vector.broadcast %shift_right_logical3A : i32 to vector<16xi32>
      %shift_right_logical3A_1258 = arith.shrui %get3A_1256, %shift_right_logical3A_1257 : vector<16xi32>
      %and3A = arith.constant 127 : i32
      %and3A_1259 = vector.broadcast %and3A : i32 to vector<16xi32>
      %and3A_1260 = arith.andi %get3A_1256, %and3A_1259 : vector<16xi32>
      %mul3A_1261 = arith.constant 16 : i32
      %mul3A_1262 = arith.muli %while3A_1253, %mul3A_1261 : i32
      %get3A_1263 = arith.index_cast %mul3A_1262 : i32 to index
      %get3A_1264 = tpu.vector_load %arg12[%get3A_1263] {strides = array<i32>} : memref<8224xi32, #tpu.memory_space<vmem>>, vector<16xi32>,
      %add3A_1265 = arith.constant 1024 : i32
      %add3A_1266 = vector.broadcast %add3A_1265 : i32 to vector<16xi32>
      %add3A_1267 = arith.addi %get3A_1264, %add3A_1266 : vector<16xi32>
      %gather3A = tpu.vector_load_idx %arg7[%add3A_1267] : memref<16384xf32, #tpu.memory_space<vmem>>[vector<16xi32>], vector<16xf32>,
      %mul3A_1268 = arith.constant 16 : i32
      %mul3A_1269 = arith.muli %while3A_1253, %mul3A_1268 : i32
      %get3A_1270 = arith.index_cast %mul3A_1269 : i32 to index
      %get3A_1271 = tpu.vector_load %arg13[%get3A_1270] {strides = array<i32>} : memref<8224xf32, #tpu.memory_space<vmem>>, vector<16xf32>,
      %mul3A_1272 = arith.mulf %gather3A, %get3A_1271 : vector<16xf32>
      tpu.vector_store_idx %arg14[%shift_right_logical3A_1258, %and3A_1260], %mul3A_1272 {add = true} : memref<192x128xf32, #tpu.memory_space<vmem>>[vector<16xi32>, vector<16xi32>], vector<16xf32>,
    }
    %while3A_123 = arith.constant 1 : i32
    scf.for %while3A_1253 = %while3A_121 to %while3A_117 step %while3A_123  : i32 {
      %mul3A_1254 = arith.constant 16 : i32
      %mul3A_1255 = arith.muli %while3A_1253, %mul3A_1254 : i32
      %get3A = arith.index_cast %mul3A_1255 : i32 to index
      %get3A_1256 = tpu.vector_load %arg11[%get3A] {strides = array<i32>} : memref<8224xi32, #tpu.memory_space<vmem>>, vector<16xi32>,
      %shift_right_logical3A = arith.constant 7 : i32
      %shift_right_logical3A_1257 = vector.broadcast %shift_right_logical3A : i32 to vector<16xi32>
      %shift_right_logical3A_1258 = arith.shrui %get3A_1256, %shift_right_logical3A_1257 : vector<16xi32>
      %and3A = arith.constant 127 : i32
      %and3A_1259 = vector.broadcast %and3A : i32 to vector<16xi32>
      %and3A_1260 = arith.andi %get3A_1256, %and3A_1259 : vector<16xi32>
      %mul3A_1261 = arith.constant 16 : i32
      %mul3A_1262 = arith.muli %while3A_1253, %mul3A_1261 : i32
      %get3A_1263 = arith.index_cast %mul3A_1262 : i32 to index
      %get3A_1264 = tpu.vector_load %arg12[%get3A_1263] {strides = array<i32>} : memref<8224xi32, #tpu.memory_space<vmem>>, vector<16xi32>,
      %add3A_1265 = arith.constant 1024 : i32
      %add3A_1266 = vector.broadcast %add3A_1265 : i32 to vector<16xi32>
      %add3A_1267 = arith.addi %get3A_1264, %add3A_1266 : vector<16xi32>
      %gather3A = tpu.vector_load_idx %arg7[%add3A_1267] : memref<16384xf32, #tpu.memory_space<vmem>>[vector<16xi32>], vector<16xf32>,
      %mul3A_1268 = arith.constant 16 : i32
      %mul3A_1269 = arith.muli %while3A_1253, %mul3A_1268 : i32
      %get3A_1270 = arith.index_cast %mul3A_1269 : i32 to index
      %get3A_1271 = tpu.vector_load %arg13[%get3A_1270] {strides = array<i32>} : memref<8224xf32, #tpu.memory_space<vmem>>, vector<16xf32>,
      %mul3A_1272 = arith.mulf %gather3A, %get3A_1271 : vector<16xf32>
      tpu.vector_store_idx %arg14[%shift_right_logical3A_1258, %and3A_1260], %mul3A_1272 {add = true} : memref<192x128xf32, #tpu.memory_space<vmem>>[vector<16xi32>, vector<16xi32>], vector<16xf32>,
    }
    %dma_start3A_124 = arith.constant 2 : i32
    %dma_start3A_125 = arith.constant 0 : i32
    %dma_start3A_126 = arith.constant 0 : i32
    %dma_start3A_127 = tpu.memref_slice %arg6[%dma_start3A_124, %dma_start3A_125, %add3A, %dma_start3A_126] : memref<32x192x32x128xf32, #tpu.memory_space<hbm>> -> memref<1x192x1x128xf32, #tpu.memory_space<hbm>>
    %dma_start3A_128 = tpu.memref_squeeze %dma_start3A_127 : memref<1x192x1x128xf32, #tpu.memory_space<hbm>> -> memref<192x128xf32, #tpu.memory_space<hbm>>
    %dma_start3A_129 = arith.constant 0 : i32
    %dma_start3A_130 = arith.constant 0 : i32
    %dma_start3A_131 = tpu.memref_slice %arg6[%dma_start3A_124, %dma_start3A_129, %add3A, %dma_start3A_130] : memref<32x192x32x128xf32, #tpu.memory_space<hbm>> -> memref<1x192x1x128xf32, #tpu.memory_space<hbm>>
    %dma_start3A_132 = tpu.memref_squeeze %dma_start3A_131 : memref<1x192x1x128xf32, #tpu.memory_space<hbm>> -> memref<192x128xf32, #tpu.memory_space<hbm>>
    tpu.enqueue_dma source(%arg14 : memref<192x128xf32, #tpu.memory_space<vmem>>) target(%dma_start3A_132 : memref<192x128xf32, #tpu.memory_space<hbm>>) target_semaphore(%arg16 : memref<!tpu.dma_semaphore, #tpu.memory_space<semaphore_mem>>)
    %dma_wait3A_133 = arith.constant 1 : i32
    %dma_wait3A_134 = arith.constant 0 : i32
    %dma_wait3A_135 = arith.constant 0 : i32
    %dma_wait3A_136 = tpu.memref_slice %arg6[%dma_wait3A_133, %dma_wait3A_134, %add3A, %dma_wait3A_135] : memref<32x192x32x128xf32, #tpu.memory_space<hbm>> -> memref<1x192x1x128xf32, #tpu.memory_space<hbm>>
    %dma_wait3A_137 = tpu.memref_squeeze %dma_wait3A_136 : memref<1x192x1x128xf32, #tpu.memory_space<hbm>> -> memref<192x128xf32, #tpu.memory_space<hbm>>
    %dma_wait3A_138 = arith.constant 0 : i32
    %dma_wait3A_139 = arith.constant 0 : i32
    %dma_wait3A_140 = tpu.memref_slice %arg6[%dma_wait3A_133, %dma_wait3A_138, %add3A, %dma_wait3A_139] : memref<32x192x32x128xf32, #tpu.memory_space<hbm>> -> memref<1x192x1x128xf32, #tpu.memory_space<hbm>>
    %dma_wait3A_141 = tpu.memref_squeeze %dma_wait3A_140 : memref<1x192x1x128xf32, #tpu.memory_space<hbm>> -> memref<192x128xf32, #tpu.memory_space<hbm>>
    tpu.wait_dma2 semaphore(%arg17 : memref<!tpu.dma_semaphore, #tpu.memory_space<semaphore_mem>>) src(%arg15 : memref<192x128xf32, #tpu.memory_space<vmem>>) dst(%dma_wait3A_141 : memref<192x128xf32, #tpu.memory_space<hbm>>)
    %while3A_142 = arith.constant 0 : i32
    %while3A_143 = arith.constant 0 : i32
    %while3A_144 = arith.subi %shift_right_arithmetic3A_29, %while3A_143 : i32
    %while3A_145 = arith.addi %while3A_143, %while3A_144 : i32
    %while3A_146 = arith.constant 1 : i32
    %while3A_147 = arith.divsi %while3A_144, %while3A_146 : i32
    %while3A_148 = arith.muli %while3A_147, %while3A_146 : i32
    %while3A_149 = arith.addi %while3A_143, %while3A_148 : i32
    %while3A_150 = arith.constant 1 : i32
    scf.for %while3A_1253 = %while3A_143 to %while3A_149 step %while3A_150  : i32 {
      %mul3A_1254 = arith.constant 16 : i32
      %mul3A_1255 = arith.muli %while3A_1253, %mul3A_1254 : i32
      %get3A = arith.index_cast %mul3A_1255 : i32 to index
      %get3A_1256 = tpu.vector_load %arg11[%get3A] {strides = array<i32>} : memref<8224xi32, #tpu.memory_space<vmem>>, vector<16xi32>,
      %shift_right_logical3A = arith.constant 7 : i32
      %shift_right_logical3A_1257 = vector.broadcast %shift_right_logical3A : i32 to vector<16xi32>
      %shift_right_logical3A_1258 = arith.shrui %get3A_1256, %shift_right_logical3A_1257 : vector<16xi32>
      %and3A = arith.constant 127 : i32
      %and3A_1259 = vector.broadcast %and3A : i32 to vector<16xi32>
      %and3A_1260 = arith.andi %get3A_1256, %and3A_1259 : vector<16xi32>
      tpu.vector_store_idx %arg15[%shift_right_logical3A_1258, %and3A_1260], %broadcast_in_dim3A_1 : memref<192x128xf32, #tpu.memory_space<vmem>>[vector<16xi32>, vector<16xi32>], vector<16xf32>,
    }
    %while3A_151 = arith.constant 1 : i32
    scf.for %while3A_1253 = %while3A_149 to %while3A_145 step %while3A_151  : i32 {
      %mul3A_1254 = arith.constant 16 : i32
      %mul3A_1255 = arith.muli %while3A_1253, %mul3A_1254 : i32
      %get3A = arith.index_cast %mul3A_1255 : i32 to index
      %get3A_1256 = tpu.vector_load %arg11[%get3A] {strides = array<i32>} : memref<8224xi32, #tpu.memory_space<vmem>>, vector<16xi32>,
      %shift_right_logical3A = arith.constant 7 : i32
      %shift_right_logical3A_1257 = vector.broadcast %shift_right_logical3A : i32 to vector<16xi32>
      %shift_right_logical3A_1258 = arith.shrui %get3A_1256, %shift_right_logical3A_1257 : vector<16xi32>
      %and3A = arith.constant 127 : i32
      %and3A_1259 = vector.broadcast %and3A : i32 to vector<16xi32>
      %and3A_1260 = arith.andi %get3A_1256, %and3A_1259 : vector<16xi32>
      tpu.vector_store_idx %arg15[%shift_right_logical3A_1258, %and3A_1260], %broadcast_in_dim3A_1 : memref<192x128xf32, #tpu.memory_space<vmem>>[vector<16xi32>, vector<16xi32>], vector<16xf32>,
    }
    %while3A_152 = arith.constant 0 : i32
    %while3A_153 = arith.constant 0 : i32
    %while3A_154 = arith.subi %shift_right_arithmetic3A_29, %while3A_153 : i32
    %while3A_155 = arith.addi %while3A_153, %while3A_154 : i32
    %while3A_156 = arith.constant 1 : i32
    %while3A_157 = arith.divsi %while3A_154, %while3A_156 : i32
    %while3A_158 = arith.muli %while3A_157, %while3A_156 : i32
    %while3A_159 = arith.addi %while3A_153, %while3A_158 : i32
    %while3A_160 = arith.constant 1 : i32
    scf.for %while3A_1253 = %while3A_153 to %while3A_159 step %while3A_160  : i32 {
      %mul3A_1254 = arith.constant 16 : i32
      %mul3A_1255 = arith.muli %while3A_1253, %mul3A_1254 : i32
      %get3A = arith.index_cast %mul3A_1255 : i32 to index
      %get3A_1256 = tpu.vector_load %arg11[%get3A] {strides = array<i32>} : memref<8224xi32, #tpu.memory_space<vmem>>, vector<16xi32>,
      %shift_right_logical3A = arith.constant 7 : i32
      %shift_right_logical3A_1257 = vector.broadcast %shift_right_logical3A : i32 to vector<16xi32>
      %shift_right_logical3A_1258 = arith.shrui %get3A_1256, %shift_right_logical3A_1257 : vector<16xi32>
      %and3A = arith.constant 127 : i32
      %and3A_1259 = vector.broadcast %and3A : i32 to vector<16xi32>
      %and3A_1260 = arith.andi %get3A_1256, %and3A_1259 : vector<16xi32>
      %mul3A_1261 = arith.constant 16 : i32
      %mul3A_1262 = arith.muli %while3A_1253, %mul3A_1261 : i32
      %get3A_1263 = arith.index_cast %mul3A_1262 : i32 to index
      %get3A_1264 = tpu.vector_load %arg12[%get3A_1263] {strides = array<i32>} : memref<8224xi32, #tpu.memory_space<vmem>>, vector<16xi32>,
      %add3A_1265 = arith.constant 1536 : i32
      %add3A_1266 = vector.broadcast %add3A_1265 : i32 to vector<16xi32>
      %add3A_1267 = arith.addi %get3A_1264, %add3A_1266 : vector<16xi32>
      %gather3A = tpu.vector_load_idx %arg7[%add3A_1267] : memref<16384xf32, #tpu.memory_space<vmem>>[vector<16xi32>], vector<16xf32>,
      %mul3A_1268 = arith.constant 16 : i32
      %mul3A_1269 = arith.muli %while3A_1253, %mul3A_1268 : i32
      %get3A_1270 = arith.index_cast %mul3A_1269 : i32 to index
      %get3A_1271 = tpu.vector_load %arg13[%get3A_1270] {strides = array<i32>} : memref<8224xf32, #tpu.memory_space<vmem>>, vector<16xf32>,
      %mul3A_1272 = arith.mulf %gather3A, %get3A_1271 : vector<16xf32>
      tpu.vector_store_idx %arg15[%shift_right_logical3A_1258, %and3A_1260], %mul3A_1272 {add = true} : memref<192x128xf32, #tpu.memory_space<vmem>>[vector<16xi32>, vector<16xi32>], vector<16xf32>,
    }
    %while3A_161 = arith.constant 1 : i32
    scf.for %while3A_1253 = %while3A_159 to %while3A_155 step %while3A_161  : i32 {
      %mul3A_1254 = arith.constant 16 : i32
      %mul3A_1255 = arith.muli %while3A_1253, %mul3A_1254 : i32
      %get3A = arith.index_cast %mul3A_1255 : i32 to index
      %get3A_1256 = tpu.vector_load %arg11[%get3A] {strides = array<i32>} : memref<8224xi32, #tpu.memory_space<vmem>>, vector<16xi32>,
      %shift_right_logical3A = arith.constant 7 : i32
      %shift_right_logical3A_1257 = vector.broadcast %shift_right_logical3A : i32 to vector<16xi32>
      %shift_right_logical3A_1258 = arith.shrui %get3A_1256, %shift_right_logical3A_1257 : vector<16xi32>
      %and3A = arith.constant 127 : i32
      %and3A_1259 = vector.broadcast %and3A : i32 to vector<16xi32>
      %and3A_1260 = arith.andi %get3A_1256, %and3A_1259 : vector<16xi32>
      %mul3A_1261 = arith.constant 16 : i32
      %mul3A_1262 = arith.muli %while3A_1253, %mul3A_1261 : i32
      %get3A_1263 = arith.index_cast %mul3A_1262 : i32 to index
      %get3A_1264 = tpu.vector_load %arg12[%get3A_1263] {strides = array<i32>} : memref<8224xi32, #tpu.memory_space<vmem>>, vector<16xi32>,
      %add3A_1265 = arith.constant 1536 : i32
      %add3A_1266 = vector.broadcast %add3A_1265 : i32 to vector<16xi32>
      %add3A_1267 = arith.addi %get3A_1264, %add3A_1266 : vector<16xi32>
      %gather3A = tpu.vector_load_idx %arg7[%add3A_1267] : memref<16384xf32, #tpu.memory_space<vmem>>[vector<16xi32>], vector<16xf32>,
      %mul3A_1268 = arith.constant 16 : i32
      %mul3A_1269 = arith.muli %while3A_1253, %mul3A_1268 : i32
      %get3A_1270 = arith.index_cast %mul3A_1269 : i32 to index
      %get3A_1271 = tpu.vector_load %arg13[%get3A_1270] {strides = array<i32>} : memref<8224xf32, #tpu.memory_space<vmem>>, vector<16xf32>,
      %mul3A_1272 = arith.mulf %gather3A, %get3A_1271 : vector<16xf32>
      tpu.vector_store_idx %arg15[%shift_right_logical3A_1258, %and3A_1260], %mul3A_1272 {add = true} : memref<192x128xf32, #tpu.memory_space<vmem>>[vector<16xi32>, vector<16xi32>], vector<16xf32>,
    }
    %dma_start3A_162 = arith.constant 3 : i32
    %dma_start3A_163 = arith.constant 0 : i32
    %dma_start3A_164 = arith.constant 0 : i32
    %dma_start3A_165 = tpu.memref_slice %arg6[%dma_start3A_162, %dma_start3A_163, %add3A, %dma_start3A_164] : memref<32x192x32x128xf32, #tpu.memory_space<hbm>> -> memref<1x192x1x128xf32, #tpu.memory_space<hbm>>
    %dma_start3A_166 = tpu.memref_squeeze %dma_start3A_165 : memref<1x192x1x128xf32, #tpu.memory_space<hbm>> -> memref<192x128xf32, #tpu.memory_space<hbm>>
    %dma_start3A_167 = arith.constant 0 : i32
    %dma_start3A_168 = arith.constant 0 : i32
    %dma_start3A_169 = tpu.memref_slice %arg6[%dma_start3A_162, %dma_start3A_167, %add3A, %dma_start3A_168] : memref<32x192x32x128xf32, #tpu.memory_space<hbm>> -> memref<1x192x1x128xf32, #tpu.memory_space<hbm>>
    %dma_start3A_170 = tpu.memref_squeeze %dma_start3A_169 : memref<1x192x1x128xf32, #tpu.memory_space<hbm>> -> memref<192x128xf32, #tpu.memory_space<hbm>>
    tpu.enqueue_dma source(%arg15 : memref<192x128xf32, #tpu.memory_space<vmem>>) target(%dma_start3A_170 : memref<192x128xf32, #tpu.memory_space<hbm>>) target_semaphore(%arg17 : memref<!tpu.dma_semaphore, #tpu.memory_space<semaphore_mem>>)
    %dma_wait3A_171 = arith.constant 2 : i32
    %dma_wait3A_172 = arith.constant 0 : i32
    %dma_wait3A_173 = arith.constant 0 : i32
    %dma_wait3A_174 = tpu.memref_slice %arg6[%dma_wait3A_171, %dma_wait3A_172, %add3A, %dma_wait3A_173] : memref<32x192x32x128xf32, #tpu.memory_space<hbm>> -> memref<1x192x1x128xf32, #tpu.memory_space<hbm>>
    %dma_wait3A_175 = tpu.memref_squeeze %dma_wait3A_174 : memref<1x192x1x128xf32, #tpu.memory_space<hbm>> -> memref<192x128xf32, #tpu.memory_space<hbm>>
    %dma_wait3A_176 = arith.constant 0 : i32
    %dma_wait3A_177 = arith.constant 0 : i32
    %dma_wait3A_178 = tpu.memref_slice %arg6[%dma_wait3A_171, %dma_wait3A_176, %add3A, %dma_wait3A_177] : memref<32x192x32x128xf32, #tpu.memory_space<hbm>> -> memref<1x192x1x128xf32, #tpu.memory_space<hbm>>
    %dma_wait3A_179 = tpu.memref_squeeze %dma_wait3A_178 : memref<1x192x1x128xf32, #tpu.memory_space<hbm>> -> memref<192x128xf32, #tpu.memory_space<hbm>>
    tpu.wait_dma2 semaphore(%arg16 : memref<!tpu.dma_semaphore, #tpu.memory_space<semaphore_mem>>) src(%arg14 : memref<192x128xf32, #tpu.memory_space<vmem>>) dst(%dma_wait3A_179 : memref<192x128xf32, #tpu.memory_space<hbm>>)
    %while3A_180 = arith.constant 0 : i32
    %while3A_181 = arith.constant 0 : i32
    %while3A_182 = arith.subi %shift_right_arithmetic3A_29, %while3A_181 : i32
    %while3A_183 = arith.addi %while3A_181, %while3A_182 : i32
    %while3A_184 = arith.constant 1 : i32
    %while3A_185 = arith.divsi %while3A_182, %while3A_184 : i32
    %while3A_186 = arith.muli %while3A_185, %while3A_184 : i32
    %while3A_187 = arith.addi %while3A_181, %while3A_186 : i32
    %while3A_188 = arith.constant 1 : i32
    scf.for %while3A_1253 = %while3A_181 to %while3A_187 step %while3A_188  : i32 {
      %mul3A_1254 = arith.constant 16 : i32
      %mul3A_1255 = arith.muli %while3A_1253, %mul3A_1254 : i32
      %get3A = arith.index_cast %mul3A_1255 : i32 to index
      %get3A_1256 = tpu.vector_load %arg11[%get3A] {strides = array<i32>} : memref<8224xi32, #tpu.memory_space<vmem>>, vector<16xi32>,
      %shift_right_logical3A = arith.constant 7 : i32
      %shift_right_logical3A_1257 = vector.broadcast %shift_right_logical3A : i32 to vector<16xi32>
      %shift_right_logical3A_1258 = arith.shrui %get3A_1256, %shift_right_logical3A_1257 : vector<16xi32>
      %and3A = arith.constant 127 : i32
      %and3A_1259 = vector.broadcast %and3A : i32 to vector<16xi32>
      %and3A_1260 = arith.andi %get3A_1256, %and3A_1259 : vector<16xi32>
      tpu.vector_store_idx %arg14[%shift_right_logical3A_1258, %and3A_1260], %broadcast_in_dim3A_1 : memref<192x128xf32, #tpu.memory_space<vmem>>[vector<16xi32>, vector<16xi32>], vector<16xf32>,
    }
    %while3A_189 = arith.constant 1 : i32
    scf.for %while3A_1253 = %while3A_187 to %while3A_183 step %while3A_189  : i32 {
      %mul3A_1254 = arith.constant 16 : i32
      %mul3A_1255 = arith.muli %while3A_1253, %mul3A_1254 : i32
      %get3A = arith.index_cast %mul3A_1255 : i32 to index
      %get3A_1256 = tpu.vector_load %arg11[%get3A] {strides = array<i32>} : memref<8224xi32, #tpu.memory_space<vmem>>, vector<16xi32>,
      %shift_right_logical3A = arith.constant 7 : i32
      %shift_right_logical3A_1257 = vector.broadcast %shift_right_logical3A : i32 to vector<16xi32>
      %shift_right_logical3A_1258 = arith.shrui %get3A_1256, %shift_right_logical3A_1257 : vector<16xi32>
      %and3A = arith.constant 127 : i32
      %and3A_1259 = vector.broadcast %and3A : i32 to vector<16xi32>
      %and3A_1260 = arith.andi %get3A_1256, %and3A_1259 : vector<16xi32>
      tpu.vector_store_idx %arg14[%shift_right_logical3A_1258, %and3A_1260], %broadcast_in_dim3A_1 : memref<192x128xf32, #tpu.memory_space<vmem>>[vector<16xi32>, vector<16xi32>], vector<16xf32>,
    }
    %while3A_190 = arith.constant 0 : i32
    %while3A_191 = arith.constant 0 : i32
    %while3A_192 = arith.subi %shift_right_arithmetic3A_29, %while3A_191 : i32
    %while3A_193 = arith.addi %while3A_191, %while3A_192 : i32
    %while3A_194 = arith.constant 1 : i32
    %while3A_195 = arith.divsi %while3A_192, %while3A_194 : i32
    %while3A_196 = arith.muli %while3A_195, %while3A_194 : i32
    %while3A_197 = arith.addi %while3A_191, %while3A_196 : i32
    %while3A_198 = arith.constant 1 : i32
    scf.for %while3A_1253 = %while3A_191 to %while3A_197 step %while3A_198  : i32 {
      %mul3A_1254 = arith.constant 16 : i32
      %mul3A_1255 = arith.muli %while3A_1253, %mul3A_1254 : i32
      %get3A = arith.index_cast %mul3A_1255 : i32 to index
      %get3A_1256 = tpu.vector_load %arg11[%get3A] {strides = array<i32>} : memref<8224xi32, #tpu.memory_space<vmem>>, vector<16xi32>,
      %shift_right_logical3A = arith.constant 7 : i32
      %shift_right_logical3A_1257 = vector.broadcast %shift_right_logical3A : i32 to vector<16xi32>
      %shift_right_logical3A_1258 = arith.shrui %get3A_1256, %shift_right_logical3A_1257 : vector<16xi32>
      %and3A = arith.constant 127 : i32
      %and3A_1259 = vector.broadcast %and3A : i32 to vector<16xi32>
      %and3A_1260 = arith.andi %get3A_1256, %and3A_1259 : vector<16xi32>
      %mul3A_1261 = arith.constant 16 : i32
      %mul3A_1262 = arith.muli %while3A_1253, %mul3A_1261 : i32
      %get3A_1263 = arith.index_cast %mul3A_1262 : i32 to index
      %get3A_1264 = tpu.vector_load %arg12[%get3A_1263] {strides = array<i32>} : memref<8224xi32, #tpu.memory_space<vmem>>, vector<16xi32>,
      %add3A_1265 = arith.constant 2048 : i32
      %add3A_1266 = vector.broadcast %add3A_1265 : i32 to vector<16xi32>
      %add3A_1267 = arith.addi %get3A_1264, %add3A_1266 : vector<16xi32>
      %gather3A = tpu.vector_load_idx %arg7[%add3A_1267] : memref<16384xf32, #tpu.memory_space<vmem>>[vector<16xi32>], vector<16xf32>,
      %mul3A_1268 = arith.constant 16 : i32
      %mul3A_1269 = arith.muli %while3A_1253, %mul3A_1268 : i32
      %get3A_1270 = arith.index_cast %mul3A_1269 : i32 to index
      %get3A_1271 = tpu.vector_load %arg13[%get3A_1270] {strides = array<i32>} : memref<8224xf32, #tpu.memory_space<vmem>>, vector<16xf32>,
      %mul3A_1272 = arith.mulf %gather3A, %get3A_1271 : vector<16xf32>
      tpu.vector_store_idx %arg14[%shift_right_logical3A_1258, %and3A_1260], %mul3A_1272 {add = true} : memref<192x128xf32, #tpu.memory_space<vmem>>[vector<16xi32>, vector<16xi32>], vector<16xf32>,
    }
    %while3A_199 = arith.constant 1 : i32
    scf.for %while3A_1253 = %while3A_197 to %while3A_193 step %while3A_199  : i32 {
      %mul3A_1254 = arith.constant 16 : i32
      %mul3A_1255 = arith.muli %while3A_1253, %mul3A_1254 : i32
      %get3A = arith.index_cast %mul3A_1255 : i32 to index
      %get3A_1256 = tpu.vector_load %arg11[%get3A] {strides = array<i32>} : memref<8224xi32, #tpu.memory_space<vmem>>, vector<16xi32>,
      %shift_right_logical3A = arith.constant 7 : i32
      %shift_right_logical3A_1257 = vector.broadcast %shift_right_logical3A : i32 to vector<16xi32>
      %shift_right_logical3A_1258 = arith.shrui %get3A_1256, %shift_right_logical3A_1257 : vector<16xi32>
      %and3A = arith.constant 127 : i32
      %and3A_1259 = vector.broadcast %and3A : i32 to vector<16xi32>
      %and3A_1260 = arith.andi %get3A_1256, %and3A_1259 : vector<16xi32>
      %mul3A_1261 = arith.constant 16 : i32
      %mul3A_1262 = arith.muli %while3A_1253, %mul3A_1261 : i32
      %get3A_1263 = arith.index_cast %mul3A_1262 : i32 to index
      %get3A_1264 = tpu.vector_load %arg12[%get3A_1263] {strides = array<i32>} : memref<8224xi32, #tpu.memory_space<vmem>>, vector<16xi32>,
      %add3A_1265 = arith.constant 2048 : i32
      %add3A_1266 = vector.broadcast %add3A_1265 : i32 to vector<16xi32>
      %add3A_1267 = arith.addi %get3A_1264, %add3A_1266 : vector<16xi32>
      %gather3A = tpu.vector_load_idx %arg7[%add3A_1267] : memref<16384xf32, #tpu.memory_space<vmem>>[vector<16xi32>], vector<16xf32>,
      %mul3A_1268 = arith.constant 16 : i32
      %mul3A_1269 = arith.muli %while3A_1253, %mul3A_1268 : i32
      %get3A_1270 = arith.index_cast %mul3A_1269 : i32 to index
      %get3A_1271 = tpu.vector_load %arg13[%get3A_1270] {strides = array<i32>} : memref<8224xf32, #tpu.memory_space<vmem>>, vector<16xf32>,
      %mul3A_1272 = arith.mulf %gather3A, %get3A_1271 : vector<16xf32>
      tpu.vector_store_idx %arg14[%shift_right_logical3A_1258, %and3A_1260], %mul3A_1272 {add = true} : memref<192x128xf32, #tpu.memory_space<vmem>>[vector<16xi32>, vector<16xi32>], vector<16xf32>,
    }
    %dma_start3A_200 = arith.constant 4 : i32
    %dma_start3A_201 = arith.constant 0 : i32
    %dma_start3A_202 = arith.constant 0 : i32
    %dma_start3A_203 = tpu.memref_slice %arg6[%dma_start3A_200, %dma_start3A_201, %add3A, %dma_start3A_202] : memref<32x192x32x128xf32, #tpu.memory_space<hbm>> -> memref<1x192x1x128xf32, #tpu.memory_space<hbm>>
    %dma_start3A_204 = tpu.memref_squeeze %dma_start3A_203 : memref<1x192x1x128xf32, #tpu.memory_space<hbm>> -> memref<192x128xf32, #tpu.memory_space<hbm>>
    %dma_start3A_205 = arith.constant 0 : i32
    %dma_start3A_206 = arith.constant 0 : i32
    %dma_start3A_207 = tpu.memref_slice %arg6[%dma_start3A_200, %dma_start3A_205, %add3A, %dma_start3A_206] : memref<32x192x32x128xf32, #tpu.memory_space<hbm>> -> memref<1x192x1x128xf32, #tpu.memory_space<hbm>>
    %dma_start3A_208 = tpu.memref_squeeze %dma_start3A_207 : memref<1x192x1x128xf32, #tpu.memory_space<hbm>> -> memref<192x128xf32, #tpu.memory_space<hbm>>
    tpu.enqueue_dma source(%arg14 : memref<192x128xf32, #tpu.memory_space<vmem>>) target(%dma_start3A_208 : memref<192x128xf32, #tpu.memory_space<hbm>>) target_semaphore(%arg16 : memref<!tpu.dma_semaphore, #tpu.memory_space<semaphore_mem>>)
    %dma_wait3A_209 = arith.constant 3 : i32
    %dma_wait3A_210 = arith.constant 0 : i32
    %dma_wait3A_211 = arith.constant 0 : i32
    %dma_wait3A_212 = tpu.memref_slice %arg6[%dma_wait3A_209, %dma_wait3A_210, %add3A, %dma_wait3A_211] : memref<32x192x32x128xf32, #tpu.memory_space<hbm>> -> memref<1x192x1x128xf32, #tpu.memory_space<hbm>>
    %dma_wait3A_213 = tpu.memref_squeeze %dma_wait3A_212 : memref<1x192x1x128xf32, #tpu.memory_space<hbm>> -> memref<192x128xf32, #tpu.memory_space<hbm>>
    %dma_wait3A_214 = arith.constant 0 : i32
    %dma_wait3A_215 = arith.constant 0 : i32
    %dma_wait3A_216 = tpu.memref_slice %arg6[%dma_wait3A_209, %dma_wait3A_214, %add3A, %dma_wait3A_215] : memref<32x192x32x128xf32, #tpu.memory_space<hbm>> -> memref<1x192x1x128xf32, #tpu.memory_space<hbm>>
    %dma_wait3A_217 = tpu.memref_squeeze %dma_wait3A_216 : memref<1x192x1x128xf32, #tpu.memory_space<hbm>> -> memref<192x128xf32, #tpu.memory_space<hbm>>
    tpu.wait_dma2 semaphore(%arg17 : memref<!tpu.dma_semaphore, #tpu.memory_space<semaphore_mem>>) src(%arg15 : memref<192x128xf32, #tpu.memory_space<vmem>>) dst(%dma_wait3A_217 : memref<192x128xf32, #tpu.memory_space<hbm>>)
    %while3A_218 = arith.constant 0 : i32
    %while3A_219 = arith.constant 0 : i32
    %while3A_220 = arith.subi %shift_right_arithmetic3A_29, %while3A_219 : i32
    %while3A_221 = arith.addi %while3A_219, %while3A_220 : i32
    %while3A_222 = arith.constant 1 : i32
    %while3A_223 = arith.divsi %while3A_220, %while3A_222 : i32
    %while3A_224 = arith.muli %while3A_223, %while3A_222 : i32
    %while3A_225 = arith.addi %while3A_219, %while3A_224 : i32
    %while3A_226 = arith.constant 1 : i32
    scf.for %while3A_1253 = %while3A_219 to %while3A_225 step %while3A_226  : i32 {
      %mul3A_1254 = arith.constant 16 : i32
      %mul3A_1255 = arith.muli %while3A_1253, %mul3A_1254 : i32
      %get3A = arith.index_cast %mul3A_1255 : i32 to index
      %get3A_1256 = tpu.vector_load %arg11[%get3A] {strides = array<i32>} : memref<8224xi32, #tpu.memory_space<vmem>>, vector<16xi32>,
      %shift_right_logical3A = arith.constant 7 : i32
      %shift_right_logical3A_1257 = vector.broadcast %shift_right_logical3A : i32 to vector<16xi32>
      %shift_right_logical3A_1258 = arith.shrui %get3A_1256, %shift_right_logical3A_1257 : vector<16xi32>
      %and3A = arith.constant 127 : i32
      %and3A_1259 = vector.broadcast %and3A : i32 to vector<16xi32>
      %and3A_1260 = arith.andi %get3A_1256, %and3A_1259 : vector<16xi32>
      tpu.vector_store_idx %arg15[%shift_right_logical3A_1258, %and3A_1260], %broadcast_in_dim3A_1 : memref<192x128xf32, #tpu.memory_space<vmem>>[vector<16xi32>, vector<16xi32>], vector<16xf32>,
    }
    %while3A_227 = arith.constant 1 : i32
    scf.for %while3A_1253 = %while3A_225 to %while3A_221 step %while3A_227  : i32 {
      %mul3A_1254 = arith.constant 16 : i32
      %mul3A_1255 = arith.muli %while3A_1253, %mul3A_1254 : i32
      %get3A = arith.index_cast %mul3A_1255 : i32 to index
      %get3A_1256 = tpu.vector_load %arg11[%get3A] {strides = array<i32>} : memref<8224xi32, #tpu.memory_space<vmem>>, vector<16xi32>,
      %shift_right_logical3A = arith.constant 7 : i32
      %shift_right_logical3A_1257 = vector.broadcast %shift_right_logical3A : i32 to vector<16xi32>
      %shift_right_logical3A_1258 = arith.shrui %get3A_1256, %shift_right_logical3A_1257 : vector<16xi32>
      %and3A = arith.constant 127 : i32
      %and3A_1259 = vector.broadcast %and3A : i32 to vector<16xi32>
      %and3A_1260 = arith.andi %get3A_1256, %and3A_1259 : vector<16xi32>
      tpu.vector_store_idx %arg15[%shift_right_logical3A_1258, %and3A_1260], %broadcast_in_dim3A_1 : memref<192x128xf32, #tpu.memory_space<vmem>>[vector<16xi32>, vector<16xi32>], vector<16xf32>,
    }
    %while3A_228 = arith.constant 0 : i32
    %while3A_229 = arith.constant 0 : i32
    %while3A_230 = arith.subi %shift_right_arithmetic3A_29, %while3A_229 : i32
    %while3A_231 = arith.addi %while3A_229, %while3A_230 : i32
    %while3A_232 = arith.constant 1 : i32
    %while3A_233 = arith.divsi %while3A_230, %while3A_232 : i32
    %while3A_234 = arith.muli %while3A_233, %while3A_232 : i32
    %while3A_235 = arith.addi %while3A_229, %while3A_234 : i32
    %while3A_236 = arith.constant 1 : i32
    scf.for %while3A_1253 = %while3A_229 to %while3A_235 step %while3A_236  : i32 {
      %mul3A_1254 = arith.constant 16 : i32
      %mul3A_1255 = arith.muli %while3A_1253, %mul3A_1254 : i32
      %get3A = arith.index_cast %mul3A_1255 : i32 to index
      %get3A_1256 = tpu.vector_load %arg11[%get3A] {strides = array<i32>} : memref<8224xi32, #tpu.memory_space<vmem>>, vector<16xi32>,
      %shift_right_logical3A = arith.constant 7 : i32
      %shift_right_logical3A_1257 = vector.broadcast %shift_right_logical3A : i32 to vector<16xi32>
      %shift_right_logical3A_1258 = arith.shrui %get3A_1256, %shift_right_logical3A_1257 : vector<16xi32>
      %and3A = arith.constant 127 : i32
      %and3A_1259 = vector.broadcast %and3A : i32 to vector<16xi32>
      %and3A_1260 = arith.andi %get3A_1256, %and3A_1259 : vector<16xi32>
      %mul3A_1261 = arith.constant 16 : i32
      %mul3A_1262 = arith.muli %while3A_1253, %mul3A_1261 : i32
      %get3A_1263 = arith.index_cast %mul3A_1262 : i32 to index
      %get3A_1264 = tpu.vector_load %arg12[%get3A_1263] {strides = array<i32>} : memref<8224xi32, #tpu.memory_space<vmem>>, vector<16xi32>,
      %add3A_1265 = arith.constant 2560 : i32
      %add3A_1266 = vector.broadcast %add3A_1265 : i32 to vector<16xi32>
      %add3A_1267 = arith.addi %get3A_1264, %add3A_1266 : vector<16xi32>
      %gather3A = tpu.vector_load_idx %arg7[%add3A_1267] : memref<16384xf32, #tpu.memory_space<vmem>>[vector<16xi32>], vector<16xf32>,
      %mul3A_1268 = arith.constant 16 : i32
      %mul3A_1269 = arith.muli %while3A_1253, %mul3A_1268 : i32
      %get3A_1270 = arith.index_cast %mul3A_1269 : i32 to index
      %get3A_1271 = tpu.vector_load %arg13[%get3A_1270] {strides = array<i32>} : memref<8224xf32, #tpu.memory_space<vmem>>, vector<16xf32>,
      %mul3A_1272 = arith.mulf %gather3A, %get3A_1271 : vector<16xf32>
      tpu.vector_store_idx %arg15[%shift_right_logical3A_1258, %and3A_1260], %mul3A_1272 {add = true} : memref<192x128xf32, #tpu.memory_space<vmem>>[vector<16xi32>, vector<16xi32>], vector<16xf32>,
    }
    %while3A_237 = arith.constant 1 : i32
    scf.for %while3A_1253 = %while3A_235 to %while3A_231 step %while3A_237  : i32 {
      %mul3A_1254 = arith.constant 16 : i32
      %mul3A_1255 = arith.muli %while3A_1253, %mul3A_1254 : i32
      %get3A = arith.index_cast %mul3A_1255 : i32 to index
      %get3A_1256 = tpu.vector_load %arg11[%get3A] {strides = array<i32>} : memref<8224xi32, #tpu.memory_space<vmem>>, vector<16xi32>,
      %shift_right_logical3A = arith.constant 7 : i32
      %shift_right_logical3A_1257 = vector.broadcast %shift_right_logical3A : i32 to vector<16xi32>
      %shift_right_logical3A_1258 = arith.shrui %get3A_1256, %shift_right_logical3A_1257 : vector<16xi32>
      %and3A = arith.constant 127 : i32
      %and3A_1259 = vector.broadcast %and3A : i32 to vector<16xi32>
      %and3A_1260 = arith.andi %get3A_1256, %and3A_1259 : vector<16xi32>
      %mul3A_1261 = arith.constant 16 : i32
      %mul3A_1262 = arith.muli %while3A_1253, %mul3A_1261 : i32
      %get3A_1263 = arith.index_cast %mul3A_1262 : i32 to index
      %get3A_1264 = tpu.vector_load %arg12[%get3A_1263] {strides = array<i32>} : memref<8224xi32, #tpu.memory_space<vmem>>, vector<16xi32>,
      %add3A_1265 = arith.constant 2560 : i32
      %add3A_1266 = vector.broadcast %add3A_1265 : i32 to vector<16xi32>
      %add3A_1267 = arith.addi %get3A_1264, %add3A_1266 : vector<16xi32>
      %gather3A = tpu.vector_load_idx %arg7[%add3A_1267] : memref<16384xf32, #tpu.memory_space<vmem>>[vector<16xi32>], vector<16xf32>,
      %mul3A_1268 = arith.constant 16 : i32
      %mul3A_1269 = arith.muli %while3A_1253, %mul3A_1268 : i32
      %get3A_1270 = arith.index_cast %mul3A_1269 : i32 to index
      %get3A_1271 = tpu.vector_load %arg13[%get3A_1270] {strides = array<i32>} : memref<8224xf32, #tpu.memory_space<vmem>>, vector<16xf32>,
      %mul3A_1272 = arith.mulf %gather3A, %get3A_1271 : vector<16xf32>
      tpu.vector_store_idx %arg15[%shift_right_logical3A_1258, %and3A_1260], %mul3A_1272 {add = true} : memref<192x128xf32, #tpu.memory_space<vmem>>[vector<16xi32>, vector<16xi32>], vector<16xf32>,
    }
    %dma_start3A_238 = arith.constant 5 : i32
    %dma_start3A_239 = arith.constant 0 : i32
    %dma_start3A_240 = arith.constant 0 : i32
    %dma_start3A_241 = tpu.memref_slice %arg6[%dma_start3A_238, %dma_start3A_239, %add3A, %dma_start3A_240] : memref<32x192x32x128xf32, #tpu.memory_space<hbm>> -> memref<1x192x1x128xf32, #tpu.memory_space<hbm>>
    %dma_start3A_242 = tpu.memref_squeeze %dma_start3A_241 : memref<1x192x1x128xf32, #tpu.memory_space<hbm>> -> memref<192x128xf32, #tpu.memory_space<hbm>>
    %dma_start3A_243 = arith.constant 0 : i32
    %dma_start3A_244 = arith.constant 0 : i32
    %dma_start3A_245 = tpu.memref_slice %arg6[%dma_start3A_238, %dma_start3A_243, %add3A, %dma_start3A_244] : memref<32x192x32x128xf32, #tpu.memory_space<hbm>> -> memref<1x192x1x128xf32, #tpu.memory_space<hbm>>
    %dma_start3A_246 = tpu.memref_squeeze %dma_start3A_245 : memref<1x192x1x128xf32, #tpu.memory_space<hbm>> -> memref<192x128xf32, #tpu.memory_space<hbm>>
    tpu.enqueue_dma source(%arg15 : memref<192x128xf32, #tpu.memory_space<vmem>>) target(%dma_start3A_246 : memref<192x128xf32, #tpu.memory_space<hbm>>) target_semaphore(%arg17 : memref<!tpu.dma_semaphore, #tpu.memory_space<semaphore_mem>>)
    %dma_wait3A_247 = arith.constant 4 : i32
    %dma_wait3A_248 = arith.constant 0 : i32
    %dma_wait3A_249 = arith.constant 0 : i32
    %dma_wait3A_250 = tpu.memref_slice %arg6[%dma_wait3A_247, %dma_wait3A_248, %add3A, %dma_wait3A_249] : memref<32x192x32x128xf32, #tpu.memory_space<hbm>> -> memref<1x192x1x128xf32, #tpu.memory_space<hbm>>
    %dma_wait3A_251 = tpu.memref_squeeze %dma_wait3A_250 : memref<1x192x1x128xf32, #tpu.memory_space<hbm>> -> memref<192x128xf32, #tpu.memory_space<hbm>>
    %dma_wait3A_252 = arith.constant 0 : i32
    %dma_wait3A_253 = arith.constant 0 : i32
    %dma_wait3A_254 = tpu.memref_slice %arg6[%dma_wait3A_247, %dma_wait3A_252, %add3A, %dma_wait3A_253] : memref<32x192x32x128xf32, #tpu.memory_space<hbm>> -> memref<1x192x1x128xf32, #tpu.memory_space<hbm>>
    %dma_wait3A_255 = tpu.memref_squeeze %dma_wait3A_254 : memref<1x192x1x128xf32, #tpu.memory_space<hbm>> -> memref<192x128xf32, #tpu.memory_space<hbm>>
    tpu.wait_dma2 semaphore(%arg16 : memref<!tpu.dma_semaphore, #tpu.memory_space<semaphore_mem>>) src(%arg14 : memref<192x128xf32, #tpu.memory_space<vmem>>) dst(%dma_wait3A_255 : memref<192x128xf32, #tpu.memory_space<hbm>>)
    %while3A_256 = arith.constant 0 : i32
    %while3A_257 = arith.constant 0 : i32
    %while3A_258 = arith.subi %shift_right_arithmetic3A_29, %while3A_257 : i32
    %while3A_259 = arith.addi %while3A_257, %while3A_258 : i32
    %while3A_260 = arith.constant 1 : i32
    %while3A_261 = arith.divsi %while3A_258, %while3A_260 : i32
    %while3A_262 = arith.muli %while3A_261, %while3A_260 : i32
    %while3A_263 = arith.addi %while3A_257, %while3A_262 : i32
    %while3A_264 = arith.constant 1 : i32
    scf.for %while3A_1253 = %while3A_257 to %while3A_263 step %while3A_264  : i32 {
      %mul3A_1254 = arith.constant 16 : i32
      %mul3A_1255 = arith.muli %while3A_1253, %mul3A_1254 : i32
      %get3A = arith.index_cast %mul3A_1255 : i32 to index
      %get3A_1256 = tpu.vector_load %arg11[%get3A] {strides = array<i32>} : memref<8224xi32, #tpu.memory_space<vmem>>, vector<16xi32>,
      %shift_right_logical3A = arith.constant 7 : i32
      %shift_right_logical3A_1257 = vector.broadcast %shift_right_logical3A : i32 to vector<16xi32>
      %shift_right_logical3A_1258 = arith.shrui %get3A_1256, %shift_right_logical3A_1257 : vector<16xi32>
      %and3A = arith.constant 127 : i32
      %and3A_1259 = vector.broadcast %and3A : i32 to vector<16xi32>
      %and3A_1260 = arith.andi %get3A_1256, %and3A_1259 : vector<16xi32>
      tpu.vector_store_idx %arg14[%shift_right_logical3A_1258, %and3A_1260], %broadcast_in_dim3A_1 : memref<192x128xf32, #tpu.memory_space<vmem>>[vector<16xi32>, vector<16xi32>], vector<16xf32>,
    }
    %while3A_265 = arith.constant 1 : i32
    scf.for %while3A_1253 = %while3A_263 to %while3A_259 step %while3A_265  : i32 {
      %mul3A_1254 = arith.constant 16 : i32
      %mul3A_1255 = arith.muli %while3A_1253, %mul3A_1254 : i32
      %get3A = arith.index_cast %mul3A_1255 : i32 to index
      %get3A_1256 = tpu.vector_load %arg11[%get3A] {strides = array<i32>} : memref<8224xi32, #tpu.memory_space<vmem>>, vector<16xi32>,
      %shift_right_logical3A = arith.constant 7 : i32
      %shift_right_logical3A_1257 = vector.broadcast %shift_right_logical3A : i32 to vector<16xi32>
      %shift_right_logical3A_1258 = arith.shrui %get3A_1256, %shift_right_logical3A_1257 : vector<16xi32>
      %and3A = arith.constant 127 : i32
      %and3A_1259 = vector.broadcast %and3A : i32 to vector<16xi32>
      %and3A_1260 = arith.andi %get3A_1256, %and3A_1259 : vector<16xi32>
      tpu.vector_store_idx %arg14[%shift_right_logical3A_1258, %and3A_1260], %broadcast_in_dim3A_1 : memref<192x128xf32, #tpu.memory_space<vmem>>[vector<16xi32>, vector<16xi32>], vector<16xf32>,
    }
    %while3A_266 = arith.constant 0 : i32
    %while3A_267 = arith.constant 0 : i32
    %while3A_268 = arith.subi %shift_right_arithmetic3A_29, %while3A_267 : i32
    %while3A_269 = arith.addi %while3A_267, %while3A_268 : i32
    %while3A_270 = arith.constant 1 : i32
    %while3A_271 = arith.divsi %while3A_268, %while3A_270 : i32
    %while3A_272 = arith.muli %while3A_271, %while3A_270 : i32
    %while3A_273 = arith.addi %while3A_267, %while3A_272 : i32
    %while3A_274 = arith.constant 1 : i32
    scf.for %while3A_1253 = %while3A_267 to %while3A_273 step %while3A_274  : i32 {
      %mul3A_1254 = arith.constant 16 : i32
      %mul3A_1255 = arith.muli %while3A_1253, %mul3A_1254 : i32
      %get3A = arith.index_cast %mul3A_1255 : i32 to index
      %get3A_1256 = tpu.vector_load %arg11[%get3A] {strides = array<i32>} : memref<8224xi32, #tpu.memory_space<vmem>>, vector<16xi32>,
      %shift_right_logical3A = arith.constant 7 : i32
      %shift_right_logical3A_1257 = vector.broadcast %shift_right_logical3A : i32 to vector<16xi32>
      %shift_right_logical3A_1258 = arith.shrui %get3A_1256, %shift_right_logical3A_1257 : vector<16xi32>
      %and3A = arith.constant 127 : i32
      %and3A_1259 = vector.broadcast %and3A : i32 to vector<16xi32>
      %and3A_1260 = arith.andi %get3A_1256, %and3A_1259 : vector<16xi32>
      %mul3A_1261 = arith.constant 16 : i32
      %mul3A_1262 = arith.muli %while3A_1253, %mul3A_1261 : i32
      %get3A_1263 = arith.index_cast %mul3A_1262 : i32 to index
      %get3A_1264 = tpu.vector_load %arg12[%get3A_1263] {strides = array<i32>} : memref<8224xi32, #tpu.memory_space<vmem>>, vector<16xi32>,
      %add3A_1265 = arith.constant 3072 : i32
      %add3A_1266 = vector.broadcast %add3A_1265 : i32 to vector<16xi32>
      %add3A_1267 = arith.addi %get3A_1264, %add3A_1266 : vector<16xi32>
      %gather3A = tpu.vector_load_idx %arg7[%add3A_1267] : memref<16384xf32, #tpu.memory_space<vmem>>[vector<16xi32>], vector<16xf32>,
      %mul3A_1268 = arith.constant 16 : i32
      %mul3A_1269 = arith.muli %while3A_1253, %mul3A_1268 : i32
      %get3A_1270 = arith.index_cast %mul3A_1269 : i32 to index
      %get3A_1271 = tpu.vector_load %arg13[%get3A_1270] {strides = array<i32>} : memref<8224xf32, #tpu.memory_space<vmem>>, vector<16xf32>,
      %mul3A_1272 = arith.mulf %gather3A, %get3A_1271 : vector<16xf32>
      tpu.vector_store_idx %arg14[%shift_right_logical3A_1258, %and3A_1260], %mul3A_1272 {add = true} : memref<192x128xf32, #tpu.memory_space<vmem>>[vector<16xi32>, vector<16xi32>], vector<16xf32>,
    }
    %while3A_275 = arith.constant 1 : i32
    scf.for %while3A_1253 = %while3A_273 to %while3A_269 step %while3A_275  : i32 {
      %mul3A_1254 = arith.constant 16 : i32
      %mul3A_1255 = arith.muli %while3A_1253, %mul3A_1254 : i32
      %get3A = arith.index_cast %mul3A_1255 : i32 to index
      %get3A_1256 = tpu.vector_load %arg11[%get3A] {strides = array<i32>} : memref<8224xi32, #tpu.memory_space<vmem>>, vector<16xi32>,
      %shift_right_logical3A = arith.constant 7 : i32
      %shift_right_logical3A_1257 = vector.broadcast %shift_right_logical3A : i32 to vector<16xi32>
      %shift_right_logical3A_1258 = arith.shrui %get3A_1256, %shift_right_logical3A_1257 : vector<16xi32>
      %and3A = arith.constant 127 : i32
      %and3A_1259 = vector.broadcast %and3A : i32 to vector<16xi32>
      %and3A_1260 = arith.andi %get3A_1256, %and3A_1259 : vector<16xi32>
      %mul3A_1261 = arith.constant 16 : i32
      %mul3A_1262 = arith.muli %while3A_1253, %mul3A_1261 : i32
      %get3A_1263 = arith.index_cast %mul3A_1262 : i32 to index
      %get3A_1264 = tpu.vector_load %arg12[%get3A_1263] {strides = array<i32>} : memref<8224xi32, #tpu.memory_space<vmem>>, vector<16xi32>,
      %add3A_1265 = arith.constant 3072 : i32
      %add3A_1266 = vector.broadcast %add3A_1265 : i32 to vector<16xi32>
      %add3A_1267 = arith.addi %get3A_1264, %add3A_1266 : vector<16xi32>
      %gather3A = tpu.vector_load_idx %arg7[%add3A_1267] : memref<16384xf32, #tpu.memory_space<vmem>>[vector<16xi32>], vector<16xf32>,
      %mul3A_1268 = arith.constant 16 : i32
      %mul3A_1269 = arith.muli %while3A_1253, %mul3A_1268 : i32
      %get3A_1270 = arith.index_cast %mul3A_1269 : i32 to index
      %get3A_1271 = tpu.vector_load %arg13[%get3A_1270] {strides = array<i32>} : memref<8224xf32, #tpu.memory_space<vmem>>, vector<16xf32>,
      %mul3A_1272 = arith.mulf %gather3A, %get3A_1271 : vector<16xf32>
      tpu.vector_store_idx %arg14[%shift_right_logical3A_1258, %and3A_1260], %mul3A_1272 {add = true} : memref<192x128xf32, #tpu.memory_space<vmem>>[vector<16xi32>, vector<16xi32>], vector<16xf32>,
    }
    %dma_start3A_276 = arith.constant 6 : i32
    %dma_start3A_277 = arith.constant 0 : i32
    %dma_start3A_278 = arith.constant 0 : i32
    %dma_start3A_279 = tpu.memref_slice %arg6[%dma_start3A_276, %dma_start3A_277, %add3A, %dma_start3A_278] : memref<32x192x32x128xf32, #tpu.memory_space<hbm>> -> memref<1x192x1x128xf32, #tpu.memory_space<hbm>>
    %dma_start3A_280 = tpu.memref_squeeze %dma_start3A_279 : memref<1x192x1x128xf32, #tpu.memory_space<hbm>> -> memref<192x128xf32, #tpu.memory_space<hbm>>
    %dma_start3A_281 = arith.constant 0 : i32
    %dma_start3A_282 = arith.constant 0 : i32
    %dma_start3A_283 = tpu.memref_slice %arg6[%dma_start3A_276, %dma_start3A_281, %add3A, %dma_start3A_282] : memref<32x192x32x128xf32, #tpu.memory_space<hbm>> -> memref<1x192x1x128xf32, #tpu.memory_space<hbm>>
    %dma_start3A_284 = tpu.memref_squeeze %dma_start3A_283 : memref<1x192x1x128xf32, #tpu.memory_space<hbm>> -> memref<192x128xf32, #tpu.memory_space<hbm>>
    tpu.enqueue_dma source(%arg14 : memref<192x128xf32, #tpu.memory_space<vmem>>) target(%dma_start3A_284 : memref<192x128xf32, #tpu.memory_space<hbm>>) target_semaphore(%arg16 : memref<!tpu.dma_semaphore, #tpu.memory_space<semaphore_mem>>)
    %dma_wait3A_285 = arith.constant 5 : i32
    %dma_wait3A_286 = arith.constant 0 : i32
    %dma_wait3A_287 = arith.constant 0 : i32
    %dma_wait3A_288 = tpu.memref_slice %arg6[%dma_wait3A_285, %dma_wait3A_286, %add3A, %dma_wait3A_287] : memref<32x192x32x128xf32, #tpu.memory_space<hbm>> -> memref<1x192x1x128xf32, #tpu.memory_space<hbm>>
    %dma_wait3A_289 = tpu.memref_squeeze %dma_wait3A_288 : memref<1x192x1x128xf32, #tpu.memory_space<hbm>> -> memref<192x128xf32, #tpu.memory_space<hbm>>
    %dma_wait3A_290 = arith.constant 0 : i32
    %dma_wait3A_291 = arith.constant 0 : i32
    %dma_wait3A_292 = tpu.memref_slice %arg6[%dma_wait3A_285, %dma_wait3A_290, %add3A, %dma_wait3A_291] : memref<32x192x32x128xf32, #tpu.memory_space<hbm>> -> memref<1x192x1x128xf32, #tpu.memory_space<hbm>>
    %dma_wait3A_293 = tpu.memref_squeeze %dma_wait3A_292 : memref<1x192x1x128xf32, #tpu.memory_space<hbm>> -> memref<192x128xf32, #tpu.memory_space<hbm>>
    tpu.wait_dma2 semaphore(%arg17 : memref<!tpu.dma_semaphore, #tpu.memory_space<semaphore_mem>>) src(%arg15 : memref<192x128xf32, #tpu.memory_space<vmem>>) dst(%dma_wait3A_293 : memref<192x128xf32, #tpu.memory_space<hbm>>)
    %while3A_294 = arith.constant 0 : i32
    %while3A_295 = arith.constant 0 : i32
    %while3A_296 = arith.subi %shift_right_arithmetic3A_29, %while3A_295 : i32
    %while3A_297 = arith.addi %while3A_295, %while3A_296 : i32
    %while3A_298 = arith.constant 1 : i32
    %while3A_299 = arith.divsi %while3A_296, %while3A_298 : i32
    %while3A_300 = arith.muli %while3A_299, %while3A_298 : i32
    %while3A_301 = arith.addi %while3A_295, %while3A_300 : i32
    %while3A_302 = arith.constant 1 : i32
    scf.for %while3A_1253 = %while3A_295 to %while3A_301 step %while3A_302  : i32 {
      %mul3A_1254 = arith.constant 16 : i32
      %mul3A_1255 = arith.muli %while3A_1253, %mul3A_1254 : i32
      %get3A = arith.index_cast %mul3A_1255 : i32 to index
      %get3A_1256 = tpu.vector_load %arg11[%get3A] {strides = array<i32>} : memref<8224xi32, #tpu.memory_space<vmem>>, vector<16xi32>,
      %shift_right_logical3A = arith.constant 7 : i32
      %shift_right_logical3A_1257 = vector.broadcast %shift_right_logical3A : i32 to vector<16xi32>
      %shift_right_logical3A_1258 = arith.shrui %get3A_1256, %shift_right_logical3A_1257 : vector<16xi32>
      %and3A = arith.constant 127 : i32
      %and3A_1259 = vector.broadcast %and3A : i32 to vector<16xi32>
      %and3A_1260 = arith.andi %get3A_1256, %and3A_1259 : vector<16xi32>
      tpu.vector_store_idx %arg15[%shift_right_logical3A_1258, %and3A_1260], %broadcast_in_dim3A_1 : memref<192x128xf32, #tpu.memory_space<vmem>>[vector<16xi32>, vector<16xi32>], vector<16xf32>,
    }
    %while3A_303 = arith.constant 1 : i32
    scf.for %while3A_1253 = %while3A_301 to %while3A_297 step %while3A_303  : i32 {
      %mul3A_1254 = arith.constant 16 : i32
      %mul3A_1255 = arith.muli %while3A_1253, %mul3A_1254 : i32
      %get3A = arith.index_cast %mul3A_1255 : i32 to index
      %get3A_1256 = tpu.vector_load %arg11[%get3A] {strides = array<i32>} : memref<8224xi32, #tpu.memory_space<vmem>>, vector<16xi32>,
      %shift_right_logical3A = arith.constant 7 : i32
      %shift_right_logical3A_1257 = vector.broadcast %shift_right_logical3A : i32 to vector<16xi32>
      %shift_right_logical3A_1258 = arith.shrui %get3A_1256, %shift_right_logical3A_1257 : vector<16xi32>
      %and3A = arith.constant 127 : i32
      %and3A_1259 = vector.broadcast %and3A : i32 to vector<16xi32>
      %and3A_1260 = arith.andi %get3A_1256, %and3A_1259 : vector<16xi32>
      tpu.vector_store_idx %arg15[%shift_right_logical3A_1258, %and3A_1260], %broadcast_in_dim3A_1 : memref<192x128xf32, #tpu.memory_space<vmem>>[vector<16xi32>, vector<16xi32>], vector<16xf32>,
    }
    %while3A_304 = arith.constant 0 : i32
    %while3A_305 = arith.constant 0 : i32
    %while3A_306 = arith.subi %shift_right_arithmetic3A_29, %while3A_305 : i32
    %while3A_307 = arith.addi %while3A_305, %while3A_306 : i32
    %while3A_308 = arith.constant 1 : i32
    %while3A_309 = arith.divsi %while3A_306, %while3A_308 : i32
    %while3A_310 = arith.muli %while3A_309, %while3A_308 : i32
    %while3A_311 = arith.addi %while3A_305, %while3A_310 : i32
    %while3A_312 = arith.constant 1 : i32
    scf.for %while3A_1253 = %while3A_305 to %while3A_311 step %while3A_312  : i32 {
      %mul3A_1254 = arith.constant 16 : i32
      %mul3A_1255 = arith.muli %while3A_1253, %mul3A_1254 : i32
      %get3A = arith.index_cast %mul3A_1255 : i32 to index
      %get3A_1256 = tpu.vector_load %arg11[%get3A] {strides = array<i32>} : memref<8224xi32, #tpu.memory_space<vmem>>, vector<16xi32>,
      %shift_right_logical3A = arith.constant 7 : i32
      %shift_right_logical3A_1257 = vector.broadcast %shift_right_logical3A : i32 to vector<16xi32>
      %shift_right_logical3A_1258 = arith.shrui %get3A_1256, %shift_right_logical3A_1257 : vector<16xi32>
      %and3A = arith.constant 127 : i32
      %and3A_1259 = vector.broadcast %and3A : i32 to vector<16xi32>
      %and3A_1260 = arith.andi %get3A_1256, %and3A_1259 : vector<16xi32>
      %mul3A_1261 = arith.constant 16 : i32
      %mul3A_1262 = arith.muli %while3A_1253, %mul3A_1261 : i32
      %get3A_1263 = arith.index_cast %mul3A_1262 : i32 to index
      %get3A_1264 = tpu.vector_load %arg12[%get3A_1263] {strides = array<i32>} : memref<8224xi32, #tpu.memory_space<vmem>>, vector<16xi32>,
      %add3A_1265 = arith.constant 3584 : i32
      %add3A_1266 = vector.broadcast %add3A_1265 : i32 to vector<16xi32>
      %add3A_1267 = arith.addi %get3A_1264, %add3A_1266 : vector<16xi32>
      %gather3A = tpu.vector_load_idx %arg7[%add3A_1267] : memref<16384xf32, #tpu.memory_space<vmem>>[vector<16xi32>], vector<16xf32>,
      %mul3A_1268 = arith.constant 16 : i32
      %mul3A_1269 = arith.muli %while3A_1253, %mul3A_1268 : i32
      %get3A_1270 = arith.index_cast %mul3A_1269 : i32 to index
      %get3A_1271 = tpu.vector_load %arg13[%get3A_1270] {strides = array<i32>} : memref<8224xf32, #tpu.memory_space<vmem>>, vector<16xf32>,
      %mul3A_1272 = arith.mulf %gather3A, %get3A_1271 : vector<16xf32>
      tpu.vector_store_idx %arg15[%shift_right_logical3A_1258, %and3A_1260], %mul3A_1272 {add = true} : memref<192x128xf32, #tpu.memory_space<vmem>>[vector<16xi32>, vector<16xi32>], vector<16xf32>,
    }
    %while3A_313 = arith.constant 1 : i32
    scf.for %while3A_1253 = %while3A_311 to %while3A_307 step %while3A_313  : i32 {
      %mul3A_1254 = arith.constant 16 : i32
      %mul3A_1255 = arith.muli %while3A_1253, %mul3A_1254 : i32
      %get3A = arith.index_cast %mul3A_1255 : i32 to index
      %get3A_1256 = tpu.vector_load %arg11[%get3A] {strides = array<i32>} : memref<8224xi32, #tpu.memory_space<vmem>>, vector<16xi32>,
      %shift_right_logical3A = arith.constant 7 : i32
      %shift_right_logical3A_1257 = vector.broadcast %shift_right_logical3A : i32 to vector<16xi32>
      %shift_right_logical3A_1258 = arith.shrui %get3A_1256, %shift_right_logical3A_1257 : vector<16xi32>
      %and3A = arith.constant 127 : i32
      %and3A_1259 = vector.broadcast %and3A : i32 to vector<16xi32>
      %and3A_1260 = arith.andi %get3A_1256, %and3A_1259 : vector<16xi32>
      %mul3A_1261 = arith.constant 16 : i32
      %mul3A_1262 = arith.muli %while3A_1253, %mul3A_1261 : i32
      %get3A_1263 = arith.index_cast %mul3A_1262 : i32 to index
      %get3A_1264 = tpu.vector_load %arg12[%get3A_1263] {strides = array<i32>} : memref<8224xi32, #tpu.memory_space<vmem>>, vector<16xi32>,
      %add3A_1265 = arith.constant 3584 : i32
      %add3A_1266 = vector.broadcast %add3A_1265 : i32 to vector<16xi32>
      %add3A_1267 = arith.addi %get3A_1264, %add3A_1266 : vector<16xi32>
      %gather3A = tpu.vector_load_idx %arg7[%add3A_1267] : memref<16384xf32, #tpu.memory_space<vmem>>[vector<16xi32>], vector<16xf32>,
      %mul3A_1268 = arith.constant 16 : i32
      %mul3A_1269 = arith.muli %while3A_1253, %mul3A_1268 : i32
      %get3A_1270 = arith.index_cast %mul3A_1269 : i32 to index
      %get3A_1271 = tpu.vector_load %arg13[%get3A_1270] {strides = array<i32>} : memref<8224xf32, #tpu.memory_space<vmem>>, vector<16xf32>,
      %mul3A_1272 = arith.mulf %gather3A, %get3A_1271 : vector<16xf32>
      tpu.vector_store_idx %arg15[%shift_right_logical3A_1258, %and3A_1260], %mul3A_1272 {add = true} : memref<192x128xf32, #tpu.memory_space<vmem>>[vector<16xi32>, vector<16xi32>], vector<16xf32>,
    }
    %dma_start3A_314 = arith.constant 7 : i32
    %dma_start3A_315 = arith.constant 0 : i32
    %dma_start3A_316 = arith.constant 0 : i32
    %dma_start3A_317 = tpu.memref_slice %arg6[%dma_start3A_314, %dma_start3A_315, %add3A, %dma_start3A_316] : memref<32x192x32x128xf32, #tpu.memory_space<hbm>> -> memref<1x192x1x128xf32, #tpu.memory_space<hbm>>
    %dma_start3A_318 = tpu.memref_squeeze %dma_start3A_317 : memref<1x192x1x128xf32, #tpu.memory_space<hbm>> -> memref<192x128xf32, #tpu.memory_space<hbm>>
    %dma_start3A_319 = arith.constant 0 : i32
    %dma_start3A_320 = arith.constant 0 : i32
    %dma_start3A_321 = tpu.memref_slice %arg6[%dma_start3A_314, %dma_start3A_319, %add3A, %dma_start3A_320] : memref<32x192x32x128xf32, #tpu.memory_space<hbm>> -> memref<1x192x1x128xf32, #tpu.memory_space<hbm>>
    %dma_start3A_322 = tpu.memref_squeeze %dma_start3A_321 : memref<1x192x1x128xf32, #tpu.memory_space<hbm>> -> memref<192x128xf32, #tpu.memory_space<hbm>>
    tpu.enqueue_dma source(%arg15 : memref<192x128xf32, #tpu.memory_space<vmem>>) target(%dma_start3A_322 : memref<192x128xf32, #tpu.memory_space<hbm>>) target_semaphore(%arg17 : memref<!tpu.dma_semaphore, #tpu.memory_space<semaphore_mem>>)
    %dma_wait3A_323 = arith.constant 6 : i32
    %dma_wait3A_324 = arith.constant 0 : i32
    %dma_wait3A_325 = arith.constant 0 : i32
    %dma_wait3A_326 = tpu.memref_slice %arg6[%dma_wait3A_323, %dma_wait3A_324, %add3A, %dma_wait3A_325] : memref<32x192x32x128xf32, #tpu.memory_space<hbm>> -> memref<1x192x1x128xf32, #tpu.memory_space<hbm>>
    %dma_wait3A_327 = tpu.memref_squeeze %dma_wait3A_326 : memref<1x192x1x128xf32, #tpu.memory_space<hbm>> -> memref<192x128xf32, #tpu.memory_space<hbm>>
    %dma_wait3A_328 = arith.constant 0 : i32
    %dma_wait3A_329 = arith.constant 0 : i32
    %dma_wait3A_330 = tpu.memref_slice %arg6[%dma_wait3A_323, %dma_wait3A_328, %add3A, %dma_wait3A_329] : memref<32x192x32x128xf32, #tpu.memory_space<hbm>> -> memref<1x192x1x128xf32, #tpu.memory_space<hbm>>
    %dma_wait3A_331 = tpu.memref_squeeze %dma_wait3A_330 : memref<1x192x1x128xf32, #tpu.memory_space<hbm>> -> memref<192x128xf32, #tpu.memory_space<hbm>>
    tpu.wait_dma2 semaphore(%arg16 : memref<!tpu.dma_semaphore, #tpu.memory_space<semaphore_mem>>) src(%arg14 : memref<192x128xf32, #tpu.memory_space<vmem>>) dst(%dma_wait3A_331 : memref<192x128xf32, #tpu.memory_space<hbm>>)
    %while3A_332 = arith.constant 0 : i32
    %while3A_333 = arith.constant 0 : i32
    %while3A_334 = arith.subi %shift_right_arithmetic3A_29, %while3A_333 : i32
    %while3A_335 = arith.addi %while3A_333, %while3A_334 : i32
    %while3A_336 = arith.constant 1 : i32
    %while3A_337 = arith.divsi %while3A_334, %while3A_336 : i32
    %while3A_338 = arith.muli %while3A_337, %while3A_336 : i32
    %while3A_339 = arith.addi %while3A_333, %while3A_338 : i32
    %while3A_340 = arith.constant 1 : i32
    scf.for %while3A_1253 = %while3A_333 to %while3A_339 step %while3A_340  : i32 {
      %mul3A_1254 = arith.constant 16 : i32
      %mul3A_1255 = arith.muli %while3A_1253, %mul3A_1254 : i32
      %get3A = arith.index_cast %mul3A_1255 : i32 to index
      %get3A_1256 = tpu.vector_load %arg11[%get3A] {strides = array<i32>} : memref<8224xi32, #tpu.memory_space<vmem>>, vector<16xi32>,
      %shift_right_logical3A = arith.constant 7 : i32
      %shift_right_logical3A_1257 = vector.broadcast %shift_right_logical3A : i32 to vector<16xi32>
      %shift_right_logical3A_1258 = arith.shrui %get3A_1256, %shift_right_logical3A_1257 : vector<16xi32>
      %and3A = arith.constant 127 : i32
      %and3A_1259 = vector.broadcast %and3A : i32 to vector<16xi32>
      %and3A_1260 = arith.andi %get3A_1256, %and3A_1259 : vector<16xi32>
      tpu.vector_store_idx %arg14[%shift_right_logical3A_1258, %and3A_1260], %broadcast_in_dim3A_1 : memref<192x128xf32, #tpu.memory_space<vmem>>[vector<16xi32>, vector<16xi32>], vector<16xf32>,
    }
    %while3A_341 = arith.constant 1 : i32
    scf.for %while3A_1253 = %while3A_339 to %while3A_335 step %while3A_341  : i32 {
      %mul3A_1254 = arith.constant 16 : i32
      %mul3A_1255 = arith.muli %while3A_1253, %mul3A_1254 : i32
      %get3A = arith.index_cast %mul3A_1255 : i32 to index
      %get3A_1256 = tpu.vector_load %arg11[%get3A] {strides = array<i32>} : memref<8224xi32, #tpu.memory_space<vmem>>, vector<16xi32>,
      %shift_right_logical3A = arith.constant 7 : i32
      %shift_right_logical3A_1257 = vector.broadcast %shift_right_logical3A : i32 to vector<16xi32>
      %shift_right_logical3A_1258 = arith.shrui %get3A_1256, %shift_right_logical3A_1257 : vector<16xi32>
      %and3A = arith.constant 127 : i32
      %and3A_1259 = vector.broadcast %and3A : i32 to vector<16xi32>
      %and3A_1260 = arith.andi %get3A_1256, %and3A_1259 : vector<16xi32>
      tpu.vector_store_idx %arg14[%shift_right_logical3A_1258, %and3A_1260], %broadcast_in_dim3A_1 : memref<192x128xf32, #tpu.memory_space<vmem>>[vector<16xi32>, vector<16xi32>], vector<16xf32>,
    }
    %while3A_342 = arith.constant 0 : i32
    %while3A_343 = arith.constant 0 : i32
    %while3A_344 = arith.subi %shift_right_arithmetic3A_29, %while3A_343 : i32
    %while3A_345 = arith.addi %while3A_343, %while3A_344 : i32
    %while3A_346 = arith.constant 1 : i32
    %while3A_347 = arith.divsi %while3A_344, %while3A_346 : i32
    %while3A_348 = arith.muli %while3A_347, %while3A_346 : i32
    %while3A_349 = arith.addi %while3A_343, %while3A_348 : i32
    %while3A_350 = arith.constant 1 : i32
    scf.for %while3A_1253 = %while3A_343 to %while3A_349 step %while3A_350  : i32 {
      %mul3A_1254 = arith.constant 16 : i32
      %mul3A_1255 = arith.muli %while3A_1253, %mul3A_1254 : i32
      %get3A = arith.index_cast %mul3A_1255 : i32 to index
      %get3A_1256 = tpu.vector_load %arg11[%get3A] {strides = array<i32>} : memref<8224xi32, #tpu.memory_space<vmem>>, vector<16xi32>,
      %shift_right_logical3A = arith.constant 7 : i32
      %shift_right_logical3A_1257 = vector.broadcast %shift_right_logical3A : i32 to vector<16xi32>
      %shift_right_logical3A_1258 = arith.shrui %get3A_1256, %shift_right_logical3A_1257 : vector<16xi32>
      %and3A = arith.constant 127 : i32
      %and3A_1259 = vector.broadcast %and3A : i32 to vector<16xi32>
      %and3A_1260 = arith.andi %get3A_1256, %and3A_1259 : vector<16xi32>
      %mul3A_1261 = arith.constant 16 : i32
      %mul3A_1262 = arith.muli %while3A_1253, %mul3A_1261 : i32
      %get3A_1263 = arith.index_cast %mul3A_1262 : i32 to index
      %get3A_1264 = tpu.vector_load %arg12[%get3A_1263] {strides = array<i32>} : memref<8224xi32, #tpu.memory_space<vmem>>, vector<16xi32>,
      %add3A_1265 = arith.constant 4096 : i32
      %add3A_1266 = vector.broadcast %add3A_1265 : i32 to vector<16xi32>
      %add3A_1267 = arith.addi %get3A_1264, %add3A_1266 : vector<16xi32>
      %gather3A = tpu.vector_load_idx %arg7[%add3A_1267] : memref<16384xf32, #tpu.memory_space<vmem>>[vector<16xi32>], vector<16xf32>,
      %mul3A_1268 = arith.constant 16 : i32
      %mul3A_1269 = arith.muli %while3A_1253, %mul3A_1268 : i32
      %get3A_1270 = arith.index_cast %mul3A_1269 : i32 to index
      %get3A_1271 = tpu.vector_load %arg13[%get3A_1270] {strides = array<i32>} : memref<8224xf32, #tpu.memory_space<vmem>>, vector<16xf32>,
      %mul3A_1272 = arith.mulf %gather3A, %get3A_1271 : vector<16xf32>
      tpu.vector_store_idx %arg14[%shift_right_logical3A_1258, %and3A_1260], %mul3A_1272 {add = true} : memref<192x128xf32, #tpu.memory_space<vmem>>[vector<16xi32>, vector<16xi32>], vector<16xf32>,
    }
    %while3A_351 = arith.constant 1 : i32
    scf.for %while3A_1253 = %while3A_349 to %while3A_345 step %while3A_351  : i32 {
      %mul3A_1254 = arith.constant 16 : i32
      %mul3A_1255 = arith.muli %while3A_1253, %mul3A_1254 : i32
      %get3A = arith.index_cast %mul3A_1255 : i32 to index
      %get3A_1256 = tpu.vector_load %arg11[%get3A] {strides = array<i32>} : memref<8224xi32, #tpu.memory_space<vmem>>, vector<16xi32>,
      %shift_right_logical3A = arith.constant 7 : i32
      %shift_right_logical3A_1257 = vector.broadcast %shift_right_logical3A : i32 to vector<16xi32>
      %shift_right_logical3A_1258 = arith.shrui %get3A_1256, %shift_right_logical3A_1257 : vector<16xi32>
      %and3A = arith.constant 127 : i32
      %and3A_1259 = vector.broadcast %and3A : i32 to vector<16xi32>
      %and3A_1260 = arith.andi %get3A_1256, %and3A_1259 : vector<16xi32>
      %mul3A_1261 = arith.constant 16 : i32
      %mul3A_1262 = arith.muli %while3A_1253, %mul3A_1261 : i32
      %get3A_1263 = arith.index_cast %mul3A_1262 : i32 to index
      %get3A_1264 = tpu.vector_load %arg12[%get3A_1263] {strides = array<i32>} : memref<8224xi32, #tpu.memory_space<vmem>>, vector<16xi32>,
      %add3A_1265 = arith.constant 4096 : i32
      %add3A_1266 = vector.broadcast %add3A_1265 : i32 to vector<16xi32>
      %add3A_1267 = arith.addi %get3A_1264, %add3A_1266 : vector<16xi32>
      %gather3A = tpu.vector_load_idx %arg7[%add3A_1267] : memref<16384xf32, #tpu.memory_space<vmem>>[vector<16xi32>], vector<16xf32>,
      %mul3A_1268 = arith.constant 16 : i32
      %mul3A_1269 = arith.muli %while3A_1253, %mul3A_1268 : i32
      %get3A_1270 = arith.index_cast %mul3A_1269 : i32 to index
      %get3A_1271 = tpu.vector_load %arg13[%get3A_1270] {strides = array<i32>} : memref<8224xf32, #tpu.memory_space<vmem>>, vector<16xf32>,
      %mul3A_1272 = arith.mulf %gather3A, %get3A_1271 : vector<16xf32>
      tpu.vector_store_idx %arg14[%shift_right_logical3A_1258, %and3A_1260], %mul3A_1272 {add = true} : memref<192x128xf32, #tpu.memory_space<vmem>>[vector<16xi32>, vector<16xi32>], vector<16xf32>,
    }
    %dma_start3A_352 = arith.constant 8 : i32
    %dma_start3A_353 = arith.constant 0 : i32
    %dma_start3A_354 = arith.constant 0 : i32
    %dma_start3A_355 = tpu.memref_slice %arg6[%dma_start3A_352, %dma_start3A_353, %add3A, %dma_start3A_354] : memref<32x192x32x128xf32, #tpu.memory_space<hbm>> -> memref<1x192x1x128xf32, #tpu.memory_space<hbm>>
    %dma_start3A_356 = tpu.memref_squeeze %dma_start3A_355 : memref<1x192x1x128xf32, #tpu.memory_space<hbm>> -> memref<192x128xf32, #tpu.memory_space<hbm>>
    %dma_start3A_357 = arith.constant 0 : i32
    %dma_start3A_358 = arith.constant 0 : i32
    %dma_start3A_359 = tpu.memref_slice %arg6[%dma_start3A_352, %dma_start3A_357, %add3A, %dma_start3A_358] : memref<32x192x32x128xf32, #tpu.memory_space<hbm>> -> memref<1x192x1x128xf32, #tpu.memory_space<hbm>>
    %dma_start3A_360 = tpu.memref_squeeze %dma_start3A_359 : memref<1x192x1x128xf32, #tpu.memory_space<hbm>> -> memref<192x128xf32, #tpu.memory_space<hbm>>
    tpu.enqueue_dma source(%arg14 : memref<192x128xf32, #tpu.memory_space<vmem>>) target(%dma_start3A_360 : memref<192x128xf32, #tpu.memory_space<hbm>>) target_semaphore(%arg16 : memref<!tpu.dma_semaphore, #tpu.memory_space<semaphore_mem>>)
    %dma_wait3A_361 = arith.constant 7 : i32
    %dma_wait3A_362 = arith.constant 0 : i32
    %dma_wait3A_363 = arith.constant 0 : i32
    %dma_wait3A_364 = tpu.memref_slice %arg6[%dma_wait3A_361, %dma_wait3A_362, %add3A, %dma_wait3A_363] : memref<32x192x32x128xf32, #tpu.memory_space<hbm>> -> memref<1x192x1x128xf32, #tpu.memory_space<hbm>>
    %dma_wait3A_365 = tpu.memref_squeeze %dma_wait3A_364 : memref<1x192x1x128xf32, #tpu.memory_space<hbm>> -> memref<192x128xf32, #tpu.memory_space<hbm>>
    %dma_wait3A_366 = arith.constant 0 : i32
    %dma_wait3A_367 = arith.constant 0 : i32
    %dma_wait3A_368 = tpu.memref_slice %arg6[%dma_wait3A_361, %dma_wait3A_366, %add3A, %dma_wait3A_367] : memref<32x192x32x128xf32, #tpu.memory_space<hbm>> -> memref<1x192x1x128xf32, #tpu.memory_space<hbm>>
    %dma_wait3A_369 = tpu.memref_squeeze %dma_wait3A_368 : memref<1x192x1x128xf32, #tpu.memory_space<hbm>> -> memref<192x128xf32, #tpu.memory_space<hbm>>
    tpu.wait_dma2 semaphore(%arg17 : memref<!tpu.dma_semaphore, #tpu.memory_space<semaphore_mem>>) src(%arg15 : memref<192x128xf32, #tpu.memory_space<vmem>>) dst(%dma_wait3A_369 : memref<192x128xf32, #tpu.memory_space<hbm>>)
    %while3A_370 = arith.constant 0 : i32
    %while3A_371 = arith.constant 0 : i32
    %while3A_372 = arith.subi %shift_right_arithmetic3A_29, %while3A_371 : i32
    %while3A_373 = arith.addi %while3A_371, %while3A_372 : i32
    %while3A_374 = arith.constant 1 : i32
    %while3A_375 = arith.divsi %while3A_372, %while3A_374 : i32
    %while3A_376 = arith.muli %while3A_375, %while3A_374 : i32
    %while3A_377 = arith.addi %while3A_371, %while3A_376 : i32
    %while3A_378 = arith.constant 1 : i32
    scf.for %while3A_1253 = %while3A_371 to %while3A_377 step %while3A_378  : i32 {
      %mul3A_1254 = arith.constant 16 : i32
      %mul3A_1255 = arith.muli %while3A_1253, %mul3A_1254 : i32
      %get3A = arith.index_cast %mul3A_1255 : i32 to index
      %get3A_1256 = tpu.vector_load %arg11[%get3A] {strides = array<i32>} : memref<8224xi32, #tpu.memory_space<vmem>>, vector<16xi32>,
      %shift_right_logical3A = arith.constant 7 : i32
      %shift_right_logical3A_1257 = vector.broadcast %shift_right_logical3A : i32 to vector<16xi32>
      %shift_right_logical3A_1258 = arith.shrui %get3A_1256, %shift_right_logical3A_1257 : vector<16xi32>
      %and3A = arith.constant 127 : i32
      %and3A_1259 = vector.broadcast %and3A : i32 to vector<16xi32>
      %and3A_1260 = arith.andi %get3A_1256, %and3A_1259 : vector<16xi32>
      tpu.vector_store_idx %arg15[%shift_right_logical3A_1258, %and3A_1260], %broadcast_in_dim3A_1 : memref<192x128xf32, #tpu.memory_space<vmem>>[vector<16xi32>, vector<16xi32>], vector<16xf32>,
    }
    %while3A_379 = arith.constant 1 : i32
    scf.for %while3A_1253 = %while3A_377 to %while3A_373 step %while3A_379  : i32 {
      %mul3A_1254 = arith.constant 16 : i32
      %mul3A_1255 = arith.muli %while3A_1253, %mul3A_1254 : i32
      %get3A = arith.index_cast %mul3A_1255 : i32 to index
      %get3A_1256 = tpu.vector_load %arg11[%get3A] {strides = array<i32>} : memref<8224xi32, #tpu.memory_space<vmem>>, vector<16xi32>,
      %shift_right_logical3A = arith.constant 7 : i32
      %shift_right_logical3A_1257 = vector.broadcast %shift_right_logical3A : i32 to vector<16xi32>
      %shift_right_logical3A_1258 = arith.shrui %get3A_1256, %shift_right_logical3A_1257 : vector<16xi32>
      %and3A = arith.constant 127 : i32
      %and3A_1259 = vector.broadcast %and3A : i32 to vector<16xi32>
      %and3A_1260 = arith.andi %get3A_1256, %and3A_1259 : vector<16xi32>
      tpu.vector_store_idx %arg15[%shift_right_logical3A_1258, %and3A_1260], %broadcast_in_dim3A_1 : memref<192x128xf32, #tpu.memory_space<vmem>>[vector<16xi32>, vector<16xi32>], vector<16xf32>,
    }
    %while3A_380 = arith.constant 0 : i32
    %while3A_381 = arith.constant 0 : i32
    %while3A_382 = arith.subi %shift_right_arithmetic3A_29, %while3A_381 : i32
    %while3A_383 = arith.addi %while3A_381, %while3A_382 : i32
    %while3A_384 = arith.constant 1 : i32
    %while3A_385 = arith.divsi %while3A_382, %while3A_384 : i32
    %while3A_386 = arith.muli %while3A_385, %while3A_384 : i32
    %while3A_387 = arith.addi %while3A_381, %while3A_386 : i32
    %while3A_388 = arith.constant 1 : i32
    scf.for %while3A_1253 = %while3A_381 to %while3A_387 step %while3A_388  : i32 {
      %mul3A_1254 = arith.constant 16 : i32
      %mul3A_1255 = arith.muli %while3A_1253, %mul3A_1254 : i32
      %get3A = arith.index_cast %mul3A_1255 : i32 to index
      %get3A_1256 = tpu.vector_load %arg11[%get3A] {strides = array<i32>} : memref<8224xi32, #tpu.memory_space<vmem>>, vector<16xi32>,
      %shift_right_logical3A = arith.constant 7 : i32
      %shift_right_logical3A_1257 = vector.broadcast %shift_right_logical3A : i32 to vector<16xi32>
      %shift_right_logical3A_1258 = arith.shrui %get3A_1256, %shift_right_logical3A_1257 : vector<16xi32>
      %and3A = arith.constant 127 : i32
      %and3A_1259 = vector.broadcast %and3A : i32 to vector<16xi32>
      %and3A_1260 = arith.andi %get3A_1256, %and3A_1259 : vector<16xi32>
      %mul3A_1261 = arith.constant 16 : i32
      %mul3A_1262 = arith.muli %while3A_1253, %mul3A_1261 : i32
      %get3A_1263 = arith.index_cast %mul3A_1262 : i32 to index
      %get3A_1264 = tpu.vector_load %arg12[%get3A_1263] {strides = array<i32>} : memref<8224xi32, #tpu.memory_space<vmem>>, vector<16xi32>,
      %add3A_1265 = arith.constant 4608 : i32
      %add3A_1266 = vector.broadcast %add3A_1265 : i32 to vector<16xi32>
      %add3A_1267 = arith.addi %get3A_1264, %add3A_1266 : vector<16xi32>
      %gather3A = tpu.vector_load_idx %arg7[%add3A_1267] : memref<16384xf32, #tpu.memory_space<vmem>>[vector<16xi32>], vector<16xf32>,
      %mul3A_1268 = arith.constant 16 : i32
      %mul3A_1269 = arith.muli %while3A_1253, %mul3A_1268 : i32
      %get3A_1270 = arith.index_cast %mul3A_1269 : i32 to index
      %get3A_1271 = tpu.vector_load %arg13[%get3A_1270] {strides = array<i32>} : memref<8224xf32, #tpu.memory_space<vmem>>, vector<16xf32>,
      %mul3A_1272 = arith.mulf %gather3A, %get3A_1271 : vector<16xf32>
      tpu.vector_store_idx %arg15[%shift_right_logical3A_1258, %and3A_1260], %mul3A_1272 {add = true} : memref<192x128xf32, #tpu.memory_space<vmem>>[vector<16xi32>, vector<16xi32>], vector<16xf32>,
    }
    %while3A_389 = arith.constant 1 : i32
    scf.for %while3A_1253 = %while3A_387 to %while3A_383 step %while3A_389  : i32 {
      %mul3A_1254 = arith.constant 16 : i32
      %mul3A_1255 = arith.muli %while3A_1253, %mul3A_1254 : i32
      %get3A = arith.index_cast %mul3A_1255 : i32 to index
      %get3A_1256 = tpu.vector_load %arg11[%get3A] {strides = array<i32>} : memref<8224xi32, #tpu.memory_space<vmem>>, vector<16xi32>,
      %shift_right_logical3A = arith.constant 7 : i32
      %shift_right_logical3A_1257 = vector.broadcast %shift_right_logical3A : i32 to vector<16xi32>
      %shift_right_logical3A_1258 = arith.shrui %get3A_1256, %shift_right_logical3A_1257 : vector<16xi32>
      %and3A = arith.constant 127 : i32
      %and3A_1259 = vector.broadcast %and3A : i32 to vector<16xi32>
      %and3A_1260 = arith.andi %get3A_1256, %and3A_1259 : vector<16xi32>
      %mul3A_1261 = arith.constant 16 : i32
      %mul3A_1262 = arith.muli %while3A_1253, %mul3A_1261 : i32
      %get3A_1263 = arith.index_cast %mul3A_1262 : i32 to index
      %get3A_1264 = tpu.vector_load %arg12[%get3A_1263] {strides = array<i32>} : memref<8224xi32, #tpu.memory_space<vmem>>, vector<16xi32>,
      %add3A_1265 = arith.constant 4608 : i32
      %add3A_1266 = vector.broadcast %add3A_1265 : i32 to vector<16xi32>
      %add3A_1267 = arith.addi %get3A_1264, %add3A_1266 : vector<16xi32>
      %gather3A = tpu.vector_load_idx %arg7[%add3A_1267] : memref<16384xf32, #tpu.memory_space<vmem>>[vector<16xi32>], vector<16xf32>,
      %mul3A_1268 = arith.constant 16 : i32
      %mul3A_1269 = arith.muli %while3A_1253, %mul3A_1268 : i32
      %get3A_1270 = arith.index_cast %mul3A_1269 : i32 to index
      %get3A_1271 = tpu.vector_load %arg13[%get3A_1270] {strides = array<i32>} : memref<8224xf32, #tpu.memory_space<vmem>>, vector<16xf32>,
      %mul3A_1272 = arith.mulf %gather3A, %get3A_1271 : vector<16xf32>
      tpu.vector_store_idx %arg15[%shift_right_logical3A_1258, %and3A_1260], %mul3A_1272 {add = true} : memref<192x128xf32, #tpu.memory_space<vmem>>[vector<16xi32>, vector<16xi32>], vector<16xf32>,
    }
    %dma_start3A_390 = arith.constant 9 : i32
    %dma_start3A_391 = arith.constant 0 : i32
    %dma_start3A_392 = arith.constant 0 : i32
    %dma_start3A_393 = tpu.memref_slice %arg6[%dma_start3A_390, %dma_start3A_391, %add3A, %dma_start3A_392] : memref<32x192x32x128xf32, #tpu.memory_space<hbm>> -> memref<1x192x1x128xf32, #tpu.memory_space<hbm>>
    %dma_start3A_394 = tpu.memref_squeeze %dma_start3A_393 : memref<1x192x1x128xf32, #tpu.memory_space<hbm>> -> memref<192x128xf32, #tpu.memory_space<hbm>>
    %dma_start3A_395 = arith.constant 0 : i32
    %dma_start3A_396 = arith.constant 0 : i32
    %dma_start3A_397 = tpu.memref_slice %arg6[%dma_start3A_390, %dma_start3A_395, %add3A, %dma_start3A_396] : memref<32x192x32x128xf32, #tpu.memory_space<hbm>> -> memref<1x192x1x128xf32, #tpu.memory_space<hbm>>
    %dma_start3A_398 = tpu.memref_squeeze %dma_start3A_397 : memref<1x192x1x128xf32, #tpu.memory_space<hbm>> -> memref<192x128xf32, #tpu.memory_space<hbm>>
    tpu.enqueue_dma source(%arg15 : memref<192x128xf32, #tpu.memory_space<vmem>>) target(%dma_start3A_398 : memref<192x128xf32, #tpu.memory_space<hbm>>) target_semaphore(%arg17 : memref<!tpu.dma_semaphore, #tpu.memory_space<semaphore_mem>>)
    %dma_wait3A_399 = arith.constant 8 : i32
    %dma_wait3A_400 = arith.constant 0 : i32
    %dma_wait3A_401 = arith.constant 0 : i32
    %dma_wait3A_402 = tpu.memref_slice %arg6[%dma_wait3A_399, %dma_wait3A_400, %add3A, %dma_wait3A_401] : memref<32x192x32x128xf32, #tpu.memory_space<hbm>> -> memref<1x192x1x128xf32, #tpu.memory_space<hbm>>
    %dma_wait3A_403 = tpu.memref_squeeze %dma_wait3A_402 : memref<1x192x1x128xf32, #tpu.memory_space<hbm>> -> memref<192x128xf32, #tpu.memory_space<hbm>>
    %dma_wait3A_404 = arith.constant 0 : i32
    %dma_wait3A_405 = arith.constant 0 : i32
    %dma_wait3A_406 = tpu.memref_slice %arg6[%dma_wait3A_399, %dma_wait3A_404, %add3A, %dma_wait3A_405] : memref<32x192x32x128xf32, #tpu.memory_space<hbm>> -> memref<1x192x1x128xf32, #tpu.memory_space<hbm>>
    %dma_wait3A_407 = tpu.memref_squeeze %dma_wait3A_406 : memref<1x192x1x128xf32, #tpu.memory_space<hbm>> -> memref<192x128xf32, #tpu.memory_space<hbm>>
    tpu.wait_dma2 semaphore(%arg16 : memref<!tpu.dma_semaphore, #tpu.memory_space<semaphore_mem>>) src(%arg14 : memref<192x128xf32, #tpu.memory_space<vmem>>) dst(%dma_wait3A_407 : memref<192x128xf32, #tpu.memory_space<hbm>>)
    %while3A_408 = arith.constant 0 : i32
    %while3A_409 = arith.constant 0 : i32
    %while3A_410 = arith.subi %shift_right_arithmetic3A_29, %while3A_409 : i32
    %while3A_411 = arith.addi %while3A_409, %while3A_410 : i32
    %while3A_412 = arith.constant 1 : i32
    %while3A_413 = arith.divsi %while3A_410, %while3A_412 : i32
    %while3A_414 = arith.muli %while3A_413, %while3A_412 : i32
    %while3A_415 = arith.addi %while3A_409, %while3A_414 : i32
    %while3A_416 = arith.constant 1 : i32
    scf.for %while3A_1253 = %while3A_409 to %while3A_415 step %while3A_416  : i32 {
      %mul3A_1254 = arith.constant 16 : i32
      %mul3A_1255 = arith.muli %while3A_1253, %mul3A_1254 : i32
      %get3A = arith.index_cast %mul3A_1255 : i32 to index
      %get3A_1256 = tpu.vector_load %arg11[%get3A] {strides = array<i32>} : memref<8224xi32, #tpu.memory_space<vmem>>, vector<16xi32>,
      %shift_right_logical3A = arith.constant 7 : i32
      %shift_right_logical3A_1257 = vector.broadcast %shift_right_logical3A : i32 to vector<16xi32>
      %shift_right_logical3A_1258 = arith.shrui %get3A_1256, %shift_right_logical3A_1257 : vector<16xi32>
      %and3A = arith.constant 127 : i32
      %and3A_1259 = vector.broadcast %and3A : i32 to vector<16xi32>
      %and3A_1260 = arith.andi %get3A_1256, %and3A_1259 : vector<16xi32>
      tpu.vector_store_idx %arg14[%shift_right_logical3A_1258, %and3A_1260], %broadcast_in_dim3A_1 : memref<192x128xf32, #tpu.memory_space<vmem>>[vector<16xi32>, vector<16xi32>], vector<16xf32>,
    }
    %while3A_417 = arith.constant 1 : i32
    scf.for %while3A_1253 = %while3A_415 to %while3A_411 step %while3A_417  : i32 {
      %mul3A_1254 = arith.constant 16 : i32
      %mul3A_1255 = arith.muli %while3A_1253, %mul3A_1254 : i32
      %get3A = arith.index_cast %mul3A_1255 : i32 to index
      %get3A_1256 = tpu.vector_load %arg11[%get3A] {strides = array<i32>} : memref<8224xi32, #tpu.memory_space<vmem>>, vector<16xi32>,
      %shift_right_logical3A = arith.constant 7 : i32
      %shift_right_logical3A_1257 = vector.broadcast %shift_right_logical3A : i32 to vector<16xi32>
      %shift_right_logical3A_1258 = arith.shrui %get3A_1256, %shift_right_logical3A_1257 : vector<16xi32>
      %and3A = arith.constant 127 : i32
      %and3A_1259 = vector.broadcast %and3A : i32 to vector<16xi32>
      %and3A_1260 = arith.andi %get3A_1256, %and3A_1259 : vector<16xi32>
      tpu.vector_store_idx %arg14[%shift_right_logical3A_1258, %and3A_1260], %broadcast_in_dim3A_1 : memref<192x128xf32, #tpu.memory_space<vmem>>[vector<16xi32>, vector<16xi32>], vector<16xf32>,
    }
    %while3A_418 = arith.constant 0 : i32
    %while3A_419 = arith.constant 0 : i32
    %while3A_420 = arith.subi %shift_right_arithmetic3A_29, %while3A_419 : i32
    %while3A_421 = arith.addi %while3A_419, %while3A_420 : i32
    %while3A_422 = arith.constant 1 : i32
    %while3A_423 = arith.divsi %while3A_420, %while3A_422 : i32
    %while3A_424 = arith.muli %while3A_423, %while3A_422 : i32
    %while3A_425 = arith.addi %while3A_419, %while3A_424 : i32
    %while3A_426 = arith.constant 1 : i32
    scf.for %while3A_1253 = %while3A_419 to %while3A_425 step %while3A_426  : i32 {
      %mul3A_1254 = arith.constant 16 : i32
      %mul3A_1255 = arith.muli %while3A_1253, %mul3A_1254 : i32
      %get3A = arith.index_cast %mul3A_1255 : i32 to index
      %get3A_1256 = tpu.vector_load %arg11[%get3A] {strides = array<i32>} : memref<8224xi32, #tpu.memory_space<vmem>>, vector<16xi32>,
      %shift_right_logical3A = arith.constant 7 : i32
      %shift_right_logical3A_1257 = vector.broadcast %shift_right_logical3A : i32 to vector<16xi32>
      %shift_right_logical3A_1258 = arith.shrui %get3A_1256, %shift_right_logical3A_1257 : vector<16xi32>
      %and3A = arith.constant 127 : i32
      %and3A_1259 = vector.broadcast %and3A : i32 to vector<16xi32>
      %and3A_1260 = arith.andi %get3A_1256, %and3A_1259 : vector<16xi32>
      %mul3A_1261 = arith.constant 16 : i32
      %mul3A_1262 = arith.muli %while3A_1253, %mul3A_1261 : i32
      %get3A_1263 = arith.index_cast %mul3A_1262 : i32 to index
      %get3A_1264 = tpu.vector_load %arg12[%get3A_1263] {strides = array<i32>} : memref<8224xi32, #tpu.memory_space<vmem>>, vector<16xi32>,
      %add3A_1265 = arith.constant 5120 : i32
      %add3A_1266 = vector.broadcast %add3A_1265 : i32 to vector<16xi32>
      %add3A_1267 = arith.addi %get3A_1264, %add3A_1266 : vector<16xi32>
      %gather3A = tpu.vector_load_idx %arg7[%add3A_1267] : memref<16384xf32, #tpu.memory_space<vmem>>[vector<16xi32>], vector<16xf32>,
      %mul3A_1268 = arith.constant 16 : i32
      %mul3A_1269 = arith.muli %while3A_1253, %mul3A_1268 : i32
      %get3A_1270 = arith.index_cast %mul3A_1269 : i32 to index
      %get3A_1271 = tpu.vector_load %arg13[%get3A_1270] {strides = array<i32>} : memref<8224xf32, #tpu.memory_space<vmem>>, vector<16xf32>,
      %mul3A_1272 = arith.mulf %gather3A, %get3A_1271 : vector<16xf32>
      tpu.vector_store_idx %arg14[%shift_right_logical3A_1258, %and3A_1260], %mul3A_1272 {add = true} : memref<192x128xf32, #tpu.memory_space<vmem>>[vector<16xi32>, vector<16xi32>], vector<16xf32>,
    }
    %while3A_427 = arith.constant 1 : i32
    scf.for %while3A_1253 = %while3A_425 to %while3A_421 step %while3A_427  : i32 {
      %mul3A_1254 = arith.constant 16 : i32
      %mul3A_1255 = arith.muli %while3A_1253, %mul3A_1254 : i32
      %get3A = arith.index_cast %mul3A_1255 : i32 to index
      %get3A_1256 = tpu.vector_load %arg11[%get3A] {strides = array<i32>} : memref<8224xi32, #tpu.memory_space<vmem>>, vector<16xi32>,
      %shift_right_logical3A = arith.constant 7 : i32
      %shift_right_logical3A_1257 = vector.broadcast %shift_right_logical3A : i32 to vector<16xi32>
      %shift_right_logical3A_1258 = arith.shrui %get3A_1256, %shift_right_logical3A_1257 : vector<16xi32>
      %and3A = arith.constant 127 : i32
      %and3A_1259 = vector.broadcast %and3A : i32 to vector<16xi32>
      %and3A_1260 = arith.andi %get3A_1256, %and3A_1259 : vector<16xi32>
      %mul3A_1261 = arith.constant 16 : i32
      %mul3A_1262 = arith.muli %while3A_1253, %mul3A_1261 : i32
      %get3A_1263 = arith.index_cast %mul3A_1262 : i32 to index
      %get3A_1264 = tpu.vector_load %arg12[%get3A_1263] {strides = array<i32>} : memref<8224xi32, #tpu.memory_space<vmem>>, vector<16xi32>,
      %add3A_1265 = arith.constant 5120 : i32
      %add3A_1266 = vector.broadcast %add3A_1265 : i32 to vector<16xi32>
      %add3A_1267 = arith.addi %get3A_1264, %add3A_1266 : vector<16xi32>
      %gather3A = tpu.vector_load_idx %arg7[%add3A_1267] : memref<16384xf32, #tpu.memory_space<vmem>>[vector<16xi32>], vector<16xf32>,
      %mul3A_1268 = arith.constant 16 : i32
      %mul3A_1269 = arith.muli %while3A_1253, %mul3A_1268 : i32
      %get3A_1270 = arith.index_cast %mul3A_1269 : i32 to index
      %get3A_1271 = tpu.vector_load %arg13[%get3A_1270] {strides = array<i32>} : memref<8224xf32, #tpu.memory_space<vmem>>, vector<16xf32>,
      %mul3A_1272 = arith.mulf %gather3A, %get3A_1271 : vector<16xf32>
      tpu.vector_store_idx %arg14[%shift_right_logical3A_1258, %and3A_1260], %mul3A_1272 {add = true} : memref<192x128xf32, #tpu.memory_space<vmem>>[vector<16xi32>, vector<16xi32>], vector<16xf32>,
    }
    %dma_start3A_428 = arith.constant 10 : i32
    %dma_start3A_429 = arith.constant 0 : i32
    %dma_start3A_430 = arith.constant 0 : i32
    %dma_start3A_431 = tpu.memref_slice %arg6[%dma_start3A_428, %dma_start3A_429, %add3A, %dma_start3A_430] : memref<32x192x32x128xf32, #tpu.memory_space<hbm>> -> memref<1x192x1x128xf32, #tpu.memory_space<hbm>>
    %dma_start3A_432 = tpu.memref_squeeze %dma_start3A_431 : memref<1x192x1x128xf32, #tpu.memory_space<hbm>> -> memref<192x128xf32, #tpu.memory_space<hbm>>
    %dma_start3A_433 = arith.constant 0 : i32
    %dma_start3A_434 = arith.constant 0 : i32
    %dma_start3A_435 = tpu.memref_slice %arg6[%dma_start3A_428, %dma_start3A_433, %add3A, %dma_start3A_434] : memref<32x192x32x128xf32, #tpu.memory_space<hbm>> -> memref<1x192x1x128xf32, #tpu.memory_space<hbm>>
    %dma_start3A_436 = tpu.memref_squeeze %dma_start3A_435 : memref<1x192x1x128xf32, #tpu.memory_space<hbm>> -> memref<192x128xf32, #tpu.memory_space<hbm>>
    tpu.enqueue_dma source(%arg14 : memref<192x128xf32, #tpu.memory_space<vmem>>) target(%dma_start3A_436 : memref<192x128xf32, #tpu.memory_space<hbm>>) target_semaphore(%arg16 : memref<!tpu.dma_semaphore, #tpu.memory_space<semaphore_mem>>)
    %dma_wait3A_437 = arith.constant 9 : i32
    %dma_wait3A_438 = arith.constant 0 : i32
    %dma_wait3A_439 = arith.constant 0 : i32
    %dma_wait3A_440 = tpu.memref_slice %arg6[%dma_wait3A_437, %dma_wait3A_438, %add3A, %dma_wait3A_439] : memref<32x192x32x128xf32, #tpu.memory_space<hbm>> -> memref<1x192x1x128xf32, #tpu.memory_space<hbm>>
    %dma_wait3A_441 = tpu.memref_squeeze %dma_wait3A_440 : memref<1x192x1x128xf32, #tpu.memory_space<hbm>> -> memref<192x128xf32, #tpu.memory_space<hbm>>
    %dma_wait3A_442 = arith.constant 0 : i32
    %dma_wait3A_443 = arith.constant 0 : i32
    %dma_wait3A_444 = tpu.memref_slice %arg6[%dma_wait3A_437, %dma_wait3A_442, %add3A, %dma_wait3A_443] : memref<32x192x32x128xf32, #tpu.memory_space<hbm>> -> memref<1x192x1x128xf32, #tpu.memory_space<hbm>>
    %dma_wait3A_445 = tpu.memref_squeeze %dma_wait3A_444 : memref<1x192x1x128xf32, #tpu.memory_space<hbm>> -> memref<192x128xf32, #tpu.memory_space<hbm>>
    tpu.wait_dma2 semaphore(%arg17 : memref<!tpu.dma_semaphore, #tpu.memory_space<semaphore_mem>>) src(%arg15 : memref<192x128xf32, #tpu.memory_space<vmem>>) dst(%dma_wait3A_445 : memref<192x128xf32, #tpu.memory_space<hbm>>)
    %while3A_446 = arith.constant 0 : i32
    %while3A_447 = arith.constant 0 : i32
    %while3A_448 = arith.subi %shift_right_arithmetic3A_29, %while3A_447 : i32
    %while3A_449 = arith.addi %while3A_447, %while3A_448 : i32
    %while3A_450 = arith.constant 1 : i32
    %while3A_451 = arith.divsi %while3A_448, %while3A_450 : i32
    %while3A_452 = arith.muli %while3A_451, %while3A_450 : i32
    %while3A_453 = arith.addi %while3A_447, %while3A_452 : i32
    %while3A_454 = arith.constant 1 : i32
    scf.for %while3A_1253 = %while3A_447 to %while3A_453 step %while3A_454  : i32 {
      %mul3A_1254 = arith.constant 16 : i32
      %mul3A_1255 = arith.muli %while3A_1253, %mul3A_1254 : i32
      %get3A = arith.index_cast %mul3A_1255 : i32 to index
      %get3A_1256 = tpu.vector_load %arg11[%get3A] {strides = array<i32>} : memref<8224xi32, #tpu.memory_space<vmem>>, vector<16xi32>,
      %shift_right_logical3A = arith.constant 7 : i32
      %shift_right_logical3A_1257 = vector.broadcast %shift_right_logical3A : i32 to vector<16xi32>
      %shift_right_logical3A_1258 = arith.shrui %get3A_1256, %shift_right_logical3A_1257 : vector<16xi32>
      %and3A = arith.constant 127 : i32
      %and3A_1259 = vector.broadcast %and3A : i32 to vector<16xi32>
      %and3A_1260 = arith.andi %get3A_1256, %and3A_1259 : vector<16xi32>
      tpu.vector_store_idx %arg15[%shift_right_logical3A_1258, %and3A_1260], %broadcast_in_dim3A_1 : memref<192x128xf32, #tpu.memory_space<vmem>>[vector<16xi32>, vector<16xi32>], vector<16xf32>,
    }
    %while3A_455 = arith.constant 1 : i32
    scf.for %while3A_1253 = %while3A_453 to %while3A_449 step %while3A_455  : i32 {
      %mul3A_1254 = arith.constant 16 : i32
      %mul3A_1255 = arith.muli %while3A_1253, %mul3A_1254 : i32
      %get3A = arith.index_cast %mul3A_1255 : i32 to index
      %get3A_1256 = tpu.vector_load %arg11[%get3A] {strides = array<i32>} : memref<8224xi32, #tpu.memory_space<vmem>>, vector<16xi32>,
      %shift_right_logical3A = arith.constant 7 : i32
      %shift_right_logical3A_1257 = vector.broadcast %shift_right_logical3A : i32 to vector<16xi32>
      %shift_right_logical3A_1258 = arith.shrui %get3A_1256, %shift_right_logical3A_1257 : vector<16xi32>
      %and3A = arith.constant 127 : i32
      %and3A_1259 = vector.broadcast %and3A : i32 to vector<16xi32>
      %and3A_1260 = arith.andi %get3A_1256, %and3A_1259 : vector<16xi32>
      tpu.vector_store_idx %arg15[%shift_right_logical3A_1258, %and3A_1260], %broadcast_in_dim3A_1 : memref<192x128xf32, #tpu.memory_space<vmem>>[vector<16xi32>, vector<16xi32>], vector<16xf32>,
    }
    %while3A_456 = arith.constant 0 : i32
    %while3A_457 = arith.constant 0 : i32
    %while3A_458 = arith.subi %shift_right_arithmetic3A_29, %while3A_457 : i32
    %while3A_459 = arith.addi %while3A_457, %while3A_458 : i32
    %while3A_460 = arith.constant 1 : i32
    %while3A_461 = arith.divsi %while3A_458, %while3A_460 : i32
    %while3A_462 = arith.muli %while3A_461, %while3A_460 : i32
    %while3A_463 = arith.addi %while3A_457, %while3A_462 : i32
    %while3A_464 = arith.constant 1 : i32
    scf.for %while3A_1253 = %while3A_457 to %while3A_463 step %while3A_464  : i32 {
      %mul3A_1254 = arith.constant 16 : i32
      %mul3A_1255 = arith.muli %while3A_1253, %mul3A_1254 : i32
      %get3A = arith.index_cast %mul3A_1255 : i32 to index
      %get3A_1256 = tpu.vector_load %arg11[%get3A] {strides = array<i32>} : memref<8224xi32, #tpu.memory_space<vmem>>, vector<16xi32>,
      %shift_right_logical3A = arith.constant 7 : i32
      %shift_right_logical3A_1257 = vector.broadcast %shift_right_logical3A : i32 to vector<16xi32>
      %shift_right_logical3A_1258 = arith.shrui %get3A_1256, %shift_right_logical3A_1257 : vector<16xi32>
      %and3A = arith.constant 127 : i32
      %and3A_1259 = vector.broadcast %and3A : i32 to vector<16xi32>
      %and3A_1260 = arith.andi %get3A_1256, %and3A_1259 : vector<16xi32>
      %mul3A_1261 = arith.constant 16 : i32
      %mul3A_1262 = arith.muli %while3A_1253, %mul3A_1261 : i32
      %get3A_1263 = arith.index_cast %mul3A_1262 : i32 to index
      %get3A_1264 = tpu.vector_load %arg12[%get3A_1263] {strides = array<i32>} : memref<8224xi32, #tpu.memory_space<vmem>>, vector<16xi32>,
      %add3A_1265 = arith.constant 5632 : i32
      %add3A_1266 = vector.broadcast %add3A_1265 : i32 to vector<16xi32>
      %add3A_1267 = arith.addi %get3A_1264, %add3A_1266 : vector<16xi32>
      %gather3A = tpu.vector_load_idx %arg7[%add3A_1267] : memref<16384xf32, #tpu.memory_space<vmem>>[vector<16xi32>], vector<16xf32>,
      %mul3A_1268 = arith.constant 16 : i32
      %mul3A_1269 = arith.muli %while3A_1253, %mul3A_1268 : i32
      %get3A_1270 = arith.index_cast %mul3A_1269 : i32 to index
      %get3A_1271 = tpu.vector_load %arg13[%get3A_1270] {strides = array<i32>} : memref<8224xf32, #tpu.memory_space<vmem>>, vector<16xf32>,
      %mul3A_1272 = arith.mulf %gather3A, %get3A_1271 : vector<16xf32>
      tpu.vector_store_idx %arg15[%shift_right_logical3A_1258, %and3A_1260], %mul3A_1272 {add = true} : memref<192x128xf32, #tpu.memory_space<vmem>>[vector<16xi32>, vector<16xi32>], vector<16xf32>,
    }
    %while3A_465 = arith.constant 1 : i32
    scf.for %while3A_1253 = %while3A_463 to %while3A_459 step %while3A_465  : i32 {
      %mul3A_1254 = arith.constant 16 : i32
      %mul3A_1255 = arith.muli %while3A_1253, %mul3A_1254 : i32
      %get3A = arith.index_cast %mul3A_1255 : i32 to index
      %get3A_1256 = tpu.vector_load %arg11[%get3A] {strides = array<i32>} : memref<8224xi32, #tpu.memory_space<vmem>>, vector<16xi32>,
      %shift_right_logical3A = arith.constant 7 : i32
      %shift_right_logical3A_1257 = vector.broadcast %shift_right_logical3A : i32 to vector<16xi32>
      %shift_right_logical3A_1258 = arith.shrui %get3A_1256, %shift_right_logical3A_1257 : vector<16xi32>
      %and3A = arith.constant 127 : i32
      %and3A_1259 = vector.broadcast %and3A : i32 to vector<16xi32>
      %and3A_1260 = arith.andi %get3A_1256, %and3A_1259 : vector<16xi32>
      %mul3A_1261 = arith.constant 16 : i32
      %mul3A_1262 = arith.muli %while3A_1253, %mul3A_1261 : i32
      %get3A_1263 = arith.index_cast %mul3A_1262 : i32 to index
      %get3A_1264 = tpu.vector_load %arg12[%get3A_1263] {strides = array<i32>} : memref<8224xi32, #tpu.memory_space<vmem>>, vector<16xi32>,
      %add3A_1265 = arith.constant 5632 : i32
      %add3A_1266 = vector.broadcast %add3A_1265 : i32 to vector<16xi32>
      %add3A_1267 = arith.addi %get3A_1264, %add3A_1266 : vector<16xi32>
      %gather3A = tpu.vector_load_idx %arg7[%add3A_1267] : memref<16384xf32, #tpu.memory_space<vmem>>[vector<16xi32>], vector<16xf32>,
      %mul3A_1268 = arith.constant 16 : i32
      %mul3A_1269 = arith.muli %while3A_1253, %mul3A_1268 : i32
      %get3A_1270 = arith.index_cast %mul3A_1269 : i32 to index
      %get3A_1271 = tpu.vector_load %arg13[%get3A_1270] {strides = array<i32>} : memref<8224xf32, #tpu.memory_space<vmem>>, vector<16xf32>,
      %mul3A_1272 = arith.mulf %gather3A, %get3A_1271 : vector<16xf32>
      tpu.vector_store_idx %arg15[%shift_right_logical3A_1258, %and3A_1260], %mul3A_1272 {add = true} : memref<192x128xf32, #tpu.memory_space<vmem>>[vector<16xi32>, vector<16xi32>], vector<16xf32>,
    }
    %dma_start3A_466 = arith.constant 11 : i32
    %dma_start3A_467 = arith.constant 0 : i32
    %dma_start3A_468 = arith.constant 0 : i32
    %dma_start3A_469 = tpu.memref_slice %arg6[%dma_start3A_466, %dma_start3A_467, %add3A, %dma_start3A_468] : memref<32x192x32x128xf32, #tpu.memory_space<hbm>> -> memref<1x192x1x128xf32, #tpu.memory_space<hbm>>
    %dma_start3A_470 = tpu.memref_squeeze %dma_start3A_469 : memref<1x192x1x128xf32, #tpu.memory_space<hbm>> -> memref<192x128xf32, #tpu.memory_space<hbm>>
    %dma_start3A_471 = arith.constant 0 : i32
    %dma_start3A_472 = arith.constant 0 : i32
    %dma_start3A_473 = tpu.memref_slice %arg6[%dma_start3A_466, %dma_start3A_471, %add3A, %dma_start3A_472] : memref<32x192x32x128xf32, #tpu.memory_space<hbm>> -> memref<1x192x1x128xf32, #tpu.memory_space<hbm>>
    %dma_start3A_474 = tpu.memref_squeeze %dma_start3A_473 : memref<1x192x1x128xf32, #tpu.memory_space<hbm>> -> memref<192x128xf32, #tpu.memory_space<hbm>>
    tpu.enqueue_dma source(%arg15 : memref<192x128xf32, #tpu.memory_space<vmem>>) target(%dma_start3A_474 : memref<192x128xf32, #tpu.memory_space<hbm>>) target_semaphore(%arg17 : memref<!tpu.dma_semaphore, #tpu.memory_space<semaphore_mem>>)
    %dma_wait3A_475 = arith.constant 10 : i32
    %dma_wait3A_476 = arith.constant 0 : i32
    %dma_wait3A_477 = arith.constant 0 : i32
    %dma_wait3A_478 = tpu.memref_slice %arg6[%dma_wait3A_475, %dma_wait3A_476, %add3A, %dma_wait3A_477] : memref<32x192x32x128xf32, #tpu.memory_space<hbm>> -> memref<1x192x1x128xf32, #tpu.memory_space<hbm>>
    %dma_wait3A_479 = tpu.memref_squeeze %dma_wait3A_478 : memref<1x192x1x128xf32, #tpu.memory_space<hbm>> -> memref<192x128xf32, #tpu.memory_space<hbm>>
    %dma_wait3A_480 = arith.constant 0 : i32
    %dma_wait3A_481 = arith.constant 0 : i32
    %dma_wait3A_482 = tpu.memref_slice %arg6[%dma_wait3A_475, %dma_wait3A_480, %add3A, %dma_wait3A_481] : memref<32x192x32x128xf32, #tpu.memory_space<hbm>> -> memref<1x192x1x128xf32, #tpu.memory_space<hbm>>
    %dma_wait3A_483 = tpu.memref_squeeze %dma_wait3A_482 : memref<1x192x1x128xf32, #tpu.memory_space<hbm>> -> memref<192x128xf32, #tpu.memory_space<hbm>>
    tpu.wait_dma2 semaphore(%arg16 : memref<!tpu.dma_semaphore, #tpu.memory_space<semaphore_mem>>) src(%arg14 : memref<192x128xf32, #tpu.memory_space<vmem>>) dst(%dma_wait3A_483 : memref<192x128xf32, #tpu.memory_space<hbm>>)
    %while3A_484 = arith.constant 0 : i32
    %while3A_485 = arith.constant 0 : i32
    %while3A_486 = arith.subi %shift_right_arithmetic3A_29, %while3A_485 : i32
    %while3A_487 = arith.addi %while3A_485, %while3A_486 : i32
    %while3A_488 = arith.constant 1 : i32
    %while3A_489 = arith.divsi %while3A_486, %while3A_488 : i32
    %while3A_490 = arith.muli %while3A_489, %while3A_488 : i32
    %while3A_491 = arith.addi %while3A_485, %while3A_490 : i32
    %while3A_492 = arith.constant 1 : i32
    scf.for %while3A_1253 = %while3A_485 to %while3A_491 step %while3A_492  : i32 {
      %mul3A_1254 = arith.constant 16 : i32
      %mul3A_1255 = arith.muli %while3A_1253, %mul3A_1254 : i32
      %get3A = arith.index_cast %mul3A_1255 : i32 to index
      %get3A_1256 = tpu.vector_load %arg11[%get3A] {strides = array<i32>} : memref<8224xi32, #tpu.memory_space<vmem>>, vector<16xi32>,
      %shift_right_logical3A = arith.constant 7 : i32
      %shift_right_logical3A_1257 = vector.broadcast %shift_right_logical3A : i32 to vector<16xi32>
      %shift_right_logical3A_1258 = arith.shrui %get3A_1256, %shift_right_logical3A_1257 : vector<16xi32>
      %and3A = arith.constant 127 : i32
      %and3A_1259 = vector.broadcast %and3A : i32 to vector<16xi32>
      %and3A_1260 = arith.andi %get3A_1256, %and3A_1259 : vector<16xi32>
      tpu.vector_store_idx %arg14[%shift_right_logical3A_1258, %and3A_1260], %broadcast_in_dim3A_1 : memref<192x128xf32, #tpu.memory_space<vmem>>[vector<16xi32>, vector<16xi32>], vector<16xf32>,
    }
    %while3A_493 = arith.constant 1 : i32
    scf.for %while3A_1253 = %while3A_491 to %while3A_487 step %while3A_493  : i32 {
      %mul3A_1254 = arith.constant 16 : i32
      %mul3A_1255 = arith.muli %while3A_1253, %mul3A_1254 : i32
      %get3A = arith.index_cast %mul3A_1255 : i32 to index
      %get3A_1256 = tpu.vector_load %arg11[%get3A] {strides = array<i32>} : memref<8224xi32, #tpu.memory_space<vmem>>, vector<16xi32>,
      %shift_right_logical3A = arith.constant 7 : i32
      %shift_right_logical3A_1257 = vector.broadcast %shift_right_logical3A : i32 to vector<16xi32>
      %shift_right_logical3A_1258 = arith.shrui %get3A_1256, %shift_right_logical3A_1257 : vector<16xi32>
      %and3A = arith.constant 127 : i32
      %and3A_1259 = vector.broadcast %and3A : i32 to vector<16xi32>
      %and3A_1260 = arith.andi %get3A_1256, %and3A_1259 : vector<16xi32>
      tpu.vector_store_idx %arg14[%shift_right_logical3A_1258, %and3A_1260], %broadcast_in_dim3A_1 : memref<192x128xf32, #tpu.memory_space<vmem>>[vector<16xi32>, vector<16xi32>], vector<16xf32>,
    }
    %while3A_494 = arith.constant 0 : i32
    %while3A_495 = arith.constant 0 : i32
    %while3A_496 = arith.subi %shift_right_arithmetic3A_29, %while3A_495 : i32
    %while3A_497 = arith.addi %while3A_495, %while3A_496 : i32
    %while3A_498 = arith.constant 1 : i32
    %while3A_499 = arith.divsi %while3A_496, %while3A_498 : i32
    %while3A_500 = arith.muli %while3A_499, %while3A_498 : i32
    %while3A_501 = arith.addi %while3A_495, %while3A_500 : i32
    %while3A_502 = arith.constant 1 : i32
    scf.for %while3A_1253 = %while3A_495 to %while3A_501 step %while3A_502  : i32 {
      %mul3A_1254 = arith.constant 16 : i32
      %mul3A_1255 = arith.muli %while3A_1253, %mul3A_1254 : i32
      %get3A = arith.index_cast %mul3A_1255 : i32 to index
      %get3A_1256 = tpu.vector_load %arg11[%get3A] {strides = array<i32>} : memref<8224xi32, #tpu.memory_space<vmem>>, vector<16xi32>,
      %shift_right_logical3A = arith.constant 7 : i32
      %shift_right_logical3A_1257 = vector.broadcast %shift_right_logical3A : i32 to vector<16xi32>
      %shift_right_logical3A_1258 = arith.shrui %get3A_1256, %shift_right_logical3A_1257 : vector<16xi32>
      %and3A = arith.constant 127 : i32
      %and3A_1259 = vector.broadcast %and3A : i32 to vector<16xi32>
      %and3A_1260 = arith.andi %get3A_1256, %and3A_1259 : vector<16xi32>
      %mul3A_1261 = arith.constant 16 : i32
      %mul3A_1262 = arith.muli %while3A_1253, %mul3A_1261 : i32
      %get3A_1263 = arith.index_cast %mul3A_1262 : i32 to index
      %get3A_1264 = tpu.vector_load %arg12[%get3A_1263] {strides = array<i32>} : memref<8224xi32, #tpu.memory_space<vmem>>, vector<16xi32>,
      %add3A_1265 = arith.constant 6144 : i32
      %add3A_1266 = vector.broadcast %add3A_1265 : i32 to vector<16xi32>
      %add3A_1267 = arith.addi %get3A_1264, %add3A_1266 : vector<16xi32>
      %gather3A = tpu.vector_load_idx %arg7[%add3A_1267] : memref<16384xf32, #tpu.memory_space<vmem>>[vector<16xi32>], vector<16xf32>,
      %mul3A_1268 = arith.constant 16 : i32
      %mul3A_1269 = arith.muli %while3A_1253, %mul3A_1268 : i32
      %get3A_1270 = arith.index_cast %mul3A_1269 : i32 to index
      %get3A_1271 = tpu.vector_load %arg13[%get3A_1270] {strides = array<i32>} : memref<8224xf32, #tpu.memory_space<vmem>>, vector<16xf32>,
      %mul3A_1272 = arith.mulf %gather3A, %get3A_1271 : vector<16xf32>
      tpu.vector_store_idx %arg14[%shift_right_logical3A_1258, %and3A_1260], %mul3A_1272 {add = true} : memref<192x128xf32, #tpu.memory_space<vmem>>[vector<16xi32>, vector<16xi32>], vector<16xf32>,
    }
    %while3A_503 = arith.constant 1 : i32
    scf.for %while3A_1253 = %while3A_501 to %while3A_497 step %while3A_503  : i32 {
      %mul3A_1254 = arith.constant 16 : i32
      %mul3A_1255 = arith.muli %while3A_1253, %mul3A_1254 : i32
      %get3A = arith.index_cast %mul3A_1255 : i32 to index
      %get3A_1256 = tpu.vector_load %arg11[%get3A] {strides = array<i32>} : memref<8224xi32, #tpu.memory_space<vmem>>, vector<16xi32>,
      %shift_right_logical3A = arith.constant 7 : i32
      %shift_right_logical3A_1257 = vector.broadcast %shift_right_logical3A : i32 to vector<16xi32>
      %shift_right_logical3A_1258 = arith.shrui %get3A_1256, %shift_right_logical3A_1257 : vector<16xi32>
      %and3A = arith.constant 127 : i32
      %and3A_1259 = vector.broadcast %and3A : i32 to vector<16xi32>
      %and3A_1260 = arith.andi %get3A_1256, %and3A_1259 : vector<16xi32>
      %mul3A_1261 = arith.constant 16 : i32
      %mul3A_1262 = arith.muli %while3A_1253, %mul3A_1261 : i32
      %get3A_1263 = arith.index_cast %mul3A_1262 : i32 to index
      %get3A_1264 = tpu.vector_load %arg12[%get3A_1263] {strides = array<i32>} : memref<8224xi32, #tpu.memory_space<vmem>>, vector<16xi32>,
      %add3A_1265 = arith.constant 6144 : i32
      %add3A_1266 = vector.broadcast %add3A_1265 : i32 to vector<16xi32>
      %add3A_1267 = arith.addi %get3A_1264, %add3A_1266 : vector<16xi32>
      %gather3A = tpu.vector_load_idx %arg7[%add3A_1267] : memref<16384xf32, #tpu.memory_space<vmem>>[vector<16xi32>], vector<16xf32>,
      %mul3A_1268 = arith.constant 16 : i32
      %mul3A_1269 = arith.muli %while3A_1253, %mul3A_1268 : i32
      %get3A_1270 = arith.index_cast %mul3A_1269 : i32 to index
      %get3A_1271 = tpu.vector_load %arg13[%get3A_1270] {strides = array<i32>} : memref<8224xf32, #tpu.memory_space<vmem>>, vector<16xf32>,
      %mul3A_1272 = arith.mulf %gather3A, %get3A_1271 : vector<16xf32>
      tpu.vector_store_idx %arg14[%shift_right_logical3A_1258, %and3A_1260], %mul3A_1272 {add = true} : memref<192x128xf32, #tpu.memory_space<vmem>>[vector<16xi32>, vector<16xi32>], vector<16xf32>,
    }
    %dma_start3A_504 = arith.constant 12 : i32
    %dma_start3A_505 = arith.constant 0 : i32
    %dma_start3A_506 = arith.constant 0 : i32
    %dma_start3A_507 = tpu.memref_slice %arg6[%dma_start3A_504, %dma_start3A_505, %add3A, %dma_start3A_506] : memref<32x192x32x128xf32, #tpu.memory_space<hbm>> -> memref<1x192x1x128xf32, #tpu.memory_space<hbm>>
    %dma_start3A_508 = tpu.memref_squeeze %dma_start3A_507 : memref<1x192x1x128xf32, #tpu.memory_space<hbm>> -> memref<192x128xf32, #tpu.memory_space<hbm>>
    %dma_start3A_509 = arith.constant 0 : i32
    %dma_start3A_510 = arith.constant 0 : i32
    %dma_start3A_511 = tpu.memref_slice %arg6[%dma_start3A_504, %dma_start3A_509, %add3A, %dma_start3A_510] : memref<32x192x32x128xf32, #tpu.memory_space<hbm>> -> memref<1x192x1x128xf32, #tpu.memory_space<hbm>>
    %dma_start3A_512 = tpu.memref_squeeze %dma_start3A_511 : memref<1x192x1x128xf32, #tpu.memory_space<hbm>> -> memref<192x128xf32, #tpu.memory_space<hbm>>
    tpu.enqueue_dma source(%arg14 : memref<192x128xf32, #tpu.memory_space<vmem>>) target(%dma_start3A_512 : memref<192x128xf32, #tpu.memory_space<hbm>>) target_semaphore(%arg16 : memref<!tpu.dma_semaphore, #tpu.memory_space<semaphore_mem>>)
    %dma_wait3A_513 = arith.constant 11 : i32
    %dma_wait3A_514 = arith.constant 0 : i32
    %dma_wait3A_515 = arith.constant 0 : i32
    %dma_wait3A_516 = tpu.memref_slice %arg6[%dma_wait3A_513, %dma_wait3A_514, %add3A, %dma_wait3A_515] : memref<32x192x32x128xf32, #tpu.memory_space<hbm>> -> memref<1x192x1x128xf32, #tpu.memory_space<hbm>>
    %dma_wait3A_517 = tpu.memref_squeeze %dma_wait3A_516 : memref<1x192x1x128xf32, #tpu.memory_space<hbm>> -> memref<192x128xf32, #tpu.memory_space<hbm>>
    %dma_wait3A_518 = arith.constant 0 : i32
    %dma_wait3A_519 = arith.constant 0 : i32
    %dma_wait3A_520 = tpu.memref_slice %arg6[%dma_wait3A_513, %dma_wait3A_518, %add3A, %dma_wait3A_519] : memref<32x192x32x128xf32, #tpu.memory_space<hbm>> -> memref<1x192x1x128xf32, #tpu.memory_space<hbm>>
    %dma_wait3A_521 = tpu.memref_squeeze %dma_wait3A_520 : memref<1x192x1x128xf32, #tpu.memory_space<hbm>> -> memref<192x128xf32, #tpu.memory_space<hbm>>
    tpu.wait_dma2 semaphore(%arg17 : memref<!tpu.dma_semaphore, #tpu.memory_space<semaphore_mem>>) src(%arg15 : memref<192x128xf32, #tpu.memory_space<vmem>>) dst(%dma_wait3A_521 : memref<192x128xf32, #tpu.memory_space<hbm>>)
    %while3A_522 = arith.constant 0 : i32
    %while3A_523 = arith.constant 0 : i32
    %while3A_524 = arith.subi %shift_right_arithmetic3A_29, %while3A_523 : i32
    %while3A_525 = arith.addi %while3A_523, %while3A_524 : i32
    %while3A_526 = arith.constant 1 : i32
    %while3A_527 = arith.divsi %while3A_524, %while3A_526 : i32
    %while3A_528 = arith.muli %while3A_527, %while3A_526 : i32
    %while3A_529 = arith.addi %while3A_523, %while3A_528 : i32
    %while3A_530 = arith.constant 1 : i32
    scf.for %while3A_1253 = %while3A_523 to %while3A_529 step %while3A_530  : i32 {
      %mul3A_1254 = arith.constant 16 : i32
      %mul3A_1255 = arith.muli %while3A_1253, %mul3A_1254 : i32
      %get3A = arith.index_cast %mul3A_1255 : i32 to index
      %get3A_1256 = tpu.vector_load %arg11[%get3A] {strides = array<i32>} : memref<8224xi32, #tpu.memory_space<vmem>>, vector<16xi32>,
      %shift_right_logical3A = arith.constant 7 : i32
      %shift_right_logical3A_1257 = vector.broadcast %shift_right_logical3A : i32 to vector<16xi32>
      %shift_right_logical3A_1258 = arith.shrui %get3A_1256, %shift_right_logical3A_1257 : vector<16xi32>
      %and3A = arith.constant 127 : i32
      %and3A_1259 = vector.broadcast %and3A : i32 to vector<16xi32>
      %and3A_1260 = arith.andi %get3A_1256, %and3A_1259 : vector<16xi32>
      tpu.vector_store_idx %arg15[%shift_right_logical3A_1258, %and3A_1260], %broadcast_in_dim3A_1 : memref<192x128xf32, #tpu.memory_space<vmem>>[vector<16xi32>, vector<16xi32>], vector<16xf32>,
    }
    %while3A_531 = arith.constant 1 : i32
    scf.for %while3A_1253 = %while3A_529 to %while3A_525 step %while3A_531  : i32 {
      %mul3A_1254 = arith.constant 16 : i32
      %mul3A_1255 = arith.muli %while3A_1253, %mul3A_1254 : i32
      %get3A = arith.index_cast %mul3A_1255 : i32 to index
      %get3A_1256 = tpu.vector_load %arg11[%get3A] {strides = array<i32>} : memref<8224xi32, #tpu.memory_space<vmem>>, vector<16xi32>,
      %shift_right_logical3A = arith.constant 7 : i32
      %shift_right_logical3A_1257 = vector.broadcast %shift_right_logical3A : i32 to vector<16xi32>
      %shift_right_logical3A_1258 = arith.shrui %get3A_1256, %shift_right_logical3A_1257 : vector<16xi32>
      %and3A = arith.constant 127 : i32
      %and3A_1259 = vector.broadcast %and3A : i32 to vector<16xi32>
      %and3A_1260 = arith.andi %get3A_1256, %and3A_1259 : vector<16xi32>
      tpu.vector_store_idx %arg15[%shift_right_logical3A_1258, %and3A_1260], %broadcast_in_dim3A_1 : memref<192x128xf32, #tpu.memory_space<vmem>>[vector<16xi32>, vector<16xi32>], vector<16xf32>,
    }
    %while3A_532 = arith.constant 0 : i32
    %while3A_533 = arith.constant 0 : i32
    %while3A_534 = arith.subi %shift_right_arithmetic3A_29, %while3A_533 : i32
    %while3A_535 = arith.addi %while3A_533, %while3A_534 : i32
    %while3A_536 = arith.constant 1 : i32
    %while3A_537 = arith.divsi %while3A_534, %while3A_536 : i32
    %while3A_538 = arith.muli %while3A_537, %while3A_536 : i32
    %while3A_539 = arith.addi %while3A_533, %while3A_538 : i32
    %while3A_540 = arith.constant 1 : i32
    scf.for %while3A_1253 = %while3A_533 to %while3A_539 step %while3A_540  : i32 {
      %mul3A_1254 = arith.constant 16 : i32
      %mul3A_1255 = arith.muli %while3A_1253, %mul3A_1254 : i32
      %get3A = arith.index_cast %mul3A_1255 : i32 to index
      %get3A_1256 = tpu.vector_load %arg11[%get3A] {strides = array<i32>} : memref<8224xi32, #tpu.memory_space<vmem>>, vector<16xi32>,
      %shift_right_logical3A = arith.constant 7 : i32
      %shift_right_logical3A_1257 = vector.broadcast %shift_right_logical3A : i32 to vector<16xi32>
      %shift_right_logical3A_1258 = arith.shrui %get3A_1256, %shift_right_logical3A_1257 : vector<16xi32>
      %and3A = arith.constant 127 : i32
      %and3A_1259 = vector.broadcast %and3A : i32 to vector<16xi32>
      %and3A_1260 = arith.andi %get3A_1256, %and3A_1259 : vector<16xi32>
      %mul3A_1261 = arith.constant 16 : i32
      %mul3A_1262 = arith.muli %while3A_1253, %mul3A_1261 : i32
      %get3A_1263 = arith.index_cast %mul3A_1262 : i32 to index
      %get3A_1264 = tpu.vector_load %arg12[%get3A_1263] {strides = array<i32>} : memref<8224xi32, #tpu.memory_space<vmem>>, vector<16xi32>,
      %add3A_1265 = arith.constant 6656 : i32
      %add3A_1266 = vector.broadcast %add3A_1265 : i32 to vector<16xi32>
      %add3A_1267 = arith.addi %get3A_1264, %add3A_1266 : vector<16xi32>
      %gather3A = tpu.vector_load_idx %arg7[%add3A_1267] : memref<16384xf32, #tpu.memory_space<vmem>>[vector<16xi32>], vector<16xf32>,
      %mul3A_1268 = arith.constant 16 : i32
      %mul3A_1269 = arith.muli %while3A_1253, %mul3A_1268 : i32
      %get3A_1270 = arith.index_cast %mul3A_1269 : i32 to index
      %get3A_1271 = tpu.vector_load %arg13[%get3A_1270] {strides = array<i32>} : memref<8224xf32, #tpu.memory_space<vmem>>, vector<16xf32>,
      %mul3A_1272 = arith.mulf %gather3A, %get3A_1271 : vector<16xf32>
      tpu.vector_store_idx %arg15[%shift_right_logical3A_1258, %and3A_1260], %mul3A_1272 {add = true} : memref<192x128xf32, #tpu.memory_space<vmem>>[vector<16xi32>, vector<16xi32>], vector<16xf32>,
    }
    %while3A_541 = arith.constant 1 : i32
    scf.for %while3A_1253 = %while3A_539 to %while3A_535 step %while3A_541  : i32 {
      %mul3A_1254 = arith.constant 16 : i32
      %mul3A_1255 = arith.muli %while3A_1253, %mul3A_1254 : i32
      %get3A = arith.index_cast %mul3A_1255 : i32 to index
      %get3A_1256 = tpu.vector_load %arg11[%get3A] {strides = array<i32>} : memref<8224xi32, #tpu.memory_space<vmem>>, vector<16xi32>,
      %shift_right_logical3A = arith.constant 7 : i32
      %shift_right_logical3A_1257 = vector.broadcast %shift_right_logical3A : i32 to vector<16xi32>
      %shift_right_logical3A_1258 = arith.shrui %get3A_1256, %shift_right_logical3A_1257 : vector<16xi32>
      %and3A = arith.constant 127 : i32
      %and3A_1259 = vector.broadcast %and3A : i32 to vector<16xi32>
      %and3A_1260 = arith.andi %get3A_1256, %and3A_1259 : vector<16xi32>
      %mul3A_1261 = arith.constant 16 : i32
      %mul3A_1262 = arith.muli %while3A_1253, %mul3A_1261 : i32
      %get3A_1263 = arith.index_cast %mul3A_1262 : i32 to index
      %get3A_1264 = tpu.vector_load %arg12[%get3A_1263] {strides = array<i32>} : memref<8224xi32, #tpu.memory_space<vmem>>, vector<16xi32>,
      %add3A_1265 = arith.constant 6656 : i32
      %add3A_1266 = vector.broadcast %add3A_1265 : i32 to vector<16xi32>
      %add3A_1267 = arith.addi %get3A_1264, %add3A_1266 : vector<16xi32>
      %gather3A = tpu.vector_load_idx %arg7[%add3A_1267] : memref<16384xf32, #tpu.memory_space<vmem>>[vector<16xi32>], vector<16xf32>,
      %mul3A_1268 = arith.constant 16 : i32
      %mul3A_1269 = arith.muli %while3A_1253, %mul3A_1268 : i32
      %get3A_1270 = arith.index_cast %mul3A_1269 : i32 to index
      %get3A_1271 = tpu.vector_load %arg13[%get3A_1270] {strides = array<i32>} : memref<8224xf32, #tpu.memory_space<vmem>>, vector<16xf32>,
      %mul3A_1272 = arith.mulf %gather3A, %get3A_1271 : vector<16xf32>
      tpu.vector_store_idx %arg15[%shift_right_logical3A_1258, %and3A_1260], %mul3A_1272 {add = true} : memref<192x128xf32, #tpu.memory_space<vmem>>[vector<16xi32>, vector<16xi32>], vector<16xf32>,
    }
    %dma_start3A_542 = arith.constant 13 : i32
    %dma_start3A_543 = arith.constant 0 : i32
    %dma_start3A_544 = arith.constant 0 : i32
    %dma_start3A_545 = tpu.memref_slice %arg6[%dma_start3A_542, %dma_start3A_543, %add3A, %dma_start3A_544] : memref<32x192x32x128xf32, #tpu.memory_space<hbm>> -> memref<1x192x1x128xf32, #tpu.memory_space<hbm>>
    %dma_start3A_546 = tpu.memref_squeeze %dma_start3A_545 : memref<1x192x1x128xf32, #tpu.memory_space<hbm>> -> memref<192x128xf32, #tpu.memory_space<hbm>>
    %dma_start3A_547 = arith.constant 0 : i32
    %dma_start3A_548 = arith.constant 0 : i32
    %dma_start3A_549 = tpu.memref_slice %arg6[%dma_start3A_542, %dma_start3A_547, %add3A, %dma_start3A_548] : memref<32x192x32x128xf32, #tpu.memory_space<hbm>> -> memref<1x192x1x128xf32, #tpu.memory_space<hbm>>
    %dma_start3A_550 = tpu.memref_squeeze %dma_start3A_549 : memref<1x192x1x128xf32, #tpu.memory_space<hbm>> -> memref<192x128xf32, #tpu.memory_space<hbm>>
    tpu.enqueue_dma source(%arg15 : memref<192x128xf32, #tpu.memory_space<vmem>>) target(%dma_start3A_550 : memref<192x128xf32, #tpu.memory_space<hbm>>) target_semaphore(%arg17 : memref<!tpu.dma_semaphore, #tpu.memory_space<semaphore_mem>>)
    %dma_wait3A_551 = arith.constant 12 : i32
    %dma_wait3A_552 = arith.constant 0 : i32
    %dma_wait3A_553 = arith.constant 0 : i32
    %dma_wait3A_554 = tpu.memref_slice %arg6[%dma_wait3A_551, %dma_wait3A_552, %add3A, %dma_wait3A_553] : memref<32x192x32x128xf32, #tpu.memory_space<hbm>> -> memref<1x192x1x128xf32, #tpu.memory_space<hbm>>
    %dma_wait3A_555 = tpu.memref_squeeze %dma_wait3A_554 : memref<1x192x1x128xf32, #tpu.memory_space<hbm>> -> memref<192x128xf32, #tpu.memory_space<hbm>>
    %dma_wait3A_556 = arith.constant 0 : i32
    %dma_wait3A_557 = arith.constant 0 : i32
    %dma_wait3A_558 = tpu.memref_slice %arg6[%dma_wait3A_551, %dma_wait3A_556, %add3A, %dma_wait3A_557] : memref<32x192x32x128xf32, #tpu.memory_space<hbm>> -> memref<1x192x1x128xf32, #tpu.memory_space<hbm>>
    %dma_wait3A_559 = tpu.memref_squeeze %dma_wait3A_558 : memref<1x192x1x128xf32, #tpu.memory_space<hbm>> -> memref<192x128xf32, #tpu.memory_space<hbm>>
    tpu.wait_dma2 semaphore(%arg16 : memref<!tpu.dma_semaphore, #tpu.memory_space<semaphore_mem>>) src(%arg14 : memref<192x128xf32, #tpu.memory_space<vmem>>) dst(%dma_wait3A_559 : memref<192x128xf32, #tpu.memory_space<hbm>>)
    %while3A_560 = arith.constant 0 : i32
    %while3A_561 = arith.constant 0 : i32
    %while3A_562 = arith.subi %shift_right_arithmetic3A_29, %while3A_561 : i32
    %while3A_563 = arith.addi %while3A_561, %while3A_562 : i32
    %while3A_564 = arith.constant 1 : i32
    %while3A_565 = arith.divsi %while3A_562, %while3A_564 : i32
    %while3A_566 = arith.muli %while3A_565, %while3A_564 : i32
    %while3A_567 = arith.addi %while3A_561, %while3A_566 : i32
    %while3A_568 = arith.constant 1 : i32
    scf.for %while3A_1253 = %while3A_561 to %while3A_567 step %while3A_568  : i32 {
      %mul3A_1254 = arith.constant 16 : i32
      %mul3A_1255 = arith.muli %while3A_1253, %mul3A_1254 : i32
      %get3A = arith.index_cast %mul3A_1255 : i32 to index
      %get3A_1256 = tpu.vector_load %arg11[%get3A] {strides = array<i32>} : memref<8224xi32, #tpu.memory_space<vmem>>, vector<16xi32>,
      %shift_right_logical3A = arith.constant 7 : i32
      %shift_right_logical3A_1257 = vector.broadcast %shift_right_logical3A : i32 to vector<16xi32>
      %shift_right_logical3A_1258 = arith.shrui %get3A_1256, %shift_right_logical3A_1257 : vector<16xi32>
      %and3A = arith.constant 127 : i32
      %and3A_1259 = vector.broadcast %and3A : i32 to vector<16xi32>
      %and3A_1260 = arith.andi %get3A_1256, %and3A_1259 : vector<16xi32>
      tpu.vector_store_idx %arg14[%shift_right_logical3A_1258, %and3A_1260], %broadcast_in_dim3A_1 : memref<192x128xf32, #tpu.memory_space<vmem>>[vector<16xi32>, vector<16xi32>], vector<16xf32>,
    }
    %while3A_569 = arith.constant 1 : i32
    scf.for %while3A_1253 = %while3A_567 to %while3A_563 step %while3A_569  : i32 {
      %mul3A_1254 = arith.constant 16 : i32
      %mul3A_1255 = arith.muli %while3A_1253, %mul3A_1254 : i32
      %get3A = arith.index_cast %mul3A_1255 : i32 to index
      %get3A_1256 = tpu.vector_load %arg11[%get3A] {strides = array<i32>} : memref<8224xi32, #tpu.memory_space<vmem>>, vector<16xi32>,
      %shift_right_logical3A = arith.constant 7 : i32
      %shift_right_logical3A_1257 = vector.broadcast %shift_right_logical3A : i32 to vector<16xi32>
      %shift_right_logical3A_1258 = arith.shrui %get3A_1256, %shift_right_logical3A_1257 : vector<16xi32>
      %and3A = arith.constant 127 : i32
      %and3A_1259 = vector.broadcast %and3A : i32 to vector<16xi32>
      %and3A_1260 = arith.andi %get3A_1256, %and3A_1259 : vector<16xi32>
      tpu.vector_store_idx %arg14[%shift_right_logical3A_1258, %and3A_1260], %broadcast_in_dim3A_1 : memref<192x128xf32, #tpu.memory_space<vmem>>[vector<16xi32>, vector<16xi32>], vector<16xf32>,
    }
    %while3A_570 = arith.constant 0 : i32
    %while3A_571 = arith.constant 0 : i32
    %while3A_572 = arith.subi %shift_right_arithmetic3A_29, %while3A_571 : i32
    %while3A_573 = arith.addi %while3A_571, %while3A_572 : i32
    %while3A_574 = arith.constant 1 : i32
    %while3A_575 = arith.divsi %while3A_572, %while3A_574 : i32
    %while3A_576 = arith.muli %while3A_575, %while3A_574 : i32
    %while3A_577 = arith.addi %while3A_571, %while3A_576 : i32
    %while3A_578 = arith.constant 1 : i32
    scf.for %while3A_1253 = %while3A_571 to %while3A_577 step %while3A_578  : i32 {
      %mul3A_1254 = arith.constant 16 : i32
      %mul3A_1255 = arith.muli %while3A_1253, %mul3A_1254 : i32
      %get3A = arith.index_cast %mul3A_1255 : i32 to index
      %get3A_1256 = tpu.vector_load %arg11[%get3A] {strides = array<i32>} : memref<8224xi32, #tpu.memory_space<vmem>>, vector<16xi32>,
      %shift_right_logical3A = arith.constant 7 : i32
      %shift_right_logical3A_1257 = vector.broadcast %shift_right_logical3A : i32 to vector<16xi32>
      %shift_right_logical3A_1258 = arith.shrui %get3A_1256, %shift_right_logical3A_1257 : vector<16xi32>
      %and3A = arith.constant 127 : i32
      %and3A_1259 = vector.broadcast %and3A : i32 to vector<16xi32>
      %and3A_1260 = arith.andi %get3A_1256, %and3A_1259 : vector<16xi32>
      %mul3A_1261 = arith.constant 16 : i32
      %mul3A_1262 = arith.muli %while3A_1253, %mul3A_1261 : i32
      %get3A_1263 = arith.index_cast %mul3A_1262 : i32 to index
      %get3A_1264 = tpu.vector_load %arg12[%get3A_1263] {strides = array<i32>} : memref<8224xi32, #tpu.memory_space<vmem>>, vector<16xi32>,
      %add3A_1265 = arith.constant 7168 : i32
      %add3A_1266 = vector.broadcast %add3A_1265 : i32 to vector<16xi32>
      %add3A_1267 = arith.addi %get3A_1264, %add3A_1266 : vector<16xi32>
      %gather3A = tpu.vector_load_idx %arg7[%add3A_1267] : memref<16384xf32, #tpu.memory_space<vmem>>[vector<16xi32>], vector<16xf32>,
      %mul3A_1268 = arith.constant 16 : i32
      %mul3A_1269 = arith.muli %while3A_1253, %mul3A_1268 : i32
      %get3A_1270 = arith.index_cast %mul3A_1269 : i32 to index
      %get3A_1271 = tpu.vector_load %arg13[%get3A_1270] {strides = array<i32>} : memref<8224xf32, #tpu.memory_space<vmem>>, vector<16xf32>,
      %mul3A_1272 = arith.mulf %gather3A, %get3A_1271 : vector<16xf32>
      tpu.vector_store_idx %arg14[%shift_right_logical3A_1258, %and3A_1260], %mul3A_1272 {add = true} : memref<192x128xf32, #tpu.memory_space<vmem>>[vector<16xi32>, vector<16xi32>], vector<16xf32>,
    }
    %while3A_579 = arith.constant 1 : i32
    scf.for %while3A_1253 = %while3A_577 to %while3A_573 step %while3A_579  : i32 {
      %mul3A_1254 = arith.constant 16 : i32
      %mul3A_1255 = arith.muli %while3A_1253, %mul3A_1254 : i32
      %get3A = arith.index_cast %mul3A_1255 : i32 to index
      %get3A_1256 = tpu.vector_load %arg11[%get3A] {strides = array<i32>} : memref<8224xi32, #tpu.memory_space<vmem>>, vector<16xi32>,
      %shift_right_logical3A = arith.constant 7 : i32
      %shift_right_logical3A_1257 = vector.broadcast %shift_right_logical3A : i32 to vector<16xi32>
      %shift_right_logical3A_1258 = arith.shrui %get3A_1256, %shift_right_logical3A_1257 : vector<16xi32>
      %and3A = arith.constant 127 : i32
      %and3A_1259 = vector.broadcast %and3A : i32 to vector<16xi32>
      %and3A_1260 = arith.andi %get3A_1256, %and3A_1259 : vector<16xi32>
      %mul3A_1261 = arith.constant 16 : i32
      %mul3A_1262 = arith.muli %while3A_1253, %mul3A_1261 : i32
      %get3A_1263 = arith.index_cast %mul3A_1262 : i32 to index
      %get3A_1264 = tpu.vector_load %arg12[%get3A_1263] {strides = array<i32>} : memref<8224xi32, #tpu.memory_space<vmem>>, vector<16xi32>,
      %add3A_1265 = arith.constant 7168 : i32
      %add3A_1266 = vector.broadcast %add3A_1265 : i32 to vector<16xi32>
      %add3A_1267 = arith.addi %get3A_1264, %add3A_1266 : vector<16xi32>
      %gather3A = tpu.vector_load_idx %arg7[%add3A_1267] : memref<16384xf32, #tpu.memory_space<vmem>>[vector<16xi32>], vector<16xf32>,
      %mul3A_1268 = arith.constant 16 : i32
      %mul3A_1269 = arith.muli %while3A_1253, %mul3A_1268 : i32
      %get3A_1270 = arith.index_cast %mul3A_1269 : i32 to index
      %get3A_1271 = tpu.vector_load %arg13[%get3A_1270] {strides = array<i32>} : memref<8224xf32, #tpu.memory_space<vmem>>, vector<16xf32>,
      %mul3A_1272 = arith.mulf %gather3A, %get3A_1271 : vector<16xf32>
      tpu.vector_store_idx %arg14[%shift_right_logical3A_1258, %and3A_1260], %mul3A_1272 {add = true} : memref<192x128xf32, #tpu.memory_space<vmem>>[vector<16xi32>, vector<16xi32>], vector<16xf32>,
    }
    %dma_start3A_580 = arith.constant 14 : i32
    %dma_start3A_581 = arith.constant 0 : i32
    %dma_start3A_582 = arith.constant 0 : i32
    %dma_start3A_583 = tpu.memref_slice %arg6[%dma_start3A_580, %dma_start3A_581, %add3A, %dma_start3A_582] : memref<32x192x32x128xf32, #tpu.memory_space<hbm>> -> memref<1x192x1x128xf32, #tpu.memory_space<hbm>>
    %dma_start3A_584 = tpu.memref_squeeze %dma_start3A_583 : memref<1x192x1x128xf32, #tpu.memory_space<hbm>> -> memref<192x128xf32, #tpu.memory_space<hbm>>
    %dma_start3A_585 = arith.constant 0 : i32
    %dma_start3A_586 = arith.constant 0 : i32
    %dma_start3A_587 = tpu.memref_slice %arg6[%dma_start3A_580, %dma_start3A_585, %add3A, %dma_start3A_586] : memref<32x192x32x128xf32, #tpu.memory_space<hbm>> -> memref<1x192x1x128xf32, #tpu.memory_space<hbm>>
    %dma_start3A_588 = tpu.memref_squeeze %dma_start3A_587 : memref<1x192x1x128xf32, #tpu.memory_space<hbm>> -> memref<192x128xf32, #tpu.memory_space<hbm>>
    tpu.enqueue_dma source(%arg14 : memref<192x128xf32, #tpu.memory_space<vmem>>) target(%dma_start3A_588 : memref<192x128xf32, #tpu.memory_space<hbm>>) target_semaphore(%arg16 : memref<!tpu.dma_semaphore, #tpu.memory_space<semaphore_mem>>)
    %dma_wait3A_589 = arith.constant 13 : i32
    %dma_wait3A_590 = arith.constant 0 : i32
    %dma_wait3A_591 = arith.constant 0 : i32
    %dma_wait3A_592 = tpu.memref_slice %arg6[%dma_wait3A_589, %dma_wait3A_590, %add3A, %dma_wait3A_591] : memref<32x192x32x128xf32, #tpu.memory_space<hbm>> -> memref<1x192x1x128xf32, #tpu.memory_space<hbm>>
    %dma_wait3A_593 = tpu.memref_squeeze %dma_wait3A_592 : memref<1x192x1x128xf32, #tpu.memory_space<hbm>> -> memref<192x128xf32, #tpu.memory_space<hbm>>
    %dma_wait3A_594 = arith.constant 0 : i32
    %dma_wait3A_595 = arith.constant 0 : i32
    %dma_wait3A_596 = tpu.memref_slice %arg6[%dma_wait3A_589, %dma_wait3A_594, %add3A, %dma_wait3A_595] : memref<32x192x32x128xf32, #tpu.memory_space<hbm>> -> memref<1x192x1x128xf32, #tpu.memory_space<hbm>>
    %dma_wait3A_597 = tpu.memref_squeeze %dma_wait3A_596 : memref<1x192x1x128xf32, #tpu.memory_space<hbm>> -> memref<192x128xf32, #tpu.memory_space<hbm>>
    tpu.wait_dma2 semaphore(%arg17 : memref<!tpu.dma_semaphore, #tpu.memory_space<semaphore_mem>>) src(%arg15 : memref<192x128xf32, #tpu.memory_space<vmem>>) dst(%dma_wait3A_597 : memref<192x128xf32, #tpu.memory_space<hbm>>)
    %while3A_598 = arith.constant 0 : i32
    %while3A_599 = arith.constant 0 : i32
    %while3A_600 = arith.subi %shift_right_arithmetic3A_29, %while3A_599 : i32
    %while3A_601 = arith.addi %while3A_599, %while3A_600 : i32
    %while3A_602 = arith.constant 1 : i32
    %while3A_603 = arith.divsi %while3A_600, %while3A_602 : i32
    %while3A_604 = arith.muli %while3A_603, %while3A_602 : i32
    %while3A_605 = arith.addi %while3A_599, %while3A_604 : i32
    %while3A_606 = arith.constant 1 : i32
    scf.for %while3A_1253 = %while3A_599 to %while3A_605 step %while3A_606  : i32 {
      %mul3A_1254 = arith.constant 16 : i32
      %mul3A_1255 = arith.muli %while3A_1253, %mul3A_1254 : i32
      %get3A = arith.index_cast %mul3A_1255 : i32 to index
      %get3A_1256 = tpu.vector_load %arg11[%get3A] {strides = array<i32>} : memref<8224xi32, #tpu.memory_space<vmem>>, vector<16xi32>,
      %shift_right_logical3A = arith.constant 7 : i32
      %shift_right_logical3A_1257 = vector.broadcast %shift_right_logical3A : i32 to vector<16xi32>
      %shift_right_logical3A_1258 = arith.shrui %get3A_1256, %shift_right_logical3A_1257 : vector<16xi32>
      %and3A = arith.constant 127 : i32
      %and3A_1259 = vector.broadcast %and3A : i32 to vector<16xi32>
      %and3A_1260 = arith.andi %get3A_1256, %and3A_1259 : vector<16xi32>
      tpu.vector_store_idx %arg15[%shift_right_logical3A_1258, %and3A_1260], %broadcast_in_dim3A_1 : memref<192x128xf32, #tpu.memory_space<vmem>>[vector<16xi32>, vector<16xi32>], vector<16xf32>,
    }
    %while3A_607 = arith.constant 1 : i32
    scf.for %while3A_1253 = %while3A_605 to %while3A_601 step %while3A_607  : i32 {
      %mul3A_1254 = arith.constant 16 : i32
      %mul3A_1255 = arith.muli %while3A_1253, %mul3A_1254 : i32
      %get3A = arith.index_cast %mul3A_1255 : i32 to index
      %get3A_1256 = tpu.vector_load %arg11[%get3A] {strides = array<i32>} : memref<8224xi32, #tpu.memory_space<vmem>>, vector<16xi32>,
      %shift_right_logical3A = arith.constant 7 : i32
      %shift_right_logical3A_1257 = vector.broadcast %shift_right_logical3A : i32 to vector<16xi32>
      %shift_right_logical3A_1258 = arith.shrui %get3A_1256, %shift_right_logical3A_1257 : vector<16xi32>
      %and3A = arith.constant 127 : i32
      %and3A_1259 = vector.broadcast %and3A : i32 to vector<16xi32>
      %and3A_1260 = arith.andi %get3A_1256, %and3A_1259 : vector<16xi32>
      tpu.vector_store_idx %arg15[%shift_right_logical3A_1258, %and3A_1260], %broadcast_in_dim3A_1 : memref<192x128xf32, #tpu.memory_space<vmem>>[vector<16xi32>, vector<16xi32>], vector<16xf32>,
    }
    %while3A_608 = arith.constant 0 : i32
    %while3A_609 = arith.constant 0 : i32
    %while3A_610 = arith.subi %shift_right_arithmetic3A_29, %while3A_609 : i32
    %while3A_611 = arith.addi %while3A_609, %while3A_610 : i32
    %while3A_612 = arith.constant 1 : i32
    %while3A_613 = arith.divsi %while3A_610, %while3A_612 : i32
    %while3A_614 = arith.muli %while3A_613, %while3A_612 : i32
    %while3A_615 = arith.addi %while3A_609, %while3A_614 : i32
    %while3A_616 = arith.constant 1 : i32
    scf.for %while3A_1253 = %while3A_609 to %while3A_615 step %while3A_616  : i32 {
      %mul3A_1254 = arith.constant 16 : i32
      %mul3A_1255 = arith.muli %while3A_1253, %mul3A_1254 : i32
      %get3A = arith.index_cast %mul3A_1255 : i32 to index
      %get3A_1256 = tpu.vector_load %arg11[%get3A] {strides = array<i32>} : memref<8224xi32, #tpu.memory_space<vmem>>, vector<16xi32>,
      %shift_right_logical3A = arith.constant 7 : i32
      %shift_right_logical3A_1257 = vector.broadcast %shift_right_logical3A : i32 to vector<16xi32>
      %shift_right_logical3A_1258 = arith.shrui %get3A_1256, %shift_right_logical3A_1257 : vector<16xi32>
      %and3A = arith.constant 127 : i32
      %and3A_1259 = vector.broadcast %and3A : i32 to vector<16xi32>
      %and3A_1260 = arith.andi %get3A_1256, %and3A_1259 : vector<16xi32>
      %mul3A_1261 = arith.constant 16 : i32
      %mul3A_1262 = arith.muli %while3A_1253, %mul3A_1261 : i32
      %get3A_1263 = arith.index_cast %mul3A_1262 : i32 to index
      %get3A_1264 = tpu.vector_load %arg12[%get3A_1263] {strides = array<i32>} : memref<8224xi32, #tpu.memory_space<vmem>>, vector<16xi32>,
      %add3A_1265 = arith.constant 7680 : i32
      %add3A_1266 = vector.broadcast %add3A_1265 : i32 to vector<16xi32>
      %add3A_1267 = arith.addi %get3A_1264, %add3A_1266 : vector<16xi32>
      %gather3A = tpu.vector_load_idx %arg7[%add3A_1267] : memref<16384xf32, #tpu.memory_space<vmem>>[vector<16xi32>], vector<16xf32>,
      %mul3A_1268 = arith.constant 16 : i32
      %mul3A_1269 = arith.muli %while3A_1253, %mul3A_1268 : i32
      %get3A_1270 = arith.index_cast %mul3A_1269 : i32 to index
      %get3A_1271 = tpu.vector_load %arg13[%get3A_1270] {strides = array<i32>} : memref<8224xf32, #tpu.memory_space<vmem>>, vector<16xf32>,
      %mul3A_1272 = arith.mulf %gather3A, %get3A_1271 : vector<16xf32>
      tpu.vector_store_idx %arg15[%shift_right_logical3A_1258, %and3A_1260], %mul3A_1272 {add = true} : memref<192x128xf32, #tpu.memory_space<vmem>>[vector<16xi32>, vector<16xi32>], vector<16xf32>,
    }
    %while3A_617 = arith.constant 1 : i32
    scf.for %while3A_1253 = %while3A_615 to %while3A_611 step %while3A_617  : i32 {
      %mul3A_1254 = arith.constant 16 : i32
      %mul3A_1255 = arith.muli %while3A_1253, %mul3A_1254 : i32
      %get3A = arith.index_cast %mul3A_1255 : i32 to index
      %get3A_1256 = tpu.vector_load %arg11[%get3A] {strides = array<i32>} : memref<8224xi32, #tpu.memory_space<vmem>>, vector<16xi32>,
      %shift_right_logical3A = arith.constant 7 : i32
      %shift_right_logical3A_1257 = vector.broadcast %shift_right_logical3A : i32 to vector<16xi32>
      %shift_right_logical3A_1258 = arith.shrui %get3A_1256, %shift_right_logical3A_1257 : vector<16xi32>
      %and3A = arith.constant 127 : i32
      %and3A_1259 = vector.broadcast %and3A : i32 to vector<16xi32>
      %and3A_1260 = arith.andi %get3A_1256, %and3A_1259 : vector<16xi32>
      %mul3A_1261 = arith.constant 16 : i32
      %mul3A_1262 = arith.muli %while3A_1253, %mul3A_1261 : i32
      %get3A_1263 = arith.index_cast %mul3A_1262 : i32 to index
      %get3A_1264 = tpu.vector_load %arg12[%get3A_1263] {strides = array<i32>} : memref<8224xi32, #tpu.memory_space<vmem>>, vector<16xi32>,
      %add3A_1265 = arith.constant 7680 : i32
      %add3A_1266 = vector.broadcast %add3A_1265 : i32 to vector<16xi32>
      %add3A_1267 = arith.addi %get3A_1264, %add3A_1266 : vector<16xi32>
      %gather3A = tpu.vector_load_idx %arg7[%add3A_1267] : memref<16384xf32, #tpu.memory_space<vmem>>[vector<16xi32>], vector<16xf32>,
      %mul3A_1268 = arith.constant 16 : i32
      %mul3A_1269 = arith.muli %while3A_1253, %mul3A_1268 : i32
      %get3A_1270 = arith.index_cast %mul3A_1269 : i32 to index
      %get3A_1271 = tpu.vector_load %arg13[%get3A_1270] {strides = array<i32>} : memref<8224xf32, #tpu.memory_space<vmem>>, vector<16xf32>,
      %mul3A_1272 = arith.mulf %gather3A, %get3A_1271 : vector<16xf32>
      tpu.vector_store_idx %arg15[%shift_right_logical3A_1258, %and3A_1260], %mul3A_1272 {add = true} : memref<192x128xf32, #tpu.memory_space<vmem>>[vector<16xi32>, vector<16xi32>], vector<16xf32>,
    }
    %dma_start3A_618 = arith.constant 15 : i32
    %dma_start3A_619 = arith.constant 0 : i32
    %dma_start3A_620 = arith.constant 0 : i32
    %dma_start3A_621 = tpu.memref_slice %arg6[%dma_start3A_618, %dma_start3A_619, %add3A, %dma_start3A_620] : memref<32x192x32x128xf32, #tpu.memory_space<hbm>> -> memref<1x192x1x128xf32, #tpu.memory_space<hbm>>
    %dma_start3A_622 = tpu.memref_squeeze %dma_start3A_621 : memref<1x192x1x128xf32, #tpu.memory_space<hbm>> -> memref<192x128xf32, #tpu.memory_space<hbm>>
    %dma_start3A_623 = arith.constant 0 : i32
    %dma_start3A_624 = arith.constant 0 : i32
    %dma_start3A_625 = tpu.memref_slice %arg6[%dma_start3A_618, %dma_start3A_623, %add3A, %dma_start3A_624] : memref<32x192x32x128xf32, #tpu.memory_space<hbm>> -> memref<1x192x1x128xf32, #tpu.memory_space<hbm>>
    %dma_start3A_626 = tpu.memref_squeeze %dma_start3A_625 : memref<1x192x1x128xf32, #tpu.memory_space<hbm>> -> memref<192x128xf32, #tpu.memory_space<hbm>>
    tpu.enqueue_dma source(%arg15 : memref<192x128xf32, #tpu.memory_space<vmem>>) target(%dma_start3A_626 : memref<192x128xf32, #tpu.memory_space<hbm>>) target_semaphore(%arg17 : memref<!tpu.dma_semaphore, #tpu.memory_space<semaphore_mem>>)
    %dma_wait3A_627 = arith.constant 14 : i32
    %dma_wait3A_628 = arith.constant 0 : i32
    %dma_wait3A_629 = arith.constant 0 : i32
    %dma_wait3A_630 = tpu.memref_slice %arg6[%dma_wait3A_627, %dma_wait3A_628, %add3A, %dma_wait3A_629] : memref<32x192x32x128xf32, #tpu.memory_space<hbm>> -> memref<1x192x1x128xf32, #tpu.memory_space<hbm>>
    %dma_wait3A_631 = tpu.memref_squeeze %dma_wait3A_630 : memref<1x192x1x128xf32, #tpu.memory_space<hbm>> -> memref<192x128xf32, #tpu.memory_space<hbm>>
    %dma_wait3A_632 = arith.constant 0 : i32
    %dma_wait3A_633 = arith.constant 0 : i32
    %dma_wait3A_634 = tpu.memref_slice %arg6[%dma_wait3A_627, %dma_wait3A_632, %add3A, %dma_wait3A_633] : memref<32x192x32x128xf32, #tpu.memory_space<hbm>> -> memref<1x192x1x128xf32, #tpu.memory_space<hbm>>
    %dma_wait3A_635 = tpu.memref_squeeze %dma_wait3A_634 : memref<1x192x1x128xf32, #tpu.memory_space<hbm>> -> memref<192x128xf32, #tpu.memory_space<hbm>>
    tpu.wait_dma2 semaphore(%arg16 : memref<!tpu.dma_semaphore, #tpu.memory_space<semaphore_mem>>) src(%arg14 : memref<192x128xf32, #tpu.memory_space<vmem>>) dst(%dma_wait3A_635 : memref<192x128xf32, #tpu.memory_space<hbm>>)
    %while3A_636 = arith.constant 0 : i32
    %while3A_637 = arith.constant 0 : i32
    %while3A_638 = arith.subi %shift_right_arithmetic3A_29, %while3A_637 : i32
    %while3A_639 = arith.addi %while3A_637, %while3A_638 : i32
    %while3A_640 = arith.constant 1 : i32
    %while3A_641 = arith.divsi %while3A_638, %while3A_640 : i32
    %while3A_642 = arith.muli %while3A_641, %while3A_640 : i32
    %while3A_643 = arith.addi %while3A_637, %while3A_642 : i32
    %while3A_644 = arith.constant 1 : i32
    scf.for %while3A_1253 = %while3A_637 to %while3A_643 step %while3A_644  : i32 {
      %mul3A_1254 = arith.constant 16 : i32
      %mul3A_1255 = arith.muli %while3A_1253, %mul3A_1254 : i32
      %get3A = arith.index_cast %mul3A_1255 : i32 to index
      %get3A_1256 = tpu.vector_load %arg11[%get3A] {strides = array<i32>} : memref<8224xi32, #tpu.memory_space<vmem>>, vector<16xi32>,
      %shift_right_logical3A = arith.constant 7 : i32
      %shift_right_logical3A_1257 = vector.broadcast %shift_right_logical3A : i32 to vector<16xi32>
      %shift_right_logical3A_1258 = arith.shrui %get3A_1256, %shift_right_logical3A_1257 : vector<16xi32>
      %and3A = arith.constant 127 : i32
      %and3A_1259 = vector.broadcast %and3A : i32 to vector<16xi32>
      %and3A_1260 = arith.andi %get3A_1256, %and3A_1259 : vector<16xi32>
      tpu.vector_store_idx %arg14[%shift_right_logical3A_1258, %and3A_1260], %broadcast_in_dim3A_1 : memref<192x128xf32, #tpu.memory_space<vmem>>[vector<16xi32>, vector<16xi32>], vector<16xf32>,
    }
    %while3A_645 = arith.constant 1 : i32
    scf.for %while3A_1253 = %while3A_643 to %while3A_639 step %while3A_645  : i32 {
      %mul3A_1254 = arith.constant 16 : i32
      %mul3A_1255 = arith.muli %while3A_1253, %mul3A_1254 : i32
      %get3A = arith.index_cast %mul3A_1255 : i32 to index
      %get3A_1256 = tpu.vector_load %arg11[%get3A] {strides = array<i32>} : memref<8224xi32, #tpu.memory_space<vmem>>, vector<16xi32>,
      %shift_right_logical3A = arith.constant 7 : i32
      %shift_right_logical3A_1257 = vector.broadcast %shift_right_logical3A : i32 to vector<16xi32>
      %shift_right_logical3A_1258 = arith.shrui %get3A_1256, %shift_right_logical3A_1257 : vector<16xi32>
      %and3A = arith.constant 127 : i32
      %and3A_1259 = vector.broadcast %and3A : i32 to vector<16xi32>
      %and3A_1260 = arith.andi %get3A_1256, %and3A_1259 : vector<16xi32>
      tpu.vector_store_idx %arg14[%shift_right_logical3A_1258, %and3A_1260], %broadcast_in_dim3A_1 : memref<192x128xf32, #tpu.memory_space<vmem>>[vector<16xi32>, vector<16xi32>], vector<16xf32>,
    }
    %while3A_646 = arith.constant 0 : i32
    %while3A_647 = arith.constant 0 : i32
    %while3A_648 = arith.subi %shift_right_arithmetic3A_29, %while3A_647 : i32
    %while3A_649 = arith.addi %while3A_647, %while3A_648 : i32
    %while3A_650 = arith.constant 1 : i32
    %while3A_651 = arith.divsi %while3A_648, %while3A_650 : i32
    %while3A_652 = arith.muli %while3A_651, %while3A_650 : i32
    %while3A_653 = arith.addi %while3A_647, %while3A_652 : i32
    %while3A_654 = arith.constant 1 : i32
    scf.for %while3A_1253 = %while3A_647 to %while3A_653 step %while3A_654  : i32 {
      %mul3A_1254 = arith.constant 16 : i32
      %mul3A_1255 = arith.muli %while3A_1253, %mul3A_1254 : i32
      %get3A = arith.index_cast %mul3A_1255 : i32 to index
      %get3A_1256 = tpu.vector_load %arg11[%get3A] {strides = array<i32>} : memref<8224xi32, #tpu.memory_space<vmem>>, vector<16xi32>,
      %shift_right_logical3A = arith.constant 7 : i32
      %shift_right_logical3A_1257 = vector.broadcast %shift_right_logical3A : i32 to vector<16xi32>
      %shift_right_logical3A_1258 = arith.shrui %get3A_1256, %shift_right_logical3A_1257 : vector<16xi32>
      %and3A = arith.constant 127 : i32
      %and3A_1259 = vector.broadcast %and3A : i32 to vector<16xi32>
      %and3A_1260 = arith.andi %get3A_1256, %and3A_1259 : vector<16xi32>
      %mul3A_1261 = arith.constant 16 : i32
      %mul3A_1262 = arith.muli %while3A_1253, %mul3A_1261 : i32
      %get3A_1263 = arith.index_cast %mul3A_1262 : i32 to index
      %get3A_1264 = tpu.vector_load %arg12[%get3A_1263] {strides = array<i32>} : memref<8224xi32, #tpu.memory_space<vmem>>, vector<16xi32>,
      %add3A_1265 = arith.constant 8192 : i32
      %add3A_1266 = vector.broadcast %add3A_1265 : i32 to vector<16xi32>
      %add3A_1267 = arith.addi %get3A_1264, %add3A_1266 : vector<16xi32>
      %gather3A = tpu.vector_load_idx %arg7[%add3A_1267] : memref<16384xf32, #tpu.memory_space<vmem>>[vector<16xi32>], vector<16xf32>,
      %mul3A_1268 = arith.constant 16 : i32
      %mul3A_1269 = arith.muli %while3A_1253, %mul3A_1268 : i32
      %get3A_1270 = arith.index_cast %mul3A_1269 : i32 to index
      %get3A_1271 = tpu.vector_load %arg13[%get3A_1270] {strides = array<i32>} : memref<8224xf32, #tpu.memory_space<vmem>>, vector<16xf32>,
      %mul3A_1272 = arith.mulf %gather3A, %get3A_1271 : vector<16xf32>
      tpu.vector_store_idx %arg14[%shift_right_logical3A_1258, %and3A_1260], %mul3A_1272 {add = true} : memref<192x128xf32, #tpu.memory_space<vmem>>[vector<16xi32>, vector<16xi32>], vector<16xf32>,
    }
    %while3A_655 = arith.constant 1 : i32
    scf.for %while3A_1253 = %while3A_653 to %while3A_649 step %while3A_655  : i32 {
      %mul3A_1254 = arith.constant 16 : i32
      %mul3A_1255 = arith.muli %while3A_1253, %mul3A_1254 : i32
      %get3A = arith.index_cast %mul3A_1255 : i32 to index
      %get3A_1256 = tpu.vector_load %arg11[%get3A] {strides = array<i32>} : memref<8224xi32, #tpu.memory_space<vmem>>, vector<16xi32>,
      %shift_right_logical3A = arith.constant 7 : i32
      %shift_right_logical3A_1257 = vector.broadcast %shift_right_logical3A : i32 to vector<16xi32>
      %shift_right_logical3A_1258 = arith.shrui %get3A_1256, %shift_right_logical3A_1257 : vector<16xi32>
      %and3A = arith.constant 127 : i32
      %and3A_1259 = vector.broadcast %and3A : i32 to vector<16xi32>
      %and3A_1260 = arith.andi %get3A_1256, %and3A_1259 : vector<16xi32>
      %mul3A_1261 = arith.constant 16 : i32
      %mul3A_1262 = arith.muli %while3A_1253, %mul3A_1261 : i32
      %get3A_1263 = arith.index_cast %mul3A_1262 : i32 to index
      %get3A_1264 = tpu.vector_load %arg12[%get3A_1263] {strides = array<i32>} : memref<8224xi32, #tpu.memory_space<vmem>>, vector<16xi32>,
      %add3A_1265 = arith.constant 8192 : i32
      %add3A_1266 = vector.broadcast %add3A_1265 : i32 to vector<16xi32>
      %add3A_1267 = arith.addi %get3A_1264, %add3A_1266 : vector<16xi32>
      %gather3A = tpu.vector_load_idx %arg7[%add3A_1267] : memref<16384xf32, #tpu.memory_space<vmem>>[vector<16xi32>], vector<16xf32>,
      %mul3A_1268 = arith.constant 16 : i32
      %mul3A_1269 = arith.muli %while3A_1253, %mul3A_1268 : i32
      %get3A_1270 = arith.index_cast %mul3A_1269 : i32 to index
      %get3A_1271 = tpu.vector_load %arg13[%get3A_1270] {strides = array<i32>} : memref<8224xf32, #tpu.memory_space<vmem>>, vector<16xf32>,
      %mul3A_1272 = arith.mulf %gather3A, %get3A_1271 : vector<16xf32>
      tpu.vector_store_idx %arg14[%shift_right_logical3A_1258, %and3A_1260], %mul3A_1272 {add = true} : memref<192x128xf32, #tpu.memory_space<vmem>>[vector<16xi32>, vector<16xi32>], vector<16xf32>,
    }
    %dma_start3A_656 = arith.constant 16 : i32
    %dma_start3A_657 = arith.constant 0 : i32
    %dma_start3A_658 = arith.constant 0 : i32
    %dma_start3A_659 = tpu.memref_slice %arg6[%dma_start3A_656, %dma_start3A_657, %add3A, %dma_start3A_658] : memref<32x192x32x128xf32, #tpu.memory_space<hbm>> -> memref<1x192x1x128xf32, #tpu.memory_space<hbm>>
    %dma_start3A_660 = tpu.memref_squeeze %dma_start3A_659 : memref<1x192x1x128xf32, #tpu.memory_space<hbm>> -> memref<192x128xf32, #tpu.memory_space<hbm>>
    %dma_start3A_661 = arith.constant 0 : i32
    %dma_start3A_662 = arith.constant 0 : i32
    %dma_start3A_663 = tpu.memref_slice %arg6[%dma_start3A_656, %dma_start3A_661, %add3A, %dma_start3A_662] : memref<32x192x32x128xf32, #tpu.memory_space<hbm>> -> memref<1x192x1x128xf32, #tpu.memory_space<hbm>>
    %dma_start3A_664 = tpu.memref_squeeze %dma_start3A_663 : memref<1x192x1x128xf32, #tpu.memory_space<hbm>> -> memref<192x128xf32, #tpu.memory_space<hbm>>
    tpu.enqueue_dma source(%arg14 : memref<192x128xf32, #tpu.memory_space<vmem>>) target(%dma_start3A_664 : memref<192x128xf32, #tpu.memory_space<hbm>>) target_semaphore(%arg16 : memref<!tpu.dma_semaphore, #tpu.memory_space<semaphore_mem>>)
    %dma_wait3A_665 = arith.constant 15 : i32
    %dma_wait3A_666 = arith.constant 0 : i32
    %dma_wait3A_667 = arith.constant 0 : i32
    %dma_wait3A_668 = tpu.memref_slice %arg6[%dma_wait3A_665, %dma_wait3A_666, %add3A, %dma_wait3A_667] : memref<32x192x32x128xf32, #tpu.memory_space<hbm>> -> memref<1x192x1x128xf32, #tpu.memory_space<hbm>>
    %dma_wait3A_669 = tpu.memref_squeeze %dma_wait3A_668 : memref<1x192x1x128xf32, #tpu.memory_space<hbm>> -> memref<192x128xf32, #tpu.memory_space<hbm>>
    %dma_wait3A_670 = arith.constant 0 : i32
    %dma_wait3A_671 = arith.constant 0 : i32
    %dma_wait3A_672 = tpu.memref_slice %arg6[%dma_wait3A_665, %dma_wait3A_670, %add3A, %dma_wait3A_671] : memref<32x192x32x128xf32, #tpu.memory_space<hbm>> -> memref<1x192x1x128xf32, #tpu.memory_space<hbm>>
    %dma_wait3A_673 = tpu.memref_squeeze %dma_wait3A_672 : memref<1x192x1x128xf32, #tpu.memory_space<hbm>> -> memref<192x128xf32, #tpu.memory_space<hbm>>
    tpu.wait_dma2 semaphore(%arg17 : memref<!tpu.dma_semaphore, #tpu.memory_space<semaphore_mem>>) src(%arg15 : memref<192x128xf32, #tpu.memory_space<vmem>>) dst(%dma_wait3A_673 : memref<192x128xf32, #tpu.memory_space<hbm>>)
    %while3A_674 = arith.constant 0 : i32
    %while3A_675 = arith.constant 0 : i32
    %while3A_676 = arith.subi %shift_right_arithmetic3A_29, %while3A_675 : i32
    %while3A_677 = arith.addi %while3A_675, %while3A_676 : i32
    %while3A_678 = arith.constant 1 : i32
    %while3A_679 = arith.divsi %while3A_676, %while3A_678 : i32
    %while3A_680 = arith.muli %while3A_679, %while3A_678 : i32
    %while3A_681 = arith.addi %while3A_675, %while3A_680 : i32
    %while3A_682 = arith.constant 1 : i32
    scf.for %while3A_1253 = %while3A_675 to %while3A_681 step %while3A_682  : i32 {
      %mul3A_1254 = arith.constant 16 : i32
      %mul3A_1255 = arith.muli %while3A_1253, %mul3A_1254 : i32
      %get3A = arith.index_cast %mul3A_1255 : i32 to index
      %get3A_1256 = tpu.vector_load %arg11[%get3A] {strides = array<i32>} : memref<8224xi32, #tpu.memory_space<vmem>>, vector<16xi32>,
      %shift_right_logical3A = arith.constant 7 : i32
      %shift_right_logical3A_1257 = vector.broadcast %shift_right_logical3A : i32 to vector<16xi32>
      %shift_right_logical3A_1258 = arith.shrui %get3A_1256, %shift_right_logical3A_1257 : vector<16xi32>
      %and3A = arith.constant 127 : i32
      %and3A_1259 = vector.broadcast %and3A : i32 to vector<16xi32>
      %and3A_1260 = arith.andi %get3A_1256, %and3A_1259 : vector<16xi32>
      tpu.vector_store_idx %arg15[%shift_right_logical3A_1258, %and3A_1260], %broadcast_in_dim3A_1 : memref<192x128xf32, #tpu.memory_space<vmem>>[vector<16xi32>, vector<16xi32>], vector<16xf32>,
    }
    %while3A_683 = arith.constant 1 : i32
    scf.for %while3A_1253 = %while3A_681 to %while3A_677 step %while3A_683  : i32 {
      %mul3A_1254 = arith.constant 16 : i32
      %mul3A_1255 = arith.muli %while3A_1253, %mul3A_1254 : i32
      %get3A = arith.index_cast %mul3A_1255 : i32 to index
      %get3A_1256 = tpu.vector_load %arg11[%get3A] {strides = array<i32>} : memref<8224xi32, #tpu.memory_space<vmem>>, vector<16xi32>,
      %shift_right_logical3A = arith.constant 7 : i32
      %shift_right_logical3A_1257 = vector.broadcast %shift_right_logical3A : i32 to vector<16xi32>
      %shift_right_logical3A_1258 = arith.shrui %get3A_1256, %shift_right_logical3A_1257 : vector<16xi32>
      %and3A = arith.constant 127 : i32
      %and3A_1259 = vector.broadcast %and3A : i32 to vector<16xi32>
      %and3A_1260 = arith.andi %get3A_1256, %and3A_1259 : vector<16xi32>
      tpu.vector_store_idx %arg15[%shift_right_logical3A_1258, %and3A_1260], %broadcast_in_dim3A_1 : memref<192x128xf32, #tpu.memory_space<vmem>>[vector<16xi32>, vector<16xi32>], vector<16xf32>,
    }
    %while3A_684 = arith.constant 0 : i32
    %while3A_685 = arith.constant 0 : i32
    %while3A_686 = arith.subi %shift_right_arithmetic3A_29, %while3A_685 : i32
    %while3A_687 = arith.addi %while3A_685, %while3A_686 : i32
    %while3A_688 = arith.constant 1 : i32
    %while3A_689 = arith.divsi %while3A_686, %while3A_688 : i32
    %while3A_690 = arith.muli %while3A_689, %while3A_688 : i32
    %while3A_691 = arith.addi %while3A_685, %while3A_690 : i32
    %while3A_692 = arith.constant 1 : i32
    scf.for %while3A_1253 = %while3A_685 to %while3A_691 step %while3A_692  : i32 {
      %mul3A_1254 = arith.constant 16 : i32
      %mul3A_1255 = arith.muli %while3A_1253, %mul3A_1254 : i32
      %get3A = arith.index_cast %mul3A_1255 : i32 to index
      %get3A_1256 = tpu.vector_load %arg11[%get3A] {strides = array<i32>} : memref<8224xi32, #tpu.memory_space<vmem>>, vector<16xi32>,
      %shift_right_logical3A = arith.constant 7 : i32
      %shift_right_logical3A_1257 = vector.broadcast %shift_right_logical3A : i32 to vector<16xi32>
      %shift_right_logical3A_1258 = arith.shrui %get3A_1256, %shift_right_logical3A_1257 : vector<16xi32>
      %and3A = arith.constant 127 : i32
      %and3A_1259 = vector.broadcast %and3A : i32 to vector<16xi32>
      %and3A_1260 = arith.andi %get3A_1256, %and3A_1259 : vector<16xi32>
      %mul3A_1261 = arith.constant 16 : i32
      %mul3A_1262 = arith.muli %while3A_1253, %mul3A_1261 : i32
      %get3A_1263 = arith.index_cast %mul3A_1262 : i32 to index
      %get3A_1264 = tpu.vector_load %arg12[%get3A_1263] {strides = array<i32>} : memref<8224xi32, #tpu.memory_space<vmem>>, vector<16xi32>,
      %add3A_1265 = arith.constant 8704 : i32
      %add3A_1266 = vector.broadcast %add3A_1265 : i32 to vector<16xi32>
      %add3A_1267 = arith.addi %get3A_1264, %add3A_1266 : vector<16xi32>
      %gather3A = tpu.vector_load_idx %arg7[%add3A_1267] : memref<16384xf32, #tpu.memory_space<vmem>>[vector<16xi32>], vector<16xf32>,
      %mul3A_1268 = arith.constant 16 : i32
      %mul3A_1269 = arith.muli %while3A_1253, %mul3A_1268 : i32
      %get3A_1270 = arith.index_cast %mul3A_1269 : i32 to index
      %get3A_1271 = tpu.vector_load %arg13[%get3A_1270] {strides = array<i32>} : memref<8224xf32, #tpu.memory_space<vmem>>, vector<16xf32>,
      %mul3A_1272 = arith.mulf %gather3A, %get3A_1271 : vector<16xf32>
      tpu.vector_store_idx %arg15[%shift_right_logical3A_1258, %and3A_1260], %mul3A_1272 {add = true} : memref<192x128xf32, #tpu.memory_space<vmem>>[vector<16xi32>, vector<16xi32>], vector<16xf32>,
    }
    %while3A_693 = arith.constant 1 : i32
    scf.for %while3A_1253 = %while3A_691 to %while3A_687 step %while3A_693  : i32 {
      %mul3A_1254 = arith.constant 16 : i32
      %mul3A_1255 = arith.muli %while3A_1253, %mul3A_1254 : i32
      %get3A = arith.index_cast %mul3A_1255 : i32 to index
      %get3A_1256 = tpu.vector_load %arg11[%get3A] {strides = array<i32>} : memref<8224xi32, #tpu.memory_space<vmem>>, vector<16xi32>,
      %shift_right_logical3A = arith.constant 7 : i32
      %shift_right_logical3A_1257 = vector.broadcast %shift_right_logical3A : i32 to vector<16xi32>
      %shift_right_logical3A_1258 = arith.shrui %get3A_1256, %shift_right_logical3A_1257 : vector<16xi32>
      %and3A = arith.constant 127 : i32
      %and3A_1259 = vector.broadcast %and3A : i32 to vector<16xi32>
      %and3A_1260 = arith.andi %get3A_1256, %and3A_1259 : vector<16xi32>
      %mul3A_1261 = arith.constant 16 : i32
      %mul3A_1262 = arith.muli %while3A_1253, %mul3A_1261 : i32
      %get3A_1263 = arith.index_cast %mul3A_1262 : i32 to index
      %get3A_1264 = tpu.vector_load %arg12[%get3A_1263] {strides = array<i32>} : memref<8224xi32, #tpu.memory_space<vmem>>, vector<16xi32>,
      %add3A_1265 = arith.constant 8704 : i32
      %add3A_1266 = vector.broadcast %add3A_1265 : i32 to vector<16xi32>
      %add3A_1267 = arith.addi %get3A_1264, %add3A_1266 : vector<16xi32>
      %gather3A = tpu.vector_load_idx %arg7[%add3A_1267] : memref<16384xf32, #tpu.memory_space<vmem>>[vector<16xi32>], vector<16xf32>,
      %mul3A_1268 = arith.constant 16 : i32
      %mul3A_1269 = arith.muli %while3A_1253, %mul3A_1268 : i32
      %get3A_1270 = arith.index_cast %mul3A_1269 : i32 to index
      %get3A_1271 = tpu.vector_load %arg13[%get3A_1270] {strides = array<i32>} : memref<8224xf32, #tpu.memory_space<vmem>>, vector<16xf32>,
      %mul3A_1272 = arith.mulf %gather3A, %get3A_1271 : vector<16xf32>
      tpu.vector_store_idx %arg15[%shift_right_logical3A_1258, %and3A_1260], %mul3A_1272 {add = true} : memref<192x128xf32, #tpu.memory_space<vmem>>[vector<16xi32>, vector<16xi32>], vector<16xf32>,
    }
    %dma_start3A_694 = arith.constant 17 : i32
    %dma_start3A_695 = arith.constant 0 : i32
    %dma_start3A_696 = arith.constant 0 : i32
    %dma_start3A_697 = tpu.memref_slice %arg6[%dma_start3A_694, %dma_start3A_695, %add3A, %dma_start3A_696] : memref<32x192x32x128xf32, #tpu.memory_space<hbm>> -> memref<1x192x1x128xf32, #tpu.memory_space<hbm>>
    %dma_start3A_698 = tpu.memref_squeeze %dma_start3A_697 : memref<1x192x1x128xf32, #tpu.memory_space<hbm>> -> memref<192x128xf32, #tpu.memory_space<hbm>>
    %dma_start3A_699 = arith.constant 0 : i32
    %dma_start3A_700 = arith.constant 0 : i32
    %dma_start3A_701 = tpu.memref_slice %arg6[%dma_start3A_694, %dma_start3A_699, %add3A, %dma_start3A_700] : memref<32x192x32x128xf32, #tpu.memory_space<hbm>> -> memref<1x192x1x128xf32, #tpu.memory_space<hbm>>
    %dma_start3A_702 = tpu.memref_squeeze %dma_start3A_701 : memref<1x192x1x128xf32, #tpu.memory_space<hbm>> -> memref<192x128xf32, #tpu.memory_space<hbm>>
    tpu.enqueue_dma source(%arg15 : memref<192x128xf32, #tpu.memory_space<vmem>>) target(%dma_start3A_702 : memref<192x128xf32, #tpu.memory_space<hbm>>) target_semaphore(%arg17 : memref<!tpu.dma_semaphore, #tpu.memory_space<semaphore_mem>>)
    %dma_wait3A_703 = arith.constant 16 : i32
    %dma_wait3A_704 = arith.constant 0 : i32
    %dma_wait3A_705 = arith.constant 0 : i32
    %dma_wait3A_706 = tpu.memref_slice %arg6[%dma_wait3A_703, %dma_wait3A_704, %add3A, %dma_wait3A_705] : memref<32x192x32x128xf32, #tpu.memory_space<hbm>> -> memref<1x192x1x128xf32, #tpu.memory_space<hbm>>
    %dma_wait3A_707 = tpu.memref_squeeze %dma_wait3A_706 : memref<1x192x1x128xf32, #tpu.memory_space<hbm>> -> memref<192x128xf32, #tpu.memory_space<hbm>>
    %dma_wait3A_708 = arith.constant 0 : i32
    %dma_wait3A_709 = arith.constant 0 : i32
    %dma_wait3A_710 = tpu.memref_slice %arg6[%dma_wait3A_703, %dma_wait3A_708, %add3A, %dma_wait3A_709] : memref<32x192x32x128xf32, #tpu.memory_space<hbm>> -> memref<1x192x1x128xf32, #tpu.memory_space<hbm>>
    %dma_wait3A_711 = tpu.memref_squeeze %dma_wait3A_710 : memref<1x192x1x128xf32, #tpu.memory_space<hbm>> -> memref<192x128xf32, #tpu.memory_space<hbm>>
    tpu.wait_dma2 semaphore(%arg16 : memref<!tpu.dma_semaphore, #tpu.memory_space<semaphore_mem>>) src(%arg14 : memref<192x128xf32, #tpu.memory_space<vmem>>) dst(%dma_wait3A_711 : memref<192x128xf32, #tpu.memory_space<hbm>>)
    %while3A_712 = arith.constant 0 : i32
    %while3A_713 = arith.constant 0 : i32
    %while3A_714 = arith.subi %shift_right_arithmetic3A_29, %while3A_713 : i32
    %while3A_715 = arith.addi %while3A_713, %while3A_714 : i32
    %while3A_716 = arith.constant 1 : i32
    %while3A_717 = arith.divsi %while3A_714, %while3A_716 : i32
    %while3A_718 = arith.muli %while3A_717, %while3A_716 : i32
    %while3A_719 = arith.addi %while3A_713, %while3A_718 : i32
    %while3A_720 = arith.constant 1 : i32
    scf.for %while3A_1253 = %while3A_713 to %while3A_719 step %while3A_720  : i32 {
      %mul3A_1254 = arith.constant 16 : i32
      %mul3A_1255 = arith.muli %while3A_1253, %mul3A_1254 : i32
      %get3A = arith.index_cast %mul3A_1255 : i32 to index
      %get3A_1256 = tpu.vector_load %arg11[%get3A] {strides = array<i32>} : memref<8224xi32, #tpu.memory_space<vmem>>, vector<16xi32>,
      %shift_right_logical3A = arith.constant 7 : i32
      %shift_right_logical3A_1257 = vector.broadcast %shift_right_logical3A : i32 to vector<16xi32>
      %shift_right_logical3A_1258 = arith.shrui %get3A_1256, %shift_right_logical3A_1257 : vector<16xi32>
      %and3A = arith.constant 127 : i32
      %and3A_1259 = vector.broadcast %and3A : i32 to vector<16xi32>
      %and3A_1260 = arith.andi %get3A_1256, %and3A_1259 : vector<16xi32>
      tpu.vector_store_idx %arg14[%shift_right_logical3A_1258, %and3A_1260], %broadcast_in_dim3A_1 : memref<192x128xf32, #tpu.memory_space<vmem>>[vector<16xi32>, vector<16xi32>], vector<16xf32>,
    }
    %while3A_721 = arith.constant 1 : i32
    scf.for %while3A_1253 = %while3A_719 to %while3A_715 step %while3A_721  : i32 {
      %mul3A_1254 = arith.constant 16 : i32
      %mul3A_1255 = arith.muli %while3A_1253, %mul3A_1254 : i32
      %get3A = arith.index_cast %mul3A_1255 : i32 to index
      %get3A_1256 = tpu.vector_load %arg11[%get3A] {strides = array<i32>} : memref<8224xi32, #tpu.memory_space<vmem>>, vector<16xi32>,
      %shift_right_logical3A = arith.constant 7 : i32
      %shift_right_logical3A_1257 = vector.broadcast %shift_right_logical3A : i32 to vector<16xi32>
      %shift_right_logical3A_1258 = arith.shrui %get3A_1256, %shift_right_logical3A_1257 : vector<16xi32>
      %and3A = arith.constant 127 : i32
      %and3A_1259 = vector.broadcast %and3A : i32 to vector<16xi32>
      %and3A_1260 = arith.andi %get3A_1256, %and3A_1259 : vector<16xi32>
      tpu.vector_store_idx %arg14[%shift_right_logical3A_1258, %and3A_1260], %broadcast_in_dim3A_1 : memref<192x128xf32, #tpu.memory_space<vmem>>[vector<16xi32>, vector<16xi32>], vector<16xf32>,
    }
    %while3A_722 = arith.constant 0 : i32
    %while3A_723 = arith.constant 0 : i32
    %while3A_724 = arith.subi %shift_right_arithmetic3A_29, %while3A_723 : i32
    %while3A_725 = arith.addi %while3A_723, %while3A_724 : i32
    %while3A_726 = arith.constant 1 : i32
    %while3A_727 = arith.divsi %while3A_724, %while3A_726 : i32
    %while3A_728 = arith.muli %while3A_727, %while3A_726 : i32
    %while3A_729 = arith.addi %while3A_723, %while3A_728 : i32
    %while3A_730 = arith.constant 1 : i32
    scf.for %while3A_1253 = %while3A_723 to %while3A_729 step %while3A_730  : i32 {
      %mul3A_1254 = arith.constant 16 : i32
      %mul3A_1255 = arith.muli %while3A_1253, %mul3A_1254 : i32
      %get3A = arith.index_cast %mul3A_1255 : i32 to index
      %get3A_1256 = tpu.vector_load %arg11[%get3A] {strides = array<i32>} : memref<8224xi32, #tpu.memory_space<vmem>>, vector<16xi32>,
      %shift_right_logical3A = arith.constant 7 : i32
      %shift_right_logical3A_1257 = vector.broadcast %shift_right_logical3A : i32 to vector<16xi32>
      %shift_right_logical3A_1258 = arith.shrui %get3A_1256, %shift_right_logical3A_1257 : vector<16xi32>
      %and3A = arith.constant 127 : i32
      %and3A_1259 = vector.broadcast %and3A : i32 to vector<16xi32>
      %and3A_1260 = arith.andi %get3A_1256, %and3A_1259 : vector<16xi32>
      %mul3A_1261 = arith.constant 16 : i32
      %mul3A_1262 = arith.muli %while3A_1253, %mul3A_1261 : i32
      %get3A_1263 = arith.index_cast %mul3A_1262 : i32 to index
      %get3A_1264 = tpu.vector_load %arg12[%get3A_1263] {strides = array<i32>} : memref<8224xi32, #tpu.memory_space<vmem>>, vector<16xi32>,
      %add3A_1265 = arith.constant 9216 : i32
      %add3A_1266 = vector.broadcast %add3A_1265 : i32 to vector<16xi32>
      %add3A_1267 = arith.addi %get3A_1264, %add3A_1266 : vector<16xi32>
      %gather3A = tpu.vector_load_idx %arg7[%add3A_1267] : memref<16384xf32, #tpu.memory_space<vmem>>[vector<16xi32>], vector<16xf32>,
      %mul3A_1268 = arith.constant 16 : i32
      %mul3A_1269 = arith.muli %while3A_1253, %mul3A_1268 : i32
      %get3A_1270 = arith.index_cast %mul3A_1269 : i32 to index
      %get3A_1271 = tpu.vector_load %arg13[%get3A_1270] {strides = array<i32>} : memref<8224xf32, #tpu.memory_space<vmem>>, vector<16xf32>,
      %mul3A_1272 = arith.mulf %gather3A, %get3A_1271 : vector<16xf32>
      tpu.vector_store_idx %arg14[%shift_right_logical3A_1258, %and3A_1260], %mul3A_1272 {add = true} : memref<192x128xf32, #tpu.memory_space<vmem>>[vector<16xi32>, vector<16xi32>], vector<16xf32>,
    }
    %while3A_731 = arith.constant 1 : i32
    scf.for %while3A_1253 = %while3A_729 to %while3A_725 step %while3A_731  : i32 {
      %mul3A_1254 = arith.constant 16 : i32
      %mul3A_1255 = arith.muli %while3A_1253, %mul3A_1254 : i32
      %get3A = arith.index_cast %mul3A_1255 : i32 to index
      %get3A_1256 = tpu.vector_load %arg11[%get3A] {strides = array<i32>} : memref<8224xi32, #tpu.memory_space<vmem>>, vector<16xi32>,
      %shift_right_logical3A = arith.constant 7 : i32
      %shift_right_logical3A_1257 = vector.broadcast %shift_right_logical3A : i32 to vector<16xi32>
      %shift_right_logical3A_1258 = arith.shrui %get3A_1256, %shift_right_logical3A_1257 : vector<16xi32>
      %and3A = arith.constant 127 : i32
      %and3A_1259 = vector.broadcast %and3A : i32 to vector<16xi32>
      %and3A_1260 = arith.andi %get3A_1256, %and3A_1259 : vector<16xi32>
      %mul3A_1261 = arith.constant 16 : i32
      %mul3A_1262 = arith.muli %while3A_1253, %mul3A_1261 : i32
      %get3A_1263 = arith.index_cast %mul3A_1262 : i32 to index
      %get3A_1264 = tpu.vector_load %arg12[%get3A_1263] {strides = array<i32>} : memref<8224xi32, #tpu.memory_space<vmem>>, vector<16xi32>,
      %add3A_1265 = arith.constant 9216 : i32
      %add3A_1266 = vector.broadcast %add3A_1265 : i32 to vector<16xi32>
      %add3A_1267 = arith.addi %get3A_1264, %add3A_1266 : vector<16xi32>
      %gather3A = tpu.vector_load_idx %arg7[%add3A_1267] : memref<16384xf32, #tpu.memory_space<vmem>>[vector<16xi32>], vector<16xf32>,
      %mul3A_1268 = arith.constant 16 : i32
      %mul3A_1269 = arith.muli %while3A_1253, %mul3A_1268 : i32
      %get3A_1270 = arith.index_cast %mul3A_1269 : i32 to index
      %get3A_1271 = tpu.vector_load %arg13[%get3A_1270] {strides = array<i32>} : memref<8224xf32, #tpu.memory_space<vmem>>, vector<16xf32>,
      %mul3A_1272 = arith.mulf %gather3A, %get3A_1271 : vector<16xf32>
      tpu.vector_store_idx %arg14[%shift_right_logical3A_1258, %and3A_1260], %mul3A_1272 {add = true} : memref<192x128xf32, #tpu.memory_space<vmem>>[vector<16xi32>, vector<16xi32>], vector<16xf32>,
    }
    %dma_start3A_732 = arith.constant 18 : i32
    %dma_start3A_733 = arith.constant 0 : i32
    %dma_start3A_734 = arith.constant 0 : i32
    %dma_start3A_735 = tpu.memref_slice %arg6[%dma_start3A_732, %dma_start3A_733, %add3A, %dma_start3A_734] : memref<32x192x32x128xf32, #tpu.memory_space<hbm>> -> memref<1x192x1x128xf32, #tpu.memory_space<hbm>>
    %dma_start3A_736 = tpu.memref_squeeze %dma_start3A_735 : memref<1x192x1x128xf32, #tpu.memory_space<hbm>> -> memref<192x128xf32, #tpu.memory_space<hbm>>
    %dma_start3A_737 = arith.constant 0 : i32
    %dma_start3A_738 = arith.constant 0 : i32
    %dma_start3A_739 = tpu.memref_slice %arg6[%dma_start3A_732, %dma_start3A_737, %add3A, %dma_start3A_738] : memref<32x192x32x128xf32, #tpu.memory_space<hbm>> -> memref<1x192x1x128xf32, #tpu.memory_space<hbm>>
    %dma_start3A_740 = tpu.memref_squeeze %dma_start3A_739 : memref<1x192x1x128xf32, #tpu.memory_space<hbm>> -> memref<192x128xf32, #tpu.memory_space<hbm>>
    tpu.enqueue_dma source(%arg14 : memref<192x128xf32, #tpu.memory_space<vmem>>) target(%dma_start3A_740 : memref<192x128xf32, #tpu.memory_space<hbm>>) target_semaphore(%arg16 : memref<!tpu.dma_semaphore, #tpu.memory_space<semaphore_mem>>)
    %dma_wait3A_741 = arith.constant 17 : i32
    %dma_wait3A_742 = arith.constant 0 : i32
    %dma_wait3A_743 = arith.constant 0 : i32
    %dma_wait3A_744 = tpu.memref_slice %arg6[%dma_wait3A_741, %dma_wait3A_742, %add3A, %dma_wait3A_743] : memref<32x192x32x128xf32, #tpu.memory_space<hbm>> -> memref<1x192x1x128xf32, #tpu.memory_space<hbm>>
    %dma_wait3A_745 = tpu.memref_squeeze %dma_wait3A_744 : memref<1x192x1x128xf32, #tpu.memory_space<hbm>> -> memref<192x128xf32, #tpu.memory_space<hbm>>
    %dma_wait3A_746 = arith.constant 0 : i32
    %dma_wait3A_747 = arith.constant 0 : i32
    %dma_wait3A_748 = tpu.memref_slice %arg6[%dma_wait3A_741, %dma_wait3A_746, %add3A, %dma_wait3A_747] : memref<32x192x32x128xf32, #tpu.memory_space<hbm>> -> memref<1x192x1x128xf32, #tpu.memory_space<hbm>>
    %dma_wait3A_749 = tpu.memref_squeeze %dma_wait3A_748 : memref<1x192x1x128xf32, #tpu.memory_space<hbm>> -> memref<192x128xf32, #tpu.memory_space<hbm>>
    tpu.wait_dma2 semaphore(%arg17 : memref<!tpu.dma_semaphore, #tpu.memory_space<semaphore_mem>>) src(%arg15 : memref<192x128xf32, #tpu.memory_space<vmem>>) dst(%dma_wait3A_749 : memref<192x128xf32, #tpu.memory_space<hbm>>)
    %while3A_750 = arith.constant 0 : i32
    %while3A_751 = arith.constant 0 : i32
    %while3A_752 = arith.subi %shift_right_arithmetic3A_29, %while3A_751 : i32
    %while3A_753 = arith.addi %while3A_751, %while3A_752 : i32
    %while3A_754 = arith.constant 1 : i32
    %while3A_755 = arith.divsi %while3A_752, %while3A_754 : i32
    %while3A_756 = arith.muli %while3A_755, %while3A_754 : i32
    %while3A_757 = arith.addi %while3A_751, %while3A_756 : i32
    %while3A_758 = arith.constant 1 : i32
    scf.for %while3A_1253 = %while3A_751 to %while3A_757 step %while3A_758  : i32 {
      %mul3A_1254 = arith.constant 16 : i32
      %mul3A_1255 = arith.muli %while3A_1253, %mul3A_1254 : i32
      %get3A = arith.index_cast %mul3A_1255 : i32 to index
      %get3A_1256 = tpu.vector_load %arg11[%get3A] {strides = array<i32>} : memref<8224xi32, #tpu.memory_space<vmem>>, vector<16xi32>,
      %shift_right_logical3A = arith.constant 7 : i32
      %shift_right_logical3A_1257 = vector.broadcast %shift_right_logical3A : i32 to vector<16xi32>
      %shift_right_logical3A_1258 = arith.shrui %get3A_1256, %shift_right_logical3A_1257 : vector<16xi32>
      %and3A = arith.constant 127 : i32
      %and3A_1259 = vector.broadcast %and3A : i32 to vector<16xi32>
      %and3A_1260 = arith.andi %get3A_1256, %and3A_1259 : vector<16xi32>
      tpu.vector_store_idx %arg15[%shift_right_logical3A_1258, %and3A_1260], %broadcast_in_dim3A_1 : memref<192x128xf32, #tpu.memory_space<vmem>>[vector<16xi32>, vector<16xi32>], vector<16xf32>,
    }
    %while3A_759 = arith.constant 1 : i32
    scf.for %while3A_1253 = %while3A_757 to %while3A_753 step %while3A_759  : i32 {
      %mul3A_1254 = arith.constant 16 : i32
      %mul3A_1255 = arith.muli %while3A_1253, %mul3A_1254 : i32
      %get3A = arith.index_cast %mul3A_1255 : i32 to index
      %get3A_1256 = tpu.vector_load %arg11[%get3A] {strides = array<i32>} : memref<8224xi32, #tpu.memory_space<vmem>>, vector<16xi32>,
      %shift_right_logical3A = arith.constant 7 : i32
      %shift_right_logical3A_1257 = vector.broadcast %shift_right_logical3A : i32 to vector<16xi32>
      %shift_right_logical3A_1258 = arith.shrui %get3A_1256, %shift_right_logical3A_1257 : vector<16xi32>
      %and3A = arith.constant 127 : i32
      %and3A_1259 = vector.broadcast %and3A : i32 to vector<16xi32>
      %and3A_1260 = arith.andi %get3A_1256, %and3A_1259 : vector<16xi32>
      tpu.vector_store_idx %arg15[%shift_right_logical3A_1258, %and3A_1260], %broadcast_in_dim3A_1 : memref<192x128xf32, #tpu.memory_space<vmem>>[vector<16xi32>, vector<16xi32>], vector<16xf32>,
    }
    %while3A_760 = arith.constant 0 : i32
    %while3A_761 = arith.constant 0 : i32
    %while3A_762 = arith.subi %shift_right_arithmetic3A_29, %while3A_761 : i32
    %while3A_763 = arith.addi %while3A_761, %while3A_762 : i32
    %while3A_764 = arith.constant 1 : i32
    %while3A_765 = arith.divsi %while3A_762, %while3A_764 : i32
    %while3A_766 = arith.muli %while3A_765, %while3A_764 : i32
    %while3A_767 = arith.addi %while3A_761, %while3A_766 : i32
    %while3A_768 = arith.constant 1 : i32
    scf.for %while3A_1253 = %while3A_761 to %while3A_767 step %while3A_768  : i32 {
      %mul3A_1254 = arith.constant 16 : i32
      %mul3A_1255 = arith.muli %while3A_1253, %mul3A_1254 : i32
      %get3A = arith.index_cast %mul3A_1255 : i32 to index
      %get3A_1256 = tpu.vector_load %arg11[%get3A] {strides = array<i32>} : memref<8224xi32, #tpu.memory_space<vmem>>, vector<16xi32>,
      %shift_right_logical3A = arith.constant 7 : i32
      %shift_right_logical3A_1257 = vector.broadcast %shift_right_logical3A : i32 to vector<16xi32>
      %shift_right_logical3A_1258 = arith.shrui %get3A_1256, %shift_right_logical3A_1257 : vector<16xi32>
      %and3A = arith.constant 127 : i32
      %and3A_1259 = vector.broadcast %and3A : i32 to vector<16xi32>
      %and3A_1260 = arith.andi %get3A_1256, %and3A_1259 : vector<16xi32>
      %mul3A_1261 = arith.constant 16 : i32
      %mul3A_1262 = arith.muli %while3A_1253, %mul3A_1261 : i32
      %get3A_1263 = arith.index_cast %mul3A_1262 : i32 to index
      %get3A_1264 = tpu.vector_load %arg12[%get3A_1263] {strides = array<i32>} : memref<8224xi32, #tpu.memory_space<vmem>>, vector<16xi32>,
      %add3A_1265 = arith.constant 9728 : i32
      %add3A_1266 = vector.broadcast %add3A_1265 : i32 to vector<16xi32>
      %add3A_1267 = arith.addi %get3A_1264, %add3A_1266 : vector<16xi32>
      %gather3A = tpu.vector_load_idx %arg7[%add3A_1267] : memref<16384xf32, #tpu.memory_space<vmem>>[vector<16xi32>], vector<16xf32>,
      %mul3A_1268 = arith.constant 16 : i32
      %mul3A_1269 = arith.muli %while3A_1253, %mul3A_1268 : i32
      %get3A_1270 = arith.index_cast %mul3A_1269 : i32 to index
      %get3A_1271 = tpu.vector_load %arg13[%get3A_1270] {strides = array<i32>} : memref<8224xf32, #tpu.memory_space<vmem>>, vector<16xf32>,
      %mul3A_1272 = arith.mulf %gather3A, %get3A_1271 : vector<16xf32>
      tpu.vector_store_idx %arg15[%shift_right_logical3A_1258, %and3A_1260], %mul3A_1272 {add = true} : memref<192x128xf32, #tpu.memory_space<vmem>>[vector<16xi32>, vector<16xi32>], vector<16xf32>,
    }
    %while3A_769 = arith.constant 1 : i32
    scf.for %while3A_1253 = %while3A_767 to %while3A_763 step %while3A_769  : i32 {
      %mul3A_1254 = arith.constant 16 : i32
      %mul3A_1255 = arith.muli %while3A_1253, %mul3A_1254 : i32
      %get3A = arith.index_cast %mul3A_1255 : i32 to index
      %get3A_1256 = tpu.vector_load %arg11[%get3A] {strides = array<i32>} : memref<8224xi32, #tpu.memory_space<vmem>>, vector<16xi32>,
      %shift_right_logical3A = arith.constant 7 : i32
      %shift_right_logical3A_1257 = vector.broadcast %shift_right_logical3A : i32 to vector<16xi32>
      %shift_right_logical3A_1258 = arith.shrui %get3A_1256, %shift_right_logical3A_1257 : vector<16xi32>
      %and3A = arith.constant 127 : i32
      %and3A_1259 = vector.broadcast %and3A : i32 to vector<16xi32>
      %and3A_1260 = arith.andi %get3A_1256, %and3A_1259 : vector<16xi32>
      %mul3A_1261 = arith.constant 16 : i32
      %mul3A_1262 = arith.muli %while3A_1253, %mul3A_1261 : i32
      %get3A_1263 = arith.index_cast %mul3A_1262 : i32 to index
      %get3A_1264 = tpu.vector_load %arg12[%get3A_1263] {strides = array<i32>} : memref<8224xi32, #tpu.memory_space<vmem>>, vector<16xi32>,
      %add3A_1265 = arith.constant 9728 : i32
      %add3A_1266 = vector.broadcast %add3A_1265 : i32 to vector<16xi32>
      %add3A_1267 = arith.addi %get3A_1264, %add3A_1266 : vector<16xi32>
      %gather3A = tpu.vector_load_idx %arg7[%add3A_1267] : memref<16384xf32, #tpu.memory_space<vmem>>[vector<16xi32>], vector<16xf32>,
      %mul3A_1268 = arith.constant 16 : i32
      %mul3A_1269 = arith.muli %while3A_1253, %mul3A_1268 : i32
      %get3A_1270 = arith.index_cast %mul3A_1269 : i32 to index
      %get3A_1271 = tpu.vector_load %arg13[%get3A_1270] {strides = array<i32>} : memref<8224xf32, #tpu.memory_space<vmem>>, vector<16xf32>,
      %mul3A_1272 = arith.mulf %gather3A, %get3A_1271 : vector<16xf32>
      tpu.vector_store_idx %arg15[%shift_right_logical3A_1258, %and3A_1260], %mul3A_1272 {add = true} : memref<192x128xf32, #tpu.memory_space<vmem>>[vector<16xi32>, vector<16xi32>], vector<16xf32>,
    }
    %dma_start3A_770 = arith.constant 19 : i32
    %dma_start3A_771 = arith.constant 0 : i32
    %dma_start3A_772 = arith.constant 0 : i32
    %dma_start3A_773 = tpu.memref_slice %arg6[%dma_start3A_770, %dma_start3A_771, %add3A, %dma_start3A_772] : memref<32x192x32x128xf32, #tpu.memory_space<hbm>> -> memref<1x192x1x128xf32, #tpu.memory_space<hbm>>
    %dma_start3A_774 = tpu.memref_squeeze %dma_start3A_773 : memref<1x192x1x128xf32, #tpu.memory_space<hbm>> -> memref<192x128xf32, #tpu.memory_space<hbm>>
    %dma_start3A_775 = arith.constant 0 : i32
    %dma_start3A_776 = arith.constant 0 : i32
    %dma_start3A_777 = tpu.memref_slice %arg6[%dma_start3A_770, %dma_start3A_775, %add3A, %dma_start3A_776] : memref<32x192x32x128xf32, #tpu.memory_space<hbm>> -> memref<1x192x1x128xf32, #tpu.memory_space<hbm>>
    %dma_start3A_778 = tpu.memref_squeeze %dma_start3A_777 : memref<1x192x1x128xf32, #tpu.memory_space<hbm>> -> memref<192x128xf32, #tpu.memory_space<hbm>>
    tpu.enqueue_dma source(%arg15 : memref<192x128xf32, #tpu.memory_space<vmem>>) target(%dma_start3A_778 : memref<192x128xf32, #tpu.memory_space<hbm>>) target_semaphore(%arg17 : memref<!tpu.dma_semaphore, #tpu.memory_space<semaphore_mem>>)
    %dma_wait3A_779 = arith.constant 18 : i32
    %dma_wait3A_780 = arith.constant 0 : i32
    %dma_wait3A_781 = arith.constant 0 : i32
    %dma_wait3A_782 = tpu.memref_slice %arg6[%dma_wait3A_779, %dma_wait3A_780, %add3A, %dma_wait3A_781] : memref<32x192x32x128xf32, #tpu.memory_space<hbm>> -> memref<1x192x1x128xf32, #tpu.memory_space<hbm>>
    %dma_wait3A_783 = tpu.memref_squeeze %dma_wait3A_782 : memref<1x192x1x128xf32, #tpu.memory_space<hbm>> -> memref<192x128xf32, #tpu.memory_space<hbm>>
    %dma_wait3A_784 = arith.constant 0 : i32
    %dma_wait3A_785 = arith.constant 0 : i32
    %dma_wait3A_786 = tpu.memref_slice %arg6[%dma_wait3A_779, %dma_wait3A_784, %add3A, %dma_wait3A_785] : memref<32x192x32x128xf32, #tpu.memory_space<hbm>> -> memref<1x192x1x128xf32, #tpu.memory_space<hbm>>
    %dma_wait3A_787 = tpu.memref_squeeze %dma_wait3A_786 : memref<1x192x1x128xf32, #tpu.memory_space<hbm>> -> memref<192x128xf32, #tpu.memory_space<hbm>>
    tpu.wait_dma2 semaphore(%arg16 : memref<!tpu.dma_semaphore, #tpu.memory_space<semaphore_mem>>) src(%arg14 : memref<192x128xf32, #tpu.memory_space<vmem>>) dst(%dma_wait3A_787 : memref<192x128xf32, #tpu.memory_space<hbm>>)
    %while3A_788 = arith.constant 0 : i32
    %while3A_789 = arith.constant 0 : i32
    %while3A_790 = arith.subi %shift_right_arithmetic3A_29, %while3A_789 : i32
    %while3A_791 = arith.addi %while3A_789, %while3A_790 : i32
    %while3A_792 = arith.constant 1 : i32
    %while3A_793 = arith.divsi %while3A_790, %while3A_792 : i32
    %while3A_794 = arith.muli %while3A_793, %while3A_792 : i32
    %while3A_795 = arith.addi %while3A_789, %while3A_794 : i32
    %while3A_796 = arith.constant 1 : i32
    scf.for %while3A_1253 = %while3A_789 to %while3A_795 step %while3A_796  : i32 {
      %mul3A_1254 = arith.constant 16 : i32
      %mul3A_1255 = arith.muli %while3A_1253, %mul3A_1254 : i32
      %get3A = arith.index_cast %mul3A_1255 : i32 to index
      %get3A_1256 = tpu.vector_load %arg11[%get3A] {strides = array<i32>} : memref<8224xi32, #tpu.memory_space<vmem>>, vector<16xi32>,
      %shift_right_logical3A = arith.constant 7 : i32
      %shift_right_logical3A_1257 = vector.broadcast %shift_right_logical3A : i32 to vector<16xi32>
      %shift_right_logical3A_1258 = arith.shrui %get3A_1256, %shift_right_logical3A_1257 : vector<16xi32>
      %and3A = arith.constant 127 : i32
      %and3A_1259 = vector.broadcast %and3A : i32 to vector<16xi32>
      %and3A_1260 = arith.andi %get3A_1256, %and3A_1259 : vector<16xi32>
      tpu.vector_store_idx %arg14[%shift_right_logical3A_1258, %and3A_1260], %broadcast_in_dim3A_1 : memref<192x128xf32, #tpu.memory_space<vmem>>[vector<16xi32>, vector<16xi32>], vector<16xf32>,
    }
    %while3A_797 = arith.constant 1 : i32
    scf.for %while3A_1253 = %while3A_795 to %while3A_791 step %while3A_797  : i32 {
      %mul3A_1254 = arith.constant 16 : i32
      %mul3A_1255 = arith.muli %while3A_1253, %mul3A_1254 : i32
      %get3A = arith.index_cast %mul3A_1255 : i32 to index
      %get3A_1256 = tpu.vector_load %arg11[%get3A] {strides = array<i32>} : memref<8224xi32, #tpu.memory_space<vmem>>, vector<16xi32>,
      %shift_right_logical3A = arith.constant 7 : i32
      %shift_right_logical3A_1257 = vector.broadcast %shift_right_logical3A : i32 to vector<16xi32>
      %shift_right_logical3A_1258 = arith.shrui %get3A_1256, %shift_right_logical3A_1257 : vector<16xi32>
      %and3A = arith.constant 127 : i32
      %and3A_1259 = vector.broadcast %and3A : i32 to vector<16xi32>
      %and3A_1260 = arith.andi %get3A_1256, %and3A_1259 : vector<16xi32>
      tpu.vector_store_idx %arg14[%shift_right_logical3A_1258, %and3A_1260], %broadcast_in_dim3A_1 : memref<192x128xf32, #tpu.memory_space<vmem>>[vector<16xi32>, vector<16xi32>], vector<16xf32>,
    }
    %while3A_798 = arith.constant 0 : i32
    %while3A_799 = arith.constant 0 : i32
    %while3A_800 = arith.subi %shift_right_arithmetic3A_29, %while3A_799 : i32
    %while3A_801 = arith.addi %while3A_799, %while3A_800 : i32
    %while3A_802 = arith.constant 1 : i32
    %while3A_803 = arith.divsi %while3A_800, %while3A_802 : i32
    %while3A_804 = arith.muli %while3A_803, %while3A_802 : i32
    %while3A_805 = arith.addi %while3A_799, %while3A_804 : i32
    %while3A_806 = arith.constant 1 : i32
    scf.for %while3A_1253 = %while3A_799 to %while3A_805 step %while3A_806  : i32 {
      %mul3A_1254 = arith.constant 16 : i32
      %mul3A_1255 = arith.muli %while3A_1253, %mul3A_1254 : i32
      %get3A = arith.index_cast %mul3A_1255 : i32 to index
      %get3A_1256 = tpu.vector_load %arg11[%get3A] {strides = array<i32>} : memref<8224xi32, #tpu.memory_space<vmem>>, vector<16xi32>,
      %shift_right_logical3A = arith.constant 7 : i32
      %shift_right_logical3A_1257 = vector.broadcast %shift_right_logical3A : i32 to vector<16xi32>
      %shift_right_logical3A_1258 = arith.shrui %get3A_1256, %shift_right_logical3A_1257 : vector<16xi32>
      %and3A = arith.constant 127 : i32
      %and3A_1259 = vector.broadcast %and3A : i32 to vector<16xi32>
      %and3A_1260 = arith.andi %get3A_1256, %and3A_1259 : vector<16xi32>
      %mul3A_1261 = arith.constant 16 : i32
      %mul3A_1262 = arith.muli %while3A_1253, %mul3A_1261 : i32
      %get3A_1263 = arith.index_cast %mul3A_1262 : i32 to index
      %get3A_1264 = tpu.vector_load %arg12[%get3A_1263] {strides = array<i32>} : memref<8224xi32, #tpu.memory_space<vmem>>, vector<16xi32>,
      %add3A_1265 = arith.constant 10240 : i32
      %add3A_1266 = vector.broadcast %add3A_1265 : i32 to vector<16xi32>
      %add3A_1267 = arith.addi %get3A_1264, %add3A_1266 : vector<16xi32>
      %gather3A = tpu.vector_load_idx %arg7[%add3A_1267] : memref<16384xf32, #tpu.memory_space<vmem>>[vector<16xi32>], vector<16xf32>,
      %mul3A_1268 = arith.constant 16 : i32
      %mul3A_1269 = arith.muli %while3A_1253, %mul3A_1268 : i32
      %get3A_1270 = arith.index_cast %mul3A_1269 : i32 to index
      %get3A_1271 = tpu.vector_load %arg13[%get3A_1270] {strides = array<i32>} : memref<8224xf32, #tpu.memory_space<vmem>>, vector<16xf32>,
      %mul3A_1272 = arith.mulf %gather3A, %get3A_1271 : vector<16xf32>
      tpu.vector_store_idx %arg14[%shift_right_logical3A_1258, %and3A_1260], %mul3A_1272 {add = true} : memref<192x128xf32, #tpu.memory_space<vmem>>[vector<16xi32>, vector<16xi32>], vector<16xf32>,
    }
    %while3A_807 = arith.constant 1 : i32
    scf.for %while3A_1253 = %while3A_805 to %while3A_801 step %while3A_807  : i32 {
      %mul3A_1254 = arith.constant 16 : i32
      %mul3A_1255 = arith.muli %while3A_1253, %mul3A_1254 : i32
      %get3A = arith.index_cast %mul3A_1255 : i32 to index
      %get3A_1256 = tpu.vector_load %arg11[%get3A] {strides = array<i32>} : memref<8224xi32, #tpu.memory_space<vmem>>, vector<16xi32>,
      %shift_right_logical3A = arith.constant 7 : i32
      %shift_right_logical3A_1257 = vector.broadcast %shift_right_logical3A : i32 to vector<16xi32>
      %shift_right_logical3A_1258 = arith.shrui %get3A_1256, %shift_right_logical3A_1257 : vector<16xi32>
      %and3A = arith.constant 127 : i32
      %and3A_1259 = vector.broadcast %and3A : i32 to vector<16xi32>
      %and3A_1260 = arith.andi %get3A_1256, %and3A_1259 : vector<16xi32>
      %mul3A_1261 = arith.constant 16 : i32
      %mul3A_1262 = arith.muli %while3A_1253, %mul3A_1261 : i32
      %get3A_1263 = arith.index_cast %mul3A_1262 : i32 to index
      %get3A_1264 = tpu.vector_load %arg12[%get3A_1263] {strides = array<i32>} : memref<8224xi32, #tpu.memory_space<vmem>>, vector<16xi32>,
      %add3A_1265 = arith.constant 10240 : i32
      %add3A_1266 = vector.broadcast %add3A_1265 : i32 to vector<16xi32>
      %add3A_1267 = arith.addi %get3A_1264, %add3A_1266 : vector<16xi32>
      %gather3A = tpu.vector_load_idx %arg7[%add3A_1267] : memref<16384xf32, #tpu.memory_space<vmem>>[vector<16xi32>], vector<16xf32>,
      %mul3A_1268 = arith.constant 16 : i32
      %mul3A_1269 = arith.muli %while3A_1253, %mul3A_1268 : i32
      %get3A_1270 = arith.index_cast %mul3A_1269 : i32 to index
      %get3A_1271 = tpu.vector_load %arg13[%get3A_1270] {strides = array<i32>} : memref<8224xf32, #tpu.memory_space<vmem>>, vector<16xf32>,
      %mul3A_1272 = arith.mulf %gather3A, %get3A_1271 : vector<16xf32>
      tpu.vector_store_idx %arg14[%shift_right_logical3A_1258, %and3A_1260], %mul3A_1272 {add = true} : memref<192x128xf32, #tpu.memory_space<vmem>>[vector<16xi32>, vector<16xi32>], vector<16xf32>,
    }
    %dma_start3A_808 = arith.constant 20 : i32
    %dma_start3A_809 = arith.constant 0 : i32
    %dma_start3A_810 = arith.constant 0 : i32
    %dma_start3A_811 = tpu.memref_slice %arg6[%dma_start3A_808, %dma_start3A_809, %add3A, %dma_start3A_810] : memref<32x192x32x128xf32, #tpu.memory_space<hbm>> -> memref<1x192x1x128xf32, #tpu.memory_space<hbm>>
    %dma_start3A_812 = tpu.memref_squeeze %dma_start3A_811 : memref<1x192x1x128xf32, #tpu.memory_space<hbm>> -> memref<192x128xf32, #tpu.memory_space<hbm>>
    %dma_start3A_813 = arith.constant 0 : i32
    %dma_start3A_814 = arith.constant 0 : i32
    %dma_start3A_815 = tpu.memref_slice %arg6[%dma_start3A_808, %dma_start3A_813, %add3A, %dma_start3A_814] : memref<32x192x32x128xf32, #tpu.memory_space<hbm>> -> memref<1x192x1x128xf32, #tpu.memory_space<hbm>>
    %dma_start3A_816 = tpu.memref_squeeze %dma_start3A_815 : memref<1x192x1x128xf32, #tpu.memory_space<hbm>> -> memref<192x128xf32, #tpu.memory_space<hbm>>
    tpu.enqueue_dma source(%arg14 : memref<192x128xf32, #tpu.memory_space<vmem>>) target(%dma_start3A_816 : memref<192x128xf32, #tpu.memory_space<hbm>>) target_semaphore(%arg16 : memref<!tpu.dma_semaphore, #tpu.memory_space<semaphore_mem>>)
    %dma_wait3A_817 = arith.constant 19 : i32
    %dma_wait3A_818 = arith.constant 0 : i32
    %dma_wait3A_819 = arith.constant 0 : i32
    %dma_wait3A_820 = tpu.memref_slice %arg6[%dma_wait3A_817, %dma_wait3A_818, %add3A, %dma_wait3A_819] : memref<32x192x32x128xf32, #tpu.memory_space<hbm>> -> memref<1x192x1x128xf32, #tpu.memory_space<hbm>>
    %dma_wait3A_821 = tpu.memref_squeeze %dma_wait3A_820 : memref<1x192x1x128xf32, #tpu.memory_space<hbm>> -> memref<192x128xf32, #tpu.memory_space<hbm>>
    %dma_wait3A_822 = arith.constant 0 : i32
    %dma_wait3A_823 = arith.constant 0 : i32
    %dma_wait3A_824 = tpu.memref_slice %arg6[%dma_wait3A_817, %dma_wait3A_822, %add3A, %dma_wait3A_823] : memref<32x192x32x128xf32, #tpu.memory_space<hbm>> -> memref<1x192x1x128xf32, #tpu.memory_space<hbm>>
    %dma_wait3A_825 = tpu.memref_squeeze %dma_wait3A_824 : memref<1x192x1x128xf32, #tpu.memory_space<hbm>> -> memref<192x128xf32, #tpu.memory_space<hbm>>
    tpu.wait_dma2 semaphore(%arg17 : memref<!tpu.dma_semaphore, #tpu.memory_space<semaphore_mem>>) src(%arg15 : memref<192x128xf32, #tpu.memory_space<vmem>>) dst(%dma_wait3A_825 : memref<192x128xf32, #tpu.memory_space<hbm>>)
    %while3A_826 = arith.constant 0 : i32
    %while3A_827 = arith.constant 0 : i32
    %while3A_828 = arith.subi %shift_right_arithmetic3A_29, %while3A_827 : i32
    %while3A_829 = arith.addi %while3A_827, %while3A_828 : i32
    %while3A_830 = arith.constant 1 : i32
    %while3A_831 = arith.divsi %while3A_828, %while3A_830 : i32
    %while3A_832 = arith.muli %while3A_831, %while3A_830 : i32
    %while3A_833 = arith.addi %while3A_827, %while3A_832 : i32
    %while3A_834 = arith.constant 1 : i32
    scf.for %while3A_1253 = %while3A_827 to %while3A_833 step %while3A_834  : i32 {
      %mul3A_1254 = arith.constant 16 : i32
      %mul3A_1255 = arith.muli %while3A_1253, %mul3A_1254 : i32
      %get3A = arith.index_cast %mul3A_1255 : i32 to index
      %get3A_1256 = tpu.vector_load %arg11[%get3A] {strides = array<i32>} : memref<8224xi32, #tpu.memory_space<vmem>>, vector<16xi32>,
      %shift_right_logical3A = arith.constant 7 : i32
      %shift_right_logical3A_1257 = vector.broadcast %shift_right_logical3A : i32 to vector<16xi32>
      %shift_right_logical3A_1258 = arith.shrui %get3A_1256, %shift_right_logical3A_1257 : vector<16xi32>
      %and3A = arith.constant 127 : i32
      %and3A_1259 = vector.broadcast %and3A : i32 to vector<16xi32>
      %and3A_1260 = arith.andi %get3A_1256, %and3A_1259 : vector<16xi32>
      tpu.vector_store_idx %arg15[%shift_right_logical3A_1258, %and3A_1260], %broadcast_in_dim3A_1 : memref<192x128xf32, #tpu.memory_space<vmem>>[vector<16xi32>, vector<16xi32>], vector<16xf32>,
    }
    %while3A_835 = arith.constant 1 : i32
    scf.for %while3A_1253 = %while3A_833 to %while3A_829 step %while3A_835  : i32 {
      %mul3A_1254 = arith.constant 16 : i32
      %mul3A_1255 = arith.muli %while3A_1253, %mul3A_1254 : i32
      %get3A = arith.index_cast %mul3A_1255 : i32 to index
      %get3A_1256 = tpu.vector_load %arg11[%get3A] {strides = array<i32>} : memref<8224xi32, #tpu.memory_space<vmem>>, vector<16xi32>,
      %shift_right_logical3A = arith.constant 7 : i32
      %shift_right_logical3A_1257 = vector.broadcast %shift_right_logical3A : i32 to vector<16xi32>
      %shift_right_logical3A_1258 = arith.shrui %get3A_1256, %shift_right_logical3A_1257 : vector<16xi32>
      %and3A = arith.constant 127 : i32
      %and3A_1259 = vector.broadcast %and3A : i32 to vector<16xi32>
      %and3A_1260 = arith.andi %get3A_1256, %and3A_1259 : vector<16xi32>
      tpu.vector_store_idx %arg15[%shift_right_logical3A_1258, %and3A_1260], %broadcast_in_dim3A_1 : memref<192x128xf32, #tpu.memory_space<vmem>>[vector<16xi32>, vector<16xi32>], vector<16xf32>,
    }
    %while3A_836 = arith.constant 0 : i32
    %while3A_837 = arith.constant 0 : i32
    %while3A_838 = arith.subi %shift_right_arithmetic3A_29, %while3A_837 : i32
    %while3A_839 = arith.addi %while3A_837, %while3A_838 : i32
    %while3A_840 = arith.constant 1 : i32
    %while3A_841 = arith.divsi %while3A_838, %while3A_840 : i32
    %while3A_842 = arith.muli %while3A_841, %while3A_840 : i32
    %while3A_843 = arith.addi %while3A_837, %while3A_842 : i32
    %while3A_844 = arith.constant 1 : i32
    scf.for %while3A_1253 = %while3A_837 to %while3A_843 step %while3A_844  : i32 {
      %mul3A_1254 = arith.constant 16 : i32
      %mul3A_1255 = arith.muli %while3A_1253, %mul3A_1254 : i32
      %get3A = arith.index_cast %mul3A_1255 : i32 to index
      %get3A_1256 = tpu.vector_load %arg11[%get3A] {strides = array<i32>} : memref<8224xi32, #tpu.memory_space<vmem>>, vector<16xi32>,
      %shift_right_logical3A = arith.constant 7 : i32
      %shift_right_logical3A_1257 = vector.broadcast %shift_right_logical3A : i32 to vector<16xi32>
      %shift_right_logical3A_1258 = arith.shrui %get3A_1256, %shift_right_logical3A_1257 : vector<16xi32>
      %and3A = arith.constant 127 : i32
      %and3A_1259 = vector.broadcast %and3A : i32 to vector<16xi32>
      %and3A_1260 = arith.andi %get3A_1256, %and3A_1259 : vector<16xi32>
      %mul3A_1261 = arith.constant 16 : i32
      %mul3A_1262 = arith.muli %while3A_1253, %mul3A_1261 : i32
      %get3A_1263 = arith.index_cast %mul3A_1262 : i32 to index
      %get3A_1264 = tpu.vector_load %arg12[%get3A_1263] {strides = array<i32>} : memref<8224xi32, #tpu.memory_space<vmem>>, vector<16xi32>,
      %add3A_1265 = arith.constant 10752 : i32
      %add3A_1266 = vector.broadcast %add3A_1265 : i32 to vector<16xi32>
      %add3A_1267 = arith.addi %get3A_1264, %add3A_1266 : vector<16xi32>
      %gather3A = tpu.vector_load_idx %arg7[%add3A_1267] : memref<16384xf32, #tpu.memory_space<vmem>>[vector<16xi32>], vector<16xf32>,
      %mul3A_1268 = arith.constant 16 : i32
      %mul3A_1269 = arith.muli %while3A_1253, %mul3A_1268 : i32
      %get3A_1270 = arith.index_cast %mul3A_1269 : i32 to index
      %get3A_1271 = tpu.vector_load %arg13[%get3A_1270] {strides = array<i32>} : memref<8224xf32, #tpu.memory_space<vmem>>, vector<16xf32>,
      %mul3A_1272 = arith.mulf %gather3A, %get3A_1271 : vector<16xf32>
      tpu.vector_store_idx %arg15[%shift_right_logical3A_1258, %and3A_1260], %mul3A_1272 {add = true} : memref<192x128xf32, #tpu.memory_space<vmem>>[vector<16xi32>, vector<16xi32>], vector<16xf32>,
    }
    %while3A_845 = arith.constant 1 : i32
    scf.for %while3A_1253 = %while3A_843 to %while3A_839 step %while3A_845  : i32 {
      %mul3A_1254 = arith.constant 16 : i32
      %mul3A_1255 = arith.muli %while3A_1253, %mul3A_1254 : i32
      %get3A = arith.index_cast %mul3A_1255 : i32 to index
      %get3A_1256 = tpu.vector_load %arg11[%get3A] {strides = array<i32>} : memref<8224xi32, #tpu.memory_space<vmem>>, vector<16xi32>,
      %shift_right_logical3A = arith.constant 7 : i32
      %shift_right_logical3A_1257 = vector.broadcast %shift_right_logical3A : i32 to vector<16xi32>
      %shift_right_logical3A_1258 = arith.shrui %get3A_1256, %shift_right_logical3A_1257 : vector<16xi32>
      %and3A = arith.constant 127 : i32
      %and3A_1259 = vector.broadcast %and3A : i32 to vector<16xi32>
      %and3A_1260 = arith.andi %get3A_1256, %and3A_1259 : vector<16xi32>
      %mul3A_1261 = arith.constant 16 : i32
      %mul3A_1262 = arith.muli %while3A_1253, %mul3A_1261 : i32
      %get3A_1263 = arith.index_cast %mul3A_1262 : i32 to index
      %get3A_1264 = tpu.vector_load %arg12[%get3A_1263] {strides = array<i32>} : memref<8224xi32, #tpu.memory_space<vmem>>, vector<16xi32>,
      %add3A_1265 = arith.constant 10752 : i32
      %add3A_1266 = vector.broadcast %add3A_1265 : i32 to vector<16xi32>
      %add3A_1267 = arith.addi %get3A_1264, %add3A_1266 : vector<16xi32>
      %gather3A = tpu.vector_load_idx %arg7[%add3A_1267] : memref<16384xf32, #tpu.memory_space<vmem>>[vector<16xi32>], vector<16xf32>,
      %mul3A_1268 = arith.constant 16 : i32
      %mul3A_1269 = arith.muli %while3A_1253, %mul3A_1268 : i32
      %get3A_1270 = arith.index_cast %mul3A_1269 : i32 to index
      %get3A_1271 = tpu.vector_load %arg13[%get3A_1270] {strides = array<i32>} : memref<8224xf32, #tpu.memory_space<vmem>>, vector<16xf32>,
      %mul3A_1272 = arith.mulf %gather3A, %get3A_1271 : vector<16xf32>
      tpu.vector_store_idx %arg15[%shift_right_logical3A_1258, %and3A_1260], %mul3A_1272 {add = true} : memref<192x128xf32, #tpu.memory_space<vmem>>[vector<16xi32>, vector<16xi32>], vector<16xf32>,
    }
    %dma_start3A_846 = arith.constant 21 : i32
    %dma_start3A_847 = arith.constant 0 : i32
    %dma_start3A_848 = arith.constant 0 : i32
    %dma_start3A_849 = tpu.memref_slice %arg6[%dma_start3A_846, %dma_start3A_847, %add3A, %dma_start3A_848] : memref<32x192x32x128xf32, #tpu.memory_space<hbm>> -> memref<1x192x1x128xf32, #tpu.memory_space<hbm>>
    %dma_start3A_850 = tpu.memref_squeeze %dma_start3A_849 : memref<1x192x1x128xf32, #tpu.memory_space<hbm>> -> memref<192x128xf32, #tpu.memory_space<hbm>>
    %dma_start3A_851 = arith.constant 0 : i32
    %dma_start3A_852 = arith.constant 0 : i32
    %dma_start3A_853 = tpu.memref_slice %arg6[%dma_start3A_846, %dma_start3A_851, %add3A, %dma_start3A_852] : memref<32x192x32x128xf32, #tpu.memory_space<hbm>> -> memref<1x192x1x128xf32, #tpu.memory_space<hbm>>
    %dma_start3A_854 = tpu.memref_squeeze %dma_start3A_853 : memref<1x192x1x128xf32, #tpu.memory_space<hbm>> -> memref<192x128xf32, #tpu.memory_space<hbm>>
    tpu.enqueue_dma source(%arg15 : memref<192x128xf32, #tpu.memory_space<vmem>>) target(%dma_start3A_854 : memref<192x128xf32, #tpu.memory_space<hbm>>) target_semaphore(%arg17 : memref<!tpu.dma_semaphore, #tpu.memory_space<semaphore_mem>>)
    %dma_wait3A_855 = arith.constant 20 : i32
    %dma_wait3A_856 = arith.constant 0 : i32
    %dma_wait3A_857 = arith.constant 0 : i32
    %dma_wait3A_858 = tpu.memref_slice %arg6[%dma_wait3A_855, %dma_wait3A_856, %add3A, %dma_wait3A_857] : memref<32x192x32x128xf32, #tpu.memory_space<hbm>> -> memref<1x192x1x128xf32, #tpu.memory_space<hbm>>
    %dma_wait3A_859 = tpu.memref_squeeze %dma_wait3A_858 : memref<1x192x1x128xf32, #tpu.memory_space<hbm>> -> memref<192x128xf32, #tpu.memory_space<hbm>>
    %dma_wait3A_860 = arith.constant 0 : i32
    %dma_wait3A_861 = arith.constant 0 : i32
    %dma_wait3A_862 = tpu.memref_slice %arg6[%dma_wait3A_855, %dma_wait3A_860, %add3A, %dma_wait3A_861] : memref<32x192x32x128xf32, #tpu.memory_space<hbm>> -> memref<1x192x1x128xf32, #tpu.memory_space<hbm>>
    %dma_wait3A_863 = tpu.memref_squeeze %dma_wait3A_862 : memref<1x192x1x128xf32, #tpu.memory_space<hbm>> -> memref<192x128xf32, #tpu.memory_space<hbm>>
    tpu.wait_dma2 semaphore(%arg16 : memref<!tpu.dma_semaphore, #tpu.memory_space<semaphore_mem>>) src(%arg14 : memref<192x128xf32, #tpu.memory_space<vmem>>) dst(%dma_wait3A_863 : memref<192x128xf32, #tpu.memory_space<hbm>>)
    %while3A_864 = arith.constant 0 : i32
    %while3A_865 = arith.constant 0 : i32
    %while3A_866 = arith.subi %shift_right_arithmetic3A_29, %while3A_865 : i32
    %while3A_867 = arith.addi %while3A_865, %while3A_866 : i32
    %while3A_868 = arith.constant 1 : i32
    %while3A_869 = arith.divsi %while3A_866, %while3A_868 : i32
    %while3A_870 = arith.muli %while3A_869, %while3A_868 : i32
    %while3A_871 = arith.addi %while3A_865, %while3A_870 : i32
    %while3A_872 = arith.constant 1 : i32
    scf.for %while3A_1253 = %while3A_865 to %while3A_871 step %while3A_872  : i32 {
      %mul3A_1254 = arith.constant 16 : i32
      %mul3A_1255 = arith.muli %while3A_1253, %mul3A_1254 : i32
      %get3A = arith.index_cast %mul3A_1255 : i32 to index
      %get3A_1256 = tpu.vector_load %arg11[%get3A] {strides = array<i32>} : memref<8224xi32, #tpu.memory_space<vmem>>, vector<16xi32>,
      %shift_right_logical3A = arith.constant 7 : i32
      %shift_right_logical3A_1257 = vector.broadcast %shift_right_logical3A : i32 to vector<16xi32>
      %shift_right_logical3A_1258 = arith.shrui %get3A_1256, %shift_right_logical3A_1257 : vector<16xi32>
      %and3A = arith.constant 127 : i32
      %and3A_1259 = vector.broadcast %and3A : i32 to vector<16xi32>
      %and3A_1260 = arith.andi %get3A_1256, %and3A_1259 : vector<16xi32>
      tpu.vector_store_idx %arg14[%shift_right_logical3A_1258, %and3A_1260], %broadcast_in_dim3A_1 : memref<192x128xf32, #tpu.memory_space<vmem>>[vector<16xi32>, vector<16xi32>], vector<16xf32>,
    }
    %while3A_873 = arith.constant 1 : i32
    scf.for %while3A_1253 = %while3A_871 to %while3A_867 step %while3A_873  : i32 {
      %mul3A_1254 = arith.constant 16 : i32
      %mul3A_1255 = arith.muli %while3A_1253, %mul3A_1254 : i32
      %get3A = arith.index_cast %mul3A_1255 : i32 to index
      %get3A_1256 = tpu.vector_load %arg11[%get3A] {strides = array<i32>} : memref<8224xi32, #tpu.memory_space<vmem>>, vector<16xi32>,
      %shift_right_logical3A = arith.constant 7 : i32
      %shift_right_logical3A_1257 = vector.broadcast %shift_right_logical3A : i32 to vector<16xi32>
      %shift_right_logical3A_1258 = arith.shrui %get3A_1256, %shift_right_logical3A_1257 : vector<16xi32>
      %and3A = arith.constant 127 : i32
      %and3A_1259 = vector.broadcast %and3A : i32 to vector<16xi32>
      %and3A_1260 = arith.andi %get3A_1256, %and3A_1259 : vector<16xi32>
      tpu.vector_store_idx %arg14[%shift_right_logical3A_1258, %and3A_1260], %broadcast_in_dim3A_1 : memref<192x128xf32, #tpu.memory_space<vmem>>[vector<16xi32>, vector<16xi32>], vector<16xf32>,
    }
    %while3A_874 = arith.constant 0 : i32
    %while3A_875 = arith.constant 0 : i32
    %while3A_876 = arith.subi %shift_right_arithmetic3A_29, %while3A_875 : i32
    %while3A_877 = arith.addi %while3A_875, %while3A_876 : i32
    %while3A_878 = arith.constant 1 : i32
    %while3A_879 = arith.divsi %while3A_876, %while3A_878 : i32
    %while3A_880 = arith.muli %while3A_879, %while3A_878 : i32
    %while3A_881 = arith.addi %while3A_875, %while3A_880 : i32
    %while3A_882 = arith.constant 1 : i32
    scf.for %while3A_1253 = %while3A_875 to %while3A_881 step %while3A_882  : i32 {
      %mul3A_1254 = arith.constant 16 : i32
      %mul3A_1255 = arith.muli %while3A_1253, %mul3A_1254 : i32
      %get3A = arith.index_cast %mul3A_1255 : i32 to index
      %get3A_1256 = tpu.vector_load %arg11[%get3A] {strides = array<i32>} : memref<8224xi32, #tpu.memory_space<vmem>>, vector<16xi32>,
      %shift_right_logical3A = arith.constant 7 : i32
      %shift_right_logical3A_1257 = vector.broadcast %shift_right_logical3A : i32 to vector<16xi32>
      %shift_right_logical3A_1258 = arith.shrui %get3A_1256, %shift_right_logical3A_1257 : vector<16xi32>
      %and3A = arith.constant 127 : i32
      %and3A_1259 = vector.broadcast %and3A : i32 to vector<16xi32>
      %and3A_1260 = arith.andi %get3A_1256, %and3A_1259 : vector<16xi32>
      %mul3A_1261 = arith.constant 16 : i32
      %mul3A_1262 = arith.muli %while3A_1253, %mul3A_1261 : i32
      %get3A_1263 = arith.index_cast %mul3A_1262 : i32 to index
      %get3A_1264 = tpu.vector_load %arg12[%get3A_1263] {strides = array<i32>} : memref<8224xi32, #tpu.memory_space<vmem>>, vector<16xi32>,
      %add3A_1265 = arith.constant 11264 : i32
      %add3A_1266 = vector.broadcast %add3A_1265 : i32 to vector<16xi32>
      %add3A_1267 = arith.addi %get3A_1264, %add3A_1266 : vector<16xi32>
      %gather3A = tpu.vector_load_idx %arg7[%add3A_1267] : memref<16384xf32, #tpu.memory_space<vmem>>[vector<16xi32>], vector<16xf32>,
      %mul3A_1268 = arith.constant 16 : i32
      %mul3A_1269 = arith.muli %while3A_1253, %mul3A_1268 : i32
      %get3A_1270 = arith.index_cast %mul3A_1269 : i32 to index
      %get3A_1271 = tpu.vector_load %arg13[%get3A_1270] {strides = array<i32>} : memref<8224xf32, #tpu.memory_space<vmem>>, vector<16xf32>,
      %mul3A_1272 = arith.mulf %gather3A, %get3A_1271 : vector<16xf32>
      tpu.vector_store_idx %arg14[%shift_right_logical3A_1258, %and3A_1260], %mul3A_1272 {add = true} : memref<192x128xf32, #tpu.memory_space<vmem>>[vector<16xi32>, vector<16xi32>], vector<16xf32>,
    }
    %while3A_883 = arith.constant 1 : i32
    scf.for %while3A_1253 = %while3A_881 to %while3A_877 step %while3A_883  : i32 {
      %mul3A_1254 = arith.constant 16 : i32
      %mul3A_1255 = arith.muli %while3A_1253, %mul3A_1254 : i32
      %get3A = arith.index_cast %mul3A_1255 : i32 to index
      %get3A_1256 = tpu.vector_load %arg11[%get3A] {strides = array<i32>} : memref<8224xi32, #tpu.memory_space<vmem>>, vector<16xi32>,
      %shift_right_logical3A = arith.constant 7 : i32
      %shift_right_logical3A_1257 = vector.broadcast %shift_right_logical3A : i32 to vector<16xi32>
      %shift_right_logical3A_1258 = arith.shrui %get3A_1256, %shift_right_logical3A_1257 : vector<16xi32>
      %and3A = arith.constant 127 : i32
      %and3A_1259 = vector.broadcast %and3A : i32 to vector<16xi32>
      %and3A_1260 = arith.andi %get3A_1256, %and3A_1259 : vector<16xi32>
      %mul3A_1261 = arith.constant 16 : i32
      %mul3A_1262 = arith.muli %while3A_1253, %mul3A_1261 : i32
      %get3A_1263 = arith.index_cast %mul3A_1262 : i32 to index
      %get3A_1264 = tpu.vector_load %arg12[%get3A_1263] {strides = array<i32>} : memref<8224xi32, #tpu.memory_space<vmem>>, vector<16xi32>,
      %add3A_1265 = arith.constant 11264 : i32
      %add3A_1266 = vector.broadcast %add3A_1265 : i32 to vector<16xi32>
      %add3A_1267 = arith.addi %get3A_1264, %add3A_1266 : vector<16xi32>
      %gather3A = tpu.vector_load_idx %arg7[%add3A_1267] : memref<16384xf32, #tpu.memory_space<vmem>>[vector<16xi32>], vector<16xf32>,
      %mul3A_1268 = arith.constant 16 : i32
      %mul3A_1269 = arith.muli %while3A_1253, %mul3A_1268 : i32
      %get3A_1270 = arith.index_cast %mul3A_1269 : i32 to index
      %get3A_1271 = tpu.vector_load %arg13[%get3A_1270] {strides = array<i32>} : memref<8224xf32, #tpu.memory_space<vmem>>, vector<16xf32>,
      %mul3A_1272 = arith.mulf %gather3A, %get3A_1271 : vector<16xf32>
      tpu.vector_store_idx %arg14[%shift_right_logical3A_1258, %and3A_1260], %mul3A_1272 {add = true} : memref<192x128xf32, #tpu.memory_space<vmem>>[vector<16xi32>, vector<16xi32>], vector<16xf32>,
    }
    %dma_start3A_884 = arith.constant 22 : i32
    %dma_start3A_885 = arith.constant 0 : i32
    %dma_start3A_886 = arith.constant 0 : i32
    %dma_start3A_887 = tpu.memref_slice %arg6[%dma_start3A_884, %dma_start3A_885, %add3A, %dma_start3A_886] : memref<32x192x32x128xf32, #tpu.memory_space<hbm>> -> memref<1x192x1x128xf32, #tpu.memory_space<hbm>>
    %dma_start3A_888 = tpu.memref_squeeze %dma_start3A_887 : memref<1x192x1x128xf32, #tpu.memory_space<hbm>> -> memref<192x128xf32, #tpu.memory_space<hbm>>
    %dma_start3A_889 = arith.constant 0 : i32
    %dma_start3A_890 = arith.constant 0 : i32
    %dma_start3A_891 = tpu.memref_slice %arg6[%dma_start3A_884, %dma_start3A_889, %add3A, %dma_start3A_890] : memref<32x192x32x128xf32, #tpu.memory_space<hbm>> -> memref<1x192x1x128xf32, #tpu.memory_space<hbm>>
    %dma_start3A_892 = tpu.memref_squeeze %dma_start3A_891 : memref<1x192x1x128xf32, #tpu.memory_space<hbm>> -> memref<192x128xf32, #tpu.memory_space<hbm>>
    tpu.enqueue_dma source(%arg14 : memref<192x128xf32, #tpu.memory_space<vmem>>) target(%dma_start3A_892 : memref<192x128xf32, #tpu.memory_space<hbm>>) target_semaphore(%arg16 : memref<!tpu.dma_semaphore, #tpu.memory_space<semaphore_mem>>)
    %dma_wait3A_893 = arith.constant 21 : i32
    %dma_wait3A_894 = arith.constant 0 : i32
    %dma_wait3A_895 = arith.constant 0 : i32
    %dma_wait3A_896 = tpu.memref_slice %arg6[%dma_wait3A_893, %dma_wait3A_894, %add3A, %dma_wait3A_895] : memref<32x192x32x128xf32, #tpu.memory_space<hbm>> -> memref<1x192x1x128xf32, #tpu.memory_space<hbm>>
    %dma_wait3A_897 = tpu.memref_squeeze %dma_wait3A_896 : memref<1x192x1x128xf32, #tpu.memory_space<hbm>> -> memref<192x128xf32, #tpu.memory_space<hbm>>
    %dma_wait3A_898 = arith.constant 0 : i32
    %dma_wait3A_899 = arith.constant 0 : i32
    %dma_wait3A_900 = tpu.memref_slice %arg6[%dma_wait3A_893, %dma_wait3A_898, %add3A, %dma_wait3A_899] : memref<32x192x32x128xf32, #tpu.memory_space<hbm>> -> memref<1x192x1x128xf32, #tpu.memory_space<hbm>>
    %dma_wait3A_901 = tpu.memref_squeeze %dma_wait3A_900 : memref<1x192x1x128xf32, #tpu.memory_space<hbm>> -> memref<192x128xf32, #tpu.memory_space<hbm>>
    tpu.wait_dma2 semaphore(%arg17 : memref<!tpu.dma_semaphore, #tpu.memory_space<semaphore_mem>>) src(%arg15 : memref<192x128xf32, #tpu.memory_space<vmem>>) dst(%dma_wait3A_901 : memref<192x128xf32, #tpu.memory_space<hbm>>)
    %while3A_902 = arith.constant 0 : i32
    %while3A_903 = arith.constant 0 : i32
    %while3A_904 = arith.subi %shift_right_arithmetic3A_29, %while3A_903 : i32
    %while3A_905 = arith.addi %while3A_903, %while3A_904 : i32
    %while3A_906 = arith.constant 1 : i32
    %while3A_907 = arith.divsi %while3A_904, %while3A_906 : i32
    %while3A_908 = arith.muli %while3A_907, %while3A_906 : i32
    %while3A_909 = arith.addi %while3A_903, %while3A_908 : i32
    %while3A_910 = arith.constant 1 : i32
    scf.for %while3A_1253 = %while3A_903 to %while3A_909 step %while3A_910  : i32 {
      %mul3A_1254 = arith.constant 16 : i32
      %mul3A_1255 = arith.muli %while3A_1253, %mul3A_1254 : i32
      %get3A = arith.index_cast %mul3A_1255 : i32 to index
      %get3A_1256 = tpu.vector_load %arg11[%get3A] {strides = array<i32>} : memref<8224xi32, #tpu.memory_space<vmem>>, vector<16xi32>,
      %shift_right_logical3A = arith.constant 7 : i32
      %shift_right_logical3A_1257 = vector.broadcast %shift_right_logical3A : i32 to vector<16xi32>
      %shift_right_logical3A_1258 = arith.shrui %get3A_1256, %shift_right_logical3A_1257 : vector<16xi32>
      %and3A = arith.constant 127 : i32
      %and3A_1259 = vector.broadcast %and3A : i32 to vector<16xi32>
      %and3A_1260 = arith.andi %get3A_1256, %and3A_1259 : vector<16xi32>
      tpu.vector_store_idx %arg15[%shift_right_logical3A_1258, %and3A_1260], %broadcast_in_dim3A_1 : memref<192x128xf32, #tpu.memory_space<vmem>>[vector<16xi32>, vector<16xi32>], vector<16xf32>,
    }
    %while3A_911 = arith.constant 1 : i32
    scf.for %while3A_1253 = %while3A_909 to %while3A_905 step %while3A_911  : i32 {
      %mul3A_1254 = arith.constant 16 : i32
      %mul3A_1255 = arith.muli %while3A_1253, %mul3A_1254 : i32
      %get3A = arith.index_cast %mul3A_1255 : i32 to index
      %get3A_1256 = tpu.vector_load %arg11[%get3A] {strides = array<i32>} : memref<8224xi32, #tpu.memory_space<vmem>>, vector<16xi32>,
      %shift_right_logical3A = arith.constant 7 : i32
      %shift_right_logical3A_1257 = vector.broadcast %shift_right_logical3A : i32 to vector<16xi32>
      %shift_right_logical3A_1258 = arith.shrui %get3A_1256, %shift_right_logical3A_1257 : vector<16xi32>
      %and3A = arith.constant 127 : i32
      %and3A_1259 = vector.broadcast %and3A : i32 to vector<16xi32>
      %and3A_1260 = arith.andi %get3A_1256, %and3A_1259 : vector<16xi32>
      tpu.vector_store_idx %arg15[%shift_right_logical3A_1258, %and3A_1260], %broadcast_in_dim3A_1 : memref<192x128xf32, #tpu.memory_space<vmem>>[vector<16xi32>, vector<16xi32>], vector<16xf32>,
    }
    %while3A_912 = arith.constant 0 : i32
    %while3A_913 = arith.constant 0 : i32
    %while3A_914 = arith.subi %shift_right_arithmetic3A_29, %while3A_913 : i32
    %while3A_915 = arith.addi %while3A_913, %while3A_914 : i32
    %while3A_916 = arith.constant 1 : i32
    %while3A_917 = arith.divsi %while3A_914, %while3A_916 : i32
    %while3A_918 = arith.muli %while3A_917, %while3A_916 : i32
    %while3A_919 = arith.addi %while3A_913, %while3A_918 : i32
    %while3A_920 = arith.constant 1 : i32
    scf.for %while3A_1253 = %while3A_913 to %while3A_919 step %while3A_920  : i32 {
      %mul3A_1254 = arith.constant 16 : i32
      %mul3A_1255 = arith.muli %while3A_1253, %mul3A_1254 : i32
      %get3A = arith.index_cast %mul3A_1255 : i32 to index
      %get3A_1256 = tpu.vector_load %arg11[%get3A] {strides = array<i32>} : memref<8224xi32, #tpu.memory_space<vmem>>, vector<16xi32>,
      %shift_right_logical3A = arith.constant 7 : i32
      %shift_right_logical3A_1257 = vector.broadcast %shift_right_logical3A : i32 to vector<16xi32>
      %shift_right_logical3A_1258 = arith.shrui %get3A_1256, %shift_right_logical3A_1257 : vector<16xi32>
      %and3A = arith.constant 127 : i32
      %and3A_1259 = vector.broadcast %and3A : i32 to vector<16xi32>
      %and3A_1260 = arith.andi %get3A_1256, %and3A_1259 : vector<16xi32>
      %mul3A_1261 = arith.constant 16 : i32
      %mul3A_1262 = arith.muli %while3A_1253, %mul3A_1261 : i32
      %get3A_1263 = arith.index_cast %mul3A_1262 : i32 to index
      %get3A_1264 = tpu.vector_load %arg12[%get3A_1263] {strides = array<i32>} : memref<8224xi32, #tpu.memory_space<vmem>>, vector<16xi32>,
      %add3A_1265 = arith.constant 11776 : i32
      %add3A_1266 = vector.broadcast %add3A_1265 : i32 to vector<16xi32>
      %add3A_1267 = arith.addi %get3A_1264, %add3A_1266 : vector<16xi32>
      %gather3A = tpu.vector_load_idx %arg7[%add3A_1267] : memref<16384xf32, #tpu.memory_space<vmem>>[vector<16xi32>], vector<16xf32>,
      %mul3A_1268 = arith.constant 16 : i32
      %mul3A_1269 = arith.muli %while3A_1253, %mul3A_1268 : i32
      %get3A_1270 = arith.index_cast %mul3A_1269 : i32 to index
      %get3A_1271 = tpu.vector_load %arg13[%get3A_1270] {strides = array<i32>} : memref<8224xf32, #tpu.memory_space<vmem>>, vector<16xf32>,
      %mul3A_1272 = arith.mulf %gather3A, %get3A_1271 : vector<16xf32>
      tpu.vector_store_idx %arg15[%shift_right_logical3A_1258, %and3A_1260], %mul3A_1272 {add = true} : memref<192x128xf32, #tpu.memory_space<vmem>>[vector<16xi32>, vector<16xi32>], vector<16xf32>,
    }
    %while3A_921 = arith.constant 1 : i32
    scf.for %while3A_1253 = %while3A_919 to %while3A_915 step %while3A_921  : i32 {
      %mul3A_1254 = arith.constant 16 : i32
      %mul3A_1255 = arith.muli %while3A_1253, %mul3A_1254 : i32
      %get3A = arith.index_cast %mul3A_1255 : i32 to index
      %get3A_1256 = tpu.vector_load %arg11[%get3A] {strides = array<i32>} : memref<8224xi32, #tpu.memory_space<vmem>>, vector<16xi32>,
      %shift_right_logical3A = arith.constant 7 : i32
      %shift_right_logical3A_1257 = vector.broadcast %shift_right_logical3A : i32 to vector<16xi32>
      %shift_right_logical3A_1258 = arith.shrui %get3A_1256, %shift_right_logical3A_1257 : vector<16xi32>
      %and3A = arith.constant 127 : i32
      %and3A_1259 = vector.broadcast %and3A : i32 to vector<16xi32>
      %and3A_1260 = arith.andi %get3A_1256, %and3A_1259 : vector<16xi32>
      %mul3A_1261 = arith.constant 16 : i32
      %mul3A_1262 = arith.muli %while3A_1253, %mul3A_1261 : i32
      %get3A_1263 = arith.index_cast %mul3A_1262 : i32 to index
      %get3A_1264 = tpu.vector_load %arg12[%get3A_1263] {strides = array<i32>} : memref<8224xi32, #tpu.memory_space<vmem>>, vector<16xi32>,
      %add3A_1265 = arith.constant 11776 : i32
      %add3A_1266 = vector.broadcast %add3A_1265 : i32 to vector<16xi32>
      %add3A_1267 = arith.addi %get3A_1264, %add3A_1266 : vector<16xi32>
      %gather3A = tpu.vector_load_idx %arg7[%add3A_1267] : memref<16384xf32, #tpu.memory_space<vmem>>[vector<16xi32>], vector<16xf32>,
      %mul3A_1268 = arith.constant 16 : i32
      %mul3A_1269 = arith.muli %while3A_1253, %mul3A_1268 : i32
      %get3A_1270 = arith.index_cast %mul3A_1269 : i32 to index
      %get3A_1271 = tpu.vector_load %arg13[%get3A_1270] {strides = array<i32>} : memref<8224xf32, #tpu.memory_space<vmem>>, vector<16xf32>,
      %mul3A_1272 = arith.mulf %gather3A, %get3A_1271 : vector<16xf32>
      tpu.vector_store_idx %arg15[%shift_right_logical3A_1258, %and3A_1260], %mul3A_1272 {add = true} : memref<192x128xf32, #tpu.memory_space<vmem>>[vector<16xi32>, vector<16xi32>], vector<16xf32>,
    }
    %dma_start3A_922 = arith.constant 23 : i32
    %dma_start3A_923 = arith.constant 0 : i32
    %dma_start3A_924 = arith.constant 0 : i32
    %dma_start3A_925 = tpu.memref_slice %arg6[%dma_start3A_922, %dma_start3A_923, %add3A, %dma_start3A_924] : memref<32x192x32x128xf32, #tpu.memory_space<hbm>> -> memref<1x192x1x128xf32, #tpu.memory_space<hbm>>
    %dma_start3A_926 = tpu.memref_squeeze %dma_start3A_925 : memref<1x192x1x128xf32, #tpu.memory_space<hbm>> -> memref<192x128xf32, #tpu.memory_space<hbm>>
    %dma_start3A_927 = arith.constant 0 : i32
    %dma_start3A_928 = arith.constant 0 : i32
    %dma_start3A_929 = tpu.memref_slice %arg6[%dma_start3A_922, %dma_start3A_927, %add3A, %dma_start3A_928] : memref<32x192x32x128xf32, #tpu.memory_space<hbm>> -> memref<1x192x1x128xf32, #tpu.memory_space<hbm>>
    %dma_start3A_930 = tpu.memref_squeeze %dma_start3A_929 : memref<1x192x1x128xf32, #tpu.memory_space<hbm>> -> memref<192x128xf32, #tpu.memory_space<hbm>>
    tpu.enqueue_dma source(%arg15 : memref<192x128xf32, #tpu.memory_space<vmem>>) target(%dma_start3A_930 : memref<192x128xf32, #tpu.memory_space<hbm>>) target_semaphore(%arg17 : memref<!tpu.dma_semaphore, #tpu.memory_space<semaphore_mem>>)
    %dma_wait3A_931 = arith.constant 22 : i32
    %dma_wait3A_932 = arith.constant 0 : i32
    %dma_wait3A_933 = arith.constant 0 : i32
    %dma_wait3A_934 = tpu.memref_slice %arg6[%dma_wait3A_931, %dma_wait3A_932, %add3A, %dma_wait3A_933] : memref<32x192x32x128xf32, #tpu.memory_space<hbm>> -> memref<1x192x1x128xf32, #tpu.memory_space<hbm>>
    %dma_wait3A_935 = tpu.memref_squeeze %dma_wait3A_934 : memref<1x192x1x128xf32, #tpu.memory_space<hbm>> -> memref<192x128xf32, #tpu.memory_space<hbm>>
    %dma_wait3A_936 = arith.constant 0 : i32
    %dma_wait3A_937 = arith.constant 0 : i32
    %dma_wait3A_938 = tpu.memref_slice %arg6[%dma_wait3A_931, %dma_wait3A_936, %add3A, %dma_wait3A_937] : memref<32x192x32x128xf32, #tpu.memory_space<hbm>> -> memref<1x192x1x128xf32, #tpu.memory_space<hbm>>
    %dma_wait3A_939 = tpu.memref_squeeze %dma_wait3A_938 : memref<1x192x1x128xf32, #tpu.memory_space<hbm>> -> memref<192x128xf32, #tpu.memory_space<hbm>>
    tpu.wait_dma2 semaphore(%arg16 : memref<!tpu.dma_semaphore, #tpu.memory_space<semaphore_mem>>) src(%arg14 : memref<192x128xf32, #tpu.memory_space<vmem>>) dst(%dma_wait3A_939 : memref<192x128xf32, #tpu.memory_space<hbm>>)
    %while3A_940 = arith.constant 0 : i32
    %while3A_941 = arith.constant 0 : i32
    %while3A_942 = arith.subi %shift_right_arithmetic3A_29, %while3A_941 : i32
    %while3A_943 = arith.addi %while3A_941, %while3A_942 : i32
    %while3A_944 = arith.constant 1 : i32
    %while3A_945 = arith.divsi %while3A_942, %while3A_944 : i32
    %while3A_946 = arith.muli %while3A_945, %while3A_944 : i32
    %while3A_947 = arith.addi %while3A_941, %while3A_946 : i32
    %while3A_948 = arith.constant 1 : i32
    scf.for %while3A_1253 = %while3A_941 to %while3A_947 step %while3A_948  : i32 {
      %mul3A_1254 = arith.constant 16 : i32
      %mul3A_1255 = arith.muli %while3A_1253, %mul3A_1254 : i32
      %get3A = arith.index_cast %mul3A_1255 : i32 to index
      %get3A_1256 = tpu.vector_load %arg11[%get3A] {strides = array<i32>} : memref<8224xi32, #tpu.memory_space<vmem>>, vector<16xi32>,
      %shift_right_logical3A = arith.constant 7 : i32
      %shift_right_logical3A_1257 = vector.broadcast %shift_right_logical3A : i32 to vector<16xi32>
      %shift_right_logical3A_1258 = arith.shrui %get3A_1256, %shift_right_logical3A_1257 : vector<16xi32>
      %and3A = arith.constant 127 : i32
      %and3A_1259 = vector.broadcast %and3A : i32 to vector<16xi32>
      %and3A_1260 = arith.andi %get3A_1256, %and3A_1259 : vector<16xi32>
      tpu.vector_store_idx %arg14[%shift_right_logical3A_1258, %and3A_1260], %broadcast_in_dim3A_1 : memref<192x128xf32, #tpu.memory_space<vmem>>[vector<16xi32>, vector<16xi32>], vector<16xf32>,
    }
    %while3A_949 = arith.constant 1 : i32
    scf.for %while3A_1253 = %while3A_947 to %while3A_943 step %while3A_949  : i32 {
      %mul3A_1254 = arith.constant 16 : i32
      %mul3A_1255 = arith.muli %while3A_1253, %mul3A_1254 : i32
      %get3A = arith.index_cast %mul3A_1255 : i32 to index
      %get3A_1256 = tpu.vector_load %arg11[%get3A] {strides = array<i32>} : memref<8224xi32, #tpu.memory_space<vmem>>, vector<16xi32>,
      %shift_right_logical3A = arith.constant 7 : i32
      %shift_right_logical3A_1257 = vector.broadcast %shift_right_logical3A : i32 to vector<16xi32>
      %shift_right_logical3A_1258 = arith.shrui %get3A_1256, %shift_right_logical3A_1257 : vector<16xi32>
      %and3A = arith.constant 127 : i32
      %and3A_1259 = vector.broadcast %and3A : i32 to vector<16xi32>
      %and3A_1260 = arith.andi %get3A_1256, %and3A_1259 : vector<16xi32>
      tpu.vector_store_idx %arg14[%shift_right_logical3A_1258, %and3A_1260], %broadcast_in_dim3A_1 : memref<192x128xf32, #tpu.memory_space<vmem>>[vector<16xi32>, vector<16xi32>], vector<16xf32>,
    }
    %while3A_950 = arith.constant 0 : i32
    %while3A_951 = arith.constant 0 : i32
    %while3A_952 = arith.subi %shift_right_arithmetic3A_29, %while3A_951 : i32
    %while3A_953 = arith.addi %while3A_951, %while3A_952 : i32
    %while3A_954 = arith.constant 1 : i32
    %while3A_955 = arith.divsi %while3A_952, %while3A_954 : i32
    %while3A_956 = arith.muli %while3A_955, %while3A_954 : i32
    %while3A_957 = arith.addi %while3A_951, %while3A_956 : i32
    %while3A_958 = arith.constant 1 : i32
    scf.for %while3A_1253 = %while3A_951 to %while3A_957 step %while3A_958  : i32 {
      %mul3A_1254 = arith.constant 16 : i32
      %mul3A_1255 = arith.muli %while3A_1253, %mul3A_1254 : i32
      %get3A = arith.index_cast %mul3A_1255 : i32 to index
      %get3A_1256 = tpu.vector_load %arg11[%get3A] {strides = array<i32>} : memref<8224xi32, #tpu.memory_space<vmem>>, vector<16xi32>,
      %shift_right_logical3A = arith.constant 7 : i32
      %shift_right_logical3A_1257 = vector.broadcast %shift_right_logical3A : i32 to vector<16xi32>
      %shift_right_logical3A_1258 = arith.shrui %get3A_1256, %shift_right_logical3A_1257 : vector<16xi32>
      %and3A = arith.constant 127 : i32
      %and3A_1259 = vector.broadcast %and3A : i32 to vector<16xi32>
      %and3A_1260 = arith.andi %get3A_1256, %and3A_1259 : vector<16xi32>
      %mul3A_1261 = arith.constant 16 : i32
      %mul3A_1262 = arith.muli %while3A_1253, %mul3A_1261 : i32
      %get3A_1263 = arith.index_cast %mul3A_1262 : i32 to index
      %get3A_1264 = tpu.vector_load %arg12[%get3A_1263] {strides = array<i32>} : memref<8224xi32, #tpu.memory_space<vmem>>, vector<16xi32>,
      %add3A_1265 = arith.constant 12288 : i32
      %add3A_1266 = vector.broadcast %add3A_1265 : i32 to vector<16xi32>
      %add3A_1267 = arith.addi %get3A_1264, %add3A_1266 : vector<16xi32>
      %gather3A = tpu.vector_load_idx %arg7[%add3A_1267] : memref<16384xf32, #tpu.memory_space<vmem>>[vector<16xi32>], vector<16xf32>,
      %mul3A_1268 = arith.constant 16 : i32
      %mul3A_1269 = arith.muli %while3A_1253, %mul3A_1268 : i32
      %get3A_1270 = arith.index_cast %mul3A_1269 : i32 to index
      %get3A_1271 = tpu.vector_load %arg13[%get3A_1270] {strides = array<i32>} : memref<8224xf32, #tpu.memory_space<vmem>>, vector<16xf32>,
      %mul3A_1272 = arith.mulf %gather3A, %get3A_1271 : vector<16xf32>
      tpu.vector_store_idx %arg14[%shift_right_logical3A_1258, %and3A_1260], %mul3A_1272 {add = true} : memref<192x128xf32, #tpu.memory_space<vmem>>[vector<16xi32>, vector<16xi32>], vector<16xf32>,
    }
    %while3A_959 = arith.constant 1 : i32
    scf.for %while3A_1253 = %while3A_957 to %while3A_953 step %while3A_959  : i32 {
      %mul3A_1254 = arith.constant 16 : i32
      %mul3A_1255 = arith.muli %while3A_1253, %mul3A_1254 : i32
      %get3A = arith.index_cast %mul3A_1255 : i32 to index
      %get3A_1256 = tpu.vector_load %arg11[%get3A] {strides = array<i32>} : memref<8224xi32, #tpu.memory_space<vmem>>, vector<16xi32>,
      %shift_right_logical3A = arith.constant 7 : i32
      %shift_right_logical3A_1257 = vector.broadcast %shift_right_logical3A : i32 to vector<16xi32>
      %shift_right_logical3A_1258 = arith.shrui %get3A_1256, %shift_right_logical3A_1257 : vector<16xi32>
      %and3A = arith.constant 127 : i32
      %and3A_1259 = vector.broadcast %and3A : i32 to vector<16xi32>
      %and3A_1260 = arith.andi %get3A_1256, %and3A_1259 : vector<16xi32>
      %mul3A_1261 = arith.constant 16 : i32
      %mul3A_1262 = arith.muli %while3A_1253, %mul3A_1261 : i32
      %get3A_1263 = arith.index_cast %mul3A_1262 : i32 to index
      %get3A_1264 = tpu.vector_load %arg12[%get3A_1263] {strides = array<i32>} : memref<8224xi32, #tpu.memory_space<vmem>>, vector<16xi32>,
      %add3A_1265 = arith.constant 12288 : i32
      %add3A_1266 = vector.broadcast %add3A_1265 : i32 to vector<16xi32>
      %add3A_1267 = arith.addi %get3A_1264, %add3A_1266 : vector<16xi32>
      %gather3A = tpu.vector_load_idx %arg7[%add3A_1267] : memref<16384xf32, #tpu.memory_space<vmem>>[vector<16xi32>], vector<16xf32>,
      %mul3A_1268 = arith.constant 16 : i32
      %mul3A_1269 = arith.muli %while3A_1253, %mul3A_1268 : i32
      %get3A_1270 = arith.index_cast %mul3A_1269 : i32 to index
      %get3A_1271 = tpu.vector_load %arg13[%get3A_1270] {strides = array<i32>} : memref<8224xf32, #tpu.memory_space<vmem>>, vector<16xf32>,
      %mul3A_1272 = arith.mulf %gather3A, %get3A_1271 : vector<16xf32>
      tpu.vector_store_idx %arg14[%shift_right_logical3A_1258, %and3A_1260], %mul3A_1272 {add = true} : memref<192x128xf32, #tpu.memory_space<vmem>>[vector<16xi32>, vector<16xi32>], vector<16xf32>,
    }
    %dma_start3A_960 = arith.constant 24 : i32
    %dma_start3A_961 = arith.constant 0 : i32
    %dma_start3A_962 = arith.constant 0 : i32
    %dma_start3A_963 = tpu.memref_slice %arg6[%dma_start3A_960, %dma_start3A_961, %add3A, %dma_start3A_962] : memref<32x192x32x128xf32, #tpu.memory_space<hbm>> -> memref<1x192x1x128xf32, #tpu.memory_space<hbm>>
    %dma_start3A_964 = tpu.memref_squeeze %dma_start3A_963 : memref<1x192x1x128xf32, #tpu.memory_space<hbm>> -> memref<192x128xf32, #tpu.memory_space<hbm>>
    %dma_start3A_965 = arith.constant 0 : i32
    %dma_start3A_966 = arith.constant 0 : i32
    %dma_start3A_967 = tpu.memref_slice %arg6[%dma_start3A_960, %dma_start3A_965, %add3A, %dma_start3A_966] : memref<32x192x32x128xf32, #tpu.memory_space<hbm>> -> memref<1x192x1x128xf32, #tpu.memory_space<hbm>>
    %dma_start3A_968 = tpu.memref_squeeze %dma_start3A_967 : memref<1x192x1x128xf32, #tpu.memory_space<hbm>> -> memref<192x128xf32, #tpu.memory_space<hbm>>
    tpu.enqueue_dma source(%arg14 : memref<192x128xf32, #tpu.memory_space<vmem>>) target(%dma_start3A_968 : memref<192x128xf32, #tpu.memory_space<hbm>>) target_semaphore(%arg16 : memref<!tpu.dma_semaphore, #tpu.memory_space<semaphore_mem>>)
    %dma_wait3A_969 = arith.constant 23 : i32
    %dma_wait3A_970 = arith.constant 0 : i32
    %dma_wait3A_971 = arith.constant 0 : i32
    %dma_wait3A_972 = tpu.memref_slice %arg6[%dma_wait3A_969, %dma_wait3A_970, %add3A, %dma_wait3A_971] : memref<32x192x32x128xf32, #tpu.memory_space<hbm>> -> memref<1x192x1x128xf32, #tpu.memory_space<hbm>>
    %dma_wait3A_973 = tpu.memref_squeeze %dma_wait3A_972 : memref<1x192x1x128xf32, #tpu.memory_space<hbm>> -> memref<192x128xf32, #tpu.memory_space<hbm>>
    %dma_wait3A_974 = arith.constant 0 : i32
    %dma_wait3A_975 = arith.constant 0 : i32
    %dma_wait3A_976 = tpu.memref_slice %arg6[%dma_wait3A_969, %dma_wait3A_974, %add3A, %dma_wait3A_975] : memref<32x192x32x128xf32, #tpu.memory_space<hbm>> -> memref<1x192x1x128xf32, #tpu.memory_space<hbm>>
    %dma_wait3A_977 = tpu.memref_squeeze %dma_wait3A_976 : memref<1x192x1x128xf32, #tpu.memory_space<hbm>> -> memref<192x128xf32, #tpu.memory_space<hbm>>
    tpu.wait_dma2 semaphore(%arg17 : memref<!tpu.dma_semaphore, #tpu.memory_space<semaphore_mem>>) src(%arg15 : memref<192x128xf32, #tpu.memory_space<vmem>>) dst(%dma_wait3A_977 : memref<192x128xf32, #tpu.memory_space<hbm>>)
    %while3A_978 = arith.constant 0 : i32
    %while3A_979 = arith.constant 0 : i32
    %while3A_980 = arith.subi %shift_right_arithmetic3A_29, %while3A_979 : i32
    %while3A_981 = arith.addi %while3A_979, %while3A_980 : i32
    %while3A_982 = arith.constant 1 : i32
    %while3A_983 = arith.divsi %while3A_980, %while3A_982 : i32
    %while3A_984 = arith.muli %while3A_983, %while3A_982 : i32
    %while3A_985 = arith.addi %while3A_979, %while3A_984 : i32
    %while3A_986 = arith.constant 1 : i32
    scf.for %while3A_1253 = %while3A_979 to %while3A_985 step %while3A_986  : i32 {
      %mul3A_1254 = arith.constant 16 : i32
      %mul3A_1255 = arith.muli %while3A_1253, %mul3A_1254 : i32
      %get3A = arith.index_cast %mul3A_1255 : i32 to index
      %get3A_1256 = tpu.vector_load %arg11[%get3A] {strides = array<i32>} : memref<8224xi32, #tpu.memory_space<vmem>>, vector<16xi32>,
      %shift_right_logical3A = arith.constant 7 : i32
      %shift_right_logical3A_1257 = vector.broadcast %shift_right_logical3A : i32 to vector<16xi32>
      %shift_right_logical3A_1258 = arith.shrui %get3A_1256, %shift_right_logical3A_1257 : vector<16xi32>
      %and3A = arith.constant 127 : i32
      %and3A_1259 = vector.broadcast %and3A : i32 to vector<16xi32>
      %and3A_1260 = arith.andi %get3A_1256, %and3A_1259 : vector<16xi32>
      tpu.vector_store_idx %arg15[%shift_right_logical3A_1258, %and3A_1260], %broadcast_in_dim3A_1 : memref<192x128xf32, #tpu.memory_space<vmem>>[vector<16xi32>, vector<16xi32>], vector<16xf32>,
    }
    %while3A_987 = arith.constant 1 : i32
    scf.for %while3A_1253 = %while3A_985 to %while3A_981 step %while3A_987  : i32 {
      %mul3A_1254 = arith.constant 16 : i32
      %mul3A_1255 = arith.muli %while3A_1253, %mul3A_1254 : i32
      %get3A = arith.index_cast %mul3A_1255 : i32 to index
      %get3A_1256 = tpu.vector_load %arg11[%get3A] {strides = array<i32>} : memref<8224xi32, #tpu.memory_space<vmem>>, vector<16xi32>,
      %shift_right_logical3A = arith.constant 7 : i32
      %shift_right_logical3A_1257 = vector.broadcast %shift_right_logical3A : i32 to vector<16xi32>
      %shift_right_logical3A_1258 = arith.shrui %get3A_1256, %shift_right_logical3A_1257 : vector<16xi32>
      %and3A = arith.constant 127 : i32
      %and3A_1259 = vector.broadcast %and3A : i32 to vector<16xi32>
      %and3A_1260 = arith.andi %get3A_1256, %and3A_1259 : vector<16xi32>
      tpu.vector_store_idx %arg15[%shift_right_logical3A_1258, %and3A_1260], %broadcast_in_dim3A_1 : memref<192x128xf32, #tpu.memory_space<vmem>>[vector<16xi32>, vector<16xi32>], vector<16xf32>,
    }
    %while3A_988 = arith.constant 0 : i32
    %while3A_989 = arith.constant 0 : i32
    %while3A_990 = arith.subi %shift_right_arithmetic3A_29, %while3A_989 : i32
    %while3A_991 = arith.addi %while3A_989, %while3A_990 : i32
    %while3A_992 = arith.constant 1 : i32
    %while3A_993 = arith.divsi %while3A_990, %while3A_992 : i32
    %while3A_994 = arith.muli %while3A_993, %while3A_992 : i32
    %while3A_995 = arith.addi %while3A_989, %while3A_994 : i32
    %while3A_996 = arith.constant 1 : i32
    scf.for %while3A_1253 = %while3A_989 to %while3A_995 step %while3A_996  : i32 {
      %mul3A_1254 = arith.constant 16 : i32
      %mul3A_1255 = arith.muli %while3A_1253, %mul3A_1254 : i32
      %get3A = arith.index_cast %mul3A_1255 : i32 to index
      %get3A_1256 = tpu.vector_load %arg11[%get3A] {strides = array<i32>} : memref<8224xi32, #tpu.memory_space<vmem>>, vector<16xi32>,
      %shift_right_logical3A = arith.constant 7 : i32
      %shift_right_logical3A_1257 = vector.broadcast %shift_right_logical3A : i32 to vector<16xi32>
      %shift_right_logical3A_1258 = arith.shrui %get3A_1256, %shift_right_logical3A_1257 : vector<16xi32>
      %and3A = arith.constant 127 : i32
      %and3A_1259 = vector.broadcast %and3A : i32 to vector<16xi32>
      %and3A_1260 = arith.andi %get3A_1256, %and3A_1259 : vector<16xi32>
      %mul3A_1261 = arith.constant 16 : i32
      %mul3A_1262 = arith.muli %while3A_1253, %mul3A_1261 : i32
      %get3A_1263 = arith.index_cast %mul3A_1262 : i32 to index
      %get3A_1264 = tpu.vector_load %arg12[%get3A_1263] {strides = array<i32>} : memref<8224xi32, #tpu.memory_space<vmem>>, vector<16xi32>,
      %add3A_1265 = arith.constant 12800 : i32
      %add3A_1266 = vector.broadcast %add3A_1265 : i32 to vector<16xi32>
      %add3A_1267 = arith.addi %get3A_1264, %add3A_1266 : vector<16xi32>
      %gather3A = tpu.vector_load_idx %arg7[%add3A_1267] : memref<16384xf32, #tpu.memory_space<vmem>>[vector<16xi32>], vector<16xf32>,
      %mul3A_1268 = arith.constant 16 : i32
      %mul3A_1269 = arith.muli %while3A_1253, %mul3A_1268 : i32
      %get3A_1270 = arith.index_cast %mul3A_1269 : i32 to index
      %get3A_1271 = tpu.vector_load %arg13[%get3A_1270] {strides = array<i32>} : memref<8224xf32, #tpu.memory_space<vmem>>, vector<16xf32>,
      %mul3A_1272 = arith.mulf %gather3A, %get3A_1271 : vector<16xf32>
      tpu.vector_store_idx %arg15[%shift_right_logical3A_1258, %and3A_1260], %mul3A_1272 {add = true} : memref<192x128xf32, #tpu.memory_space<vmem>>[vector<16xi32>, vector<16xi32>], vector<16xf32>,
    }
    %while3A_997 = arith.constant 1 : i32
    scf.for %while3A_1253 = %while3A_995 to %while3A_991 step %while3A_997  : i32 {
      %mul3A_1254 = arith.constant 16 : i32
      %mul3A_1255 = arith.muli %while3A_1253, %mul3A_1254 : i32
      %get3A = arith.index_cast %mul3A_1255 : i32 to index
      %get3A_1256 = tpu.vector_load %arg11[%get3A] {strides = array<i32>} : memref<8224xi32, #tpu.memory_space<vmem>>, vector<16xi32>,
      %shift_right_logical3A = arith.constant 7 : i32
      %shift_right_logical3A_1257 = vector.broadcast %shift_right_logical3A : i32 to vector<16xi32>
      %shift_right_logical3A_1258 = arith.shrui %get3A_1256, %shift_right_logical3A_1257 : vector<16xi32>
      %and3A = arith.constant 127 : i32
      %and3A_1259 = vector.broadcast %and3A : i32 to vector<16xi32>
      %and3A_1260 = arith.andi %get3A_1256, %and3A_1259 : vector<16xi32>
      %mul3A_1261 = arith.constant 16 : i32
      %mul3A_1262 = arith.muli %while3A_1253, %mul3A_1261 : i32
      %get3A_1263 = arith.index_cast %mul3A_1262 : i32 to index
      %get3A_1264 = tpu.vector_load %arg12[%get3A_1263] {strides = array<i32>} : memref<8224xi32, #tpu.memory_space<vmem>>, vector<16xi32>,
      %add3A_1265 = arith.constant 12800 : i32
      %add3A_1266 = vector.broadcast %add3A_1265 : i32 to vector<16xi32>
      %add3A_1267 = arith.addi %get3A_1264, %add3A_1266 : vector<16xi32>
      %gather3A = tpu.vector_load_idx %arg7[%add3A_1267] : memref<16384xf32, #tpu.memory_space<vmem>>[vector<16xi32>], vector<16xf32>,
      %mul3A_1268 = arith.constant 16 : i32
      %mul3A_1269 = arith.muli %while3A_1253, %mul3A_1268 : i32
      %get3A_1270 = arith.index_cast %mul3A_1269 : i32 to index
      %get3A_1271 = tpu.vector_load %arg13[%get3A_1270] {strides = array<i32>} : memref<8224xf32, #tpu.memory_space<vmem>>, vector<16xf32>,
      %mul3A_1272 = arith.mulf %gather3A, %get3A_1271 : vector<16xf32>
      tpu.vector_store_idx %arg15[%shift_right_logical3A_1258, %and3A_1260], %mul3A_1272 {add = true} : memref<192x128xf32, #tpu.memory_space<vmem>>[vector<16xi32>, vector<16xi32>], vector<16xf32>,
    }
    %dma_start3A_998 = arith.constant 25 : i32
    %dma_start3A_999 = arith.constant 0 : i32
    %dma_start3A_1000 = arith.constant 0 : i32
    %dma_start3A_1001 = tpu.memref_slice %arg6[%dma_start3A_998, %dma_start3A_999, %add3A, %dma_start3A_1000] : memref<32x192x32x128xf32, #tpu.memory_space<hbm>> -> memref<1x192x1x128xf32, #tpu.memory_space<hbm>>
    %dma_start3A_1002 = tpu.memref_squeeze %dma_start3A_1001 : memref<1x192x1x128xf32, #tpu.memory_space<hbm>> -> memref<192x128xf32, #tpu.memory_space<hbm>>
    %dma_start3A_1003 = arith.constant 0 : i32
    %dma_start3A_1004 = arith.constant 0 : i32
    %dma_start3A_1005 = tpu.memref_slice %arg6[%dma_start3A_998, %dma_start3A_1003, %add3A, %dma_start3A_1004] : memref<32x192x32x128xf32, #tpu.memory_space<hbm>> -> memref<1x192x1x128xf32, #tpu.memory_space<hbm>>
    %dma_start3A_1006 = tpu.memref_squeeze %dma_start3A_1005 : memref<1x192x1x128xf32, #tpu.memory_space<hbm>> -> memref<192x128xf32, #tpu.memory_space<hbm>>
    tpu.enqueue_dma source(%arg15 : memref<192x128xf32, #tpu.memory_space<vmem>>) target(%dma_start3A_1006 : memref<192x128xf32, #tpu.memory_space<hbm>>) target_semaphore(%arg17 : memref<!tpu.dma_semaphore, #tpu.memory_space<semaphore_mem>>)
    %dma_wait3A_1007 = arith.constant 24 : i32
    %dma_wait3A_1008 = arith.constant 0 : i32
    %dma_wait3A_1009 = arith.constant 0 : i32
    %dma_wait3A_1010 = tpu.memref_slice %arg6[%dma_wait3A_1007, %dma_wait3A_1008, %add3A, %dma_wait3A_1009] : memref<32x192x32x128xf32, #tpu.memory_space<hbm>> -> memref<1x192x1x128xf32, #tpu.memory_space<hbm>>
    %dma_wait3A_1011 = tpu.memref_squeeze %dma_wait3A_1010 : memref<1x192x1x128xf32, #tpu.memory_space<hbm>> -> memref<192x128xf32, #tpu.memory_space<hbm>>
    %dma_wait3A_1012 = arith.constant 0 : i32
    %dma_wait3A_1013 = arith.constant 0 : i32
    %dma_wait3A_1014 = tpu.memref_slice %arg6[%dma_wait3A_1007, %dma_wait3A_1012, %add3A, %dma_wait3A_1013] : memref<32x192x32x128xf32, #tpu.memory_space<hbm>> -> memref<1x192x1x128xf32, #tpu.memory_space<hbm>>
    %dma_wait3A_1015 = tpu.memref_squeeze %dma_wait3A_1014 : memref<1x192x1x128xf32, #tpu.memory_space<hbm>> -> memref<192x128xf32, #tpu.memory_space<hbm>>
    tpu.wait_dma2 semaphore(%arg16 : memref<!tpu.dma_semaphore, #tpu.memory_space<semaphore_mem>>) src(%arg14 : memref<192x128xf32, #tpu.memory_space<vmem>>) dst(%dma_wait3A_1015 : memref<192x128xf32, #tpu.memory_space<hbm>>)
    %while3A_1016 = arith.constant 0 : i32
    %while3A_1017 = arith.constant 0 : i32
    %while3A_1018 = arith.subi %shift_right_arithmetic3A_29, %while3A_1017 : i32
    %while3A_1019 = arith.addi %while3A_1017, %while3A_1018 : i32
    %while3A_1020 = arith.constant 1 : i32
    %while3A_1021 = arith.divsi %while3A_1018, %while3A_1020 : i32
    %while3A_1022 = arith.muli %while3A_1021, %while3A_1020 : i32
    %while3A_1023 = arith.addi %while3A_1017, %while3A_1022 : i32
    %while3A_1024 = arith.constant 1 : i32
    scf.for %while3A_1253 = %while3A_1017 to %while3A_1023 step %while3A_1024  : i32 {
      %mul3A_1254 = arith.constant 16 : i32
      %mul3A_1255 = arith.muli %while3A_1253, %mul3A_1254 : i32
      %get3A = arith.index_cast %mul3A_1255 : i32 to index
      %get3A_1256 = tpu.vector_load %arg11[%get3A] {strides = array<i32>} : memref<8224xi32, #tpu.memory_space<vmem>>, vector<16xi32>,
      %shift_right_logical3A = arith.constant 7 : i32
      %shift_right_logical3A_1257 = vector.broadcast %shift_right_logical3A : i32 to vector<16xi32>
      %shift_right_logical3A_1258 = arith.shrui %get3A_1256, %shift_right_logical3A_1257 : vector<16xi32>
      %and3A = arith.constant 127 : i32
      %and3A_1259 = vector.broadcast %and3A : i32 to vector<16xi32>
      %and3A_1260 = arith.andi %get3A_1256, %and3A_1259 : vector<16xi32>
      tpu.vector_store_idx %arg14[%shift_right_logical3A_1258, %and3A_1260], %broadcast_in_dim3A_1 : memref<192x128xf32, #tpu.memory_space<vmem>>[vector<16xi32>, vector<16xi32>], vector<16xf32>,
    }
    %while3A_1025 = arith.constant 1 : i32
    scf.for %while3A_1253 = %while3A_1023 to %while3A_1019 step %while3A_1025  : i32 {
      %mul3A_1254 = arith.constant 16 : i32
      %mul3A_1255 = arith.muli %while3A_1253, %mul3A_1254 : i32
      %get3A = arith.index_cast %mul3A_1255 : i32 to index
      %get3A_1256 = tpu.vector_load %arg11[%get3A] {strides = array<i32>} : memref<8224xi32, #tpu.memory_space<vmem>>, vector<16xi32>,
      %shift_right_logical3A = arith.constant 7 : i32
      %shift_right_logical3A_1257 = vector.broadcast %shift_right_logical3A : i32 to vector<16xi32>
      %shift_right_logical3A_1258 = arith.shrui %get3A_1256, %shift_right_logical3A_1257 : vector<16xi32>
      %and3A = arith.constant 127 : i32
      %and3A_1259 = vector.broadcast %and3A : i32 to vector<16xi32>
      %and3A_1260 = arith.andi %get3A_1256, %and3A_1259 : vector<16xi32>
      tpu.vector_store_idx %arg14[%shift_right_logical3A_1258, %and3A_1260], %broadcast_in_dim3A_1 : memref<192x128xf32, #tpu.memory_space<vmem>>[vector<16xi32>, vector<16xi32>], vector<16xf32>,
    }
    %while3A_1026 = arith.constant 0 : i32
    %while3A_1027 = arith.constant 0 : i32
    %while3A_1028 = arith.subi %shift_right_arithmetic3A_29, %while3A_1027 : i32
    %while3A_1029 = arith.addi %while3A_1027, %while3A_1028 : i32
    %while3A_1030 = arith.constant 1 : i32
    %while3A_1031 = arith.divsi %while3A_1028, %while3A_1030 : i32
    %while3A_1032 = arith.muli %while3A_1031, %while3A_1030 : i32
    %while3A_1033 = arith.addi %while3A_1027, %while3A_1032 : i32
    %while3A_1034 = arith.constant 1 : i32
    scf.for %while3A_1253 = %while3A_1027 to %while3A_1033 step %while3A_1034  : i32 {
      %mul3A_1254 = arith.constant 16 : i32
      %mul3A_1255 = arith.muli %while3A_1253, %mul3A_1254 : i32
      %get3A = arith.index_cast %mul3A_1255 : i32 to index
      %get3A_1256 = tpu.vector_load %arg11[%get3A] {strides = array<i32>} : memref<8224xi32, #tpu.memory_space<vmem>>, vector<16xi32>,
      %shift_right_logical3A = arith.constant 7 : i32
      %shift_right_logical3A_1257 = vector.broadcast %shift_right_logical3A : i32 to vector<16xi32>
      %shift_right_logical3A_1258 = arith.shrui %get3A_1256, %shift_right_logical3A_1257 : vector<16xi32>
      %and3A = arith.constant 127 : i32
      %and3A_1259 = vector.broadcast %and3A : i32 to vector<16xi32>
      %and3A_1260 = arith.andi %get3A_1256, %and3A_1259 : vector<16xi32>
      %mul3A_1261 = arith.constant 16 : i32
      %mul3A_1262 = arith.muli %while3A_1253, %mul3A_1261 : i32
      %get3A_1263 = arith.index_cast %mul3A_1262 : i32 to index
      %get3A_1264 = tpu.vector_load %arg12[%get3A_1263] {strides = array<i32>} : memref<8224xi32, #tpu.memory_space<vmem>>, vector<16xi32>,
      %add3A_1265 = arith.constant 13312 : i32
      %add3A_1266 = vector.broadcast %add3A_1265 : i32 to vector<16xi32>
      %add3A_1267 = arith.addi %get3A_1264, %add3A_1266 : vector<16xi32>
      %gather3A = tpu.vector_load_idx %arg7[%add3A_1267] : memref<16384xf32, #tpu.memory_space<vmem>>[vector<16xi32>], vector<16xf32>,
      %mul3A_1268 = arith.constant 16 : i32
      %mul3A_1269 = arith.muli %while3A_1253, %mul3A_1268 : i32
      %get3A_1270 = arith.index_cast %mul3A_1269 : i32 to index
      %get3A_1271 = tpu.vector_load %arg13[%get3A_1270] {strides = array<i32>} : memref<8224xf32, #tpu.memory_space<vmem>>, vector<16xf32>,
      %mul3A_1272 = arith.mulf %gather3A, %get3A_1271 : vector<16xf32>
      tpu.vector_store_idx %arg14[%shift_right_logical3A_1258, %and3A_1260], %mul3A_1272 {add = true} : memref<192x128xf32, #tpu.memory_space<vmem>>[vector<16xi32>, vector<16xi32>], vector<16xf32>,
    }
    %while3A_1035 = arith.constant 1 : i32
    scf.for %while3A_1253 = %while3A_1033 to %while3A_1029 step %while3A_1035  : i32 {
      %mul3A_1254 = arith.constant 16 : i32
      %mul3A_1255 = arith.muli %while3A_1253, %mul3A_1254 : i32
      %get3A = arith.index_cast %mul3A_1255 : i32 to index
      %get3A_1256 = tpu.vector_load %arg11[%get3A] {strides = array<i32>} : memref<8224xi32, #tpu.memory_space<vmem>>, vector<16xi32>,
      %shift_right_logical3A = arith.constant 7 : i32
      %shift_right_logical3A_1257 = vector.broadcast %shift_right_logical3A : i32 to vector<16xi32>
      %shift_right_logical3A_1258 = arith.shrui %get3A_1256, %shift_right_logical3A_1257 : vector<16xi32>
      %and3A = arith.constant 127 : i32
      %and3A_1259 = vector.broadcast %and3A : i32 to vector<16xi32>
      %and3A_1260 = arith.andi %get3A_1256, %and3A_1259 : vector<16xi32>
      %mul3A_1261 = arith.constant 16 : i32
      %mul3A_1262 = arith.muli %while3A_1253, %mul3A_1261 : i32
      %get3A_1263 = arith.index_cast %mul3A_1262 : i32 to index
      %get3A_1264 = tpu.vector_load %arg12[%get3A_1263] {strides = array<i32>} : memref<8224xi32, #tpu.memory_space<vmem>>, vector<16xi32>,
      %add3A_1265 = arith.constant 13312 : i32
      %add3A_1266 = vector.broadcast %add3A_1265 : i32 to vector<16xi32>
      %add3A_1267 = arith.addi %get3A_1264, %add3A_1266 : vector<16xi32>
      %gather3A = tpu.vector_load_idx %arg7[%add3A_1267] : memref<16384xf32, #tpu.memory_space<vmem>>[vector<16xi32>], vector<16xf32>,
      %mul3A_1268 = arith.constant 16 : i32
      %mul3A_1269 = arith.muli %while3A_1253, %mul3A_1268 : i32
      %get3A_1270 = arith.index_cast %mul3A_1269 : i32 to index
      %get3A_1271 = tpu.vector_load %arg13[%get3A_1270] {strides = array<i32>} : memref<8224xf32, #tpu.memory_space<vmem>>, vector<16xf32>,
      %mul3A_1272 = arith.mulf %gather3A, %get3A_1271 : vector<16xf32>
      tpu.vector_store_idx %arg14[%shift_right_logical3A_1258, %and3A_1260], %mul3A_1272 {add = true} : memref<192x128xf32, #tpu.memory_space<vmem>>[vector<16xi32>, vector<16xi32>], vector<16xf32>,
    }
    %dma_start3A_1036 = arith.constant 26 : i32
    %dma_start3A_1037 = arith.constant 0 : i32
    %dma_start3A_1038 = arith.constant 0 : i32
    %dma_start3A_1039 = tpu.memref_slice %arg6[%dma_start3A_1036, %dma_start3A_1037, %add3A, %dma_start3A_1038] : memref<32x192x32x128xf32, #tpu.memory_space<hbm>> -> memref<1x192x1x128xf32, #tpu.memory_space<hbm>>
    %dma_start3A_1040 = tpu.memref_squeeze %dma_start3A_1039 : memref<1x192x1x128xf32, #tpu.memory_space<hbm>> -> memref<192x128xf32, #tpu.memory_space<hbm>>
    %dma_start3A_1041 = arith.constant 0 : i32
    %dma_start3A_1042 = arith.constant 0 : i32
    %dma_start3A_1043 = tpu.memref_slice %arg6[%dma_start3A_1036, %dma_start3A_1041, %add3A, %dma_start3A_1042] : memref<32x192x32x128xf32, #tpu.memory_space<hbm>> -> memref<1x192x1x128xf32, #tpu.memory_space<hbm>>
    %dma_start3A_1044 = tpu.memref_squeeze %dma_start3A_1043 : memref<1x192x1x128xf32, #tpu.memory_space<hbm>> -> memref<192x128xf32, #tpu.memory_space<hbm>>
    tpu.enqueue_dma source(%arg14 : memref<192x128xf32, #tpu.memory_space<vmem>>) target(%dma_start3A_1044 : memref<192x128xf32, #tpu.memory_space<hbm>>) target_semaphore(%arg16 : memref<!tpu.dma_semaphore, #tpu.memory_space<semaphore_mem>>)
    %dma_wait3A_1045 = arith.constant 25 : i32
    %dma_wait3A_1046 = arith.constant 0 : i32
    %dma_wait3A_1047 = arith.constant 0 : i32
    %dma_wait3A_1048 = tpu.memref_slice %arg6[%dma_wait3A_1045, %dma_wait3A_1046, %add3A, %dma_wait3A_1047] : memref<32x192x32x128xf32, #tpu.memory_space<hbm>> -> memref<1x192x1x128xf32, #tpu.memory_space<hbm>>
    %dma_wait3A_1049 = tpu.memref_squeeze %dma_wait3A_1048 : memref<1x192x1x128xf32, #tpu.memory_space<hbm>> -> memref<192x128xf32, #tpu.memory_space<hbm>>
    %dma_wait3A_1050 = arith.constant 0 : i32
    %dma_wait3A_1051 = arith.constant 0 : i32
    %dma_wait3A_1052 = tpu.memref_slice %arg6[%dma_wait3A_1045, %dma_wait3A_1050, %add3A, %dma_wait3A_1051] : memref<32x192x32x128xf32, #tpu.memory_space<hbm>> -> memref<1x192x1x128xf32, #tpu.memory_space<hbm>>
    %dma_wait3A_1053 = tpu.memref_squeeze %dma_wait3A_1052 : memref<1x192x1x128xf32, #tpu.memory_space<hbm>> -> memref<192x128xf32, #tpu.memory_space<hbm>>
    tpu.wait_dma2 semaphore(%arg17 : memref<!tpu.dma_semaphore, #tpu.memory_space<semaphore_mem>>) src(%arg15 : memref<192x128xf32, #tpu.memory_space<vmem>>) dst(%dma_wait3A_1053 : memref<192x128xf32, #tpu.memory_space<hbm>>)
    %while3A_1054 = arith.constant 0 : i32
    %while3A_1055 = arith.constant 0 : i32
    %while3A_1056 = arith.subi %shift_right_arithmetic3A_29, %while3A_1055 : i32
    %while3A_1057 = arith.addi %while3A_1055, %while3A_1056 : i32
    %while3A_1058 = arith.constant 1 : i32
    %while3A_1059 = arith.divsi %while3A_1056, %while3A_1058 : i32
    %while3A_1060 = arith.muli %while3A_1059, %while3A_1058 : i32
    %while3A_1061 = arith.addi %while3A_1055, %while3A_1060 : i32
    %while3A_1062 = arith.constant 1 : i32
    scf.for %while3A_1253 = %while3A_1055 to %while3A_1061 step %while3A_1062  : i32 {
      %mul3A_1254 = arith.constant 16 : i32
      %mul3A_1255 = arith.muli %while3A_1253, %mul3A_1254 : i32
      %get3A = arith.index_cast %mul3A_1255 : i32 to index
      %get3A_1256 = tpu.vector_load %arg11[%get3A] {strides = array<i32>} : memref<8224xi32, #tpu.memory_space<vmem>>, vector<16xi32>,
      %shift_right_logical3A = arith.constant 7 : i32
      %shift_right_logical3A_1257 = vector.broadcast %shift_right_logical3A : i32 to vector<16xi32>
      %shift_right_logical3A_1258 = arith.shrui %get3A_1256, %shift_right_logical3A_1257 : vector<16xi32>
      %and3A = arith.constant 127 : i32
      %and3A_1259 = vector.broadcast %and3A : i32 to vector<16xi32>
      %and3A_1260 = arith.andi %get3A_1256, %and3A_1259 : vector<16xi32>
      tpu.vector_store_idx %arg15[%shift_right_logical3A_1258, %and3A_1260], %broadcast_in_dim3A_1 : memref<192x128xf32, #tpu.memory_space<vmem>>[vector<16xi32>, vector<16xi32>], vector<16xf32>,
    }
    %while3A_1063 = arith.constant 1 : i32
    scf.for %while3A_1253 = %while3A_1061 to %while3A_1057 step %while3A_1063  : i32 {
      %mul3A_1254 = arith.constant 16 : i32
      %mul3A_1255 = arith.muli %while3A_1253, %mul3A_1254 : i32
      %get3A = arith.index_cast %mul3A_1255 : i32 to index
      %get3A_1256 = tpu.vector_load %arg11[%get3A] {strides = array<i32>} : memref<8224xi32, #tpu.memory_space<vmem>>, vector<16xi32>,
      %shift_right_logical3A = arith.constant 7 : i32
      %shift_right_logical3A_1257 = vector.broadcast %shift_right_logical3A : i32 to vector<16xi32>
      %shift_right_logical3A_1258 = arith.shrui %get3A_1256, %shift_right_logical3A_1257 : vector<16xi32>
      %and3A = arith.constant 127 : i32
      %and3A_1259 = vector.broadcast %and3A : i32 to vector<16xi32>
      %and3A_1260 = arith.andi %get3A_1256, %and3A_1259 : vector<16xi32>
      tpu.vector_store_idx %arg15[%shift_right_logical3A_1258, %and3A_1260], %broadcast_in_dim3A_1 : memref<192x128xf32, #tpu.memory_space<vmem>>[vector<16xi32>, vector<16xi32>], vector<16xf32>,
    }
    %while3A_1064 = arith.constant 0 : i32
    %while3A_1065 = arith.constant 0 : i32
    %while3A_1066 = arith.subi %shift_right_arithmetic3A_29, %while3A_1065 : i32
    %while3A_1067 = arith.addi %while3A_1065, %while3A_1066 : i32
    %while3A_1068 = arith.constant 1 : i32
    %while3A_1069 = arith.divsi %while3A_1066, %while3A_1068 : i32
    %while3A_1070 = arith.muli %while3A_1069, %while3A_1068 : i32
    %while3A_1071 = arith.addi %while3A_1065, %while3A_1070 : i32
    %while3A_1072 = arith.constant 1 : i32
    scf.for %while3A_1253 = %while3A_1065 to %while3A_1071 step %while3A_1072  : i32 {
      %mul3A_1254 = arith.constant 16 : i32
      %mul3A_1255 = arith.muli %while3A_1253, %mul3A_1254 : i32
      %get3A = arith.index_cast %mul3A_1255 : i32 to index
      %get3A_1256 = tpu.vector_load %arg11[%get3A] {strides = array<i32>} : memref<8224xi32, #tpu.memory_space<vmem>>, vector<16xi32>,
      %shift_right_logical3A = arith.constant 7 : i32
      %shift_right_logical3A_1257 = vector.broadcast %shift_right_logical3A : i32 to vector<16xi32>
      %shift_right_logical3A_1258 = arith.shrui %get3A_1256, %shift_right_logical3A_1257 : vector<16xi32>
      %and3A = arith.constant 127 : i32
      %and3A_1259 = vector.broadcast %and3A : i32 to vector<16xi32>
      %and3A_1260 = arith.andi %get3A_1256, %and3A_1259 : vector<16xi32>
      %mul3A_1261 = arith.constant 16 : i32
      %mul3A_1262 = arith.muli %while3A_1253, %mul3A_1261 : i32
      %get3A_1263 = arith.index_cast %mul3A_1262 : i32 to index
      %get3A_1264 = tpu.vector_load %arg12[%get3A_1263] {strides = array<i32>} : memref<8224xi32, #tpu.memory_space<vmem>>, vector<16xi32>,
      %add3A_1265 = arith.constant 13824 : i32
      %add3A_1266 = vector.broadcast %add3A_1265 : i32 to vector<16xi32>
      %add3A_1267 = arith.addi %get3A_1264, %add3A_1266 : vector<16xi32>
      %gather3A = tpu.vector_load_idx %arg7[%add3A_1267] : memref<16384xf32, #tpu.memory_space<vmem>>[vector<16xi32>], vector<16xf32>,
      %mul3A_1268 = arith.constant 16 : i32
      %mul3A_1269 = arith.muli %while3A_1253, %mul3A_1268 : i32
      %get3A_1270 = arith.index_cast %mul3A_1269 : i32 to index
      %get3A_1271 = tpu.vector_load %arg13[%get3A_1270] {strides = array<i32>} : memref<8224xf32, #tpu.memory_space<vmem>>, vector<16xf32>,
      %mul3A_1272 = arith.mulf %gather3A, %get3A_1271 : vector<16xf32>
      tpu.vector_store_idx %arg15[%shift_right_logical3A_1258, %and3A_1260], %mul3A_1272 {add = true} : memref<192x128xf32, #tpu.memory_space<vmem>>[vector<16xi32>, vector<16xi32>], vector<16xf32>,
    }
    %while3A_1073 = arith.constant 1 : i32
    scf.for %while3A_1253 = %while3A_1071 to %while3A_1067 step %while3A_1073  : i32 {
      %mul3A_1254 = arith.constant 16 : i32
      %mul3A_1255 = arith.muli %while3A_1253, %mul3A_1254 : i32
      %get3A = arith.index_cast %mul3A_1255 : i32 to index
      %get3A_1256 = tpu.vector_load %arg11[%get3A] {strides = array<i32>} : memref<8224xi32, #tpu.memory_space<vmem>>, vector<16xi32>,
      %shift_right_logical3A = arith.constant 7 : i32
      %shift_right_logical3A_1257 = vector.broadcast %shift_right_logical3A : i32 to vector<16xi32>
      %shift_right_logical3A_1258 = arith.shrui %get3A_1256, %shift_right_logical3A_1257 : vector<16xi32>
      %and3A = arith.constant 127 : i32
      %and3A_1259 = vector.broadcast %and3A : i32 to vector<16xi32>
      %and3A_1260 = arith.andi %get3A_1256, %and3A_1259 : vector<16xi32>
      %mul3A_1261 = arith.constant 16 : i32
      %mul3A_1262 = arith.muli %while3A_1253, %mul3A_1261 : i32
      %get3A_1263 = arith.index_cast %mul3A_1262 : i32 to index
      %get3A_1264 = tpu.vector_load %arg12[%get3A_1263] {strides = array<i32>} : memref<8224xi32, #tpu.memory_space<vmem>>, vector<16xi32>,
      %add3A_1265 = arith.constant 13824 : i32
      %add3A_1266 = vector.broadcast %add3A_1265 : i32 to vector<16xi32>
      %add3A_1267 = arith.addi %get3A_1264, %add3A_1266 : vector<16xi32>
      %gather3A = tpu.vector_load_idx %arg7[%add3A_1267] : memref<16384xf32, #tpu.memory_space<vmem>>[vector<16xi32>], vector<16xf32>,
      %mul3A_1268 = arith.constant 16 : i32
      %mul3A_1269 = arith.muli %while3A_1253, %mul3A_1268 : i32
      %get3A_1270 = arith.index_cast %mul3A_1269 : i32 to index
      %get3A_1271 = tpu.vector_load %arg13[%get3A_1270] {strides = array<i32>} : memref<8224xf32, #tpu.memory_space<vmem>>, vector<16xf32>,
      %mul3A_1272 = arith.mulf %gather3A, %get3A_1271 : vector<16xf32>
      tpu.vector_store_idx %arg15[%shift_right_logical3A_1258, %and3A_1260], %mul3A_1272 {add = true} : memref<192x128xf32, #tpu.memory_space<vmem>>[vector<16xi32>, vector<16xi32>], vector<16xf32>,
    }
    %dma_start3A_1074 = arith.constant 27 : i32
    %dma_start3A_1075 = arith.constant 0 : i32
    %dma_start3A_1076 = arith.constant 0 : i32
    %dma_start3A_1077 = tpu.memref_slice %arg6[%dma_start3A_1074, %dma_start3A_1075, %add3A, %dma_start3A_1076] : memref<32x192x32x128xf32, #tpu.memory_space<hbm>> -> memref<1x192x1x128xf32, #tpu.memory_space<hbm>>
    %dma_start3A_1078 = tpu.memref_squeeze %dma_start3A_1077 : memref<1x192x1x128xf32, #tpu.memory_space<hbm>> -> memref<192x128xf32, #tpu.memory_space<hbm>>
    %dma_start3A_1079 = arith.constant 0 : i32
    %dma_start3A_1080 = arith.constant 0 : i32
    %dma_start3A_1081 = tpu.memref_slice %arg6[%dma_start3A_1074, %dma_start3A_1079, %add3A, %dma_start3A_1080] : memref<32x192x32x128xf32, #tpu.memory_space<hbm>> -> memref<1x192x1x128xf32, #tpu.memory_space<hbm>>
    %dma_start3A_1082 = tpu.memref_squeeze %dma_start3A_1081 : memref<1x192x1x128xf32, #tpu.memory_space<hbm>> -> memref<192x128xf32, #tpu.memory_space<hbm>>
    tpu.enqueue_dma source(%arg15 : memref<192x128xf32, #tpu.memory_space<vmem>>) target(%dma_start3A_1082 : memref<192x128xf32, #tpu.memory_space<hbm>>) target_semaphore(%arg17 : memref<!tpu.dma_semaphore, #tpu.memory_space<semaphore_mem>>)
    %dma_wait3A_1083 = arith.constant 26 : i32
    %dma_wait3A_1084 = arith.constant 0 : i32
    %dma_wait3A_1085 = arith.constant 0 : i32
    %dma_wait3A_1086 = tpu.memref_slice %arg6[%dma_wait3A_1083, %dma_wait3A_1084, %add3A, %dma_wait3A_1085] : memref<32x192x32x128xf32, #tpu.memory_space<hbm>> -> memref<1x192x1x128xf32, #tpu.memory_space<hbm>>
    %dma_wait3A_1087 = tpu.memref_squeeze %dma_wait3A_1086 : memref<1x192x1x128xf32, #tpu.memory_space<hbm>> -> memref<192x128xf32, #tpu.memory_space<hbm>>
    %dma_wait3A_1088 = arith.constant 0 : i32
    %dma_wait3A_1089 = arith.constant 0 : i32
    %dma_wait3A_1090 = tpu.memref_slice %arg6[%dma_wait3A_1083, %dma_wait3A_1088, %add3A, %dma_wait3A_1089] : memref<32x192x32x128xf32, #tpu.memory_space<hbm>> -> memref<1x192x1x128xf32, #tpu.memory_space<hbm>>
    %dma_wait3A_1091 = tpu.memref_squeeze %dma_wait3A_1090 : memref<1x192x1x128xf32, #tpu.memory_space<hbm>> -> memref<192x128xf32, #tpu.memory_space<hbm>>
    tpu.wait_dma2 semaphore(%arg16 : memref<!tpu.dma_semaphore, #tpu.memory_space<semaphore_mem>>) src(%arg14 : memref<192x128xf32, #tpu.memory_space<vmem>>) dst(%dma_wait3A_1091 : memref<192x128xf32, #tpu.memory_space<hbm>>)
    %while3A_1092 = arith.constant 0 : i32
    %while3A_1093 = arith.constant 0 : i32
    %while3A_1094 = arith.subi %shift_right_arithmetic3A_29, %while3A_1093 : i32
    %while3A_1095 = arith.addi %while3A_1093, %while3A_1094 : i32
    %while3A_1096 = arith.constant 1 : i32
    %while3A_1097 = arith.divsi %while3A_1094, %while3A_1096 : i32
    %while3A_1098 = arith.muli %while3A_1097, %while3A_1096 : i32
    %while3A_1099 = arith.addi %while3A_1093, %while3A_1098 : i32
    %while3A_1100 = arith.constant 1 : i32
    scf.for %while3A_1253 = %while3A_1093 to %while3A_1099 step %while3A_1100  : i32 {
      %mul3A_1254 = arith.constant 16 : i32
      %mul3A_1255 = arith.muli %while3A_1253, %mul3A_1254 : i32
      %get3A = arith.index_cast %mul3A_1255 : i32 to index
      %get3A_1256 = tpu.vector_load %arg11[%get3A] {strides = array<i32>} : memref<8224xi32, #tpu.memory_space<vmem>>, vector<16xi32>,
      %shift_right_logical3A = arith.constant 7 : i32
      %shift_right_logical3A_1257 = vector.broadcast %shift_right_logical3A : i32 to vector<16xi32>
      %shift_right_logical3A_1258 = arith.shrui %get3A_1256, %shift_right_logical3A_1257 : vector<16xi32>
      %and3A = arith.constant 127 : i32
      %and3A_1259 = vector.broadcast %and3A : i32 to vector<16xi32>
      %and3A_1260 = arith.andi %get3A_1256, %and3A_1259 : vector<16xi32>
      tpu.vector_store_idx %arg14[%shift_right_logical3A_1258, %and3A_1260], %broadcast_in_dim3A_1 : memref<192x128xf32, #tpu.memory_space<vmem>>[vector<16xi32>, vector<16xi32>], vector<16xf32>,
    }
    %while3A_1101 = arith.constant 1 : i32
    scf.for %while3A_1253 = %while3A_1099 to %while3A_1095 step %while3A_1101  : i32 {
      %mul3A_1254 = arith.constant 16 : i32
      %mul3A_1255 = arith.muli %while3A_1253, %mul3A_1254 : i32
      %get3A = arith.index_cast %mul3A_1255 : i32 to index
      %get3A_1256 = tpu.vector_load %arg11[%get3A] {strides = array<i32>} : memref<8224xi32, #tpu.memory_space<vmem>>, vector<16xi32>,
      %shift_right_logical3A = arith.constant 7 : i32
      %shift_right_logical3A_1257 = vector.broadcast %shift_right_logical3A : i32 to vector<16xi32>
      %shift_right_logical3A_1258 = arith.shrui %get3A_1256, %shift_right_logical3A_1257 : vector<16xi32>
      %and3A = arith.constant 127 : i32
      %and3A_1259 = vector.broadcast %and3A : i32 to vector<16xi32>
      %and3A_1260 = arith.andi %get3A_1256, %and3A_1259 : vector<16xi32>
      tpu.vector_store_idx %arg14[%shift_right_logical3A_1258, %and3A_1260], %broadcast_in_dim3A_1 : memref<192x128xf32, #tpu.memory_space<vmem>>[vector<16xi32>, vector<16xi32>], vector<16xf32>,
    }
    %while3A_1102 = arith.constant 0 : i32
    %while3A_1103 = arith.constant 0 : i32
    %while3A_1104 = arith.subi %shift_right_arithmetic3A_29, %while3A_1103 : i32
    %while3A_1105 = arith.addi %while3A_1103, %while3A_1104 : i32
    %while3A_1106 = arith.constant 1 : i32
    %while3A_1107 = arith.divsi %while3A_1104, %while3A_1106 : i32
    %while3A_1108 = arith.muli %while3A_1107, %while3A_1106 : i32
    %while3A_1109 = arith.addi %while3A_1103, %while3A_1108 : i32
    %while3A_1110 = arith.constant 1 : i32
    scf.for %while3A_1253 = %while3A_1103 to %while3A_1109 step %while3A_1110  : i32 {
      %mul3A_1254 = arith.constant 16 : i32
      %mul3A_1255 = arith.muli %while3A_1253, %mul3A_1254 : i32
      %get3A = arith.index_cast %mul3A_1255 : i32 to index
      %get3A_1256 = tpu.vector_load %arg11[%get3A] {strides = array<i32>} : memref<8224xi32, #tpu.memory_space<vmem>>, vector<16xi32>,
      %shift_right_logical3A = arith.constant 7 : i32
      %shift_right_logical3A_1257 = vector.broadcast %shift_right_logical3A : i32 to vector<16xi32>
      %shift_right_logical3A_1258 = arith.shrui %get3A_1256, %shift_right_logical3A_1257 : vector<16xi32>
      %and3A = arith.constant 127 : i32
      %and3A_1259 = vector.broadcast %and3A : i32 to vector<16xi32>
      %and3A_1260 = arith.andi %get3A_1256, %and3A_1259 : vector<16xi32>
      %mul3A_1261 = arith.constant 16 : i32
      %mul3A_1262 = arith.muli %while3A_1253, %mul3A_1261 : i32
      %get3A_1263 = arith.index_cast %mul3A_1262 : i32 to index
      %get3A_1264 = tpu.vector_load %arg12[%get3A_1263] {strides = array<i32>} : memref<8224xi32, #tpu.memory_space<vmem>>, vector<16xi32>,
      %add3A_1265 = arith.constant 14336 : i32
      %add3A_1266 = vector.broadcast %add3A_1265 : i32 to vector<16xi32>
      %add3A_1267 = arith.addi %get3A_1264, %add3A_1266 : vector<16xi32>
      %gather3A = tpu.vector_load_idx %arg7[%add3A_1267] : memref<16384xf32, #tpu.memory_space<vmem>>[vector<16xi32>], vector<16xf32>,
      %mul3A_1268 = arith.constant 16 : i32
      %mul3A_1269 = arith.muli %while3A_1253, %mul3A_1268 : i32
      %get3A_1270 = arith.index_cast %mul3A_1269 : i32 to index
      %get3A_1271 = tpu.vector_load %arg13[%get3A_1270] {strides = array<i32>} : memref<8224xf32, #tpu.memory_space<vmem>>, vector<16xf32>,
      %mul3A_1272 = arith.mulf %gather3A, %get3A_1271 : vector<16xf32>
      tpu.vector_store_idx %arg14[%shift_right_logical3A_1258, %and3A_1260], %mul3A_1272 {add = true} : memref<192x128xf32, #tpu.memory_space<vmem>>[vector<16xi32>, vector<16xi32>], vector<16xf32>,
    }
    %while3A_1111 = arith.constant 1 : i32
    scf.for %while3A_1253 = %while3A_1109 to %while3A_1105 step %while3A_1111  : i32 {
      %mul3A_1254 = arith.constant 16 : i32
      %mul3A_1255 = arith.muli %while3A_1253, %mul3A_1254 : i32
      %get3A = arith.index_cast %mul3A_1255 : i32 to index
      %get3A_1256 = tpu.vector_load %arg11[%get3A] {strides = array<i32>} : memref<8224xi32, #tpu.memory_space<vmem>>, vector<16xi32>,
      %shift_right_logical3A = arith.constant 7 : i32
      %shift_right_logical3A_1257 = vector.broadcast %shift_right_logical3A : i32 to vector<16xi32>
      %shift_right_logical3A_1258 = arith.shrui %get3A_1256, %shift_right_logical3A_1257 : vector<16xi32>
      %and3A = arith.constant 127 : i32
      %and3A_1259 = vector.broadcast %and3A : i32 to vector<16xi32>
      %and3A_1260 = arith.andi %get3A_1256, %and3A_1259 : vector<16xi32>
      %mul3A_1261 = arith.constant 16 : i32
      %mul3A_1262 = arith.muli %while3A_1253, %mul3A_1261 : i32
      %get3A_1263 = arith.index_cast %mul3A_1262 : i32 to index
      %get3A_1264 = tpu.vector_load %arg12[%get3A_1263] {strides = array<i32>} : memref<8224xi32, #tpu.memory_space<vmem>>, vector<16xi32>,
      %add3A_1265 = arith.constant 14336 : i32
      %add3A_1266 = vector.broadcast %add3A_1265 : i32 to vector<16xi32>
      %add3A_1267 = arith.addi %get3A_1264, %add3A_1266 : vector<16xi32>
      %gather3A = tpu.vector_load_idx %arg7[%add3A_1267] : memref<16384xf32, #tpu.memory_space<vmem>>[vector<16xi32>], vector<16xf32>,
      %mul3A_1268 = arith.constant 16 : i32
      %mul3A_1269 = arith.muli %while3A_1253, %mul3A_1268 : i32
      %get3A_1270 = arith.index_cast %mul3A_1269 : i32 to index
      %get3A_1271 = tpu.vector_load %arg13[%get3A_1270] {strides = array<i32>} : memref<8224xf32, #tpu.memory_space<vmem>>, vector<16xf32>,
      %mul3A_1272 = arith.mulf %gather3A, %get3A_1271 : vector<16xf32>
      tpu.vector_store_idx %arg14[%shift_right_logical3A_1258, %and3A_1260], %mul3A_1272 {add = true} : memref<192x128xf32, #tpu.memory_space<vmem>>[vector<16xi32>, vector<16xi32>], vector<16xf32>,
    }
    %dma_start3A_1112 = arith.constant 28 : i32
    %dma_start3A_1113 = arith.constant 0 : i32
    %dma_start3A_1114 = arith.constant 0 : i32
    %dma_start3A_1115 = tpu.memref_slice %arg6[%dma_start3A_1112, %dma_start3A_1113, %add3A, %dma_start3A_1114] : memref<32x192x32x128xf32, #tpu.memory_space<hbm>> -> memref<1x192x1x128xf32, #tpu.memory_space<hbm>>
    %dma_start3A_1116 = tpu.memref_squeeze %dma_start3A_1115 : memref<1x192x1x128xf32, #tpu.memory_space<hbm>> -> memref<192x128xf32, #tpu.memory_space<hbm>>
    %dma_start3A_1117 = arith.constant 0 : i32
    %dma_start3A_1118 = arith.constant 0 : i32
    %dma_start3A_1119 = tpu.memref_slice %arg6[%dma_start3A_1112, %dma_start3A_1117, %add3A, %dma_start3A_1118] : memref<32x192x32x128xf32, #tpu.memory_space<hbm>> -> memref<1x192x1x128xf32, #tpu.memory_space<hbm>>
    %dma_start3A_1120 = tpu.memref_squeeze %dma_start3A_1119 : memref<1x192x1x128xf32, #tpu.memory_space<hbm>> -> memref<192x128xf32, #tpu.memory_space<hbm>>
    tpu.enqueue_dma source(%arg14 : memref<192x128xf32, #tpu.memory_space<vmem>>) target(%dma_start3A_1120 : memref<192x128xf32, #tpu.memory_space<hbm>>) target_semaphore(%arg16 : memref<!tpu.dma_semaphore, #tpu.memory_space<semaphore_mem>>)
    %dma_wait3A_1121 = arith.constant 27 : i32
    %dma_wait3A_1122 = arith.constant 0 : i32
    %dma_wait3A_1123 = arith.constant 0 : i32
    %dma_wait3A_1124 = tpu.memref_slice %arg6[%dma_wait3A_1121, %dma_wait3A_1122, %add3A, %dma_wait3A_1123] : memref<32x192x32x128xf32, #tpu.memory_space<hbm>> -> memref<1x192x1x128xf32, #tpu.memory_space<hbm>>
    %dma_wait3A_1125 = tpu.memref_squeeze %dma_wait3A_1124 : memref<1x192x1x128xf32, #tpu.memory_space<hbm>> -> memref<192x128xf32, #tpu.memory_space<hbm>>
    %dma_wait3A_1126 = arith.constant 0 : i32
    %dma_wait3A_1127 = arith.constant 0 : i32
    %dma_wait3A_1128 = tpu.memref_slice %arg6[%dma_wait3A_1121, %dma_wait3A_1126, %add3A, %dma_wait3A_1127] : memref<32x192x32x128xf32, #tpu.memory_space<hbm>> -> memref<1x192x1x128xf32, #tpu.memory_space<hbm>>
    %dma_wait3A_1129 = tpu.memref_squeeze %dma_wait3A_1128 : memref<1x192x1x128xf32, #tpu.memory_space<hbm>> -> memref<192x128xf32, #tpu.memory_space<hbm>>
    tpu.wait_dma2 semaphore(%arg17 : memref<!tpu.dma_semaphore, #tpu.memory_space<semaphore_mem>>) src(%arg15 : memref<192x128xf32, #tpu.memory_space<vmem>>) dst(%dma_wait3A_1129 : memref<192x128xf32, #tpu.memory_space<hbm>>)
    %while3A_1130 = arith.constant 0 : i32
    %while3A_1131 = arith.constant 0 : i32
    %while3A_1132 = arith.subi %shift_right_arithmetic3A_29, %while3A_1131 : i32
    %while3A_1133 = arith.addi %while3A_1131, %while3A_1132 : i32
    %while3A_1134 = arith.constant 1 : i32
    %while3A_1135 = arith.divsi %while3A_1132, %while3A_1134 : i32
    %while3A_1136 = arith.muli %while3A_1135, %while3A_1134 : i32
    %while3A_1137 = arith.addi %while3A_1131, %while3A_1136 : i32
    %while3A_1138 = arith.constant 1 : i32
    scf.for %while3A_1253 = %while3A_1131 to %while3A_1137 step %while3A_1138  : i32 {
      %mul3A_1254 = arith.constant 16 : i32
      %mul3A_1255 = arith.muli %while3A_1253, %mul3A_1254 : i32
      %get3A = arith.index_cast %mul3A_1255 : i32 to index
      %get3A_1256 = tpu.vector_load %arg11[%get3A] {strides = array<i32>} : memref<8224xi32, #tpu.memory_space<vmem>>, vector<16xi32>,
      %shift_right_logical3A = arith.constant 7 : i32
      %shift_right_logical3A_1257 = vector.broadcast %shift_right_logical3A : i32 to vector<16xi32>
      %shift_right_logical3A_1258 = arith.shrui %get3A_1256, %shift_right_logical3A_1257 : vector<16xi32>
      %and3A = arith.constant 127 : i32
      %and3A_1259 = vector.broadcast %and3A : i32 to vector<16xi32>
      %and3A_1260 = arith.andi %get3A_1256, %and3A_1259 : vector<16xi32>
      tpu.vector_store_idx %arg15[%shift_right_logical3A_1258, %and3A_1260], %broadcast_in_dim3A_1 : memref<192x128xf32, #tpu.memory_space<vmem>>[vector<16xi32>, vector<16xi32>], vector<16xf32>,
    }
    %while3A_1139 = arith.constant 1 : i32
    scf.for %while3A_1253 = %while3A_1137 to %while3A_1133 step %while3A_1139  : i32 {
      %mul3A_1254 = arith.constant 16 : i32
      %mul3A_1255 = arith.muli %while3A_1253, %mul3A_1254 : i32
      %get3A = arith.index_cast %mul3A_1255 : i32 to index
      %get3A_1256 = tpu.vector_load %arg11[%get3A] {strides = array<i32>} : memref<8224xi32, #tpu.memory_space<vmem>>, vector<16xi32>,
      %shift_right_logical3A = arith.constant 7 : i32
      %shift_right_logical3A_1257 = vector.broadcast %shift_right_logical3A : i32 to vector<16xi32>
      %shift_right_logical3A_1258 = arith.shrui %get3A_1256, %shift_right_logical3A_1257 : vector<16xi32>
      %and3A = arith.constant 127 : i32
      %and3A_1259 = vector.broadcast %and3A : i32 to vector<16xi32>
      %and3A_1260 = arith.andi %get3A_1256, %and3A_1259 : vector<16xi32>
      tpu.vector_store_idx %arg15[%shift_right_logical3A_1258, %and3A_1260], %broadcast_in_dim3A_1 : memref<192x128xf32, #tpu.memory_space<vmem>>[vector<16xi32>, vector<16xi32>], vector<16xf32>,
    }
    %while3A_1140 = arith.constant 0 : i32
    %while3A_1141 = arith.constant 0 : i32
    %while3A_1142 = arith.subi %shift_right_arithmetic3A_29, %while3A_1141 : i32
    %while3A_1143 = arith.addi %while3A_1141, %while3A_1142 : i32
    %while3A_1144 = arith.constant 1 : i32
    %while3A_1145 = arith.divsi %while3A_1142, %while3A_1144 : i32
    %while3A_1146 = arith.muli %while3A_1145, %while3A_1144 : i32
    %while3A_1147 = arith.addi %while3A_1141, %while3A_1146 : i32
    %while3A_1148 = arith.constant 1 : i32
    scf.for %while3A_1253 = %while3A_1141 to %while3A_1147 step %while3A_1148  : i32 {
      %mul3A_1254 = arith.constant 16 : i32
      %mul3A_1255 = arith.muli %while3A_1253, %mul3A_1254 : i32
      %get3A = arith.index_cast %mul3A_1255 : i32 to index
      %get3A_1256 = tpu.vector_load %arg11[%get3A] {strides = array<i32>} : memref<8224xi32, #tpu.memory_space<vmem>>, vector<16xi32>,
      %shift_right_logical3A = arith.constant 7 : i32
      %shift_right_logical3A_1257 = vector.broadcast %shift_right_logical3A : i32 to vector<16xi32>
      %shift_right_logical3A_1258 = arith.shrui %get3A_1256, %shift_right_logical3A_1257 : vector<16xi32>
      %and3A = arith.constant 127 : i32
      %and3A_1259 = vector.broadcast %and3A : i32 to vector<16xi32>
      %and3A_1260 = arith.andi %get3A_1256, %and3A_1259 : vector<16xi32>
      %mul3A_1261 = arith.constant 16 : i32
      %mul3A_1262 = arith.muli %while3A_1253, %mul3A_1261 : i32
      %get3A_1263 = arith.index_cast %mul3A_1262 : i32 to index
      %get3A_1264 = tpu.vector_load %arg12[%get3A_1263] {strides = array<i32>} : memref<8224xi32, #tpu.memory_space<vmem>>, vector<16xi32>,
      %add3A_1265 = arith.constant 14848 : i32
      %add3A_1266 = vector.broadcast %add3A_1265 : i32 to vector<16xi32>
      %add3A_1267 = arith.addi %get3A_1264, %add3A_1266 : vector<16xi32>
      %gather3A = tpu.vector_load_idx %arg7[%add3A_1267] : memref<16384xf32, #tpu.memory_space<vmem>>[vector<16xi32>], vector<16xf32>,
      %mul3A_1268 = arith.constant 16 : i32
      %mul3A_1269 = arith.muli %while3A_1253, %mul3A_1268 : i32
      %get3A_1270 = arith.index_cast %mul3A_1269 : i32 to index
      %get3A_1271 = tpu.vector_load %arg13[%get3A_1270] {strides = array<i32>} : memref<8224xf32, #tpu.memory_space<vmem>>, vector<16xf32>,
      %mul3A_1272 = arith.mulf %gather3A, %get3A_1271 : vector<16xf32>
      tpu.vector_store_idx %arg15[%shift_right_logical3A_1258, %and3A_1260], %mul3A_1272 {add = true} : memref<192x128xf32, #tpu.memory_space<vmem>>[vector<16xi32>, vector<16xi32>], vector<16xf32>,
    }
    %while3A_1149 = arith.constant 1 : i32
    scf.for %while3A_1253 = %while3A_1147 to %while3A_1143 step %while3A_1149  : i32 {
      %mul3A_1254 = arith.constant 16 : i32
      %mul3A_1255 = arith.muli %while3A_1253, %mul3A_1254 : i32
      %get3A = arith.index_cast %mul3A_1255 : i32 to index
      %get3A_1256 = tpu.vector_load %arg11[%get3A] {strides = array<i32>} : memref<8224xi32, #tpu.memory_space<vmem>>, vector<16xi32>,
      %shift_right_logical3A = arith.constant 7 : i32
      %shift_right_logical3A_1257 = vector.broadcast %shift_right_logical3A : i32 to vector<16xi32>
      %shift_right_logical3A_1258 = arith.shrui %get3A_1256, %shift_right_logical3A_1257 : vector<16xi32>
      %and3A = arith.constant 127 : i32
      %and3A_1259 = vector.broadcast %and3A : i32 to vector<16xi32>
      %and3A_1260 = arith.andi %get3A_1256, %and3A_1259 : vector<16xi32>
      %mul3A_1261 = arith.constant 16 : i32
      %mul3A_1262 = arith.muli %while3A_1253, %mul3A_1261 : i32
      %get3A_1263 = arith.index_cast %mul3A_1262 : i32 to index
      %get3A_1264 = tpu.vector_load %arg12[%get3A_1263] {strides = array<i32>} : memref<8224xi32, #tpu.memory_space<vmem>>, vector<16xi32>,
      %add3A_1265 = arith.constant 14848 : i32
      %add3A_1266 = vector.broadcast %add3A_1265 : i32 to vector<16xi32>
      %add3A_1267 = arith.addi %get3A_1264, %add3A_1266 : vector<16xi32>
      %gather3A = tpu.vector_load_idx %arg7[%add3A_1267] : memref<16384xf32, #tpu.memory_space<vmem>>[vector<16xi32>], vector<16xf32>,
      %mul3A_1268 = arith.constant 16 : i32
      %mul3A_1269 = arith.muli %while3A_1253, %mul3A_1268 : i32
      %get3A_1270 = arith.index_cast %mul3A_1269 : i32 to index
      %get3A_1271 = tpu.vector_load %arg13[%get3A_1270] {strides = array<i32>} : memref<8224xf32, #tpu.memory_space<vmem>>, vector<16xf32>,
      %mul3A_1272 = arith.mulf %gather3A, %get3A_1271 : vector<16xf32>
      tpu.vector_store_idx %arg15[%shift_right_logical3A_1258, %and3A_1260], %mul3A_1272 {add = true} : memref<192x128xf32, #tpu.memory_space<vmem>>[vector<16xi32>, vector<16xi32>], vector<16xf32>,
    }
    %dma_start3A_1150 = arith.constant 29 : i32
    %dma_start3A_1151 = arith.constant 0 : i32
    %dma_start3A_1152 = arith.constant 0 : i32
    %dma_start3A_1153 = tpu.memref_slice %arg6[%dma_start3A_1150, %dma_start3A_1151, %add3A, %dma_start3A_1152] : memref<32x192x32x128xf32, #tpu.memory_space<hbm>> -> memref<1x192x1x128xf32, #tpu.memory_space<hbm>>
    %dma_start3A_1154 = tpu.memref_squeeze %dma_start3A_1153 : memref<1x192x1x128xf32, #tpu.memory_space<hbm>> -> memref<192x128xf32, #tpu.memory_space<hbm>>
    %dma_start3A_1155 = arith.constant 0 : i32
    %dma_start3A_1156 = arith.constant 0 : i32
    %dma_start3A_1157 = tpu.memref_slice %arg6[%dma_start3A_1150, %dma_start3A_1155, %add3A, %dma_start3A_1156] : memref<32x192x32x128xf32, #tpu.memory_space<hbm>> -> memref<1x192x1x128xf32, #tpu.memory_space<hbm>>
    %dma_start3A_1158 = tpu.memref_squeeze %dma_start3A_1157 : memref<1x192x1x128xf32, #tpu.memory_space<hbm>> -> memref<192x128xf32, #tpu.memory_space<hbm>>
    tpu.enqueue_dma source(%arg15 : memref<192x128xf32, #tpu.memory_space<vmem>>) target(%dma_start3A_1158 : memref<192x128xf32, #tpu.memory_space<hbm>>) target_semaphore(%arg17 : memref<!tpu.dma_semaphore, #tpu.memory_space<semaphore_mem>>)
    %dma_wait3A_1159 = arith.constant 28 : i32
    %dma_wait3A_1160 = arith.constant 0 : i32
    %dma_wait3A_1161 = arith.constant 0 : i32
    %dma_wait3A_1162 = tpu.memref_slice %arg6[%dma_wait3A_1159, %dma_wait3A_1160, %add3A, %dma_wait3A_1161] : memref<32x192x32x128xf32, #tpu.memory_space<hbm>> -> memref<1x192x1x128xf32, #tpu.memory_space<hbm>>
    %dma_wait3A_1163 = tpu.memref_squeeze %dma_wait3A_1162 : memref<1x192x1x128xf32, #tpu.memory_space<hbm>> -> memref<192x128xf32, #tpu.memory_space<hbm>>
    %dma_wait3A_1164 = arith.constant 0 : i32
    %dma_wait3A_1165 = arith.constant 0 : i32
    %dma_wait3A_1166 = tpu.memref_slice %arg6[%dma_wait3A_1159, %dma_wait3A_1164, %add3A, %dma_wait3A_1165] : memref<32x192x32x128xf32, #tpu.memory_space<hbm>> -> memref<1x192x1x128xf32, #tpu.memory_space<hbm>>
    %dma_wait3A_1167 = tpu.memref_squeeze %dma_wait3A_1166 : memref<1x192x1x128xf32, #tpu.memory_space<hbm>> -> memref<192x128xf32, #tpu.memory_space<hbm>>
    tpu.wait_dma2 semaphore(%arg16 : memref<!tpu.dma_semaphore, #tpu.memory_space<semaphore_mem>>) src(%arg14 : memref<192x128xf32, #tpu.memory_space<vmem>>) dst(%dma_wait3A_1167 : memref<192x128xf32, #tpu.memory_space<hbm>>)
    %while3A_1168 = arith.constant 0 : i32
    %while3A_1169 = arith.constant 0 : i32
    %while3A_1170 = arith.subi %shift_right_arithmetic3A_29, %while3A_1169 : i32
    %while3A_1171 = arith.addi %while3A_1169, %while3A_1170 : i32
    %while3A_1172 = arith.constant 1 : i32
    %while3A_1173 = arith.divsi %while3A_1170, %while3A_1172 : i32
    %while3A_1174 = arith.muli %while3A_1173, %while3A_1172 : i32
    %while3A_1175 = arith.addi %while3A_1169, %while3A_1174 : i32
    %while3A_1176 = arith.constant 1 : i32
    scf.for %while3A_1253 = %while3A_1169 to %while3A_1175 step %while3A_1176  : i32 {
      %mul3A_1254 = arith.constant 16 : i32
      %mul3A_1255 = arith.muli %while3A_1253, %mul3A_1254 : i32
      %get3A = arith.index_cast %mul3A_1255 : i32 to index
      %get3A_1256 = tpu.vector_load %arg11[%get3A] {strides = array<i32>} : memref<8224xi32, #tpu.memory_space<vmem>>, vector<16xi32>,
      %shift_right_logical3A = arith.constant 7 : i32
      %shift_right_logical3A_1257 = vector.broadcast %shift_right_logical3A : i32 to vector<16xi32>
      %shift_right_logical3A_1258 = arith.shrui %get3A_1256, %shift_right_logical3A_1257 : vector<16xi32>
      %and3A = arith.constant 127 : i32
      %and3A_1259 = vector.broadcast %and3A : i32 to vector<16xi32>
      %and3A_1260 = arith.andi %get3A_1256, %and3A_1259 : vector<16xi32>
      tpu.vector_store_idx %arg14[%shift_right_logical3A_1258, %and3A_1260], %broadcast_in_dim3A_1 : memref<192x128xf32, #tpu.memory_space<vmem>>[vector<16xi32>, vector<16xi32>], vector<16xf32>,
    }
    %while3A_1177 = arith.constant 1 : i32
    scf.for %while3A_1253 = %while3A_1175 to %while3A_1171 step %while3A_1177  : i32 {
      %mul3A_1254 = arith.constant 16 : i32
      %mul3A_1255 = arith.muli %while3A_1253, %mul3A_1254 : i32
      %get3A = arith.index_cast %mul3A_1255 : i32 to index
      %get3A_1256 = tpu.vector_load %arg11[%get3A] {strides = array<i32>} : memref<8224xi32, #tpu.memory_space<vmem>>, vector<16xi32>,
      %shift_right_logical3A = arith.constant 7 : i32
      %shift_right_logical3A_1257 = vector.broadcast %shift_right_logical3A : i32 to vector<16xi32>
      %shift_right_logical3A_1258 = arith.shrui %get3A_1256, %shift_right_logical3A_1257 : vector<16xi32>
      %and3A = arith.constant 127 : i32
      %and3A_1259 = vector.broadcast %and3A : i32 to vector<16xi32>
      %and3A_1260 = arith.andi %get3A_1256, %and3A_1259 : vector<16xi32>
      tpu.vector_store_idx %arg14[%shift_right_logical3A_1258, %and3A_1260], %broadcast_in_dim3A_1 : memref<192x128xf32, #tpu.memory_space<vmem>>[vector<16xi32>, vector<16xi32>], vector<16xf32>,
    }
    %while3A_1178 = arith.constant 0 : i32
    %while3A_1179 = arith.constant 0 : i32
    %while3A_1180 = arith.subi %shift_right_arithmetic3A_29, %while3A_1179 : i32
    %while3A_1181 = arith.addi %while3A_1179, %while3A_1180 : i32
    %while3A_1182 = arith.constant 1 : i32
    %while3A_1183 = arith.divsi %while3A_1180, %while3A_1182 : i32
    %while3A_1184 = arith.muli %while3A_1183, %while3A_1182 : i32
    %while3A_1185 = arith.addi %while3A_1179, %while3A_1184 : i32
    %while3A_1186 = arith.constant 1 : i32
    scf.for %while3A_1253 = %while3A_1179 to %while3A_1185 step %while3A_1186  : i32 {
      %mul3A_1254 = arith.constant 16 : i32
      %mul3A_1255 = arith.muli %while3A_1253, %mul3A_1254 : i32
      %get3A = arith.index_cast %mul3A_1255 : i32 to index
      %get3A_1256 = tpu.vector_load %arg11[%get3A] {strides = array<i32>} : memref<8224xi32, #tpu.memory_space<vmem>>, vector<16xi32>,
      %shift_right_logical3A = arith.constant 7 : i32
      %shift_right_logical3A_1257 = vector.broadcast %shift_right_logical3A : i32 to vector<16xi32>
      %shift_right_logical3A_1258 = arith.shrui %get3A_1256, %shift_right_logical3A_1257 : vector<16xi32>
      %and3A = arith.constant 127 : i32
      %and3A_1259 = vector.broadcast %and3A : i32 to vector<16xi32>
      %and3A_1260 = arith.andi %get3A_1256, %and3A_1259 : vector<16xi32>
      %mul3A_1261 = arith.constant 16 : i32
      %mul3A_1262 = arith.muli %while3A_1253, %mul3A_1261 : i32
      %get3A_1263 = arith.index_cast %mul3A_1262 : i32 to index
      %get3A_1264 = tpu.vector_load %arg12[%get3A_1263] {strides = array<i32>} : memref<8224xi32, #tpu.memory_space<vmem>>, vector<16xi32>,
      %add3A_1265 = arith.constant 15360 : i32
      %add3A_1266 = vector.broadcast %add3A_1265 : i32 to vector<16xi32>
      %add3A_1267 = arith.addi %get3A_1264, %add3A_1266 : vector<16xi32>
      %gather3A = tpu.vector_load_idx %arg7[%add3A_1267] : memref<16384xf32, #tpu.memory_space<vmem>>[vector<16xi32>], vector<16xf32>,
      %mul3A_1268 = arith.constant 16 : i32
      %mul3A_1269 = arith.muli %while3A_1253, %mul3A_1268 : i32
      %get3A_1270 = arith.index_cast %mul3A_1269 : i32 to index
      %get3A_1271 = tpu.vector_load %arg13[%get3A_1270] {strides = array<i32>} : memref<8224xf32, #tpu.memory_space<vmem>>, vector<16xf32>,
      %mul3A_1272 = arith.mulf %gather3A, %get3A_1271 : vector<16xf32>
      tpu.vector_store_idx %arg14[%shift_right_logical3A_1258, %and3A_1260], %mul3A_1272 {add = true} : memref<192x128xf32, #tpu.memory_space<vmem>>[vector<16xi32>, vector<16xi32>], vector<16xf32>,
    }
    %while3A_1187 = arith.constant 1 : i32
    scf.for %while3A_1253 = %while3A_1185 to %while3A_1181 step %while3A_1187  : i32 {
      %mul3A_1254 = arith.constant 16 : i32
      %mul3A_1255 = arith.muli %while3A_1253, %mul3A_1254 : i32
      %get3A = arith.index_cast %mul3A_1255 : i32 to index
      %get3A_1256 = tpu.vector_load %arg11[%get3A] {strides = array<i32>} : memref<8224xi32, #tpu.memory_space<vmem>>, vector<16xi32>,
      %shift_right_logical3A = arith.constant 7 : i32
      %shift_right_logical3A_1257 = vector.broadcast %shift_right_logical3A : i32 to vector<16xi32>
      %shift_right_logical3A_1258 = arith.shrui %get3A_1256, %shift_right_logical3A_1257 : vector<16xi32>
      %and3A = arith.constant 127 : i32
      %and3A_1259 = vector.broadcast %and3A : i32 to vector<16xi32>
      %and3A_1260 = arith.andi %get3A_1256, %and3A_1259 : vector<16xi32>
      %mul3A_1261 = arith.constant 16 : i32
      %mul3A_1262 = arith.muli %while3A_1253, %mul3A_1261 : i32
      %get3A_1263 = arith.index_cast %mul3A_1262 : i32 to index
      %get3A_1264 = tpu.vector_load %arg12[%get3A_1263] {strides = array<i32>} : memref<8224xi32, #tpu.memory_space<vmem>>, vector<16xi32>,
      %add3A_1265 = arith.constant 15360 : i32
      %add3A_1266 = vector.broadcast %add3A_1265 : i32 to vector<16xi32>
      %add3A_1267 = arith.addi %get3A_1264, %add3A_1266 : vector<16xi32>
      %gather3A = tpu.vector_load_idx %arg7[%add3A_1267] : memref<16384xf32, #tpu.memory_space<vmem>>[vector<16xi32>], vector<16xf32>,
      %mul3A_1268 = arith.constant 16 : i32
      %mul3A_1269 = arith.muli %while3A_1253, %mul3A_1268 : i32
      %get3A_1270 = arith.index_cast %mul3A_1269 : i32 to index
      %get3A_1271 = tpu.vector_load %arg13[%get3A_1270] {strides = array<i32>} : memref<8224xf32, #tpu.memory_space<vmem>>, vector<16xf32>,
      %mul3A_1272 = arith.mulf %gather3A, %get3A_1271 : vector<16xf32>
      tpu.vector_store_idx %arg14[%shift_right_logical3A_1258, %and3A_1260], %mul3A_1272 {add = true} : memref<192x128xf32, #tpu.memory_space<vmem>>[vector<16xi32>, vector<16xi32>], vector<16xf32>,
    }
    %dma_start3A_1188 = arith.constant 30 : i32
    %dma_start3A_1189 = arith.constant 0 : i32
    %dma_start3A_1190 = arith.constant 0 : i32
    %dma_start3A_1191 = tpu.memref_slice %arg6[%dma_start3A_1188, %dma_start3A_1189, %add3A, %dma_start3A_1190] : memref<32x192x32x128xf32, #tpu.memory_space<hbm>> -> memref<1x192x1x128xf32, #tpu.memory_space<hbm>>
    %dma_start3A_1192 = tpu.memref_squeeze %dma_start3A_1191 : memref<1x192x1x128xf32, #tpu.memory_space<hbm>> -> memref<192x128xf32, #tpu.memory_space<hbm>>
    %dma_start3A_1193 = arith.constant 0 : i32
    %dma_start3A_1194 = arith.constant 0 : i32
    %dma_start3A_1195 = tpu.memref_slice %arg6[%dma_start3A_1188, %dma_start3A_1193, %add3A, %dma_start3A_1194] : memref<32x192x32x128xf32, #tpu.memory_space<hbm>> -> memref<1x192x1x128xf32, #tpu.memory_space<hbm>>
    %dma_start3A_1196 = tpu.memref_squeeze %dma_start3A_1195 : memref<1x192x1x128xf32, #tpu.memory_space<hbm>> -> memref<192x128xf32, #tpu.memory_space<hbm>>
    tpu.enqueue_dma source(%arg14 : memref<192x128xf32, #tpu.memory_space<vmem>>) target(%dma_start3A_1196 : memref<192x128xf32, #tpu.memory_space<hbm>>) target_semaphore(%arg16 : memref<!tpu.dma_semaphore, #tpu.memory_space<semaphore_mem>>)
    %dma_wait3A_1197 = arith.constant 29 : i32
    %dma_wait3A_1198 = arith.constant 0 : i32
    %dma_wait3A_1199 = arith.constant 0 : i32
    %dma_wait3A_1200 = tpu.memref_slice %arg6[%dma_wait3A_1197, %dma_wait3A_1198, %add3A, %dma_wait3A_1199] : memref<32x192x32x128xf32, #tpu.memory_space<hbm>> -> memref<1x192x1x128xf32, #tpu.memory_space<hbm>>
    %dma_wait3A_1201 = tpu.memref_squeeze %dma_wait3A_1200 : memref<1x192x1x128xf32, #tpu.memory_space<hbm>> -> memref<192x128xf32, #tpu.memory_space<hbm>>
    %dma_wait3A_1202 = arith.constant 0 : i32
    %dma_wait3A_1203 = arith.constant 0 : i32
    %dma_wait3A_1204 = tpu.memref_slice %arg6[%dma_wait3A_1197, %dma_wait3A_1202, %add3A, %dma_wait3A_1203] : memref<32x192x32x128xf32, #tpu.memory_space<hbm>> -> memref<1x192x1x128xf32, #tpu.memory_space<hbm>>
    %dma_wait3A_1205 = tpu.memref_squeeze %dma_wait3A_1204 : memref<1x192x1x128xf32, #tpu.memory_space<hbm>> -> memref<192x128xf32, #tpu.memory_space<hbm>>
    tpu.wait_dma2 semaphore(%arg17 : memref<!tpu.dma_semaphore, #tpu.memory_space<semaphore_mem>>) src(%arg15 : memref<192x128xf32, #tpu.memory_space<vmem>>) dst(%dma_wait3A_1205 : memref<192x128xf32, #tpu.memory_space<hbm>>)
    %while3A_1206 = arith.constant 0 : i32
    %while3A_1207 = arith.constant 0 : i32
    %while3A_1208 = arith.subi %shift_right_arithmetic3A_29, %while3A_1207 : i32
    %while3A_1209 = arith.addi %while3A_1207, %while3A_1208 : i32
    %while3A_1210 = arith.constant 1 : i32
    %while3A_1211 = arith.divsi %while3A_1208, %while3A_1210 : i32
    %while3A_1212 = arith.muli %while3A_1211, %while3A_1210 : i32
    %while3A_1213 = arith.addi %while3A_1207, %while3A_1212 : i32
    %while3A_1214 = arith.constant 1 : i32
    scf.for %while3A_1253 = %while3A_1207 to %while3A_1213 step %while3A_1214  : i32 {
      %mul3A_1254 = arith.constant 16 : i32
      %mul3A_1255 = arith.muli %while3A_1253, %mul3A_1254 : i32
      %get3A = arith.index_cast %mul3A_1255 : i32 to index
      %get3A_1256 = tpu.vector_load %arg11[%get3A] {strides = array<i32>} : memref<8224xi32, #tpu.memory_space<vmem>>, vector<16xi32>,
      %shift_right_logical3A = arith.constant 7 : i32
      %shift_right_logical3A_1257 = vector.broadcast %shift_right_logical3A : i32 to vector<16xi32>
      %shift_right_logical3A_1258 = arith.shrui %get3A_1256, %shift_right_logical3A_1257 : vector<16xi32>
      %and3A = arith.constant 127 : i32
      %and3A_1259 = vector.broadcast %and3A : i32 to vector<16xi32>
      %and3A_1260 = arith.andi %get3A_1256, %and3A_1259 : vector<16xi32>
      tpu.vector_store_idx %arg15[%shift_right_logical3A_1258, %and3A_1260], %broadcast_in_dim3A_1 : memref<192x128xf32, #tpu.memory_space<vmem>>[vector<16xi32>, vector<16xi32>], vector<16xf32>,
    }
    %while3A_1215 = arith.constant 1 : i32
    scf.for %while3A_1253 = %while3A_1213 to %while3A_1209 step %while3A_1215  : i32 {
      %mul3A_1254 = arith.constant 16 : i32
      %mul3A_1255 = arith.muli %while3A_1253, %mul3A_1254 : i32
      %get3A = arith.index_cast %mul3A_1255 : i32 to index
      %get3A_1256 = tpu.vector_load %arg11[%get3A] {strides = array<i32>} : memref<8224xi32, #tpu.memory_space<vmem>>, vector<16xi32>,
      %shift_right_logical3A = arith.constant 7 : i32
      %shift_right_logical3A_1257 = vector.broadcast %shift_right_logical3A : i32 to vector<16xi32>
      %shift_right_logical3A_1258 = arith.shrui %get3A_1256, %shift_right_logical3A_1257 : vector<16xi32>
      %and3A = arith.constant 127 : i32
      %and3A_1259 = vector.broadcast %and3A : i32 to vector<16xi32>
      %and3A_1260 = arith.andi %get3A_1256, %and3A_1259 : vector<16xi32>
      tpu.vector_store_idx %arg15[%shift_right_logical3A_1258, %and3A_1260], %broadcast_in_dim3A_1 : memref<192x128xf32, #tpu.memory_space<vmem>>[vector<16xi32>, vector<16xi32>], vector<16xf32>,
    }
    %while3A_1216 = arith.constant 0 : i32
    %while3A_1217 = arith.constant 0 : i32
    %while3A_1218 = arith.subi %shift_right_arithmetic3A_29, %while3A_1217 : i32
    %while3A_1219 = arith.addi %while3A_1217, %while3A_1218 : i32
    %while3A_1220 = arith.constant 1 : i32
    %while3A_1221 = arith.divsi %while3A_1218, %while3A_1220 : i32
    %while3A_1222 = arith.muli %while3A_1221, %while3A_1220 : i32
    %while3A_1223 = arith.addi %while3A_1217, %while3A_1222 : i32
    %while3A_1224 = arith.constant 1 : i32
    scf.for %while3A_1253 = %while3A_1217 to %while3A_1223 step %while3A_1224  : i32 {
      %mul3A_1254 = arith.constant 16 : i32
      %mul3A_1255 = arith.muli %while3A_1253, %mul3A_1254 : i32
      %get3A = arith.index_cast %mul3A_1255 : i32 to index
      %get3A_1256 = tpu.vector_load %arg11[%get3A] {strides = array<i32>} : memref<8224xi32, #tpu.memory_space<vmem>>, vector<16xi32>,
      %shift_right_logical3A = arith.constant 7 : i32
      %shift_right_logical3A_1257 = vector.broadcast %shift_right_logical3A : i32 to vector<16xi32>
      %shift_right_logical3A_1258 = arith.shrui %get3A_1256, %shift_right_logical3A_1257 : vector<16xi32>
      %and3A = arith.constant 127 : i32
      %and3A_1259 = vector.broadcast %and3A : i32 to vector<16xi32>
      %and3A_1260 = arith.andi %get3A_1256, %and3A_1259 : vector<16xi32>
      %mul3A_1261 = arith.constant 16 : i32
      %mul3A_1262 = arith.muli %while3A_1253, %mul3A_1261 : i32
      %get3A_1263 = arith.index_cast %mul3A_1262 : i32 to index
      %get3A_1264 = tpu.vector_load %arg12[%get3A_1263] {strides = array<i32>} : memref<8224xi32, #tpu.memory_space<vmem>>, vector<16xi32>,
      %add3A_1265 = arith.constant 15872 : i32
      %add3A_1266 = vector.broadcast %add3A_1265 : i32 to vector<16xi32>
      %add3A_1267 = arith.addi %get3A_1264, %add3A_1266 : vector<16xi32>
      %gather3A = tpu.vector_load_idx %arg7[%add3A_1267] : memref<16384xf32, #tpu.memory_space<vmem>>[vector<16xi32>], vector<16xf32>,
      %mul3A_1268 = arith.constant 16 : i32
      %mul3A_1269 = arith.muli %while3A_1253, %mul3A_1268 : i32
      %get3A_1270 = arith.index_cast %mul3A_1269 : i32 to index
      %get3A_1271 = tpu.vector_load %arg13[%get3A_1270] {strides = array<i32>} : memref<8224xf32, #tpu.memory_space<vmem>>, vector<16xf32>,
      %mul3A_1272 = arith.mulf %gather3A, %get3A_1271 : vector<16xf32>
      tpu.vector_store_idx %arg15[%shift_right_logical3A_1258, %and3A_1260], %mul3A_1272 {add = true} : memref<192x128xf32, #tpu.memory_space<vmem>>[vector<16xi32>, vector<16xi32>], vector<16xf32>,
    }
    %while3A_1225 = arith.constant 1 : i32
    scf.for %while3A_1253 = %while3A_1223 to %while3A_1219 step %while3A_1225  : i32 {
      %mul3A_1254 = arith.constant 16 : i32
      %mul3A_1255 = arith.muli %while3A_1253, %mul3A_1254 : i32
      %get3A = arith.index_cast %mul3A_1255 : i32 to index
      %get3A_1256 = tpu.vector_load %arg11[%get3A] {strides = array<i32>} : memref<8224xi32, #tpu.memory_space<vmem>>, vector<16xi32>,
      %shift_right_logical3A = arith.constant 7 : i32
      %shift_right_logical3A_1257 = vector.broadcast %shift_right_logical3A : i32 to vector<16xi32>
      %shift_right_logical3A_1258 = arith.shrui %get3A_1256, %shift_right_logical3A_1257 : vector<16xi32>
      %and3A = arith.constant 127 : i32
      %and3A_1259 = vector.broadcast %and3A : i32 to vector<16xi32>
      %and3A_1260 = arith.andi %get3A_1256, %and3A_1259 : vector<16xi32>
      %mul3A_1261 = arith.constant 16 : i32
      %mul3A_1262 = arith.muli %while3A_1253, %mul3A_1261 : i32
      %get3A_1263 = arith.index_cast %mul3A_1262 : i32 to index
      %get3A_1264 = tpu.vector_load %arg12[%get3A_1263] {strides = array<i32>} : memref<8224xi32, #tpu.memory_space<vmem>>, vector<16xi32>,
      %add3A_1265 = arith.constant 15872 : i32
      %add3A_1266 = vector.broadcast %add3A_1265 : i32 to vector<16xi32>
      %add3A_1267 = arith.addi %get3A_1264, %add3A_1266 : vector<16xi32>
      %gather3A = tpu.vector_load_idx %arg7[%add3A_1267] : memref<16384xf32, #tpu.memory_space<vmem>>[vector<16xi32>], vector<16xf32>,
      %mul3A_1268 = arith.constant 16 : i32
      %mul3A_1269 = arith.muli %while3A_1253, %mul3A_1268 : i32
      %get3A_1270 = arith.index_cast %mul3A_1269 : i32 to index
      %get3A_1271 = tpu.vector_load %arg13[%get3A_1270] {strides = array<i32>} : memref<8224xf32, #tpu.memory_space<vmem>>, vector<16xf32>,
      %mul3A_1272 = arith.mulf %gather3A, %get3A_1271 : vector<16xf32>
      tpu.vector_store_idx %arg15[%shift_right_logical3A_1258, %and3A_1260], %mul3A_1272 {add = true} : memref<192x128xf32, #tpu.memory_space<vmem>>[vector<16xi32>, vector<16xi32>], vector<16xf32>,
    }
    %dma_start3A_1226 = arith.constant 31 : i32
    %dma_start3A_1227 = arith.constant 0 : i32
    %dma_start3A_1228 = arith.constant 0 : i32
    %dma_start3A_1229 = tpu.memref_slice %arg6[%dma_start3A_1226, %dma_start3A_1227, %add3A, %dma_start3A_1228] : memref<32x192x32x128xf32, #tpu.memory_space<hbm>> -> memref<1x192x1x128xf32, #tpu.memory_space<hbm>>
    %dma_start3A_1230 = tpu.memref_squeeze %dma_start3A_1229 : memref<1x192x1x128xf32, #tpu.memory_space<hbm>> -> memref<192x128xf32, #tpu.memory_space<hbm>>
    %dma_start3A_1231 = arith.constant 0 : i32
    %dma_start3A_1232 = arith.constant 0 : i32
    %dma_start3A_1233 = tpu.memref_slice %arg6[%dma_start3A_1226, %dma_start3A_1231, %add3A, %dma_start3A_1232] : memref<32x192x32x128xf32, #tpu.memory_space<hbm>> -> memref<1x192x1x128xf32, #tpu.memory_space<hbm>>
    %dma_start3A_1234 = tpu.memref_squeeze %dma_start3A_1233 : memref<1x192x1x128xf32, #tpu.memory_space<hbm>> -> memref<192x128xf32, #tpu.memory_space<hbm>>
    tpu.enqueue_dma source(%arg15 : memref<192x128xf32, #tpu.memory_space<vmem>>) target(%dma_start3A_1234 : memref<192x128xf32, #tpu.memory_space<hbm>>) target_semaphore(%arg17 : memref<!tpu.dma_semaphore, #tpu.memory_space<semaphore_mem>>)
    %dma_wait3A_1235 = arith.constant 30 : i32
    %dma_wait3A_1236 = arith.constant 0 : i32
    %dma_wait3A_1237 = arith.constant 0 : i32
    %dma_wait3A_1238 = tpu.memref_slice %arg6[%dma_wait3A_1235, %dma_wait3A_1236, %add3A, %dma_wait3A_1237] : memref<32x192x32x128xf32, #tpu.memory_space<hbm>> -> memref<1x192x1x128xf32, #tpu.memory_space<hbm>>
    %dma_wait3A_1239 = tpu.memref_squeeze %dma_wait3A_1238 : memref<1x192x1x128xf32, #tpu.memory_space<hbm>> -> memref<192x128xf32, #tpu.memory_space<hbm>>
    %dma_wait3A_1240 = arith.constant 0 : i32
    %dma_wait3A_1241 = arith.constant 0 : i32
    %dma_wait3A_1242 = tpu.memref_slice %arg6[%dma_wait3A_1235, %dma_wait3A_1240, %add3A, %dma_wait3A_1241] : memref<32x192x32x128xf32, #tpu.memory_space<hbm>> -> memref<1x192x1x128xf32, #tpu.memory_space<hbm>>
    %dma_wait3A_1243 = tpu.memref_squeeze %dma_wait3A_1242 : memref<1x192x1x128xf32, #tpu.memory_space<hbm>> -> memref<192x128xf32, #tpu.memory_space<hbm>>
    tpu.wait_dma2 semaphore(%arg16 : memref<!tpu.dma_semaphore, #tpu.memory_space<semaphore_mem>>) src(%arg14 : memref<192x128xf32, #tpu.memory_space<vmem>>) dst(%dma_wait3A_1243 : memref<192x128xf32, #tpu.memory_space<hbm>>)
    %dma_wait3A_1244 = arith.constant 31 : i32
    %dma_wait3A_1245 = arith.constant 0 : i32
    %dma_wait3A_1246 = arith.constant 0 : i32
    %dma_wait3A_1247 = tpu.memref_slice %arg6[%dma_wait3A_1244, %dma_wait3A_1245, %add3A, %dma_wait3A_1246] : memref<32x192x32x128xf32, #tpu.memory_space<hbm>> -> memref<1x192x1x128xf32, #tpu.memory_space<hbm>>
    %dma_wait3A_1248 = tpu.memref_squeeze %dma_wait3A_1247 : memref<1x192x1x128xf32, #tpu.memory_space<hbm>> -> memref<192x128xf32, #tpu.memory_space<hbm>>
    %dma_wait3A_1249 = arith.constant 0 : i32
    %dma_wait3A_1250 = arith.constant 0 : i32
    %dma_wait3A_1251 = tpu.memref_slice %arg6[%dma_wait3A_1244, %dma_wait3A_1249, %add3A, %dma_wait3A_1250] : memref<32x192x32x128xf32, #tpu.memory_space<hbm>> -> memref<1x192x1x128xf32, #tpu.memory_space<hbm>>
    %dma_wait3A_1252 = tpu.memref_squeeze %dma_wait3A_1251 : memref<1x192x1x128xf32, #tpu.memory_space<hbm>> -> memref<192x128xf32, #tpu.memory_space<hbm>>
    tpu.wait_dma2 semaphore(%arg17 : memref<!tpu.dma_semaphore, #tpu.memory_space<semaphore_mem>>) src(%arg15 : memref<192x128xf32, #tpu.memory_space<vmem>>) dst(%dma_wait3A_1252 : memref<192x128xf32, #tpu.memory_space<hbm>>)
    return
  }
}

</mosaic_0001>

<sc_bundles>
// kernel: kernel.3.cloned.1.call-start
scs
__scs_entry_jumppad:
0x0: {  	(pc) =	sbr.rel $0x88, $3  }
0x1: {  	(tag) =	ssettag $0x0;
	lr =	simm.s32 $0x1  }
0x2: {  	[smem:$0x3F9D] =	sst lr;
	_ =	strace $0xD0000000  }
0x3: {  	_ = 	snop  }
0x4: {  	_ = 	snop  }
0x5: {  	_ = 	snop  }
0x6: {  	_ = 	snop  }
0x7: {  	_ = 	snop  }
__scs_overlays_trampoline_lowered:
0x8: {  	[smem:$0x3FAC] =	sst s0  }
0x9: {  	[smem:$0x3FAD] =	sst s1  }
0xa: {  	[smem:$0x3FAE] =	sst s2  }
0xb: {  	[smem:$0x3FAF] =	sst s3  }
0xc: {  	[smem:$0x3FB0] =	sst s4  }
0xd: {  	[smem:$0x3FB1] =	sst s5  }
0xe: {  	[smem:$0x3FB2] =	sst s6  }
0xf: {  	[smem:$0x3FB3] =	sst s7  }
0x10: {  	[smem:$0x3FB4] =	sst s8  }
0x11: {  	[smem:$0x3FB5] =	sst s9;
	s0 =	simm.s32 @!p0 $0x0  }
0x12: {  	s1 =	sld [smem:$0x3F9B];
	s0 =	simm.s32 @p0 $0x1  }
0x13: {  	[smem:$0x3FB6] =	sst s0;
	s0 =	simm.s32 @!p1 $0x0  }
0x14: {  	s2 =	sld [smem:$0x3F9A];
	s0 =	simm.s32 @p1 $0x1  }
0x15: {  	[smem:$0x3FB7] =	sst s0;
	s0 =	simm.s32 @!p2 $0x0  }
0x16: {  	s3 =	sld [smem:$0x3FDB];
	s0 =	simm.s32 @p2 $0x1  }
0x17: {  	s4 =	simm.s32 $0x1BF5;
	[smem:$0x3FB9] =	sst s0  }
0x18: {  	s0 =	sld [smem:$0x3F9C];
	_ =	swait.ge [sflag:s4], $0x0  }
0x19: {  	s7 =	sld [smem:$0x3F9D]  }
0x1a: {  	s8 =	sadd.s32 $0xFFFFE003, lr  }
0x1b: {  	s9 =	sadd.s32 $0xFFFFFEF7, lr;
	s5 =	simm.s32 $0xFFFFFFFF;
	p2 =	slt.u32 s8, $0xFFFFF086  }
0x1c: {  	p1 =	slt.u32 s9, $0xF7A;
	s5 =	simm.s32 @!p2 $0x0  }
0x1d: {  	s5 =	simm.s32 @p1 $0x1;
	p0 =	seq.s32 s7, s2  }
0x1e: {  	s7 =	smul.u32 @!p0 $0xF7A, s2;
	p2 =	seq.s32 @!p0 s5, $0x0  }
0x1f: {  	s9 =	smul.u32 $0xF7A, s1;
	s8 =	simm.s32 @!p0 $0x1BF5;
	p2 =	por !p2, p0  }
0x20: {  	[sflag:s8] =	ssyncset.s32 @!p0 $0xFFFFF086;
	s6 =	sadd.s32 @!p0 s3, s7;
	s7 =	simm.s32 @!p0 $0x108  }
0x21: {  	s3 =	sadd.s32 s3, s9;
	s6 =	sadd.s32 @!p0 $0x88, s6;
	s7 =	simm.s32 @p2 $0x1082  }
0x22: {  	[simem:s7], [sflag:s8] =	dma.local @!p0 [hbm:s6], $0xF7A  }
0x23: {  	s9 =	sor.u32 $0xD0000000, s2;
	s6 =	simm.s32 $0x108;
	_ =	swait.ge @!p0 [sflag:s8], $0x0  }
0x24: {  	s3 =	sadd.s32 $0x88, s3;
	s6 =	simm.s32 @!p1 $0x1082;
	[sflag:s4] =	ssyncset.s32 $0xFFFFF086  }
0x25: {  	[simem:s6], [sflag:s4] =	dma.local [hbm:s3], $0xF7A  }
0x26: {  	[smem:$0x3F9D] =	sst s1;
	(tag) =	ssettag s2;
	_ =	strace s9  }
0x27: {  	s1 =	sld [smem:$0x3FAD]  }
0x28: {  	s2 =	sld [smem:$0x3FAE]  }
0x29: {  	s4 =	sld [smem:$0x3FB0]  }
0x2a: {  	p0 =	seq.s32 s5, $0x0;
	s5 =	sld [smem:$0x3FB1]  }
0x2b: {  	s6 =	sld [smem:$0x3FB2]  }
0x2c: {  	s7 =	sld [smem:$0x3FB3]  }
0x2d: {  	s3 =	simm.s32 $0x108;
	s8 =	sld [smem:$0x3FB4]  }
0x2e: {  	s3 =	simm.s32 @!p0 $0x1082;
	s9 =	sld [smem:$0x3FB5]  }
0x2f: {  	lr =	sadd.s32 s0, s3;
	s0 =	sld [smem:$0x3FAC]  }
0x30: {  	s3 =	sld [smem:$0x3FAF]  }
0x31: {  	[smem:$0x3FB8] =	sst s10  }
0x32: {  	s10 =	sld [smem:$0x3FB6];
	_ =	sdelay $0x3  }
0x33: {  	p0 =	seq.s32 s10, $0x1;
	s10 =	sld [smem:$0x3FB8];
	_ =	sdelay $0x3  }
0x34: {  	[smem:$0x3FB8] =	sst s10  }
0x35: {  	s10 =	sld [smem:$0x3FB7];
	_ =	sdelay $0x3  }
0x36: {  	p1 =	seq.s32 s10, $0x1;
	s10 =	sld [smem:$0x3FB8];
	_ =	sdelay $0x3  }
0x37: {  	[smem:$0x3FB8] =	sst s10  }
0x38: {  	s10 =	sld [smem:$0x3FB9]  }
0x39: {  	_ = 	snop;
	(pc) =	sbr.ind lr, $3  }
0x3a: {  	_ = 	snop  }
0x3b: {  	_ = 	snop  }
0x3c: {  	p2 =	seq.s32 s10, $0x1;
	s10 =	sld [smem:$0x3FB8]  }
0x3d: {  	_ =	shalt  }
0x3e: {  	_ =	shalt  }
0x3f: {  	_ =	shalt  }
0x40: {  	_ =	shalt  }
0x41: {  	_ =	shalt  }
0x42: {  	_ =	shalt  }
0x43: {  	_ =	shalt  }
0x44: {  	_ =	shalt  }
0x45: {  	_ =	shalt  }
0x46: {  	_ =	shalt  }
0x47: {  	_ =	shalt  }
0x48: {  	_ =	shalt  }
0x49: {  	_ =	shalt  }
0x4a: {  	_ =	shalt  }
0x4b: {  	_ =	shalt  }
0x4c: {  	_ =	shalt  }
0x4d: {  	_ =	shalt  }
0x4e: {  	_ =	shalt  }
0x4f: {  	_ =	shalt  }
0x50: {  	_ =	shalt  }
0x51: {  	_ =	shalt  }
0x52: {  	_ =	shalt  }
0x53: {  	_ =	shalt  }
0x54: {  	_ =	shalt  }
0x55: {  	_ =	shalt  }
0x56: {  	_ =	shalt  }
0x57: {  	_ =	shalt  }
0x58: {  	_ =	shalt  }
0x59: {  	_ =	shalt  }
0x5a: {  	_ =	shalt  }
0x5b: {  	_ =	shalt  }
0x5c: {  	_ =	shalt  }
0x5d: {  	_ =	shalt  }
0x5e: {  	_ =	shalt  }
0x5f: {  	_ =	shalt  }
0x60: {  	_ =	shalt  }
0x61: {  	_ =	shalt  }
0x62: {  	_ =	shalt  }
0x63: {  	_ =	shalt  }
0x64: {  	_ =	shalt  }
0x65: {  	_ =	shalt  }
0x66: {  	_ =	shalt  }
0x67: {  	_ =	shalt  }
0x68: {  	_ =	shalt  }
0x69: {  	_ =	shalt  }
0x6a: {  	_ =	shalt  }
0x6b: {  	_ =	shalt  }
0x6c: {  	_ =	shalt  }
0x6d: {  	_ =	shalt  }
0x6e: {  	_ =	shalt  }
0x6f: {  	_ =	shalt  }
0x70: {  	_ =	shalt  }
0x71: {  	_ =	shalt  }
0x72: {  	_ =	shalt  }
0x73: {  	_ =	shalt  }
0x74: {  	_ =	shalt  }
0x75: {  	_ =	shalt  }
0x76: {  	_ =	shalt  }
0x77: {  	_ =	shalt  }
0x78: {  	_ =	shalt  }
0x79: {  	_ =	shalt  }
0x7a: {  	_ =	shalt  }
0x7b: {  	_ =	shalt  }
0x7c: {  	_ =	shalt  }
0x7d: {  	_ =	shalt  }
0x7e: {  	_ =	shalt  }
0x7f: {  	_ =	shalt  }
0x80: {  	_ =	shalt  }
0x81: {  	_ =	shalt  }
0x82: {  	_ =	shalt  }
0x83: {  	_ =	shalt  }
0x84: {  	_ =	shalt  }
0x85: {  	_ =	shalt  }
0x86: {  	_ =	shalt  }
0x87: {  	_ =	shalt  }
.Lfunc_end0:
.L_simem_size_0:
called_computation_lowered:
.L_overlay_start_0:
0x88: {  	s2 =	sld [smem:$0x3FD9]  }
0x89: {  	s3 =	sld [smem:$0x3FFE];
	_ =	sdelay $0x1  }
0x8a: {  	s1 =	srdreg.scid  }
0x8b: {  	s0 =	sand.u32 $0x1, s1  }
0x8c: {  	s14 =	sshll.u32 s0, $0xA;
	s2 =	sadd.s32 s3, s2  }
0x8d: {  	s2 =	sadd.s32 s2, s14  }
0x8e: {  	[smem:$0x3FC4] =	sst s2  }
0x8f: {  	_ = 	snop  }
0x90: {  	s2 =	sld [smem:$0x3FD0]  }
0x91: {  	s15 =	sld [smem:$0x3FC8]  }
0x92: {  	s4 =	sld [smem:$0x3FC7]  }
0x93: {  	s6 =	simm.s32 $0xA;
	s7 =	simm.s32 $0x10;
	s5 =	sld [smem:$0x3FC6]  }
0x94: {  	[smem:s7], [sflag:s6] =	dma.local [hbm:s2], $0x1  }
0x95: {  	_ =	swait.eq [sflag:s6], $0x1  }
0x96: {  	[sflag:s6] =	ssyncset.done $0x0  }
0x97: {  	[sflag:s6] =	ssyncadd.s32 $0xFFFFFFFF  }
0x98: {  	s16 =	sld [smem:$0x11];
	(tm) =	ssettm $0x1  }
0x99: {  	s17 =	sld [smem:$0x3FFB];
	_ =	sdelay $0x3  }
0x9a: {  	_ =	strace s17  }
0x9b: {  	s6 =	sld [smem:$0x3FFC];
	_ =	sdelay $0x3  }
0x9c: {  	_ =	strace s6  }
0x9d: {  	s6 =	sld [smem:$0x3FFD];
	_ =	sdelay $0x3  }
0x9e: {  	_ =	strace s6  }
0x9f: {  	_ =	strace $0x8FFFFFFF  }
0xa0: {  	s18 =	sld [smem:$0x3FDB];
	_ =	sdelay $0x1  }
0xa1: {  	s19 =	simm.s32 $_scs_section_size  }
0xa2: {  	s8 =	simm.s32 $_size__tile_overlayer_lowered;
	s9 =	simm.s32 $_tile_overlayer_lowered  }
0xa3: {  	s22 =	simm.s32 $0x1BFF;
	s21 =	sshll.u32 s9, $0x1;
	s6 =	sadd.s32 s19, s18  }
0xa4: {  	s10 =	simm.s32 $0x0;
	s20 =	sshll.u32 s8, $0x1;
	s8 =	sadd.s32 s21, s6  }
0xa5: {  	[timem:s10], [sflag:s22] =	dma.local [hbm:s8], s20  }
0xa6: {  	_ =	swait.ge [sflag:s22], s20  }
0xa7: {  	s7 =	ssub.s32 $0x0, s20;
	[sflag:s22] =	ssyncset.done $0x0  }
0xa8: {  	[sflag:s22] =	ssyncadd.s32 s7;
	_ =	sdelay $0x1  }
0xa9: {  	s23 =	simm.s32 $0x1B8B  }
0xaa: {  	_ =	swait.ge [sflag:s23], $0x1  }
0xab: {  	[sflag:s23] =	ssyncset.done $0x0  }
0xac: {  	s25 =	simm.s32 $0x1B8E;
	s24 =	sld [smem:$0x3FFE];
	[sflag:s23] =	ssyncadd.s32 $0xFFFFFFFF  }
0xad: {  	s26 =	simm.s32 $execute0_lowered;
	[smem:$0x3FD2] =	sst s25  }
0xae: {  	s8 =	sshll.u32 s26, $0x1;
	_ =	strace $0x80000046;
	[dreg:$0x1] =	wrdreg $0xFFFFFFFF  }
0xaf: {  	s28 =	simm.s32 $_size_execute0_lowered;
	s6 =	sadd.s32 s6, s8;
	[dreg:$0x0] =	wrdreg $0x0  }
0xb0: {  	s8 =	sshll.u32 s28, $0x1;
	[dreg:$0x2] =	wrdreg s6  }
0xb1: {  	[dreg:$0x3] =	wrdreg s8  }
0xb2: {  	[dreg:$0x4] =	wrdreg $0xC0  }
0xb3: {  	_ =	task [dreg:s10], $0x5FFFF  }
0xb4: {  	[dreg:$0x1] =	wrdreg $0xFFFFFFFF  }
0xb5: {  	[dreg:$0x0] =	wrdreg $0x60  }
0xb6: {  	[dreg:$0x2] =	wrdreg s16  }
0xb7: {  	[dreg:$0x3] =	wrdreg s4  }
0xb8: {  	[dreg:$0x4] =	wrdreg s15  }
0xb9: {  	[dreg:$0x5] =	wrdreg s5  }
0xba: {  	[dreg:$0x6] =	wrdreg s24  }
0xbb: {  	[dreg:$0x7] =	wrdreg $0x9  }
0xbc: {  	_ =	task.clear_ibuf [dreg:s10], $0x8FFFF;
	_ =	strace $0x90000046  }
0xbd: {  	s29 =	simm.s32 $0x9;
	_ =	strace $0x80000048  }
0xbe: {  	_ =	swait.ge [sflag:s29], $0x1  }
0xbf: {  	[sflag:s29] =	ssyncadd.s32 $0xFFFFFFFF  }
0xc0: {  	_ =	strace $0x90000048  }
0xc1: {  	_ =	sfence  }
0xc2: {  	s30 =	sld [smem:$0x0];
	_ =	sdelay $0x2  }
0xc3: {  	s31 =	sshll.u32 s1, $0xD;
	s1 =	sshrl.u32 s1, $0x2  }
0xc4: {  	s3 =	sand.u32 $0x4000, s31;
	s1 =	sadd.s32 s1, s30  }
0xc5: {  	s0 =	sor.u32 s3, s0;
	s1 =	sshll.u32 s1, $0x11  }
0xc6: {  	s0 =	sor.u32 s1, s0  }
0xc7: {  	s0 =	sadd.s32 $0x8F2B, s0  }
0xc8: {  	[sflag:s0] =	ssyncadd.remote.s32 $0x1  }
0xc9: {  	_ =	sfence.sel $0xFFFF  }
0xca: {  	[dreg:$0x0] =	wrdreg $0xFFFFFFFF;
	(pc) =	sbr.abs _section_cstart, $3  }
0xcb: {  	[dreg:$0x1] =	wrdreg $0xFFFFFFFF  }
0xcc: {  	_ =	task.clear_ibuf [dreg:s10], $0x2FFFF;
	_ =	strace $0x9FFFFFFF  }
0xcd: {  	(tm) =	ssettm $0x7FFFFFFF  }
tec
execute0_lowered:
.L_overlay_start_1:
0x0: {  	(tag) =	ssettag $0x1  }
0x1: {  	s0 =	srdreg.scid;
	s1 =	stileid.u32  }
0x2: {  	s0 =	sand.u32 $0x1, s0;
	s1 =	sshll.u32 s1, $0x1  }
0x3: {  	s14 =	sor.u32 s0, s1  }
0x4: {  	s2 =	rddreg [dreg:$0x4];
	s1 =	sshll.u32 s14, $0x4  }
0x5: {  	s6 =	simm.s32 $0x0;
	s8 =	sadd.s32 s1, s2  }
0x6: {  	[smem:$0x7FF] =	sst s6;
	s1 =	sadd.s32 $0x18400, s8  }
0x7: {  	_ =	strace $0x80000047;
	s3 =	sadd.s32 $0x30400, s8;
	[dreg:$0x6] =	wrdreg s1  }
0x8: {  	s4 =	sadd.s32 $0x48400, s8;
	[dreg:$0x7] =	wrdreg s3  }
0x9: {  	s5 =	sadd.s32 $0x60400, s8;
	[dreg:$0x8] =	wrdreg s4  }
0xa: {  	s7 =	sadd.s32 $0x78400, s8;
	[dreg:$0x9] =	wrdreg s5  }
0xb: {  	s9 =	sadd.s32 $0x90400, s8;
	[dreg:$0xa] =	wrdreg s7  }
0xc: {  	s10 =	sadd.s32 $0xA8400, s8;
	[dreg:$0xb] =	wrdreg s9  }
0xd: {  	s11 =	sadd.s32 $0xC0400, s8;
	[dreg:$0xc] =	wrdreg s10  }
0xe: {  	s12 =	sadd.s32 $0xD8400, s8;
	[dreg:$0xd] =	wrdreg s11  }
0xf: {  	s13 =	sadd.s32 $0xF0400, s8;
	[dreg:$0xe] =	wrdreg s12  }
0x10: {  	s15 =	sadd.s32 $0x108400, s8;
	[dreg:$0xf] =	wrdreg s13  }
0x11: {  	s16 =	sadd.s32 $0x120400, s8;
	[dreg:$0x10] =	wrdreg s15  }
0x12: {  	s17 =	sadd.s32 $0x138400, s8;
	[dreg:$0x11] =	wrdreg s16  }
0x13: {  	s18 =	sadd.s32 $0x150400, s8;
	[dreg:$0x12] =	wrdreg s17  }
0x14: {  	s19 =	sadd.s32 $0x168400, s8;
	[dreg:$0x13] =	wrdreg s18  }
0x15: {  	s20 =	sadd.s32 $0x180400, s8;
	[dreg:$0x14] =	wrdreg s19  }
0x16: {  	s21 =	sadd.s32 $0x198400, s8;
	[dreg:$0x15] =	wrdreg s20  }
0x17: {  	s28 =	ssub.s32 $0x2, s0;
	s22 =	sadd.s32 $0x1B0400, s8;
	[dreg:$0x16] =	wrdreg s21  }
0x18: {  	s29 =	sshrl.u32 s28, $0x1;
	s23 =	sadd.s32 $0x1C8400, s8;
	[dreg:$0x17] =	wrdreg s22  }
0x19: {  	v0 =	vmov s14;
	s14 =	simm.s32 $0x10180;
	s24 =	sadd.s32 $0x1E0400, s8;
	[dreg:$0x18] =	wrdreg s23  }
0x1a: {  	s25 =	sadd.s32 $0x1F8400, s8;
	s26 =	sadd.s32 $0x210400, s8;
	[dreg:$0x19] =	wrdreg s24  }
0x1b: {  	s30 =	sadd.s32 $0x228400, s8;
	s31 =	sadd.s32 $0x240400, s8;
	[dreg:$0x1a] =	wrdreg s25  }
0x1c: {  	s0 =	sadd.s32 $0x270400, s8;
	s2 =	sadd.s32 $0x2A0400, s8;
	[dreg:$0x1b] =	wrdreg s26  }
0x1d: {  	s4 =	sadd.s32 $0x258400, s8;
	s9 =	ssub.s32 s28, s29;
	s1 =	sadd.s32 $0x288400, s8  }
.Ltmp0:
0x1e: {  	s3 =	sadd.s32 $0x400, s8;
	s5 =	sadd.s32 $0x2B8400, s8;
	(pc) =	sbr.rel .LBB2_1-.Ltmp0, $4  }
0x1f: {  	s7 =	sadd.s32 $0x2D0400, s8;
	s8 =	sadd.s32 $0x2E8400, s8;
	s10 =	simm.s32 $0x1  }
0x20: {  	s11 =	simm.s32 $0xA000;
	s12 =	simm.s32 $0xC080;
	s13 =	simm.s32 $0xE100  }
0x21: {  	v3 =	vlaneseq.u32;
	s15 =	simm.s32 $0x80;
	s16 =	simm.s32 $0x1000;
	s17 =	simm.s32 $0x16180  }
0x22: {  	v1 =	vimm.f32 $0.0e+00;
	v2 =	vimm.s32 $0x0;
	v3 =	vor.u32 $0x2010, v3;
	s18 =	simm.s32 $0x2;
	s19 =	simm.s32 $0x0;
	s9 =	smax.u32 s9, $0x1  }
.LBB2_293:
0x23: {  	[hbm4b:s7+s15] =	stream.strided.scatter [tilespmem:s14], [sflag:$0x1], $0x6000, s16, s15, $0x38;
	[tilespmem:$0x1C180] =	vst v63  }
0x24: {  	_ =	swait.ge [sflag:s18], $0x6000  }
0x25: {  	[sflag:s18] =	ssyncset.done $0x0  }
0x26: {  	[sflag:s18] =	ssyncadd.s32 $0xFFFFA000  }
.LBB2_294:
0x27: {  	[hbm4b:s8+s15] =	stream.strided.scatter [tilespmem:s17], [sflag:$0x2], $0x6000, s16, s15, $0x38;
	[tilespmem:$0x1C180] =	vst v63  }
0x28: {  	s19 =	sadd.s32 $0x1, s19  }
0x29: {  	_ =	swait.ge [sflag:s10], $0x6000;
	p0 =	sne.s32 s19, s9  }
.Ltmp1:
0x2a: {  	[sflag:s10] =	ssyncset.done $0x0;
	(pc) =	sbr.rel @!p0 .LBB2_295-.Ltmp1, $4  }
0x2b: {  	[sflag:s10] =	ssyncadd.s32 $0xFFFFA000  }
0x2c: {  	_ =	swait.ge [sflag:s18], $0x6000  }
0x2d: {  	[sflag:s18] =	ssyncset.done $0x0  }
0x2e: {  	[sflag:s18] =	ssyncadd.s32 $0xFFFFA000  }
.LBB2_1:
0x2f: {  	s20 =	rddreg [dreg:$0x0]  }
0x30: {  	s24 =	rddreg [dreg:$0x1]  }
0x31: {  	[tilespmem:s6], [sflag:$0x1] =	stream.linear.gather [hbm4b:s20+s6], $0x4000, $0x38;
	[tilespmem:$0x1C180] =	vst v63  }
0x32: {  	s21 =	simm.s32 $0x4000;
	s25 =	rddreg [dreg:$0x2]  }
0x33: {  	[tilespmem:s21], [sflag:$0x1] =	stream.linear.gather [hbm4b:s24+s6], $0x2000, $0x38;
	[tilespmem:$0x1C180] =	vst v63  }
0x34: {  	s26 =	simm.s32 $0x6000;
	s28 =	rddreg [dreg:$0x3]  }
0x35: {  	[tilespmem:s26], [sflag:$0x1] =	stream.linear.gather [hbm4b:s25+s6], $0x2000, $0x38;
	[tilespmem:$0x1C180] =	vst v63  }
0x36: {  	s29 =	simm.s32 $0x8000;
	s20 =	simm.s32 $0x0;
	s21 =	simm.s32 $0x200  }
0x37: {  	[tilespmem:s29], [sflag:$0x1] =	stream.linear.gather [hbm4b:s28+s6], $0x2000, $0x38;
	[tilespmem:$0x1C180] =	vst v63  }
.LBB2_2:
0x38: {  	p0 =	sne.s32 s21, $0x17E00;
	[tilespmem:s20+$0x101F0] =	vst v1  }
0x39: {  	[tilespmem:s20+$0x10180] =	vst v1  }
0x3a: {  	[tilespmem:s20+$0x10190] =	vst v1  }
.Ltmp2:
0x3b: {  	[tilespmem:s20+$0x101A0] =	vst v1;
	(pc) =	sbr.rel @p0 .LBB2_2-.Ltmp2, $4  }
0x3c: {  	[tilespmem:s20+$0x101B0] =	vst v1  }
0x3d: {  	[tilespmem:s20+$0x101C0] =	vst v1  }
0x3e: {  	[tilespmem:s20+$0x101D0] =	vst v1  }
0x3f: {  	[tilespmem:s20+$0x101E0] =	vst v1;
	s20 =	sshra.s32 s21, $0x2;
	s21 =	sadd.s32 $0x200, s21  }
0x40: {  	[tilespmem:s20+$0x101F0] =	vst v1  }
0x41: {  	[tilespmem:s20+$0x10180] =	vst v1  }
0x42: {  	[tilespmem:s20+$0x10190] =	vst v1  }
0x43: {  	[tilespmem:s20+$0x101A0] =	vst v1  }
0x44: {  	[tilespmem:s20+$0x101B0] =	vst v1  }
0x45: {  	[tilespmem:s20+$0x101C0] =	vst v1  }
0x46: {  	[tilespmem:s20+$0x101D0] =	vst v1  }
0x47: {  	[tilespmem:s20+$0x101E0] =	vst v1;
	s20 =	simm.s32 $0x0;
	s21 =	simm.s32 $0x200  }
.LBB2_4:
0x48: {  	p0 =	sne.s32 s21, $0x17E00;
	[tilespmem:s20+$0x161F0] =	vst v1  }
0x49: {  	[tilespmem:s20+$0x16180] =	vst v1  }
0x4a: {  	[tilespmem:s20+$0x16190] =	vst v1  }
.Ltmp3:
0x4b: {  	[tilespmem:s20+$0x161A0] =	vst v1;
	(pc) =	sbr.rel @p0 .LBB2_4-.Ltmp3, $4  }
0x4c: {  	[tilespmem:s20+$0x161B0] =	vst v1  }
0x4d: {  	[tilespmem:s20+$0x161C0] =	vst v1  }
0x4e: {  	[tilespmem:s20+$0x161D0] =	vst v1  }
0x4f: {  	[tilespmem:s20+$0x161E0] =	vst v1;
	s20 =	sshra.s32 s21, $0x2;
	s21 =	sadd.s32 $0x200, s21  }
0x50: {  	[tilespmem:s20+$0x161F0] =	vst v1  }
0x51: {  	[tilespmem:s20+$0x16180] =	vst v1  }
0x52: {  	[tilespmem:s20+$0x16190] =	vst v1  }
0x53: {  	[tilespmem:s20+$0x161A0] =	vst v1  }
0x54: {  	[tilespmem:s20+$0x161B0] =	vst v1  }
0x55: {  	[tilespmem:s20+$0x161C0] =	vst v1  }
0x56: {  	[tilespmem:s20+$0x161D0] =	vst v1  }
0x57: {  	[tilespmem:s20+$0x161E0] =	vst v1  }
0x58: {  	_ =	swait.ge [sflag:s10], $0x4000  }
0x59: {  	[sflag:s10] =	ssyncset.done $0x0  }
0x5a: {  	[sflag:s10] =	ssyncadd.s32 $0xFFFFC000  }
0x5b: {  	_ =	swait.ge [sflag:s10], $0x2000  }
0x5c: {  	[sflag:s10] =	ssyncset.done $0x0  }
0x5d: {  	[sflag:s10] =	ssyncadd.s32 $0xFFFFE000  }
0x5e: {  	_ =	swait.ge [sflag:s10], $0x2000  }
0x5f: {  	[sflag:s10] =	ssyncset.done $0x0  }
0x60: {  	[sflag:s10] =	ssyncadd.s32 $0xFFFFE000  }
0x61: {  	_ =	swait.ge [sflag:s10], $0x2000  }
0x62: {  	[sflag:s10] =	ssyncset.done $0x0  }
0x63: {  	s29 =	simm.s32 $0x0;
	[sflag:s10] =	ssyncadd.s32 $0xFFFFE000  }
0x64: {  	v5 =	vld [tilespmem:s29+$0x4000];
	_ =	sdelay $0x4  }
0x65: {  	v4 =	vshrl.u32 v5, $0x7  }
0x66: {  	v4 =	vand.u32 $0x1F, v4  }
0x67: {  	vm0 =	veq.s32 v4, v0  }
0x68: {  	v4 =	vsel vm0, $0x1, v2  }
0x69: {  	(xrf0) =	vadd.scan.msk.s32 $0xffff, v4;
	_ =	sdelay $0x4  }
0x6a: {  	s21 =	simm.s32 $0x0;
	v6 =	vsel vm0, $0xFFFFFFFF, v2  }
0x6b: {  	v6 =	vadd.s32 s21, v6;
	v4, _, _ =	vpop (xrf0)  }
0x6c: {  	(v2sf) =	vpush v4, $0xF;
	v4 =	vadd.s32 v4, v6  }
0x6d: {  	v4 =	vsel vm0, v4, v3;
	_ =	sdelay $0x1  }
0x6e: {  	v6 =	vshrl.u32 v5, $0x5  }
0x6f: {  	v5 =	vand.u32 $0x7F, v5;
	v6 =	vand.u32 $0x7FFFF80, v6  }
0x70: {  	v5 =	vor.u32 v5, v6  }
0x71: {  	[tilespmem:v4+s11+$0x0] =	vst.idx.msk $0xffff, v5  }
0x72: {  	v5 =	vld [tilespmem:s29+$0x6000];
	_ =	sdelay $0x4  }
0x73: {  	[tilespmem:v4+s12+$0x0] =	vst.idx.msk $0xffff, v5  }
0x74: {  	v5 =	vld [tilespmem:s29+$0x8000];
	_ =	sdelay $0x1  }
0x75: {  	s23 =	spop (v2sf)  }
0x76: {  	s22 =	simm.s32 $0x80;
	s21 =	simm.s32 $0x40;
	s20 =	sadd.s32 $0x0, s23  }
.LBB2_6:
0x77: {  	p0 =	sne.s32 s22, $0x7FC0  }
0x78: {  	s23 =	sshra.s32 s21, $0x2;
	s21 =	smov.u32 s22;
	s22 =	sadd.s32 $0x40, s22;
	[tilespmem:v4+s13+$0x0] =	vst.idx.msk $0xffff, v5  }
0x79: {  	v5 =	vld [tilespmem:s23+$0x4000];
	_ =	sdelay $0x4  }
0x7a: {  	v4 =	vshrl.u32 v5, $0x7;
	v6 =	vshrl.u32 v5, $0x5  }
0x7b: {  	v4 =	vand.u32 $0x1F, v4;
	v6 =	vand.u32 $0x7FFFF80, v6  }
0x7c: {  	vm0 =	veq.s32 v4, v0  }
0x7d: {  	v4 =	vsel vm0, $0xFFFFFFFF, v2;
	v7 =	vsel vm0, $0x1, v2  }
0x7e: {  	(xrf0) =	vadd.scan.msk.s32 $0xffff, v7;
	_ =	sdelay $0x5  }
0x7f: {  	v4 =	vadd.s32 s20, v4;
	v7, _, _ =	vpop (xrf0)  }
0x80: {  	v4 =	vadd.s32 v7, v4;
	(v2sf) =	vpush v7, $0xF  }
0x81: {  	v4 =	vsel vm0, v4, v3;
	_ =	sdelay $0x2  }
0x82: {  	v5 =	vand.u32 $0x7F, v5  }
0x83: {  	v5 =	vor.u32 v5, v6  }
0x84: {  	[tilespmem:v4+s11+$0x0] =	vst.idx.msk $0xffff, v5  }
0x85: {  	v5 =	vld [tilespmem:s23+$0x6000];
	_ =	sdelay $0x4  }
.Ltmp4:
0x86: {  	[tilespmem:v4+s12+$0x0] =	vst.idx.msk $0xffff, v5;
	(pc) =	sbr.rel @p0 .LBB2_6-.Ltmp4, $3  }
0x87: {  	v5 =	vld [tilespmem:s23+$0x8000];
	_ =	sdelay $0x1  }
0x88: {  	s23 =	spop (v2sf)  }
0x89: {  	s20 =	sadd.s32 s20, s23  }
0x8a: {  	_ =	sdelay $0x3  }
0x8b: {  	s21 =	sshra.s32 s21, $0x2;
	[tilespmem:v4+s13+$0x0] =	vst.idx.msk $0xffff, v5  }
0x8c: {  	v4 =	vld [tilespmem:s21+$0x4000];
	_ =	sdelay $0x4  }
0x8d: {  	v5 =	vshrl.u32 v4, $0x7  }
0x8e: {  	v5 =	vand.u32 $0x1F, v5  }
0x8f: {  	vm0 =	veq.s32 v5, v0  }
0x90: {  	v5 =	vsel vm0, $0x1, v2  }
0x91: {  	(xrf0) =	vadd.scan.msk.s32 $0xffff, v5;
	_ =	sdelay $0x5  }
0x92: {  	v6, _, _ =	vpop (xrf0)  }
0x93: {  	(v2sf) =	vpush v6, $0xF  }
0x94: {  	v5 =	vsel vm0, $0xFFFFFFFF, v2  }
0x95: {  	v5 =	vadd.s32 s20, v5  }
0x96: {  	v5 =	vadd.s32 v6, v5  }
0x97: {  	v5 =	vsel vm0, v5, v3;
	_ =	sdelay $0x1  }
0x98: {  	v63 =	vshrl.u32 v4, $0x5  }
0x99: {  	v4 =	vand.u32 $0x7F, v4;
	v6 =	vand.u32 $0x7FFFF80, v63  }
0x9a: {  	v4 =	vor.u32 v4, v6  }
0x9b: {  	[tilespmem:v5+s11+$0x0] =	vst.idx.msk $0xffff, v4  }
0x9c: {  	v4 =	vld [tilespmem:s21+$0x6000];
	_ =	sdelay $0x4  }
0x9d: {  	[tilespmem:v5+s12+$0x0] =	vst.idx.msk $0xffff, v4;
	s29 =	spop (v2sf)  }
0x9e: {  	v4 =	vld [tilespmem:s21+$0x8000];
	s21 =	sadd.s32 s20, s29  }
0x9f: {  	s20 =	sadd.s32 $0xF, s21  }
0xa0: {  	s20 =	sshra.s32 s20, $0x4  }
0xa1: {  	p0 =	slt.s32 s20, $0x1  }
.Ltmp5:
0xa2: {  	_ = 	snop;
	(pc) =	sbr.rel @p0 .LBB2_31-.Ltmp5, $4  }
0xa3: {  	[tilespmem:v5+s13+$0x0] =	vst.idx.msk $0xffff, v4  }
0xa4: {  	[tilespmem:s21+$0xA000] =	vst v2  }
0xa5: {  	[tilespmem:s21+$0xC080] =	vst v2  }
0xa6: {  	s22 =	simm.s32 $0xE100;
	[tilespmem:s21+$0xE100] =	vst v1;
	s21 =	simm.s32 $0xA000  }
0xa7: {  	p2 =	sne.s32 s20, $0x1  }
.Ltmp6:
0xa8: {  	_ = 	snop;
	(pc) =	sbr.rel @!p2 .LBB2_9-.Ltmp6, $2  }
0xa9: {  	_ =	sdelay $0x2  }
0xaa: {  	v4 =	vld [tilespmem:s21+$0x0];
	s23 =	sadd.s32 $0xFFFFFFFF, s20;
	p1 =	por $0x0, $0x0  }
0xab: {  	_ =	sdelay $0x2  }
0xac: {  	v5 =	vld [tilespmem:s22+$0x0]  }
0xad: {  	p3 =	sne.s32 s23, $0x1  }
.Ltmp7:
0xae: {  	_ = 	snop;
	(pc) =	sbr.rel @!p3 .LBB2_11-.Ltmp7, $3  }
0xaf: {  	_ =	sdelay $0x1  }
0xb0: {  	s24 =	sadd.s32 $0x10, s21;
	[tilespmem:v4+s14+$0x0] =	vst.idx.add.f32.msk $0xffff, v5  }
0xb1: {  	s25 =	sadd.s32 $0xFFFFFFFF, s23;
	p2 =	por $0x1, $0x1;
	s23 =	simm.s32 $0xE100;
	v4 =	vld [tilespmem:s24+$0x0]  }
.LBB2_12:
0xb2: {  	p3 =	sne.s32 s25, $0x1  }
0xb3: {  	s23 =	sadd.s32 $0x10, s23  }
0xb4: {  	v5 =	vld [tilespmem:s23+$0x0];
	_ =	sdelay $0x1  }
.Ltmp8:
0xb5: {  	(pc) =	sbr.rel @p3 .LBB2_12-.Ltmp8, $3  }
0xb6: {  	_ =	sdelay $0x1  }
0xb7: {  	s24 =	sadd.s32 $0x10, s24;
	[tilespmem:v4+s14+$0x0] =	vst.idx.add.f32.msk $0xffff, v5  }
0xb8: {  	s25 =	sadd.s32 $0xFFFFFFFF, s25;
	v4 =	vld [tilespmem:s24+$0x0]  }
.LBB2_13:
0xb9: {  	_ = 	snop  }
0xba: {  	s23 =	sadd.s32 @p2 $0x10, s23;
	s24 =	simm.s32 $0xE100  }
0xbb: {  	s24 =	smov.u32 @p2 s23  }
0xbc: {  	v5 =	vld [tilespmem:s24+$0x0]  }
0xbd: {  	p2 =	sne.s32 s20, $0x1  }
.Ltmp9:
0xbe: {  	_ = 	snop;
	(pc) =	sbr.rel @!p2 .LBB2_14-.Ltmp9, $3  }
0xbf: {  	_ =	sdelay $0x1  }
0xc0: {  	[tilespmem:v4+s14+$0x0] =	vst.idx.add.f32.msk $0xffff, v5  }
0xc1: {  	v4 =	vld [tilespmem:s21+$0x0];
	s21 =	sadd.s32 $0xFFFFFFFF, s20  }
0xc2: {  	_ =	sdelay $0x7  }
0xc3: {  	v4 =	vld.idx.msk [tilespmem:v4+s14+$0x0], $0xffff;
	_ =	sdelay $0x4  }
0xc4: {  	v4 =	vmax.f32 v4, $9.999999960e-13  }
0xc5: {  	(erf) = vrcp.f32 v4;
	_ =	sdelay $0x4  }
0xc6: {  	v4 =	vld [tilespmem:s22+$0x0];
	_ =	sdelay $0x2  }
0xc7: {  	p3 =	sne.s32 s21, $0x1  }
.Ltmp10:
0xc8: {  	v5 =	vpop (erf);
	(pc) =	sbr.rel @!p3 .LBB2_16-.Ltmp10, $3  }
0xc9: {  	v4 =	vmul.f32 v5, v4;
	_ =	sdelay $0x1  }
0xca: {  	s24 =	simm.s32 $0xA010;
	[tilespmem:s22+$0x0] =	vst v4  }
0xcb: {  	s25 =	sadd.s32 $0xFFFFFFFF, s21;
	p1 =	por $0x1, $0x1;
	s23 =	simm.s32 $0xE100;
	v4 =	vld [tilespmem:s24+$0x0]  }
.LBB2_17:
0xcc: {  	p3 =	sne.s32 s25, $0x1;
	_ =	sdelay $0x6  }
0xcd: {  	v4 =	vld.idx.msk [tilespmem:v4+s14+$0x0], $0xffff;
	_ =	sdelay $0x5  }
0xce: {  	v4 =	vmax.f32 v4, $9.999999960e-13  }
0xcf: {  	(erf) = vrcp.f32 v4;
	_ =	sdelay $0x3  }
0xd0: {  	s23 =	sadd.s32 $0x10, s23  }
0xd1: {  	v4 =	vld [tilespmem:s23+$0x0];
	_ =	sdelay $0x3  }
.Ltmp11:
0xd2: {  	v5 =	vpop (erf);
	(pc) =	sbr.rel @p3 .LBB2_17-.Ltmp11, $3  }
0xd3: {  	v4 =	vmul.f32 v5, v4;
	_ =	sdelay $0x1  }
0xd4: {  	s24 =	sadd.s32 $0x10, s24;
	[tilespmem:s23+$0x0] =	vst v4  }
0xd5: {  	s25 =	sadd.s32 $0xFFFFFFFF, s25;
	v4 =	vld [tilespmem:s24+$0x0]  }
.LBB2_18:
0xd6: {  	_ =	sdelay $0x7  }
0xd7: {  	v4 =	vld.idx.msk [tilespmem:v4+s14+$0x0], $0xffff;
	_ =	sdelay $0x4  }
0xd8: {  	v4 =	vmax.f32 v4, $9.999999960e-13  }
0xd9: {  	(erf) = vrcp.f32 v4;
	_ =	sdelay $0x2  }
0xda: {  	s23 =	sadd.s32 @p1 $0x10, s23  }
0xdb: {  	s22 =	smov.u32 @p1 s23  }
0xdc: {  	v4 =	vld [tilespmem:s22+$0x0];
	_ =	sdelay $0x3  }
0xdd: {  	v5 =	vpop (erf)  }
0xde: {  	v4 =	vmul.f32 v5, v4;
	_ =	sdelay $0x1  }
0xdf: {  	s24 =	smov.u32 s20;
	s23 =	simm.s32 $0xA000;
	[tilespmem:s22+$0x0] =	vst v4;
	s22 =	simm.s32 $0xA000  }
.LBB2_19:
0xe0: {  	v4 =	vld [tilespmem:s22+$0x0];
	_ =	sdelay $0x2  }
0xe1: {  	p1 =	sne.s32 s24, $0x1  }
.Ltmp12:
0xe2: {  	_ = 	snop;
	(pc) =	sbr.rel @p1 .LBB2_19-.Ltmp12, $2  }
0xe3: {  	_ =	sdelay $0x2  }
0xe4: {  	s22 =	sadd.s32 $0x10, s22;
	s24 =	sadd.s32 $0xFFFFFFFF, s24;
	[tilespmem:v4+s14+$0x0] =	vst.idx.msk $0xffff, v1  }
.Ltmp13:
0xe5: {  	(pc) =	sbr.rel @!p2 .LBB2_21-.Ltmp13, $3  }
0xe6: {  	_ =	sdelay $0x1  }
0xe7: {  	s24 =	simm.s32 $0xC080  }
0xe8: {  	s22 =	simm.s32 $0xE100;
	p1 =	por $0x0, $0x0;
	v4 =	vld [tilespmem:s24+$0x0]  }
0xe9: {  	_ =	sdelay $0x5  }
0xea: {  	v5 =	vld [tilespmem:s23+$0x0]  }
0xeb: {  	v6 =	vld [tilespmem:s22+$0x0]  }
0xec: {  	v4 =	vld.idx.msk [tilespmem:v4+s6+$0x0], $0xffff;
	_ =	sdelay $0x2  }
0xed: {  	p3 =	sne.s32 s21, $0x1  }
.Ltmp14:
0xee: {  	_ = 	snop;
	(pc) =	sbr.rel @!p3 .LBB2_23-.Ltmp14, $3  }
0xef: {  	v4 =	vmul.f32 v6, v4;
	_ =	sdelay $0x1  }
0xf0: {  	s28 =	simm.s32 $0xC090;
	s29 =	sadd.s32 $0xFFFFFFFF, s21;
	[tilespmem:v5+s14+$0x0] =	vst.idx.add.f32.msk $0xffff, v4  }
0xf1: {  	p2 =	por $0x1, $0x1;
	s25 =	simm.s32 $0xA000;
	s26 =	simm.s32 $0xE100;
	v4 =	vld [tilespmem:s28+$0x0]  }
.LBB2_24:
0xf2: {  	p3 =	sne.s32 s29, $0x1;
	_ =	sdelay $0x4  }
0xf3: {  	s25 =	sadd.s32 $0x10, s25  }
0xf4: {  	v5 =	vld [tilespmem:s25+$0x0]  }
0xf5: {  	s26 =	sadd.s32 $0x10, s26;
	v4 =	vld.idx.msk [tilespmem:v4+s6+$0x0], $0xffff  }
0xf6: {  	v6 =	vld [tilespmem:s26+$0x0];
	_ =	sdelay $0x3  }
.Ltmp15:
0xf7: {  	(pc) =	sbr.rel @p3 .LBB2_24-.Ltmp15, $3  }
0xf8: {  	v4 =	vmul.f32 v6, v4;
	_ =	sdelay $0x1  }
0xf9: {  	s28 =	sadd.s32 $0x10, s28;
	[tilespmem:v5+s14+$0x0] =	vst.idx.add.f32.msk $0xffff, v4  }
0xfa: {  	s29 =	sadd.s32 $0xFFFFFFFF, s29;
	v4 =	vld [tilespmem:s28+$0x0]  }
.LBB2_25:
0xfb: {  	_ =	sdelay $0x4  }
0xfc: {  	s25 =	sadd.s32 @p2 $0x10, s25  }
0xfd: {  	s23 =	smov.u32 @p2 s25  }
0xfe: {  	s25 =	simm.s32 $0xE100;
	v5 =	vld [tilespmem:s23+$0x0];
	s23 =	sadd.s32 @p2 $0x10, s26  }
0xff: {  	s25 =	smov.u32 @p2 s23;
	v4 =	vld.idx.msk [tilespmem:v4+s6+$0x0], $0xffff  }
0x100: {  	v6 =	vld [tilespmem:s25+$0x0];
	_ =	sdelay $0x3  }
0x101: {  	p2 =	seq.s32 s20, $0x1  }
.Ltmp16:
0x102: {  	v4 =	vmul.f32 v6, v4;
	(pc) =	sbr.rel @p2 .LBB2_26-.Ltmp16, $4  }
0x103: {  	_ = 	snop  }
0x104: {  	[tilespmem:v5+s14+$0x0] =	vst.idx.add.f32.msk $0xffff, v4  }
0x105: {  	[hbm4b:s3+s15] =	stream.strided.scatter [tilespmem:s14], [sflag:$0x1], $0x6000, s16, s15, $0x38;
	[tilespmem:$0x1C180] =	vst v63  }
0x106: {  	s23 =	simm.s32 $0xA000;
	v4 =	vld [tilespmem:s24+$0x0]  }
0x107: {  	_ =	sdelay $0x3  }
0x108: {  	v4 =	vadd.s32 $0x200, v4;
	_ =	sdelay $0x2  }
0x109: {  	v5 =	vld [tilespmem:s23+$0x0]  }
0x10a: {  	v6 =	vld [tilespmem:s22+$0x0]  }
0x10b: {  	v4 =	vld.idx.msk [tilespmem:v4+s6+$0x0], $0xffff;
	_ =	sdelay $0x2  }
0x10c: {  	p2 =	seq.s32 s21, $0x1  }
.Ltmp17:
0x10d: {  	_ = 	snop;
	(pc) =	sbr.rel @p2 .LBB2_28-.Ltmp17, $3  }
0x10e: {  	v4 =	vmul.f32 v6, v4;
	_ =	sdelay $0x1  }
0x10f: {  	s25 =	simm.s32 $0xC090;
	s26 =	sadd.s32 $0xFFFFFFFF, s21;
	[tilespmem:v5+s17+$0x0] =	vst.idx.add.f32.msk $0xffff, v4  }
0x110: {  	p1 =	por $0x1, $0x1;
	s21 =	simm.s32 $0xA000;
	s24 =	simm.s32 $0xE100;
	v4 =	vld [tilespmem:s25+$0x0]  }
.LBB2_29:
0x111: {  	p2 =	seq.s32 s26, $0x1;
	_ =	sdelay $0x3  }
0x112: {  	v4 =	vadd.s32 $0x200, v4;
	_ =	sdelay $0x2  }
0x113: {  	s21 =	sadd.s32 $0x10, s21  }
0x114: {  	v5 =	vld [tilespmem:s21+$0x0]  }
0x115: {  	s24 =	sadd.s32 $0x10, s24;
	v4 =	vld.idx.msk [tilespmem:v4+s6+$0x0], $0xffff  }
0x116: {  	v6 =	vld [tilespmem:s24+$0x0];
	_ =	sdelay $0x3  }
.Ltmp18:
0x117: {  	(pc) =	sbr.rel @!p2 .LBB2_29-.Ltmp18, $3  }
0x118: {  	v4 =	vmul.f32 v6, v4;
	_ =	sdelay $0x1  }
0x119: {  	s25 =	sadd.s32 $0x10, s25;
	[tilespmem:v5+s17+$0x0] =	vst.idx.add.f32.msk $0xffff, v4  }
0x11a: {  	s26 =	sadd.s32 $0xFFFFFFFF, s26;
	v4 =	vld [tilespmem:s25+$0x0]  }
.LBB2_30:
0x11b: {  	_ =	sdelay $0x3  }
0x11c: {  	v4 =	vadd.s32 $0x200, v4  }
0x11d: {  	s21 =	sadd.s32 @p1 $0x10, s21  }
0x11e: {  	s23 =	smov.u32 @p1 s21;
	s21 =	sadd.s32 @p1 $0x10, s24  }
0x11f: {  	v5 =	vld [tilespmem:s23+$0x0];
	s22 =	smov.u32 @p1 s21  }
0x120: {  	v6 =	vld [tilespmem:s22+$0x0]  }
0x121: {  	v4 =	vld.idx.msk [tilespmem:v4+s6+$0x0], $0xffff;
	_ =	sdelay $0x2  }
.Ltmp19:
0x122: {  	_ = 	snop;
	(pc) =	sbr.rel .LBB2_32-.Ltmp19, $3  }
0x123: {  	_ = 	snop  }
0x124: {  	v4 =	vmul.f32 v6, v4;
	_ =	sdelay $0x1  }
0x125: {  	[tilespmem:v5+s17+$0x0] =	vst.idx.add.f32.msk $0xffff, v4  }
.LBB2_31:
0x126: {  	[hbm4b:s3+s15] =	stream.strided.scatter [tilespmem:s14], [sflag:$0x1], $0x6000, s16, s15, $0x38;
	[tilespmem:$0x1C180] =	vst v63  }
.LBB2_32:
.Ltmp20:
0x127: {  	s21 =	rddreg [dreg:$0x6];
	(pc) =	sbr.rel @p0 .LBB2_47-.Ltmp20, $4  }
0x128: {  	[hbm4b:s21+s15] =	stream.strided.scatter [tilespmem:s17], [sflag:$0x2], $0x6000, s16, s15, $0x38;
	[tilespmem:$0x1C180] =	vst v63  }
0x129: {  	_ =	swait.ge [sflag:s10], $0x6000  }
0x12a: {  	s22 =	simm.s32 $0xA000;
	[sflag:s10] =	ssyncset.done $0x0  }
0x12b: {  	s23 =	smov.u32 s20;
	s21 =	simm.s32 $0xA000;
	[sflag:s10] =	ssyncadd.s32 $0xFFFFA000  }
.LBB2_33:
0x12c: {  	v4 =	vld [tilespmem:s21+$0x0];
	_ =	sdelay $0x2  }
0x12d: {  	p1 =	sne.s32 s23, $0x1  }
.Ltmp21:
0x12e: {  	_ = 	snop;
	(pc) =	sbr.rel @p1 .LBB2_33-.Ltmp21, $2  }
0x12f: {  	_ =	sdelay $0x2  }
0x130: {  	s21 =	sadd.s32 $0x10, s21;
	s23 =	sadd.s32 $0xFFFFFFFF, s23;
	[tilespmem:v4+s14+$0x0] =	vst.idx.msk $0xffff, v1  }
0x131: {  	p2 =	sne.s32 s20, $0x1  }
.Ltmp22:
0x132: {  	_ = 	snop;
	(pc) =	sbr.rel @!p2 .LBB2_35-.Ltmp22, $3  }
0x133: {  	_ =	sdelay $0x1  }
0x134: {  	s21 =	simm.s32 $0xC080  }
0x135: {  	s23 =	simm.s32 $0xE100;
	p1 =	por $0x0, $0x0;
	v4 =	vld [tilespmem:s21+$0x0];
	s21 =	sadd.s32 $0xFFFFFFFF, s20  }
0x136: {  	_ =	sdelay $0x3  }
0x137: {  	v4 =	vadd.s32 $0x400, v4;
	_ =	sdelay $0x2  }
0x138: {  	v5 =	vld [tilespmem:s22+$0x0]  }
0x139: {  	v6 =	vld [tilespmem:s23+$0x0]  }
0x13a: {  	v4 =	vld.idx.msk [tilespmem:v4+s6+$0x0], $0xffff;
	_ =	sdelay $0x2  }
0x13b: {  	p2 =	sne.s32 s21, $0x1  }
.Ltmp23:
0x13c: {  	_ = 	snop;
	(pc) =	sbr.rel @!p2 .LBB2_37-.Ltmp23, $3  }
0x13d: {  	v4 =	vmul.f32 v6, v4;
	_ =	sdelay $0x1  }
0x13e: {  	s26 =	simm.s32 $0xC090;
	s28 =	sadd.s32 $0xFFFFFFFF, s21;
	[tilespmem:v5+s14+$0x0] =	vst.idx.add.f32.msk $0xffff, v4  }
0x13f: {  	p1 =	por $0x1, $0x1;
	s24 =	simm.s32 $0xA000;
	s25 =	simm.s32 $0xE100;
	v4 =	vld [tilespmem:s26+$0x0]  }
.LBB2_38:
0x140: {  	p2 =	sne.s32 s28, $0x1;
	_ =	sdelay $0x3  }
0x141: {  	v4 =	vadd.s32 $0x400, v4;
	_ =	sdelay $0x2  }
0x142: {  	s24 =	sadd.s32 $0x10, s24  }
0x143: {  	v5 =	vld [tilespmem:s24+$0x0]  }
0x144: {  	s25 =	sadd.s32 $0x10, s25;
	v4 =	vld.idx.msk [tilespmem:v4+s6+$0x0], $0xffff  }
0x145: {  	v6 =	vld [tilespmem:s25+$0x0];
	_ =	sdelay $0x3  }
.Ltmp24:
0x146: {  	(pc) =	sbr.rel @p2 .LBB2_38-.Ltmp24, $3  }
0x147: {  	v4 =	vmul.f32 v6, v4;
	_ =	sdelay $0x1  }
0x148: {  	s26 =	sadd.s32 $0x10, s26;
	[tilespmem:v5+s14+$0x0] =	vst.idx.add.f32.msk $0xffff, v4  }
0x149: {  	s28 =	sadd.s32 $0xFFFFFFFF, s28;
	v4 =	vld [tilespmem:s26+$0x0]  }
.LBB2_39:
0x14a: {  	_ =	sdelay $0x3  }
0x14b: {  	s24 =	sadd.s32 @p1 $0x10, s24;
	v4 =	vadd.s32 $0x400, v4  }
0x14c: {  	s22 =	smov.u32 @p1 s24  }
0x14d: {  	v5 =	vld [tilespmem:s22+$0x0];
	s22 =	sadd.s32 @p1 $0x10, s25  }
0x14e: {  	s23 =	smov.u32 @p1 s22  }
0x14f: {  	v6 =	vld [tilespmem:s23+$0x0]  }
0x150: {  	v4 =	vld.idx.msk [tilespmem:v4+s6+$0x0], $0xffff;
	_ =	sdelay $0x4  }
0x151: {  	v4 =	vmul.f32 v6, v4;
	_ =	sdelay $0x1  }
0x152: {  	s29 =	rddreg [dreg:$0x7];
	[tilespmem:v5+s14+$0x0] =	vst.idx.add.f32.msk $0xffff, v4  }
0x153: {  	[hbm4b:s29+s15] =	stream.strided.scatter [tilespmem:s14], [sflag:$0x1], $0x6000, s16, s15, $0x38;
	[tilespmem:$0x1C180] =	vst v63  }
0x154: {  	_ =	swait.ge [sflag:s18], $0x6000  }
0x155: {  	s24 =	smov.u32 s20;
	[sflag:s18] =	ssyncset.done $0x0  }
0x156: {  	s22 =	simm.s32 $0xA000;
	s23 =	simm.s32 $0xA000;
	[sflag:s18] =	ssyncadd.s32 $0xFFFFA000  }
.LBB2_40:
0x157: {  	v4 =	vld [tilespmem:s23+$0x0];
	_ =	sdelay $0x2  }
0x158: {  	p1 =	sne.s32 s24, $0x1  }
.Ltmp25:
0x159: {  	_ = 	snop;
	(pc) =	sbr.rel @p1 .LBB2_40-.Ltmp25, $2  }
0x15a: {  	_ =	sdelay $0x2  }
0x15b: {  	s23 =	sadd.s32 $0x10, s23;
	s24 =	sadd.s32 $0xFFFFFFFF, s24;
	[tilespmem:v4+s17+$0x0] =	vst.idx.msk $0xffff, v1  }
0x15c: {  	p2 =	seq.s32 s20, $0x1  }
.Ltmp26:
0x15d: {  	_ = 	snop;
	(pc) =	sbr.rel @p2 .LBB2_42-.Ltmp26, $3  }
0x15e: {  	_ =	sdelay $0x1  }
0x15f: {  	s24 =	simm.s32 $0xC080  }
0x160: {  	s23 =	simm.s32 $0xE100;
	p1 =	por $0x0, $0x0;
	v4 =	vld [tilespmem:s24+$0x0]  }
0x161: {  	_ =	sdelay $0x3  }
0x162: {  	v4 =	vadd.s32 $0x600, v4;
	_ =	sdelay $0x2  }
0x163: {  	v5 =	vld [tilespmem:s22+$0x0]  }
0x164: {  	v6 =	vld [tilespmem:s23+$0x0]  }
0x165: {  	v4 =	vld.idx.msk [tilespmem:v4+s6+$0x0], $0xffff;
	_ =	sdelay $0x2  }
0x166: {  	p2 =	seq.s32 s21, $0x1  }
.Ltmp27:
0x167: {  	_ = 	snop;
	(pc) =	sbr.rel @p2 .LBB2_44-.Ltmp27, $3  }
0x168: {  	v4 =	vmul.f32 v6, v4;
	_ =	sdelay $0x1  }
0x169: {  	s25 =	simm.s32 $0xC090;
	s26 =	sadd.s32 $0xFFFFFFFF, s21;
	[tilespmem:v5+s17+$0x0] =	vst.idx.add.f32.msk $0xffff, v4  }
0x16a: {  	p1 =	por $0x1, $0x1;
	s21 =	simm.s32 $0xA000;
	s24 =	simm.s32 $0xE100;
	v4 =	vld [tilespmem:s25+$0x0]  }
.LBB2_45:
0x16b: {  	p2 =	seq.s32 s26, $0x1;
	_ =	sdelay $0x3  }
0x16c: {  	v4 =	vadd.s32 $0x600, v4;
	_ =	sdelay $0x2  }
0x16d: {  	s21 =	sadd.s32 $0x10, s21  }
0x16e: {  	v5 =	vld [tilespmem:s21+$0x0]  }
0x16f: {  	s24 =	sadd.s32 $0x10, s24;
	v4 =	vld.idx.msk [tilespmem:v4+s6+$0x0], $0xffff  }
0x170: {  	v6 =	vld [tilespmem:s24+$0x0];
	_ =	sdelay $0x3  }
.Ltmp28:
0x171: {  	(pc) =	sbr.rel @!p2 .LBB2_45-.Ltmp28, $3  }
0x172: {  	v4 =	vmul.f32 v6, v4;
	_ =	sdelay $0x1  }
0x173: {  	s25 =	sadd.s32 $0x10, s25;
	[tilespmem:v5+s17+$0x0] =	vst.idx.add.f32.msk $0xffff, v4  }
0x174: {  	s26 =	sadd.s32 $0xFFFFFFFF, s26;
	v4 =	vld [tilespmem:s25+$0x0]  }
.LBB2_46:
0x175: {  	_ =	sdelay $0x3  }
0x176: {  	v4 =	vadd.s32 $0x600, v4  }
0x177: {  	s21 =	sadd.s32 @p1 $0x10, s21  }
0x178: {  	s22 =	smov.u32 @p1 s21;
	s21 =	sadd.s32 @p1 $0x10, s24  }
0x179: {  	v5 =	vld [tilespmem:s22+$0x0];
	s23 =	smov.u32 @p1 s21  }
0x17a: {  	v6 =	vld [tilespmem:s23+$0x0]  }
0x17b: {  	v4 =	vld.idx.msk [tilespmem:v4+s6+$0x0], $0xffff;
	_ =	sdelay $0x2  }
.Ltmp29:
0x17c: {  	_ = 	snop;
	(pc) =	sbr.rel .LBB2_48-.Ltmp29, $3  }
0x17d: {  	_ = 	snop  }
0x17e: {  	v4 =	vmul.f32 v6, v4;
	_ =	sdelay $0x1  }
0x17f: {  	[tilespmem:v5+s17+$0x0] =	vst.idx.add.f32.msk $0xffff, v4  }
.LBB2_47:
0x180: {  	s21 =	rddreg [dreg:$0x7]  }
0x181: {  	[hbm4b:s21+s15] =	stream.strided.scatter [tilespmem:s14], [sflag:$0x1], $0x6000, s16, s15, $0x38;
	[tilespmem:$0x1C180] =	vst v63  }
0x182: {  	_ =	swait.ge [sflag:s18], $0x6000  }
0x183: {  	[sflag:s18] =	ssyncset.done $0x0  }
0x184: {  	[sflag:s18] =	ssyncadd.s32 $0xFFFFA000  }
.LBB2_48:
.Ltmp30:
0x185: {  	s21 =	rddreg [dreg:$0x8];
	(pc) =	sbr.rel @p0 .LBB2_63-.Ltmp30, $4  }
0x186: {  	[hbm4b:s21+s15] =	stream.strided.scatter [tilespmem:s17], [sflag:$0x2], $0x6000, s16, s15, $0x38;
	[tilespmem:$0x1C180] =	vst v63  }
0x187: {  	_ =	swait.ge [sflag:s10], $0x6000  }
0x188: {  	s22 =	simm.s32 $0xA000;
	[sflag:s10] =	ssyncset.done $0x0  }
0x189: {  	s23 =	smov.u32 s20;
	s21 =	simm.s32 $0xA000;
	[sflag:s10] =	ssyncadd.s32 $0xFFFFA000  }
.LBB2_49:
0x18a: {  	v4 =	vld [tilespmem:s21+$0x0];
	_ =	sdelay $0x2  }
0x18b: {  	p1 =	sne.s32 s23, $0x1  }
.Ltmp31:
0x18c: {  	_ = 	snop;
	(pc) =	sbr.rel @p1 .LBB2_49-.Ltmp31, $2  }
0x18d: {  	_ =	sdelay $0x2  }
0x18e: {  	s21 =	sadd.s32 $0x10, s21;
	s23 =	sadd.s32 $0xFFFFFFFF, s23;
	[tilespmem:v4+s14+$0x0] =	vst.idx.msk $0xffff, v1  }
0x18f: {  	p2 =	sne.s32 s20, $0x1  }
.Ltmp32:
0x190: {  	_ = 	snop;
	(pc) =	sbr.rel @!p2 .LBB2_51-.Ltmp32, $3  }
0x191: {  	_ =	sdelay $0x1  }
0x192: {  	s21 =	simm.s32 $0xC080  }
0x193: {  	s23 =	simm.s32 $0xE100;
	p1 =	por $0x0, $0x0;
	v4 =	vld [tilespmem:s21+$0x0];
	s21 =	sadd.s32 $0xFFFFFFFF, s20  }
0x194: {  	_ =	sdelay $0x3  }
0x195: {  	v4 =	vadd.s32 $0x800, v4;
	_ =	sdelay $0x2  }
0x196: {  	v5 =	vld [tilespmem:s22+$0x0]  }
0x197: {  	v6 =	vld [tilespmem:s23+$0x0]  }
0x198: {  	v4 =	vld.idx.msk [tilespmem:v4+s6+$0x0], $0xffff;
	_ =	sdelay $0x2  }
0x199: {  	p2 =	sne.s32 s21, $0x1  }
.Ltmp33:
0x19a: {  	_ = 	snop;
	(pc) =	sbr.rel @!p2 .LBB2_53-.Ltmp33, $3  }
0x19b: {  	v4 =	vmul.f32 v6, v4;
	_ =	sdelay $0x1  }
0x19c: {  	s26 =	simm.s32 $0xC090;
	s28 =	sadd.s32 $0xFFFFFFFF, s21;
	[tilespmem:v5+s14+$0x0] =	vst.idx.add.f32.msk $0xffff, v4  }
0x19d: {  	p1 =	por $0x1, $0x1;
	s24 =	simm.s32 $0xA000;
	s25 =	simm.s32 $0xE100;
	v4 =	vld [tilespmem:s26+$0x0]  }
.LBB2_54:
0x19e: {  	p2 =	sne.s32 s28, $0x1;
	_ =	sdelay $0x3  }
0x19f: {  	v4 =	vadd.s32 $0x800, v4;
	_ =	sdelay $0x2  }
0x1a0: {  	s24 =	sadd.s32 $0x10, s24  }
0x1a1: {  	v5 =	vld [tilespmem:s24+$0x0]  }
0x1a2: {  	s25 =	sadd.s32 $0x10, s25;
	v4 =	vld.idx.msk [tilespmem:v4+s6+$0x0], $0xffff  }
0x1a3: {  	v6 =	vld [tilespmem:s25+$0x0];
	_ =	sdelay $0x3  }
.Ltmp34:
0x1a4: {  	(pc) =	sbr.rel @p2 .LBB2_54-.Ltmp34, $3  }
0x1a5: {  	v4 =	vmul.f32 v6, v4;
	_ =	sdelay $0x1  }
0x1a6: {  	s26 =	sadd.s32 $0x10, s26;
	[tilespmem:v5+s14+$0x0] =	vst.idx.add.f32.msk $0xffff, v4  }
0x1a7: {  	s28 =	sadd.s32 $0xFFFFFFFF, s28;
	v4 =	vld [tilespmem:s26+$0x0]  }
.LBB2_55:
0x1a8: {  	_ =	sdelay $0x3  }
0x1a9: {  	s24 =	sadd.s32 @p1 $0x10, s24;
	v4 =	vadd.s32 $0x800, v4  }
0x1aa: {  	s22 =	smov.u32 @p1 s24  }
0x1ab: {  	v5 =	vld [tilespmem:s22+$0x0];
	s22 =	sadd.s32 @p1 $0x10, s25  }
0x1ac: {  	s23 =	smov.u32 @p1 s22  }
0x1ad: {  	v6 =	vld [tilespmem:s23+$0x0]  }
0x1ae: {  	v4 =	vld.idx.msk [tilespmem:v4+s6+$0x0], $0xffff;
	_ =	sdelay $0x4  }
0x1af: {  	v4 =	vmul.f32 v6, v4;
	_ =	sdelay $0x1  }
0x1b0: {  	s29 =	rddreg [dreg:$0x9];
	[tilespmem:v5+s14+$0x0] =	vst.idx.add.f32.msk $0xffff, v4  }
0x1b1: {  	[hbm4b:s29+s15] =	stream.strided.scatter [tilespmem:s14], [sflag:$0x1], $0x6000, s16, s15, $0x38;
	[tilespmem:$0x1C180] =	vst v63  }
0x1b2: {  	_ =	swait.ge [sflag:s18], $0x6000  }
0x1b3: {  	s24 =	smov.u32 s20;
	[sflag:s18] =	ssyncset.done $0x0  }
0x1b4: {  	s22 =	simm.s32 $0xA000;
	s23 =	simm.s32 $0xA000;
	[sflag:s18] =	ssyncadd.s32 $0xFFFFA000  }
.LBB2_56:
0x1b5: {  	v4 =	vld [tilespmem:s23+$0x0];
	_ =	sdelay $0x2  }
0x1b6: {  	p1 =	sne.s32 s24, $0x1  }
.Ltmp35:
0x1b7: {  	_ = 	snop;
	(pc) =	sbr.rel @p1 .LBB2_56-.Ltmp35, $2  }
0x1b8: {  	_ =	sdelay $0x2  }
0x1b9: {  	s23 =	sadd.s32 $0x10, s23;
	s24 =	sadd.s32 $0xFFFFFFFF, s24;
	[tilespmem:v4+s17+$0x0] =	vst.idx.msk $0xffff, v1  }
0x1ba: {  	p2 =	seq.s32 s20, $0x1  }
.Ltmp36:
0x1bb: {  	_ = 	snop;
	(pc) =	sbr.rel @p2 .LBB2_58-.Ltmp36, $3  }
0x1bc: {  	_ =	sdelay $0x1  }
0x1bd: {  	s24 =	simm.s32 $0xC080  }
0x1be: {  	s23 =	simm.s32 $0xE100;
	p1 =	por $0x0, $0x0;
	v4 =	vld [tilespmem:s24+$0x0]  }
0x1bf: {  	_ =	sdelay $0x3  }
0x1c0: {  	v4 =	vadd.s32 $0xA00, v4;
	_ =	sdelay $0x2  }
0x1c1: {  	v5 =	vld [tilespmem:s22+$0x0]  }
0x1c2: {  	v6 =	vld [tilespmem:s23+$0x0]  }
0x1c3: {  	v4 =	vld.idx.msk [tilespmem:v4+s6+$0x0], $0xffff;
	_ =	sdelay $0x2  }
0x1c4: {  	p2 =	seq.s32 s21, $0x1  }
.Ltmp37:
0x1c5: {  	_ = 	snop;
	(pc) =	sbr.rel @p2 .LBB2_60-.Ltmp37, $3  }
0x1c6: {  	v4 =	vmul.f32 v6, v4;
	_ =	sdelay $0x1  }
0x1c7: {  	s25 =	simm.s32 $0xC090;
	s26 =	sadd.s32 $0xFFFFFFFF, s21;
	[tilespmem:v5+s17+$0x0] =	vst.idx.add.f32.msk $0xffff, v4  }
0x1c8: {  	p1 =	por $0x1, $0x1;
	s21 =	simm.s32 $0xA000;
	s24 =	simm.s32 $0xE100;
	v4 =	vld [tilespmem:s25+$0x0]  }
.LBB2_61:
0x1c9: {  	p2 =	seq.s32 s26, $0x1;
	_ =	sdelay $0x3  }
0x1ca: {  	v4 =	vadd.s32 $0xA00, v4;
	_ =	sdelay $0x2  }
0x1cb: {  	s21 =	sadd.s32 $0x10, s21  }
0x1cc: {  	v5 =	vld [tilespmem:s21+$0x0]  }
0x1cd: {  	s24 =	sadd.s32 $0x10, s24;
	v4 =	vld.idx.msk [tilespmem:v4+s6+$0x0], $0xffff  }
0x1ce: {  	v6 =	vld [tilespmem:s24+$0x0];
	_ =	sdelay $0x3  }
.Ltmp38:
0x1cf: {  	(pc) =	sbr.rel @!p2 .LBB2_61-.Ltmp38, $3  }
0x1d0: {  	v4 =	vmul.f32 v6, v4;
	_ =	sdelay $0x1  }
0x1d1: {  	s25 =	sadd.s32 $0x10, s25;
	[tilespmem:v5+s17+$0x0] =	vst.idx.add.f32.msk $0xffff, v4  }
0x1d2: {  	s26 =	sadd.s32 $0xFFFFFFFF, s26;
	v4 =	vld [tilespmem:s25+$0x0]  }
.LBB2_62:
0x1d3: {  	_ =	sdelay $0x3  }
0x1d4: {  	v4 =	vadd.s32 $0xA00, v4  }
0x1d5: {  	s21 =	sadd.s32 @p1 $0x10, s21  }
0x1d6: {  	s22 =	smov.u32 @p1 s21;
	s21 =	sadd.s32 @p1 $0x10, s24  }
0x1d7: {  	v5 =	vld [tilespmem:s22+$0x0];
	s23 =	smov.u32 @p1 s21  }
0x1d8: {  	v6 =	vld [tilespmem:s23+$0x0]  }
0x1d9: {  	v4 =	vld.idx.msk [tilespmem:v4+s6+$0x0], $0xffff;
	_ =	sdelay $0x2  }
.Ltmp39:
0x1da: {  	_ = 	snop;
	(pc) =	sbr.rel .LBB2_64-.Ltmp39, $3  }
0x1db: {  	_ = 	snop  }
0x1dc: {  	v4 =	vmul.f32 v6, v4;
	_ =	sdelay $0x1  }
0x1dd: {  	[tilespmem:v5+s17+$0x0] =	vst.idx.add.f32.msk $0xffff, v4  }
.LBB2_63:
0x1de: {  	s21 =	rddreg [dreg:$0x9]  }
0x1df: {  	[hbm4b:s21+s15] =	stream.strided.scatter [tilespmem:s14], [sflag:$0x1], $0x6000, s16, s15, $0x38;
	[tilespmem:$0x1C180] =	vst v63  }
0x1e0: {  	_ =	swait.ge [sflag:s18], $0x6000  }
0x1e1: {  	[sflag:s18] =	ssyncset.done $0x0  }
0x1e2: {  	[sflag:s18] =	ssyncadd.s32 $0xFFFFA000  }
.LBB2_64:
.Ltmp40:
0x1e3: {  	s21 =	rddreg [dreg:$0xa];
	(pc) =	sbr.rel @p0 .LBB2_79-.Ltmp40, $4  }
0x1e4: {  	[hbm4b:s21+s15] =	stream.strided.scatter [tilespmem:s17], [sflag:$0x2], $0x6000, s16, s15, $0x38;
	[tilespmem:$0x1C180] =	vst v63  }
0x1e5: {  	_ =	swait.ge [sflag:s10], $0x6000  }
0x1e6: {  	s22 =	simm.s32 $0xA000;
	[sflag:s10] =	ssyncset.done $0x0  }
0x1e7: {  	s23 =	smov.u32 s20;
	s21 =	simm.s32 $0xA000;
	[sflag:s10] =	ssyncadd.s32 $0xFFFFA000  }
.LBB2_65:
0x1e8: {  	v4 =	vld [tilespmem:s21+$0x0];
	_ =	sdelay $0x2  }
0x1e9: {  	p1 =	sne.s32 s23, $0x1  }
.Ltmp41:
0x1ea: {  	_ = 	snop;
	(pc) =	sbr.rel @p1 .LBB2_65-.Ltmp41, $2  }
0x1eb: {  	_ =	sdelay $0x2  }
0x1ec: {  	s21 =	sadd.s32 $0x10, s21;
	s23 =	sadd.s32 $0xFFFFFFFF, s23;
	[tilespmem:v4+s14+$0x0] =	vst.idx.msk $0xffff, v1  }
0x1ed: {  	p2 =	sne.s32 s20, $0x1  }
.Ltmp42:
0x1ee: {  	_ = 	snop;
	(pc) =	sbr.rel @!p2 .LBB2_67-.Ltmp42, $3  }
0x1ef: {  	_ =	sdelay $0x1  }
0x1f0: {  	s21 =	simm.s32 $0xC080  }
0x1f1: {  	s23 =	simm.s32 $0xE100;
	p1 =	por $0x0, $0x0;
	v4 =	vld [tilespmem:s21+$0x0];
	s21 =	sadd.s32 $0xFFFFFFFF, s20  }
0x1f2: {  	_ =	sdelay $0x3  }
0x1f3: {  	v4 =	vadd.s32 $0xC00, v4;
	_ =	sdelay $0x2  }
0x1f4: {  	v5 =	vld [tilespmem:s22+$0x0]  }
0x1f5: {  	v6 =	vld [tilespmem:s23+$0x0]  }
0x1f6: {  	v4 =	vld.idx.msk [tilespmem:v4+s6+$0x0], $0xffff;
	_ =	sdelay $0x2  }
0x1f7: {  	p2 =	sne.s32 s21, $0x1  }
.Ltmp43:
0x1f8: {  	_ = 	snop;
	(pc) =	sbr.rel @!p2 .LBB2_69-.Ltmp43, $3  }
0x1f9: {  	v4 =	vmul.f32 v6, v4;
	_ =	sdelay $0x1  }
0x1fa: {  	s26 =	simm.s32 $0xC090;
	s28 =	sadd.s32 $0xFFFFFFFF, s21;
	[tilespmem:v5+s14+$0x0] =	vst.idx.add.f32.msk $0xffff, v4  }
0x1fb: {  	p1 =	por $0x1, $0x1;
	s24 =	simm.s32 $0xA000;
	s25 =	simm.s32 $0xE100;
	v4 =	vld [tilespmem:s26+$0x0]  }
.LBB2_70:
0x1fc: {  	p2 =	sne.s32 s28, $0x1;
	_ =	sdelay $0x3  }
0x1fd: {  	v4 =	vadd.s32 $0xC00, v4;
	_ =	sdelay $0x2  }
0x1fe: {  	s24 =	sadd.s32 $0x10, s24  }
0x1ff: {  	v5 =	vld [tilespmem:s24+$0x0]  }
0x200: {  	s25 =	sadd.s32 $0x10, s25;
	v4 =	vld.idx.msk [tilespmem:v4+s6+$0x0], $0xffff  }
0x201: {  	v6 =	vld [tilespmem:s25+$0x0];
	_ =	sdelay $0x3  }
.Ltmp44:
0x202: {  	(pc) =	sbr.rel @p2 .LBB2_70-.Ltmp44, $3  }
0x203: {  	v4 =	vmul.f32 v6, v4;
	_ =	sdelay $0x1  }
0x204: {  	s26 =	sadd.s32 $0x10, s26;
	[tilespmem:v5+s14+$0x0] =	vst.idx.add.f32.msk $0xffff, v4  }
0x205: {  	s28 =	sadd.s32 $0xFFFFFFFF, s28;
	v4 =	vld [tilespmem:s26+$0x0]  }
.LBB2_71:
0x206: {  	_ =	sdelay $0x3  }
0x207: {  	s24 =	sadd.s32 @p1 $0x10, s24;
	v4 =	vadd.s32 $0xC00, v4  }
0x208: {  	s22 =	smov.u32 @p1 s24  }
0x209: {  	v5 =	vld [tilespmem:s22+$0x0];
	s22 =	sadd.s32 @p1 $0x10, s25  }
0x20a: {  	s23 =	smov.u32 @p1 s22  }
0x20b: {  	v6 =	vld [tilespmem:s23+$0x0]  }
0x20c: {  	v4 =	vld.idx.msk [tilespmem:v4+s6+$0x0], $0xffff;
	_ =	sdelay $0x4  }
0x20d: {  	v4 =	vmul.f32 v6, v4;
	_ =	sdelay $0x1  }
0x20e: {  	s29 =	rddreg [dreg:$0xb];
	[tilespmem:v5+s14+$0x0] =	vst.idx.add.f32.msk $0xffff, v4  }
0x20f: {  	[hbm4b:s29+s15] =	stream.strided.scatter [tilespmem:s14], [sflag:$0x1], $0x6000, s16, s15, $0x38;
	[tilespmem:$0x1C180] =	vst v63  }
0x210: {  	_ =	swait.ge [sflag:s18], $0x6000  }
0x211: {  	s24 =	smov.u32 s20;
	[sflag:s18] =	ssyncset.done $0x0  }
0x212: {  	s22 =	simm.s32 $0xA000;
	s23 =	simm.s32 $0xA000;
	[sflag:s18] =	ssyncadd.s32 $0xFFFFA000  }
.LBB2_72:
0x213: {  	v4 =	vld [tilespmem:s23+$0x0];
	_ =	sdelay $0x2  }
0x214: {  	p1 =	sne.s32 s24, $0x1  }
.Ltmp45:
0x215: {  	_ = 	snop;
	(pc) =	sbr.rel @p1 .LBB2_72-.Ltmp45, $2  }
0x216: {  	_ =	sdelay $0x2  }
0x217: {  	s23 =	sadd.s32 $0x10, s23;
	s24 =	sadd.s32 $0xFFFFFFFF, s24;
	[tilespmem:v4+s17+$0x0] =	vst.idx.msk $0xffff, v1  }
0x218: {  	p2 =	seq.s32 s20, $0x1  }
.Ltmp46:
0x219: {  	_ = 	snop;
	(pc) =	sbr.rel @p2 .LBB2_74-.Ltmp46, $3  }
0x21a: {  	_ =	sdelay $0x1  }
0x21b: {  	s24 =	simm.s32 $0xC080  }
0x21c: {  	s23 =	simm.s32 $0xE100;
	p1 =	por $0x0, $0x0;
	v4 =	vld [tilespmem:s24+$0x0]  }
0x21d: {  	_ =	sdelay $0x3  }
0x21e: {  	v4 =	vadd.s32 $0xE00, v4;
	_ =	sdelay $0x2  }
0x21f: {  	v5 =	vld [tilespmem:s22+$0x0]  }
0x220: {  	v6 =	vld [tilespmem:s23+$0x0]  }
0x221: {  	v4 =	vld.idx.msk [tilespmem:v4+s6+$0x0], $0xffff;
	_ =	sdelay $0x2  }
0x222: {  	p2 =	seq.s32 s21, $0x1  }
.Ltmp47:
0x223: {  	_ = 	snop;
	(pc) =	sbr.rel @p2 .LBB2_76-.Ltmp47, $3  }
0x224: {  	v4 =	vmul.f32 v6, v4;
	_ =	sdelay $0x1  }
0x225: {  	s25 =	simm.s32 $0xC090;
	s26 =	sadd.s32 $0xFFFFFFFF, s21;
	[tilespmem:v5+s17+$0x0] =	vst.idx.add.f32.msk $0xffff, v4  }
0x226: {  	p1 =	por $0x1, $0x1;
	s21 =	simm.s32 $0xA000;
	s24 =	simm.s32 $0xE100;
	v4 =	vld [tilespmem:s25+$0x0]  }
.LBB2_77:
0x227: {  	p2 =	seq.s32 s26, $0x1;
	_ =	sdelay $0x3  }
0x228: {  	v4 =	vadd.s32 $0xE00, v4;
	_ =	sdelay $0x2  }
0x229: {  	s21 =	sadd.s32 $0x10, s21  }
0x22a: {  	v5 =	vld [tilespmem:s21+$0x0]  }
0x22b: {  	s24 =	sadd.s32 $0x10, s24;
	v4 =	vld.idx.msk [tilespmem:v4+s6+$0x0], $0xffff  }
0x22c: {  	v6 =	vld [tilespmem:s24+$0x0];
	_ =	sdelay $0x3  }
.Ltmp48:
0x22d: {  	(pc) =	sbr.rel @!p2 .LBB2_77-.Ltmp48, $3  }
0x22e: {  	v4 =	vmul.f32 v6, v4;
	_ =	sdelay $0x1  }
0x22f: {  	s25 =	sadd.s32 $0x10, s25;
	[tilespmem:v5+s17+$0x0] =	vst.idx.add.f32.msk $0xffff, v4  }
0x230: {  	s26 =	sadd.s32 $0xFFFFFFFF, s26;
	v4 =	vld [tilespmem:s25+$0x0]  }
.LBB2_78:
0x231: {  	_ =	sdelay $0x3  }
0x232: {  	v4 =	vadd.s32 $0xE00, v4  }
0x233: {  	s21 =	sadd.s32 @p1 $0x10, s21  }
0x234: {  	s22 =	smov.u32 @p1 s21;
	s21 =	sadd.s32 @p1 $0x10, s24  }
0x235: {  	v5 =	vld [tilespmem:s22+$0x0];
	s23 =	smov.u32 @p1 s21  }
0x236: {  	v6 =	vld [tilespmem:s23+$0x0]  }
0x237: {  	v4 =	vld.idx.msk [tilespmem:v4+s6+$0x0], $0xffff;
	_ =	sdelay $0x2  }
.Ltmp49:
0x238: {  	_ = 	snop;
	(pc) =	sbr.rel .LBB2_80-.Ltmp49, $3  }
0x239: {  	_ = 	snop  }
0x23a: {  	v4 =	vmul.f32 v6, v4;
	_ =	sdelay $0x1  }
0x23b: {  	[tilespmem:v5+s17+$0x0] =	vst.idx.add.f32.msk $0xffff, v4  }
.LBB2_79:
0x23c: {  	s21 =	rddreg [dreg:$0xb]  }
0x23d: {  	[hbm4b:s21+s15] =	stream.strided.scatter [tilespmem:s14], [sflag:$0x1], $0x6000, s16, s15, $0x38;
	[tilespmem:$0x1C180] =	vst v63  }
0x23e: {  	_ =	swait.ge [sflag:s18], $0x6000  }
0x23f: {  	[sflag:s18] =	ssyncset.done $0x0  }
0x240: {  	[sflag:s18] =	ssyncadd.s32 $0xFFFFA000  }
.LBB2_80:
.Ltmp50:
0x241: {  	s21 =	rddreg [dreg:$0xc];
	(pc) =	sbr.rel @p0 .LBB2_95-.Ltmp50, $4  }
0x242: {  	[hbm4b:s21+s15] =	stream.strided.scatter [tilespmem:s17], [sflag:$0x2], $0x6000, s16, s15, $0x38;
	[tilespmem:$0x1C180] =	vst v63  }
0x243: {  	_ =	swait.ge [sflag:s10], $0x6000  }
0x244: {  	s22 =	simm.s32 $0xA000;
	[sflag:s10] =	ssyncset.done $0x0  }
0x245: {  	s23 =	smov.u32 s20;
	s21 =	simm.s32 $0xA000;
	[sflag:s10] =	ssyncadd.s32 $0xFFFFA000  }
.LBB2_81:
0x246: {  	v4 =	vld [tilespmem:s21+$0x0];
	_ =	sdelay $0x2  }
0x247: {  	p1 =	sne.s32 s23, $0x1  }
.Ltmp51:
0x248: {  	_ = 	snop;
	(pc) =	sbr.rel @p1 .LBB2_81-.Ltmp51, $2  }
0x249: {  	_ =	sdelay $0x2  }
0x24a: {  	s21 =	sadd.s32 $0x10, s21;
	s23 =	sadd.s32 $0xFFFFFFFF, s23;
	[tilespmem:v4+s14+$0x0] =	vst.idx.msk $0xffff, v1  }
0x24b: {  	p2 =	sne.s32 s20, $0x1  }
.Ltmp52:
0x24c: {  	_ = 	snop;
	(pc) =	sbr.rel @!p2 .LBB2_83-.Ltmp52, $3  }
0x24d: {  	_ =	sdelay $0x1  }
0x24e: {  	s21 =	simm.s32 $0xC080  }
0x24f: {  	s23 =	simm.s32 $0xE100;
	p1 =	por $0x0, $0x0;
	v4 =	vld [tilespmem:s21+$0x0];
	s21 =	sadd.s32 $0xFFFFFFFF, s20  }
0x250: {  	_ =	sdelay $0x3  }
0x251: {  	v4 =	vadd.s32 $0x1000, v4;
	_ =	sdelay $0x2  }
0x252: {  	v5 =	vld [tilespmem:s22+$0x0]  }
0x253: {  	v6 =	vld [tilespmem:s23+$0x0]  }
0x254: {  	v4 =	vld.idx.msk [tilespmem:v4+s6+$0x0], $0xffff;
	_ =	sdelay $0x2  }
0x255: {  	p2 =	sne.s32 s21, $0x1  }
.Ltmp53:
0x256: {  	_ = 	snop;
	(pc) =	sbr.rel @!p2 .LBB2_85-.Ltmp53, $3  }
0x257: {  	v4 =	vmul.f32 v6, v4;
	_ =	sdelay $0x1  }
0x258: {  	s26 =	simm.s32 $0xC090;
	s28 =	sadd.s32 $0xFFFFFFFF, s21;
	[tilespmem:v5+s14+$0x0] =	vst.idx.add.f32.msk $0xffff, v4  }
0x259: {  	p1 =	por $0x1, $0x1;
	s24 =	simm.s32 $0xA000;
	s25 =	simm.s32 $0xE100;
	v4 =	vld [tilespmem:s26+$0x0]  }
.LBB2_86:
0x25a: {  	p2 =	sne.s32 s28, $0x1;
	_ =	sdelay $0x3  }
0x25b: {  	v4 =	vadd.s32 $0x1000, v4;
	_ =	sdelay $0x2  }
0x25c: {  	s24 =	sadd.s32 $0x10, s24  }
0x25d: {  	v5 =	vld [tilespmem:s24+$0x0]  }
0x25e: {  	s25 =	sadd.s32 $0x10, s25;
	v4 =	vld.idx.msk [tilespmem:v4+s6+$0x0], $0xffff  }
0x25f: {  	v6 =	vld [tilespmem:s25+$0x0];
	_ =	sdelay $0x3  }
.Ltmp54:
0x260: {  	(pc) =	sbr.rel @p2 .LBB2_86-.Ltmp54, $3  }
0x261: {  	v4 =	vmul.f32 v6, v4;
	_ =	sdelay $0x1  }
0x262: {  	s26 =	sadd.s32 $0x10, s26;
	[tilespmem:v5+s14+$0x0] =	vst.idx.add.f32.msk $0xffff, v4  }
0x263: {  	s28 =	sadd.s32 $0xFFFFFFFF, s28;
	v4 =	vld [tilespmem:s26+$0x0]  }
.LBB2_87:
0x264: {  	_ =	sdelay $0x3  }
0x265: {  	s24 =	sadd.s32 @p1 $0x10, s24;
	v4 =	vadd.s32 $0x1000, v4  }
0x266: {  	s22 =	smov.u32 @p1 s24  }
0x267: {  	v5 =	vld [tilespmem:s22+$0x0];
	s22 =	sadd.s32 @p1 $0x10, s25  }
0x268: {  	s23 =	smov.u32 @p1 s22  }
0x269: {  	v6 =	vld [tilespmem:s23+$0x0]  }
0x26a: {  	v4 =	vld.idx.msk [tilespmem:v4+s6+$0x0], $0xffff;
	_ =	sdelay $0x4  }
0x26b: {  	v4 =	vmul.f32 v6, v4;
	_ =	sdelay $0x1  }
.Ltmp55:
0x26c: {  	s29 =	rddreg [dreg:$0xd];
	[tilespmem:v5+s14+$0x0] =	vst.idx.add.f32.msk $0xffff, v4;
	(pc) =	sbr.rel @p0 .LBB2_104-.Ltmp55, $4  }
0x26d: {  	[hbm4b:s29+s15] =	stream.strided.scatter [tilespmem:s14], [sflag:$0x1], $0x6000, s16, s15, $0x38;
	[tilespmem:$0x1C180] =	vst v63  }
0x26e: {  	_ =	swait.ge [sflag:s18], $0x6000  }
0x26f: {  	s24 =	smov.u32 s20;
	[sflag:s18] =	ssyncset.done $0x0  }
0x270: {  	s22 =	simm.s32 $0xA000;
	s23 =	simm.s32 $0xA000;
	[sflag:s18] =	ssyncadd.s32 $0xFFFFA000  }
.LBB2_88:
0x271: {  	v4 =	vld [tilespmem:s23+$0x0];
	_ =	sdelay $0x2  }
0x272: {  	p1 =	sne.s32 s24, $0x1  }
.Ltmp56:
0x273: {  	_ = 	snop;
	(pc) =	sbr.rel @p1 .LBB2_88-.Ltmp56, $2  }
0x274: {  	_ =	sdelay $0x2  }
0x275: {  	s23 =	sadd.s32 $0x10, s23;
	s24 =	sadd.s32 $0xFFFFFFFF, s24;
	[tilespmem:v4+s17+$0x0] =	vst.idx.msk $0xffff, v1  }
0x276: {  	p2 =	seq.s32 s20, $0x1  }
.Ltmp57:
0x277: {  	_ = 	snop;
	(pc) =	sbr.rel @p2 .LBB2_90-.Ltmp57, $3  }
0x278: {  	_ =	sdelay $0x1  }
0x279: {  	s24 =	simm.s32 $0xC080  }
0x27a: {  	s23 =	simm.s32 $0xE100;
	p1 =	por $0x0, $0x0;
	v4 =	vld [tilespmem:s24+$0x0]  }
0x27b: {  	_ =	sdelay $0x3  }
0x27c: {  	v4 =	vadd.s32 $0x1200, v4;
	_ =	sdelay $0x2  }
0x27d: {  	v5 =	vld [tilespmem:s22+$0x0]  }
0x27e: {  	v6 =	vld [tilespmem:s23+$0x0]  }
0x27f: {  	v4 =	vld.idx.msk [tilespmem:v4+s6+$0x0], $0xffff;
	_ =	sdelay $0x2  }
0x280: {  	p2 =	seq.s32 s21, $0x1  }
.Ltmp58:
0x281: {  	_ = 	snop;
	(pc) =	sbr.rel @p2 .LBB2_92-.Ltmp58, $3  }
0x282: {  	v4 =	vmul.f32 v6, v4;
	_ =	sdelay $0x1  }
0x283: {  	s25 =	simm.s32 $0xC090;
	s26 =	sadd.s32 $0xFFFFFFFF, s21;
	[tilespmem:v5+s17+$0x0] =	vst.idx.add.f32.msk $0xffff, v4  }
0x284: {  	p1 =	por $0x1, $0x1;
	s21 =	simm.s32 $0xA000;
	s24 =	simm.s32 $0xE100;
	v4 =	vld [tilespmem:s25+$0x0]  }
.LBB2_93:
0x285: {  	p2 =	seq.s32 s26, $0x1;
	_ =	sdelay $0x3  }
0x286: {  	v4 =	vadd.s32 $0x1200, v4;
	_ =	sdelay $0x2  }
0x287: {  	s21 =	sadd.s32 $0x10, s21  }
0x288: {  	v5 =	vld [tilespmem:s21+$0x0]  }
0x289: {  	s24 =	sadd.s32 $0x10, s24;
	v4 =	vld.idx.msk [tilespmem:v4+s6+$0x0], $0xffff  }
0x28a: {  	v6 =	vld [tilespmem:s24+$0x0];
	_ =	sdelay $0x3  }
.Ltmp59:
0x28b: {  	(pc) =	sbr.rel @!p2 .LBB2_93-.Ltmp59, $3  }
0x28c: {  	v4 =	vmul.f32 v6, v4;
	_ =	sdelay $0x1  }
0x28d: {  	s25 =	sadd.s32 $0x10, s25;
	[tilespmem:v5+s17+$0x0] =	vst.idx.add.f32.msk $0xffff, v4  }
0x28e: {  	s26 =	sadd.s32 $0xFFFFFFFF, s26;
	v4 =	vld [tilespmem:s25+$0x0]  }
.LBB2_94:
0x28f: {  	_ =	sdelay $0x3  }
0x290: {  	v4 =	vadd.s32 $0x1200, v4  }
0x291: {  	s21 =	sadd.s32 @p1 $0x10, s21  }
0x292: {  	s22 =	smov.u32 @p1 s21;
	s21 =	sadd.s32 @p1 $0x10, s24  }
0x293: {  	v5 =	vld [tilespmem:s22+$0x0];
	s23 =	smov.u32 @p1 s21  }
0x294: {  	v6 =	vld [tilespmem:s23+$0x0]  }
0x295: {  	v4 =	vld.idx.msk [tilespmem:v4+s6+$0x0], $0xffff;
	_ =	sdelay $0x2  }
.Ltmp60:
0x296: {  	_ = 	snop;
	(pc) =	sbr.rel .LBB2_96-.Ltmp60, $3  }
0x297: {  	_ = 	snop  }
0x298: {  	v4 =	vmul.f32 v6, v4;
	_ =	sdelay $0x1  }
0x299: {  	[tilespmem:v5+s17+$0x0] =	vst.idx.add.f32.msk $0xffff, v4  }
.LBB2_95:
0x29a: {  	s21 =	rddreg [dreg:$0xd]  }
0x29b: {  	[hbm4b:s21+s15] =	stream.strided.scatter [tilespmem:s14], [sflag:$0x1], $0x6000, s16, s15, $0x38;
	[tilespmem:$0x1C180] =	vst v63  }
0x29c: {  	_ =	swait.ge [sflag:s18], $0x6000  }
0x29d: {  	[sflag:s18] =	ssyncset.done $0x0  }
0x29e: {  	[sflag:s18] =	ssyncadd.s32 $0xFFFFA000  }
.LBB2_96:
.Ltmp61:
0x29f: {  	s21 =	rddreg [dreg:$0xe];
	(pc) =	sbr.rel @p0 .LBB2_113-.Ltmp61, $4  }
0x2a0: {  	[hbm4b:s21+s15] =	stream.strided.scatter [tilespmem:s17], [sflag:$0x2], $0x6000, s16, s15, $0x38;
	[tilespmem:$0x1C180] =	vst v63  }
0x2a1: {  	_ =	swait.ge [sflag:s10], $0x6000  }
0x2a2: {  	s22 =	simm.s32 $0xA000;
	[sflag:s10] =	ssyncset.done $0x0  }
0x2a3: {  	s23 =	smov.u32 s20;
	s21 =	simm.s32 $0xA000;
	[sflag:s10] =	ssyncadd.s32 $0xFFFFA000  }
.LBB2_97:
0x2a4: {  	v4 =	vld [tilespmem:s22+$0x0];
	_ =	sdelay $0x2  }
0x2a5: {  	p1 =	sne.s32 s23, $0x1  }
.Ltmp62:
0x2a6: {  	_ = 	snop;
	(pc) =	sbr.rel @p1 .LBB2_97-.Ltmp62, $2  }
0x2a7: {  	_ =	sdelay $0x2  }
0x2a8: {  	s22 =	sadd.s32 $0x10, s22;
	s23 =	sadd.s32 $0xFFFFFFFF, s23;
	[tilespmem:v4+s14+$0x0] =	vst.idx.msk $0xffff, v1  }
0x2a9: {  	p2 =	seq.s32 s20, $0x1  }
.Ltmp63:
0x2aa: {  	_ = 	snop;
	(pc) =	sbr.rel @p2 .LBB2_99-.Ltmp63, $3  }
0x2ab: {  	_ =	sdelay $0x1  }
0x2ac: {  	s23 =	simm.s32 $0xC080  }
0x2ad: {  	s22 =	simm.s32 $0xE100;
	p1 =	por $0x0, $0x0;
	v4 =	vld [tilespmem:s23+$0x0];
	s23 =	sadd.s32 $0xFFFFFFFF, s20  }
0x2ae: {  	_ =	sdelay $0x3  }
0x2af: {  	v4 =	vadd.s32 $0x1400, v4;
	_ =	sdelay $0x2  }
0x2b0: {  	v5 =	vld [tilespmem:s21+$0x0]  }
0x2b1: {  	v6 =	vld [tilespmem:s22+$0x0]  }
0x2b2: {  	v4 =	vld.idx.msk [tilespmem:v4+s6+$0x0], $0xffff;
	_ =	sdelay $0x2  }
0x2b3: {  	p2 =	seq.s32 s23, $0x1  }
.Ltmp64:
0x2b4: {  	_ = 	snop;
	(pc) =	sbr.rel @p2 .LBB2_101-.Ltmp64, $3  }
0x2b5: {  	v4 =	vmul.f32 v6, v4;
	_ =	sdelay $0x1  }
0x2b6: {  	s25 =	simm.s32 $0xC090;
	s26 =	sadd.s32 $0xFFFFFFFF, s23;
	[tilespmem:v5+s14+$0x0] =	vst.idx.add.f32.msk $0xffff, v4  }
0x2b7: {  	p1 =	por $0x1, $0x1;
	s23 =	simm.s32 $0xA000;
	s24 =	simm.s32 $0xE100;
	v4 =	vld [tilespmem:s25+$0x0]  }
.LBB2_102:
0x2b8: {  	p2 =	seq.s32 s26, $0x1;
	_ =	sdelay $0x3  }
0x2b9: {  	v4 =	vadd.s32 $0x1400, v4;
	_ =	sdelay $0x2  }
0x2ba: {  	s23 =	sadd.s32 $0x10, s23  }
0x2bb: {  	v5 =	vld [tilespmem:s23+$0x0]  }
0x2bc: {  	s24 =	sadd.s32 $0x10, s24;
	v4 =	vld.idx.msk [tilespmem:v4+s6+$0x0], $0xffff  }
0x2bd: {  	v6 =	vld [tilespmem:s24+$0x0];
	_ =	sdelay $0x3  }
.Ltmp65:
0x2be: {  	(pc) =	sbr.rel @!p2 .LBB2_102-.Ltmp65, $3  }
0x2bf: {  	v4 =	vmul.f32 v6, v4;
	_ =	sdelay $0x1  }
0x2c0: {  	s25 =	sadd.s32 $0x10, s25;
	[tilespmem:v5+s14+$0x0] =	vst.idx.add.f32.msk $0xffff, v4  }
0x2c1: {  	s26 =	sadd.s32 $0xFFFFFFFF, s26;
	v4 =	vld [tilespmem:s25+$0x0]  }
.LBB2_103:
0x2c2: {  	_ =	sdelay $0x3  }
0x2c3: {  	s23 =	sadd.s32 @p1 $0x10, s23;
	v4 =	vadd.s32 $0x1400, v4  }
0x2c4: {  	s21 =	smov.u32 @p1 s23  }
0x2c5: {  	v5 =	vld [tilespmem:s21+$0x0];
	s21 =	sadd.s32 @p1 $0x10, s24  }
0x2c6: {  	s22 =	smov.u32 @p1 s21  }
0x2c7: {  	v6 =	vld [tilespmem:s22+$0x0]  }
0x2c8: {  	v4 =	vld.idx.msk [tilespmem:v4+s6+$0x0], $0xffff;
	_ =	sdelay $0x2  }
.Ltmp66:
0x2c9: {  	_ = 	snop;
	(pc) =	sbr.rel .LBB2_105-.Ltmp66, $3  }
0x2ca: {  	_ = 	snop  }
0x2cb: {  	v4 =	vmul.f32 v6, v4;
	_ =	sdelay $0x1  }
0x2cc: {  	[tilespmem:v5+s14+$0x0] =	vst.idx.add.f32.msk $0xffff, v4  }
.LBB2_113:
.Ltmp67:
0x2cd: {  	s21 =	rddreg [dreg:$0xf];
	(pc) =	sbr.rel .LBB2_114-.Ltmp67, $4  }
0x2ce: {  	[hbm4b:s21+s15] =	stream.strided.scatter [tilespmem:s14], [sflag:$0x1], $0x6000, s16, s15, $0x38;
	[tilespmem:$0x1C180] =	vst v63  }
0x2cf: {  	_ =	swait.ge [sflag:s18], $0x6000  }
0x2d0: {  	[sflag:s18] =	ssyncset.done $0x0  }
0x2d1: {  	[sflag:s18] =	ssyncadd.s32 $0xFFFFA000  }
.LBB2_104:
0x2d2: {  	s21 =	rddreg [dreg:$0xe]  }
0x2d3: {  	[hbm4b:s21+s15] =	stream.strided.scatter [tilespmem:s17], [sflag:$0x2], $0x6000, s16, s15, $0x38;
	[tilespmem:$0x1C180] =	vst v63  }
0x2d4: {  	_ =	swait.ge [sflag:s10], $0x6000  }
0x2d5: {  	[sflag:s10] =	ssyncset.done $0x0  }
0x2d6: {  	[sflag:s10] =	ssyncadd.s32 $0xFFFFA000  }
.LBB2_105:
.Ltmp68:
0x2d7: {  	s21 =	rddreg [dreg:$0xf];
	(pc) =	sbr.rel @p0 .LBB2_122-.Ltmp68, $4  }
0x2d8: {  	[hbm4b:s21+s15] =	stream.strided.scatter [tilespmem:s14], [sflag:$0x1], $0x6000, s16, s15, $0x38;
	[tilespmem:$0x1C180] =	vst v63  }
0x2d9: {  	_ =	swait.ge [sflag:s18], $0x6000  }
0x2da: {  	s22 =	simm.s32 $0xA000;
	[sflag:s18] =	ssyncset.done $0x0  }
0x2db: {  	s23 =	smov.u32 s20;
	s21 =	simm.s32 $0xA000;
	[sflag:s18] =	ssyncadd.s32 $0xFFFFA000  }
.LBB2_106:
0x2dc: {  	v4 =	vld [tilespmem:s22+$0x0];
	_ =	sdelay $0x2  }
0x2dd: {  	p1 =	sne.s32 s23, $0x1  }
.Ltmp69:
0x2de: {  	_ = 	snop;
	(pc) =	sbr.rel @p1 .LBB2_106-.Ltmp69, $2  }
0x2df: {  	_ =	sdelay $0x2  }
0x2e0: {  	s22 =	sadd.s32 $0x10, s22;
	s23 =	sadd.s32 $0xFFFFFFFF, s23;
	[tilespmem:v4+s17+$0x0] =	vst.idx.msk $0xffff, v1  }
0x2e1: {  	p2 =	seq.s32 s20, $0x1  }
.Ltmp70:
0x2e2: {  	_ = 	snop;
	(pc) =	sbr.rel @p2 .LBB2_108-.Ltmp70, $3  }
0x2e3: {  	_ =	sdelay $0x1  }
0x2e4: {  	s23 =	simm.s32 $0xC080  }
0x2e5: {  	s22 =	simm.s32 $0xE100;
	p1 =	por $0x0, $0x0;
	v4 =	vld [tilespmem:s23+$0x0];
	s23 =	sadd.s32 $0xFFFFFFFF, s20  }
0x2e6: {  	_ =	sdelay $0x3  }
0x2e7: {  	v4 =	vadd.s32 $0x1600, v4;
	_ =	sdelay $0x2  }
0x2e8: {  	v5 =	vld [tilespmem:s21+$0x0]  }
0x2e9: {  	v6 =	vld [tilespmem:s22+$0x0]  }
0x2ea: {  	v4 =	vld.idx.msk [tilespmem:v4+s6+$0x0], $0xffff;
	_ =	sdelay $0x2  }
0x2eb: {  	p2 =	seq.s32 s23, $0x1  }
.Ltmp71:
0x2ec: {  	_ = 	snop;
	(pc) =	sbr.rel @p2 .LBB2_110-.Ltmp71, $3  }
0x2ed: {  	v4 =	vmul.f32 v6, v4;
	_ =	sdelay $0x1  }
0x2ee: {  	s25 =	simm.s32 $0xC090;
	s26 =	sadd.s32 $0xFFFFFFFF, s23;
	[tilespmem:v5+s17+$0x0] =	vst.idx.add.f32.msk $0xffff, v4  }
0x2ef: {  	p1 =	por $0x1, $0x1;
	s23 =	simm.s32 $0xA000;
	s24 =	simm.s32 $0xE100;
	v4 =	vld [tilespmem:s25+$0x0]  }
.LBB2_111:
0x2f0: {  	p2 =	seq.s32 s26, $0x1;
	_ =	sdelay $0x3  }
0x2f1: {  	v4 =	vadd.s32 $0x1600, v4;
	_ =	sdelay $0x2  }
0x2f2: {  	s23 =	sadd.s32 $0x10, s23  }
0x2f3: {  	v5 =	vld [tilespmem:s23+$0x0]  }
0x2f4: {  	s24 =	sadd.s32 $0x10, s24;
	v4 =	vld.idx.msk [tilespmem:v4+s6+$0x0], $0xffff  }
0x2f5: {  	v6 =	vld [tilespmem:s24+$0x0];
	_ =	sdelay $0x3  }
.Ltmp72:
0x2f6: {  	(pc) =	sbr.rel @!p2 .LBB2_111-.Ltmp72, $3  }
0x2f7: {  	v4 =	vmul.f32 v6, v4;
	_ =	sdelay $0x1  }
0x2f8: {  	s25 =	sadd.s32 $0x10, s25;
	[tilespmem:v5+s17+$0x0] =	vst.idx.add.f32.msk $0xffff, v4  }
0x2f9: {  	s26 =	sadd.s32 $0xFFFFFFFF, s26;
	v4 =	vld [tilespmem:s25+$0x0]  }
.LBB2_112:
0x2fa: {  	_ =	sdelay $0x3  }
0x2fb: {  	s23 =	sadd.s32 @p1 $0x10, s23;
	v4 =	vadd.s32 $0x1600, v4  }
0x2fc: {  	s21 =	smov.u32 @p1 s23  }
0x2fd: {  	v5 =	vld [tilespmem:s21+$0x0];
	s21 =	sadd.s32 @p1 $0x10, s24  }
0x2fe: {  	s22 =	smov.u32 @p1 s21  }
0x2ff: {  	v6 =	vld [tilespmem:s22+$0x0]  }
0x300: {  	v4 =	vld.idx.msk [tilespmem:v4+s6+$0x0], $0xffff;
	_ =	sdelay $0x4  }
0x301: {  	v4 =	vmul.f32 v6, v4;
	_ =	sdelay $0x1  }
0x302: {  	[tilespmem:v5+s17+$0x0] =	vst.idx.add.f32.msk $0xffff, v4  }
.LBB2_114:
.Ltmp73:
0x303: {  	s21 =	rddreg [dreg:$0x10];
	(pc) =	sbr.rel @p0 .LBB2_131-.Ltmp73, $4  }
0x304: {  	[hbm4b:s21+s15] =	stream.strided.scatter [tilespmem:s17], [sflag:$0x2], $0x6000, s16, s15, $0x38;
	[tilespmem:$0x1C180] =	vst v63  }
0x305: {  	_ =	swait.ge [sflag:s10], $0x6000  }
0x306: {  	s22 =	simm.s32 $0xA000;
	[sflag:s10] =	ssyncset.done $0x0  }
0x307: {  	s23 =	smov.u32 s20;
	s21 =	simm.s32 $0xA000;
	[sflag:s10] =	ssyncadd.s32 $0xFFFFA000  }
.LBB2_115:
0x308: {  	v4 =	vld [tilespmem:s22+$0x0];
	_ =	sdelay $0x2  }
0x309: {  	p1 =	sne.s32 s23, $0x1  }
.Ltmp74:
0x30a: {  	_ = 	snop;
	(pc) =	sbr.rel @p1 .LBB2_115-.Ltmp74, $2  }
0x30b: {  	_ =	sdelay $0x2  }
0x30c: {  	s22 =	sadd.s32 $0x10, s22;
	s23 =	sadd.s32 $0xFFFFFFFF, s23;
	[tilespmem:v4+s14+$0x0] =	vst.idx.msk $0xffff, v1  }
0x30d: {  	p2 =	seq.s32 s20, $0x1  }
.Ltmp75:
0x30e: {  	_ = 	snop;
	(pc) =	sbr.rel @p2 .LBB2_117-.Ltmp75, $3  }
0x30f: {  	_ =	sdelay $0x1  }
0x310: {  	s23 =	simm.s32 $0xC080  }
0x311: {  	s22 =	simm.s32 $0xE100;
	p1 =	por $0x0, $0x0;
	v4 =	vld [tilespmem:s23+$0x0];
	s23 =	sadd.s32 $0xFFFFFFFF, s20  }
0x312: {  	_ =	sdelay $0x3  }
0x313: {  	v4 =	vadd.s32 $0x1800, v4;
	_ =	sdelay $0x2  }
0x314: {  	v5 =	vld [tilespmem:s21+$0x0]  }
0x315: {  	v6 =	vld [tilespmem:s22+$0x0]  }
0x316: {  	v4 =	vld.idx.msk [tilespmem:v4+s6+$0x0], $0xffff;
	_ =	sdelay $0x2  }
0x317: {  	p2 =	seq.s32 s23, $0x1  }
.Ltmp76:
0x318: {  	_ = 	snop;
	(pc) =	sbr.rel @p2 .LBB2_119-.Ltmp76, $3  }
0x319: {  	v4 =	vmul.f32 v6, v4;
	_ =	sdelay $0x1  }
0x31a: {  	s25 =	simm.s32 $0xC090;
	s26 =	sadd.s32 $0xFFFFFFFF, s23;
	[tilespmem:v5+s14+$0x0] =	vst.idx.add.f32.msk $0xffff, v4  }
0x31b: {  	p1 =	por $0x1, $0x1;
	s23 =	simm.s32 $0xA000;
	s24 =	simm.s32 $0xE100;
	v4 =	vld [tilespmem:s25+$0x0]  }
.LBB2_120:
0x31c: {  	p2 =	seq.s32 s26, $0x1;
	_ =	sdelay $0x3  }
0x31d: {  	v4 =	vadd.s32 $0x1800, v4;
	_ =	sdelay $0x2  }
0x31e: {  	s23 =	sadd.s32 $0x10, s23  }
0x31f: {  	v5 =	vld [tilespmem:s23+$0x0]  }
0x320: {  	s24 =	sadd.s32 $0x10, s24;
	v4 =	vld.idx.msk [tilespmem:v4+s6+$0x0], $0xffff  }
0x321: {  	v6 =	vld [tilespmem:s24+$0x0];
	_ =	sdelay $0x3  }
.Ltmp77:
0x322: {  	(pc) =	sbr.rel @!p2 .LBB2_120-.Ltmp77, $3  }
0x323: {  	v4 =	vmul.f32 v6, v4;
	_ =	sdelay $0x1  }
0x324: {  	s25 =	sadd.s32 $0x10, s25;
	[tilespmem:v5+s14+$0x0] =	vst.idx.add.f32.msk $0xffff, v4  }
0x325: {  	s26 =	sadd.s32 $0xFFFFFFFF, s26;
	v4 =	vld [tilespmem:s25+$0x0]  }
.LBB2_121:
0x326: {  	_ =	sdelay $0x3  }
0x327: {  	s23 =	sadd.s32 @p1 $0x10, s23;
	v4 =	vadd.s32 $0x1800, v4  }
0x328: {  	s21 =	smov.u32 @p1 s23  }
0x329: {  	v5 =	vld [tilespmem:s21+$0x0];
	s21 =	sadd.s32 @p1 $0x10, s24  }
0x32a: {  	s22 =	smov.u32 @p1 s21  }
0x32b: {  	v6 =	vld [tilespmem:s22+$0x0]  }
0x32c: {  	v4 =	vld.idx.msk [tilespmem:v4+s6+$0x0], $0xffff;
	_ =	sdelay $0x2  }
.Ltmp78:
0x32d: {  	_ = 	snop;
	(pc) =	sbr.rel .LBB2_123-.Ltmp78, $3  }
0x32e: {  	_ = 	snop  }
0x32f: {  	v4 =	vmul.f32 v6, v4;
	_ =	sdelay $0x1  }
0x330: {  	[tilespmem:v5+s14+$0x0] =	vst.idx.add.f32.msk $0xffff, v4  }
.LBB2_131:
.Ltmp79:
0x331: {  	s21 =	rddreg [dreg:$0x11];
	(pc) =	sbr.rel .LBB2_132-.Ltmp79, $4  }
0x332: {  	[hbm4b:s21+s15] =	stream.strided.scatter [tilespmem:s14], [sflag:$0x1], $0x6000, s16, s15, $0x38;
	[tilespmem:$0x1C180] =	vst v63  }
0x333: {  	_ =	swait.ge [sflag:s18], $0x6000  }
0x334: {  	[sflag:s18] =	ssyncset.done $0x0  }
0x335: {  	[sflag:s18] =	ssyncadd.s32 $0xFFFFA000  }
.LBB2_122:
0x336: {  	s21 =	rddreg [dreg:$0x10]  }
0x337: {  	[hbm4b:s21+s15] =	stream.strided.scatter [tilespmem:s17], [sflag:$0x2], $0x6000, s16, s15, $0x38;
	[tilespmem:$0x1C180] =	vst v63  }
0x338: {  	_ =	swait.ge [sflag:s10], $0x6000  }
0x339: {  	[sflag:s10] =	ssyncset.done $0x0  }
0x33a: {  	[sflag:s10] =	ssyncadd.s32 $0xFFFFA000  }
.LBB2_123:
.Ltmp80:
0x33b: {  	s21 =	rddreg [dreg:$0x11];
	(pc) =	sbr.rel @p0 .LBB2_140-.Ltmp80, $4  }
0x33c: {  	[hbm4b:s21+s15] =	stream.strided.scatter [tilespmem:s14], [sflag:$0x1], $0x6000, s16, s15, $0x38;
	[tilespmem:$0x1C180] =	vst v63  }
0x33d: {  	_ =	swait.ge [sflag:s18], $0x6000  }
0x33e: {  	s22 =	simm.s32 $0xA000;
	[sflag:s18] =	ssyncset.done $0x0  }
0x33f: {  	s23 =	smov.u32 s20;
	s21 =	simm.s32 $0xA000;
	[sflag:s18] =	ssyncadd.s32 $0xFFFFA000  }
.LBB2_124:
0x340: {  	v4 =	vld [tilespmem:s22+$0x0];
	_ =	sdelay $0x2  }
0x341: {  	p1 =	sne.s32 s23, $0x1  }
.Ltmp81:
0x342: {  	_ = 	snop;
	(pc) =	sbr.rel @p1 .LBB2_124-.Ltmp81, $2  }
0x343: {  	_ =	sdelay $0x2  }
0x344: {  	s22 =	sadd.s32 $0x10, s22;
	s23 =	sadd.s32 $0xFFFFFFFF, s23;
	[tilespmem:v4+s17+$0x0] =	vst.idx.msk $0xffff, v1  }
0x345: {  	p2 =	seq.s32 s20, $0x1  }
.Ltmp82:
0x346: {  	_ = 	snop;
	(pc) =	sbr.rel @p2 .LBB2_126-.Ltmp82, $3  }
0x347: {  	_ =	sdelay $0x1  }
0x348: {  	s23 =	simm.s32 $0xC080  }
0x349: {  	s22 =	simm.s32 $0xE100;
	p1 =	por $0x0, $0x0;
	v4 =	vld [tilespmem:s23+$0x0];
	s23 =	sadd.s32 $0xFFFFFFFF, s20  }
0x34a: {  	_ =	sdelay $0x3  }
0x34b: {  	v4 =	vadd.s32 $0x1A00, v4;
	_ =	sdelay $0x2  }
0x34c: {  	v5 =	vld [tilespmem:s21+$0x0]  }
0x34d: {  	v6 =	vld [tilespmem:s22+$0x0]  }
0x34e: {  	v4 =	vld.idx.msk [tilespmem:v4+s6+$0x0], $0xffff;
	_ =	sdelay $0x2  }
0x34f: {  	p2 =	seq.s32 s23, $0x1  }
.Ltmp83:
0x350: {  	_ = 	snop;
	(pc) =	sbr.rel @p2 .LBB2_128-.Ltmp83, $3  }
0x351: {  	v4 =	vmul.f32 v6, v4;
	_ =	sdelay $0x1  }
0x352: {  	s25 =	simm.s32 $0xC090;
	s26 =	sadd.s32 $0xFFFFFFFF, s23;
	[tilespmem:v5+s17+$0x0] =	vst.idx.add.f32.msk $0xffff, v4  }
0x353: {  	p1 =	por $0x1, $0x1;
	s23 =	simm.s32 $0xA000;
	s24 =	simm.s32 $0xE100;
	v4 =	vld [tilespmem:s25+$0x0]  }
.LBB2_129:
0x354: {  	p2 =	seq.s32 s26, $0x1;
	_ =	sdelay $0x3  }
0x355: {  	v4 =	vadd.s32 $0x1A00, v4;
	_ =	sdelay $0x2  }
0x356: {  	s23 =	sadd.s32 $0x10, s23  }
0x357: {  	v5 =	vld [tilespmem:s23+$0x0]  }
0x358: {  	s24 =	sadd.s32 $0x10, s24;
	v4 =	vld.idx.msk [tilespmem:v4+s6+$0x0], $0xffff  }
0x359: {  	v6 =	vld [tilespmem:s24+$0x0];
	_ =	sdelay $0x3  }
.Ltmp84:
0x35a: {  	(pc) =	sbr.rel @!p2 .LBB2_129-.Ltmp84, $3  }
0x35b: {  	v4 =	vmul.f32 v6, v4;
	_ =	sdelay $0x1  }
0x35c: {  	s25 =	sadd.s32 $0x10, s25;
	[tilespmem:v5+s17+$0x0] =	vst.idx.add.f32.msk $0xffff, v4  }
0x35d: {  	s26 =	sadd.s32 $0xFFFFFFFF, s26;
	v4 =	vld [tilespmem:s25+$0x0]  }
.LBB2_130:
0x35e: {  	_ =	sdelay $0x3  }
0x35f: {  	s23 =	sadd.s32 @p1 $0x10, s23;
	v4 =	vadd.s32 $0x1A00, v4  }
0x360: {  	s21 =	smov.u32 @p1 s23  }
0x361: {  	v5 =	vld [tilespmem:s21+$0x0];
	s21 =	sadd.s32 @p1 $0x10, s24  }
0x362: {  	s22 =	smov.u32 @p1 s21  }
0x363: {  	v6 =	vld [tilespmem:s22+$0x0]  }
0x364: {  	v4 =	vld.idx.msk [tilespmem:v4+s6+$0x0], $0xffff;
	_ =	sdelay $0x4  }
0x365: {  	v4 =	vmul.f32 v6, v4;
	_ =	sdelay $0x1  }
0x366: {  	[tilespmem:v5+s17+$0x0] =	vst.idx.add.f32.msk $0xffff, v4  }
.LBB2_132:
.Ltmp85:
0x367: {  	s21 =	rddreg [dreg:$0x12];
	(pc) =	sbr.rel @p0 .LBB2_149-.Ltmp85, $4  }
0x368: {  	[hbm4b:s21+s15] =	stream.strided.scatter [tilespmem:s17], [sflag:$0x2], $0x6000, s16, s15, $0x38;
	[tilespmem:$0x1C180] =	vst v63  }
0x369: {  	_ =	swait.ge [sflag:s10], $0x6000  }
0x36a: {  	s22 =	simm.s32 $0xA000;
	[sflag:s10] =	ssyncset.done $0x0  }
0x36b: {  	s23 =	smov.u32 s20;
	s21 =	simm.s32 $0xA000;
	[sflag:s10] =	ssyncadd.s32 $0xFFFFA000  }
.LBB2_133:
0x36c: {  	v4 =	vld [tilespmem:s22+$0x0];
	_ =	sdelay $0x2  }
0x36d: {  	p1 =	sne.s32 s23, $0x1  }
.Ltmp86:
0x36e: {  	_ = 	snop;
	(pc) =	sbr.rel @p1 .LBB2_133-.Ltmp86, $2  }
0x36f: {  	_ =	sdelay $0x2  }
0x370: {  	s22 =	sadd.s32 $0x10, s22;
	s23 =	sadd.s32 $0xFFFFFFFF, s23;
	[tilespmem:v4+s14+$0x0] =	vst.idx.msk $0xffff, v1  }
0x371: {  	p2 =	seq.s32 s20, $0x1  }
.Ltmp87:
0x372: {  	_ = 	snop;
	(pc) =	sbr.rel @p2 .LBB2_135-.Ltmp87, $3  }
0x373: {  	_ =	sdelay $0x1  }
0x374: {  	s23 =	simm.s32 $0xC080  }
0x375: {  	s22 =	simm.s32 $0xE100;
	p1 =	por $0x0, $0x0;
	v4 =	vld [tilespmem:s23+$0x0];
	s23 =	sadd.s32 $0xFFFFFFFF, s20  }
0x376: {  	_ =	sdelay $0x3  }
0x377: {  	v4 =	vadd.s32 $0x1C00, v4;
	_ =	sdelay $0x2  }
0x378: {  	v5 =	vld [tilespmem:s21+$0x0]  }
0x379: {  	v6 =	vld [tilespmem:s22+$0x0]  }
0x37a: {  	v4 =	vld.idx.msk [tilespmem:v4+s6+$0x0], $0xffff;
	_ =	sdelay $0x2  }
0x37b: {  	p2 =	seq.s32 s23, $0x1  }
.Ltmp88:
0x37c: {  	_ = 	snop;
	(pc) =	sbr.rel @p2 .LBB2_137-.Ltmp88, $3  }
0x37d: {  	v4 =	vmul.f32 v6, v4;
	_ =	sdelay $0x1  }
0x37e: {  	s25 =	simm.s32 $0xC090;
	s26 =	sadd.s32 $0xFFFFFFFF, s23;
	[tilespmem:v5+s14+$0x0] =	vst.idx.add.f32.msk $0xffff, v4  }
0x37f: {  	p1 =	por $0x1, $0x1;
	s23 =	simm.s32 $0xA000;
	s24 =	simm.s32 $0xE100;
	v4 =	vld [tilespmem:s25+$0x0]  }
.LBB2_138:
0x380: {  	p2 =	seq.s32 s26, $0x1;
	_ =	sdelay $0x3  }
0x381: {  	v4 =	vadd.s32 $0x1C00, v4;
	_ =	sdelay $0x2  }
0x382: {  	s23 =	sadd.s32 $0x10, s23  }
0x383: {  	v5 =	vld [tilespmem:s23+$0x0]  }
0x384: {  	s24 =	sadd.s32 $0x10, s24;
	v4 =	vld.idx.msk [tilespmem:v4+s6+$0x0], $0xffff  }
0x385: {  	v6 =	vld [tilespmem:s24+$0x0];
	_ =	sdelay $0x3  }
.Ltmp89:
0x386: {  	(pc) =	sbr.rel @!p2 .LBB2_138-.Ltmp89, $3  }
0x387: {  	v4 =	vmul.f32 v6, v4;
	_ =	sdelay $0x1  }
0x388: {  	s25 =	sadd.s32 $0x10, s25;
	[tilespmem:v5+s14+$0x0] =	vst.idx.add.f32.msk $0xffff, v4  }
0x389: {  	s26 =	sadd.s32 $0xFFFFFFFF, s26;
	v4 =	vld [tilespmem:s25+$0x0]  }
.LBB2_139:
0x38a: {  	_ =	sdelay $0x3  }
0x38b: {  	s23 =	sadd.s32 @p1 $0x10, s23;
	v4 =	vadd.s32 $0x1C00, v4  }
0x38c: {  	s21 =	smov.u32 @p1 s23  }
0x38d: {  	v5 =	vld [tilespmem:s21+$0x0];
	s21 =	sadd.s32 @p1 $0x10, s24  }
0x38e: {  	s22 =	smov.u32 @p1 s21  }
0x38f: {  	v6 =	vld [tilespmem:s22+$0x0]  }
0x390: {  	v4 =	vld.idx.msk [tilespmem:v4+s6+$0x0], $0xffff;
	_ =	sdelay $0x2  }
.Ltmp90:
0x391: {  	_ = 	snop;
	(pc) =	sbr.rel .LBB2_141-.Ltmp90, $3  }
0x392: {  	_ = 	snop  }
0x393: {  	v4 =	vmul.f32 v6, v4;
	_ =	sdelay $0x1  }
0x394: {  	[tilespmem:v5+s14+$0x0] =	vst.idx.add.f32.msk $0xffff, v4  }
.LBB2_149:
.Ltmp91:
0x395: {  	s21 =	rddreg [dreg:$0x13];
	(pc) =	sbr.rel .LBB2_150-.Ltmp91, $4  }
0x396: {  	[hbm4b:s21+s15] =	stream.strided.scatter [tilespmem:s14], [sflag:$0x1], $0x6000, s16, s15, $0x38;
	[tilespmem:$0x1C180] =	vst v63  }
0x397: {  	_ =	swait.ge [sflag:s18], $0x6000  }
0x398: {  	[sflag:s18] =	ssyncset.done $0x0  }
0x399: {  	[sflag:s18] =	ssyncadd.s32 $0xFFFFA000  }
.LBB2_140:
0x39a: {  	s21 =	rddreg [dreg:$0x12]  }
0x39b: {  	[hbm4b:s21+s15] =	stream.strided.scatter [tilespmem:s17], [sflag:$0x2], $0x6000, s16, s15, $0x38;
	[tilespmem:$0x1C180] =	vst v63  }
0x39c: {  	_ =	swait.ge [sflag:s10], $0x6000  }
0x39d: {  	[sflag:s10] =	ssyncset.done $0x0  }
0x39e: {  	[sflag:s10] =	ssyncadd.s32 $0xFFFFA000  }
.LBB2_141:
.Ltmp92:
0x39f: {  	s21 =	rddreg [dreg:$0x13];
	(pc) =	sbr.rel @p0 .LBB2_158-.Ltmp92, $4  }
0x3a0: {  	[hbm4b:s21+s15] =	stream.strided.scatter [tilespmem:s14], [sflag:$0x1], $0x6000, s16, s15, $0x38;
	[tilespmem:$0x1C180] =	vst v63  }
0x3a1: {  	_ =	swait.ge [sflag:s18], $0x6000  }
0x3a2: {  	s22 =	simm.s32 $0xA000;
	[sflag:s18] =	ssyncset.done $0x0  }
0x3a3: {  	s23 =	smov.u32 s20;
	s21 =	simm.s32 $0xA000;
	[sflag:s18] =	ssyncadd.s32 $0xFFFFA000  }
.LBB2_142:
0x3a4: {  	v4 =	vld [tilespmem:s22+$0x0];
	_ =	sdelay $0x2  }
0x3a5: {  	p1 =	sne.s32 s23, $0x1  }
.Ltmp93:
0x3a6: {  	_ = 	snop;
	(pc) =	sbr.rel @p1 .LBB2_142-.Ltmp93, $2  }
0x3a7: {  	_ =	sdelay $0x2  }
0x3a8: {  	s22 =	sadd.s32 $0x10, s22;
	s23 =	sadd.s32 $0xFFFFFFFF, s23;
	[tilespmem:v4+s17+$0x0] =	vst.idx.msk $0xffff, v1  }
0x3a9: {  	p2 =	seq.s32 s20, $0x1  }
.Ltmp94:
0x3aa: {  	_ = 	snop;
	(pc) =	sbr.rel @p2 .LBB2_144-.Ltmp94, $3  }
0x3ab: {  	_ =	sdelay $0x1  }
0x3ac: {  	s23 =	simm.s32 $0xC080  }
0x3ad: {  	s22 =	simm.s32 $0xE100;
	p1 =	por $0x0, $0x0;
	v4 =	vld [tilespmem:s23+$0x0];
	s23 =	sadd.s32 $0xFFFFFFFF, s20  }
0x3ae: {  	_ =	sdelay $0x3  }
0x3af: {  	v4 =	vadd.s32 $0x1E00, v4;
	_ =	sdelay $0x2  }
0x3b0: {  	v5 =	vld [tilespmem:s21+$0x0]  }
0x3b1: {  	v6 =	vld [tilespmem:s22+$0x0]  }
0x3b2: {  	v4 =	vld.idx.msk [tilespmem:v4+s6+$0x0], $0xffff;
	_ =	sdelay $0x2  }
0x3b3: {  	p2 =	seq.s32 s23, $0x1  }
.Ltmp95:
0x3b4: {  	_ = 	snop;
	(pc) =	sbr.rel @p2 .LBB2_146-.Ltmp95, $3  }
0x3b5: {  	v4 =	vmul.f32 v6, v4;
	_ =	sdelay $0x1  }
0x3b6: {  	s25 =	simm.s32 $0xC090;
	s26 =	sadd.s32 $0xFFFFFFFF, s23;
	[tilespmem:v5+s17+$0x0] =	vst.idx.add.f32.msk $0xffff, v4  }
0x3b7: {  	p1 =	por $0x1, $0x1;
	s23 =	simm.s32 $0xA000;
	s24 =	simm.s32 $0xE100;
	v4 =	vld [tilespmem:s25+$0x0]  }
.LBB2_147:
0x3b8: {  	p2 =	seq.s32 s26, $0x1;
	_ =	sdelay $0x3  }
0x3b9: {  	v4 =	vadd.s32 $0x1E00, v4;
	_ =	sdelay $0x2  }
0x3ba: {  	s23 =	sadd.s32 $0x10, s23  }
0x3bb: {  	v5 =	vld [tilespmem:s23+$0x0]  }
0x3bc: {  	s24 =	sadd.s32 $0x10, s24;
	v4 =	vld.idx.msk [tilespmem:v4+s6+$0x0], $0xffff  }
0x3bd: {  	v6 =	vld [tilespmem:s24+$0x0];
	_ =	sdelay $0x3  }
.Ltmp96:
0x3be: {  	(pc) =	sbr.rel @!p2 .LBB2_147-.Ltmp96, $3  }
0x3bf: {  	v4 =	vmul.f32 v6, v4;
	_ =	sdelay $0x1  }
0x3c0: {  	s25 =	sadd.s32 $0x10, s25;
	[tilespmem:v5+s17+$0x0] =	vst.idx.add.f32.msk $0xffff, v4  }
0x3c1: {  	s26 =	sadd.s32 $0xFFFFFFFF, s26;
	v4 =	vld [tilespmem:s25+$0x0]  }
.LBB2_148:
0x3c2: {  	_ =	sdelay $0x3  }
0x3c3: {  	s23 =	sadd.s32 @p1 $0x10, s23;
	v4 =	vadd.s32 $0x1E00, v4  }
0x3c4: {  	s21 =	smov.u32 @p1 s23  }
0x3c5: {  	v5 =	vld [tilespmem:s21+$0x0];
	s21 =	sadd.s32 @p1 $0x10, s24  }
0x3c6: {  	s22 =	smov.u32 @p1 s21  }
0x3c7: {  	v6 =	vld [tilespmem:s22+$0x0]  }
0x3c8: {  	v4 =	vld.idx.msk [tilespmem:v4+s6+$0x0], $0xffff;
	_ =	sdelay $0x4  }
0x3c9: {  	v4 =	vmul.f32 v6, v4;
	_ =	sdelay $0x1  }
0x3ca: {  	[tilespmem:v5+s17+$0x0] =	vst.idx.add.f32.msk $0xffff, v4  }
.LBB2_150:
.Ltmp97:
0x3cb: {  	s21 =	rddreg [dreg:$0x14];
	(pc) =	sbr.rel @p0 .LBB2_167-.Ltmp97, $4  }
0x3cc: {  	[hbm4b:s21+s15] =	stream.strided.scatter [tilespmem:s17], [sflag:$0x2], $0x6000, s16, s15, $0x38;
	[tilespmem:$0x1C180] =	vst v63  }
0x3cd: {  	_ =	swait.ge [sflag:s10], $0x6000  }
0x3ce: {  	s22 =	simm.s32 $0xA000;
	[sflag:s10] =	ssyncset.done $0x0  }
0x3cf: {  	s23 =	smov.u32 s20;
	s21 =	simm.s32 $0xA000;
	[sflag:s10] =	ssyncadd.s32 $0xFFFFA000  }
.LBB2_151:
0x3d0: {  	v4 =	vld [tilespmem:s22+$0x0];
	_ =	sdelay $0x2  }
0x3d1: {  	p1 =	sne.s32 s23, $0x1  }
.Ltmp98:
0x3d2: {  	_ = 	snop;
	(pc) =	sbr.rel @p1 .LBB2_151-.Ltmp98, $2  }
0x3d3: {  	_ =	sdelay $0x2  }
0x3d4: {  	s22 =	sadd.s32 $0x10, s22;
	s23 =	sadd.s32 $0xFFFFFFFF, s23;
	[tilespmem:v4+s14+$0x0] =	vst.idx.msk $0xffff, v1  }
0x3d5: {  	p2 =	seq.s32 s20, $0x1  }
.Ltmp99:
0x3d6: {  	_ = 	snop;
	(pc) =	sbr.rel @p2 .LBB2_153-.Ltmp99, $3  }
0x3d7: {  	_ =	sdelay $0x1  }
0x3d8: {  	s23 =	simm.s32 $0xC080  }
0x3d9: {  	s22 =	simm.s32 $0xE100;
	p1 =	por $0x0, $0x0;
	v4 =	vld [tilespmem:s23+$0x0];
	s23 =	sadd.s32 $0xFFFFFFFF, s20  }
0x3da: {  	_ =	sdelay $0x3  }
0x3db: {  	v4 =	vadd.s32 $0x2000, v4;
	_ =	sdelay $0x2  }
0x3dc: {  	v5 =	vld [tilespmem:s21+$0x0]  }
0x3dd: {  	v6 =	vld [tilespmem:s22+$0x0]  }
0x3de: {  	v4 =	vld.idx.msk [tilespmem:v4+s6+$0x0], $0xffff;
	_ =	sdelay $0x2  }
0x3df: {  	p2 =	seq.s32 s23, $0x1  }
.Ltmp100:
0x3e0: {  	_ = 	snop;
	(pc) =	sbr.rel @p2 .LBB2_155-.Ltmp100, $3  }
0x3e1: {  	v4 =	vmul.f32 v6, v4;
	_ =	sdelay $0x1  }
0x3e2: {  	s25 =	simm.s32 $0xC090;
	s26 =	sadd.s32 $0xFFFFFFFF, s23;
	[tilespmem:v5+s14+$0x0] =	vst.idx.add.f32.msk $0xffff, v4  }
0x3e3: {  	p1 =	por $0x1, $0x1;
	s23 =	simm.s32 $0xA000;
	s24 =	simm.s32 $0xE100;
	v4 =	vld [tilespmem:s25+$0x0]  }
.LBB2_156:
0x3e4: {  	p2 =	seq.s32 s26, $0x1;
	_ =	sdelay $0x3  }
0x3e5: {  	v4 =	vadd.s32 $0x2000, v4;
	_ =	sdelay $0x2  }
0x3e6: {  	s23 =	sadd.s32 $0x10, s23  }
0x3e7: {  	v5 =	vld [tilespmem:s23+$0x0]  }
0x3e8: {  	s24 =	sadd.s32 $0x10, s24;
	v4 =	vld.idx.msk [tilespmem:v4+s6+$0x0], $0xffff  }
0x3e9: {  	v6 =	vld [tilespmem:s24+$0x0];
	_ =	sdelay $0x3  }
.Ltmp101:
0x3ea: {  	(pc) =	sbr.rel @!p2 .LBB2_156-.Ltmp101, $3  }
0x3eb: {  	v4 =	vmul.f32 v6, v4;
	_ =	sdelay $0x1  }
0x3ec: {  	s25 =	sadd.s32 $0x10, s25;
	[tilespmem:v5+s14+$0x0] =	vst.idx.add.f32.msk $0xffff, v4  }
0x3ed: {  	s26 =	sadd.s32 $0xFFFFFFFF, s26;
	v4 =	vld [tilespmem:s25+$0x0]  }
.LBB2_157:
0x3ee: {  	_ =	sdelay $0x3  }
0x3ef: {  	s23 =	sadd.s32 @p1 $0x10, s23;
	v4 =	vadd.s32 $0x2000, v4  }
0x3f0: {  	s21 =	smov.u32 @p1 s23  }
0x3f1: {  	v5 =	vld [tilespmem:s21+$0x0];
	s21 =	sadd.s32 @p1 $0x10, s24  }
0x3f2: {  	s22 =	smov.u32 @p1 s21  }
0x3f3: {  	v6 =	vld [tilespmem:s22+$0x0]  }
0x3f4: {  	v4 =	vld.idx.msk [tilespmem:v4+s6+$0x0], $0xffff;
	_ =	sdelay $0x2  }
.Ltmp102:
0x3f5: {  	_ = 	snop;
	(pc) =	sbr.rel .LBB2_159-.Ltmp102, $3  }
0x3f6: {  	_ = 	snop  }
0x3f7: {  	v4 =	vmul.f32 v6, v4;
	_ =	sdelay $0x1  }
0x3f8: {  	[tilespmem:v5+s14+$0x0] =	vst.idx.add.f32.msk $0xffff, v4  }
.LBB2_167:
.Ltmp103:
0x3f9: {  	s21 =	rddreg [dreg:$0x15];
	(pc) =	sbr.rel .LBB2_168-.Ltmp103, $4  }
0x3fa: {  	[hbm4b:s21+s15] =	stream.strided.scatter [tilespmem:s14], [sflag:$0x1], $0x6000, s16, s15, $0x38;
	[tilespmem:$0x1C180] =	vst v63  }
0x3fb: {  	_ =	swait.ge [sflag:s18], $0x6000  }
0x3fc: {  	[sflag:s18] =	ssyncset.done $0x0  }
0x3fd: {  	[sflag:s18] =	ssyncadd.s32 $0xFFFFA000  }
.LBB2_158:
0x3fe: {  	s21 =	rddreg [dreg:$0x14]  }
0x3ff: {  	[hbm4b:s21+s15] =	stream.strided.scatter [tilespmem:s17], [sflag:$0x2], $0x6000, s16, s15, $0x38;
	[tilespmem:$0x1C180] =	vst v63  }
0x400: {  	_ =	swait.ge [sflag:s10], $0x6000  }
0x401: {  	[sflag:s10] =	ssyncset.done $0x0  }
0x402: {  	[sflag:s10] =	ssyncadd.s32 $0xFFFFA000  }
.LBB2_159:
.Ltmp104:
0x403: {  	s21 =	rddreg [dreg:$0x15];
	(pc) =	sbr.rel @p0 .LBB2_176-.Ltmp104, $4  }
0x404: {  	[hbm4b:s21+s15] =	stream.strided.scatter [tilespmem:s14], [sflag:$0x1], $0x6000, s16, s15, $0x38;
	[tilespmem:$0x1C180] =	vst v63  }
0x405: {  	_ =	swait.ge [sflag:s18], $0x6000  }
0x406: {  	s22 =	simm.s32 $0xA000;
	[sflag:s18] =	ssyncset.done $0x0  }
0x407: {  	s23 =	smov.u32 s20;
	s21 =	simm.s32 $0xA000;
	[sflag:s18] =	ssyncadd.s32 $0xFFFFA000  }
.LBB2_160:
0x408: {  	v4 =	vld [tilespmem:s22+$0x0];
	_ =	sdelay $0x2  }
0x409: {  	p1 =	sne.s32 s23, $0x1  }
.Ltmp105:
0x40a: {  	_ = 	snop;
	(pc) =	sbr.rel @p1 .LBB2_160-.Ltmp105, $2  }
0x40b: {  	_ =	sdelay $0x2  }
0x40c: {  	s22 =	sadd.s32 $0x10, s22;
	s23 =	sadd.s32 $0xFFFFFFFF, s23;
	[tilespmem:v4+s17+$0x0] =	vst.idx.msk $0xffff, v1  }
0x40d: {  	p2 =	seq.s32 s20, $0x1  }
.Ltmp106:
0x40e: {  	_ = 	snop;
	(pc) =	sbr.rel @p2 .LBB2_162-.Ltmp106, $3  }
0x40f: {  	_ =	sdelay $0x1  }
0x410: {  	s23 =	simm.s32 $0xC080  }
0x411: {  	s22 =	simm.s32 $0xE100;
	p1 =	por $0x0, $0x0;
	v4 =	vld [tilespmem:s23+$0x0];
	s23 =	sadd.s32 $0xFFFFFFFF, s20  }
0x412: {  	_ =	sdelay $0x3  }
0x413: {  	v4 =	vadd.s32 $0x2200, v4;
	_ =	sdelay $0x2  }
0x414: {  	v5 =	vld [tilespmem:s21+$0x0]  }
0x415: {  	v6 =	vld [tilespmem:s22+$0x0]  }
0x416: {  	v4 =	vld.idx.msk [tilespmem:v4+s6+$0x0], $0xffff;
	_ =	sdelay $0x2  }
0x417: {  	p2 =	seq.s32 s23, $0x1  }
.Ltmp107:
0x418: {  	_ = 	snop;
	(pc) =	sbr.rel @p2 .LBB2_164-.Ltmp107, $3  }
0x419: {  	v4 =	vmul.f32 v6, v4;
	_ =	sdelay $0x1  }
0x41a: {  	s25 =	simm.s32 $0xC090;
	s26 =	sadd.s32 $0xFFFFFFFF, s23;
	[tilespmem:v5+s17+$0x0] =	vst.idx.add.f32.msk $0xffff, v4  }
0x41b: {  	p1 =	por $0x1, $0x1;
	s23 =	simm.s32 $0xA000;
	s24 =	simm.s32 $0xE100;
	v4 =	vld [tilespmem:s25+$0x0]  }
.LBB2_165:
0x41c: {  	p2 =	seq.s32 s26, $0x1;
	_ =	sdelay $0x3  }
0x41d: {  	v4 =	vadd.s32 $0x2200, v4;
	_ =	sdelay $0x2  }
0x41e: {  	s23 =	sadd.s32 $0x10, s23  }
0x41f: {  	v5 =	vld [tilespmem:s23+$0x0]  }
0x420: {  	s24 =	sadd.s32 $0x10, s24;
	v4 =	vld.idx.msk [tilespmem:v4+s6+$0x0], $0xffff  }
0x421: {  	v6 =	vld [tilespmem:s24+$0x0];
	_ =	sdelay $0x3  }
.Ltmp108:
0x422: {  	(pc) =	sbr.rel @!p2 .LBB2_165-.Ltmp108, $3  }
0x423: {  	v4 =	vmul.f32 v6, v4;
	_ =	sdelay $0x1  }
0x424: {  	s25 =	sadd.s32 $0x10, s25;
	[tilespmem:v5+s17+$0x0] =	vst.idx.add.f32.msk $0xffff, v4  }
0x425: {  	s26 =	sadd.s32 $0xFFFFFFFF, s26;
	v4 =	vld [tilespmem:s25+$0x0]  }
.LBB2_166:
0x426: {  	_ =	sdelay $0x3  }
0x427: {  	s23 =	sadd.s32 @p1 $0x10, s23;
	v4 =	vadd.s32 $0x2200, v4  }
0x428: {  	s21 =	smov.u32 @p1 s23  }
0x429: {  	v5 =	vld [tilespmem:s21+$0x0];
	s21 =	sadd.s32 @p1 $0x10, s24  }
0x42a: {  	s22 =	smov.u32 @p1 s21  }
0x42b: {  	v6 =	vld [tilespmem:s22+$0x0]  }
0x42c: {  	v4 =	vld.idx.msk [tilespmem:v4+s6+$0x0], $0xffff;
	_ =	sdelay $0x4  }
0x42d: {  	v4 =	vmul.f32 v6, v4;
	_ =	sdelay $0x1  }
0x42e: {  	[tilespmem:v5+s17+$0x0] =	vst.idx.add.f32.msk $0xffff, v4  }
.LBB2_168:
.Ltmp109:
0x42f: {  	s21 =	rddreg [dreg:$0x16];
	(pc) =	sbr.rel @p0 .LBB2_185-.Ltmp109, $4  }
0x430: {  	[hbm4b:s21+s15] =	stream.strided.scatter [tilespmem:s17], [sflag:$0x2], $0x6000, s16, s15, $0x38;
	[tilespmem:$0x1C180] =	vst v63  }
0x431: {  	_ =	swait.ge [sflag:s10], $0x6000  }
0x432: {  	s22 =	simm.s32 $0xA000;
	[sflag:s10] =	ssyncset.done $0x0  }
0x433: {  	s23 =	smov.u32 s20;
	s21 =	simm.s32 $0xA000;
	[sflag:s10] =	ssyncadd.s32 $0xFFFFA000  }
.LBB2_169:
0x434: {  	v4 =	vld [tilespmem:s22+$0x0];
	_ =	sdelay $0x2  }
0x435: {  	p1 =	sne.s32 s23, $0x1  }
.Ltmp110:
0x436: {  	_ = 	snop;
	(pc) =	sbr.rel @p1 .LBB2_169-.Ltmp110, $2  }
0x437: {  	_ =	sdelay $0x2  }
0x438: {  	s22 =	sadd.s32 $0x10, s22;
	s23 =	sadd.s32 $0xFFFFFFFF, s23;
	[tilespmem:v4+s14+$0x0] =	vst.idx.msk $0xffff, v1  }
0x439: {  	p2 =	seq.s32 s20, $0x1  }
.Ltmp111:
0x43a: {  	_ = 	snop;
	(pc) =	sbr.rel @p2 .LBB2_171-.Ltmp111, $3  }
0x43b: {  	_ =	sdelay $0x1  }
0x43c: {  	s23 =	simm.s32 $0xC080  }
0x43d: {  	s22 =	simm.s32 $0xE100;
	p1 =	por $0x0, $0x0;
	v4 =	vld [tilespmem:s23+$0x0];
	s23 =	sadd.s32 $0xFFFFFFFF, s20  }
0x43e: {  	_ =	sdelay $0x3  }
0x43f: {  	v4 =	vadd.s32 $0x2400, v4;
	_ =	sdelay $0x2  }
0x440: {  	v5 =	vld [tilespmem:s21+$0x0]  }
0x441: {  	v6 =	vld [tilespmem:s22+$0x0]  }
0x442: {  	v4 =	vld.idx.msk [tilespmem:v4+s6+$0x0], $0xffff;
	_ =	sdelay $0x2  }
0x443: {  	p2 =	seq.s32 s23, $0x1  }
.Ltmp112:
0x444: {  	_ = 	snop;
	(pc) =	sbr.rel @p2 .LBB2_173-.Ltmp112, $3  }
0x445: {  	v4 =	vmul.f32 v6, v4;
	_ =	sdelay $0x1  }
0x446: {  	s25 =	simm.s32 $0xC090;
	s26 =	sadd.s32 $0xFFFFFFFF, s23;
	[tilespmem:v5+s14+$0x0] =	vst.idx.add.f32.msk $0xffff, v4  }
0x447: {  	p1 =	por $0x1, $0x1;
	s23 =	simm.s32 $0xA000;
	s24 =	simm.s32 $0xE100;
	v4 =	vld [tilespmem:s25+$0x0]  }
.LBB2_174:
0x448: {  	p2 =	seq.s32 s26, $0x1;
	_ =	sdelay $0x3  }
0x449: {  	v4 =	vadd.s32 $0x2400, v4;
	_ =	sdelay $0x2  }
0x44a: {  	s23 =	sadd.s32 $0x10, s23  }
0x44b: {  	v5 =	vld [tilespmem:s23+$0x0]  }
0x44c: {  	s24 =	sadd.s32 $0x10, s24;
	v4 =	vld.idx.msk [tilespmem:v4+s6+$0x0], $0xffff  }
0x44d: {  	v6 =	vld [tilespmem:s24+$0x0];
	_ =	sdelay $0x3  }
.Ltmp113:
0x44e: {  	(pc) =	sbr.rel @!p2 .LBB2_174-.Ltmp113, $3  }
0x44f: {  	v4 =	vmul.f32 v6, v4;
	_ =	sdelay $0x1  }
0x450: {  	s25 =	sadd.s32 $0x10, s25;
	[tilespmem:v5+s14+$0x0] =	vst.idx.add.f32.msk $0xffff, v4  }
0x451: {  	s26 =	sadd.s32 $0xFFFFFFFF, s26;
	v4 =	vld [tilespmem:s25+$0x0]  }
.LBB2_175:
0x452: {  	_ =	sdelay $0x3  }
0x453: {  	s23 =	sadd.s32 @p1 $0x10, s23;
	v4 =	vadd.s32 $0x2400, v4  }
0x454: {  	s21 =	smov.u32 @p1 s23  }
0x455: {  	v5 =	vld [tilespmem:s21+$0x0];
	s21 =	sadd.s32 @p1 $0x10, s24  }
0x456: {  	s22 =	smov.u32 @p1 s21  }
0x457: {  	v6 =	vld [tilespmem:s22+$0x0]  }
0x458: {  	v4 =	vld.idx.msk [tilespmem:v4+s6+$0x0], $0xffff;
	_ =	sdelay $0x2  }
.Ltmp114:
0x459: {  	_ = 	snop;
	(pc) =	sbr.rel .LBB2_177-.Ltmp114, $3  }
0x45a: {  	_ = 	snop  }
0x45b: {  	v4 =	vmul.f32 v6, v4;
	_ =	sdelay $0x1  }
0x45c: {  	[tilespmem:v5+s14+$0x0] =	vst.idx.add.f32.msk $0xffff, v4  }
.LBB2_185:
.Ltmp115:
0x45d: {  	s21 =	rddreg [dreg:$0x17];
	(pc) =	sbr.rel .LBB2_186-.Ltmp115, $4  }
0x45e: {  	[hbm4b:s21+s15] =	stream.strided.scatter [tilespmem:s14], [sflag:$0x1], $0x6000, s16, s15, $0x38;
	[tilespmem:$0x1C180] =	vst v63  }
0x45f: {  	_ =	swait.ge [sflag:s18], $0x6000  }
0x460: {  	[sflag:s18] =	ssyncset.done $0x0  }
0x461: {  	[sflag:s18] =	ssyncadd.s32 $0xFFFFA000  }
.LBB2_176:
0x462: {  	s21 =	rddreg [dreg:$0x16]  }
0x463: {  	[hbm4b:s21+s15] =	stream.strided.scatter [tilespmem:s17], [sflag:$0x2], $0x6000, s16, s15, $0x38;
	[tilespmem:$0x1C180] =	vst v63  }
0x464: {  	_ =	swait.ge [sflag:s10], $0x6000  }
0x465: {  	[sflag:s10] =	ssyncset.done $0x0  }
0x466: {  	[sflag:s10] =	ssyncadd.s32 $0xFFFFA000  }
.LBB2_177:
.Ltmp116:
0x467: {  	s21 =	rddreg [dreg:$0x17];
	(pc) =	sbr.rel @p0 .LBB2_194-.Ltmp116, $4  }
0x468: {  	[hbm4b:s21+s15] =	stream.strided.scatter [tilespmem:s14], [sflag:$0x1], $0x6000, s16, s15, $0x38;
	[tilespmem:$0x1C180] =	vst v63  }
0x469: {  	_ =	swait.ge [sflag:s18], $0x6000  }
0x46a: {  	s22 =	simm.s32 $0xA000;
	[sflag:s18] =	ssyncset.done $0x0  }
0x46b: {  	s23 =	smov.u32 s20;
	s21 =	simm.s32 $0xA000;
	[sflag:s18] =	ssyncadd.s32 $0xFFFFA000  }
.LBB2_178:
0x46c: {  	v4 =	vld [tilespmem:s22+$0x0];
	_ =	sdelay $0x2  }
0x46d: {  	p1 =	sne.s32 s23, $0x1  }
.Ltmp117:
0x46e: {  	_ = 	snop;
	(pc) =	sbr.rel @p1 .LBB2_178-.Ltmp117, $2  }
0x46f: {  	_ =	sdelay $0x2  }
0x470: {  	s22 =	sadd.s32 $0x10, s22;
	s23 =	sadd.s32 $0xFFFFFFFF, s23;
	[tilespmem:v4+s17+$0x0] =	vst.idx.msk $0xffff, v1  }
0x471: {  	p2 =	seq.s32 s20, $0x1  }
.Ltmp118:
0x472: {  	_ = 	snop;
	(pc) =	sbr.rel @p2 .LBB2_180-.Ltmp118, $3  }
0x473: {  	_ =	sdelay $0x1  }
0x474: {  	s23 =	simm.s32 $0xC080  }
0x475: {  	s22 =	simm.s32 $0xE100;
	p1 =	por $0x0, $0x0;
	v4 =	vld [tilespmem:s23+$0x0];
	s23 =	sadd.s32 $0xFFFFFFFF, s20  }
0x476: {  	_ =	sdelay $0x3  }
0x477: {  	v4 =	vadd.s32 $0x2600, v4;
	_ =	sdelay $0x2  }
0x478: {  	v5 =	vld [tilespmem:s21+$0x0]  }
0x479: {  	v6 =	vld [tilespmem:s22+$0x0]  }
0x47a: {  	v4 =	vld.idx.msk [tilespmem:v4+s6+$0x0], $0xffff;
	_ =	sdelay $0x2  }
0x47b: {  	p2 =	seq.s32 s23, $0x1  }
.Ltmp119:
0x47c: {  	_ = 	snop;
	(pc) =	sbr.rel @p2 .LBB2_182-.Ltmp119, $3  }
0x47d: {  	v4 =	vmul.f32 v6, v4;
	_ =	sdelay $0x1  }
0x47e: {  	s25 =	simm.s32 $0xC090;
	s26 =	sadd.s32 $0xFFFFFFFF, s23;
	[tilespmem:v5+s17+$0x0] =	vst.idx.add.f32.msk $0xffff, v4  }
0x47f: {  	p1 =	por $0x1, $0x1;
	s23 =	simm.s32 $0xA000;
	s24 =	simm.s32 $0xE100;
	v4 =	vld [tilespmem:s25+$0x0]  }
.LBB2_183:
0x480: {  	p2 =	seq.s32 s26, $0x1;
	_ =	sdelay $0x3  }
0x481: {  	v4 =	vadd.s32 $0x2600, v4;
	_ =	sdelay $0x2  }
0x482: {  	s23 =	sadd.s32 $0x10, s23  }
0x483: {  	v5 =	vld [tilespmem:s23+$0x0]  }
0x484: {  	s24 =	sadd.s32 $0x10, s24;
	v4 =	vld.idx.msk [tilespmem:v4+s6+$0x0], $0xffff  }
0x485: {  	v6 =	vld [tilespmem:s24+$0x0];
	_ =	sdelay $0x3  }
.Ltmp120:
0x486: {  	(pc) =	sbr.rel @!p2 .LBB2_183-.Ltmp120, $3  }
0x487: {  	v4 =	vmul.f32 v6, v4;
	_ =	sdelay $0x1  }
0x488: {  	s25 =	sadd.s32 $0x10, s25;
	[tilespmem:v5+s17+$0x0] =	vst.idx.add.f32.msk $0xffff, v4  }
0x489: {  	s26 =	sadd.s32 $0xFFFFFFFF, s26;
	v4 =	vld [tilespmem:s25+$0x0]  }
.LBB2_184:
0x48a: {  	_ =	sdelay $0x3  }
0x48b: {  	s23 =	sadd.s32 @p1 $0x10, s23;
	v4 =	vadd.s32 $0x2600, v4  }
0x48c: {  	s21 =	smov.u32 @p1 s23  }
0x48d: {  	v5 =	vld [tilespmem:s21+$0x0];
	s21 =	sadd.s32 @p1 $0x10, s24  }
0x48e: {  	s22 =	smov.u32 @p1 s21  }
0x48f: {  	v6 =	vld [tilespmem:s22+$0x0]  }
0x490: {  	v4 =	vld.idx.msk [tilespmem:v4+s6+$0x0], $0xffff;
	_ =	sdelay $0x4  }
0x491: {  	v4 =	vmul.f32 v6, v4;
	_ =	sdelay $0x1  }
0x492: {  	[tilespmem:v5+s17+$0x0] =	vst.idx.add.f32.msk $0xffff, v4  }
.LBB2_186:
.Ltmp121:
0x493: {  	s21 =	rddreg [dreg:$0x18];
	(pc) =	sbr.rel @p0 .LBB2_203-.Ltmp121, $4  }
0x494: {  	[hbm4b:s21+s15] =	stream.strided.scatter [tilespmem:s17], [sflag:$0x2], $0x6000, s16, s15, $0x38;
	[tilespmem:$0x1C180] =	vst v63  }
0x495: {  	_ =	swait.ge [sflag:s10], $0x6000  }
0x496: {  	s22 =	simm.s32 $0xA000;
	[sflag:s10] =	ssyncset.done $0x0  }
0x497: {  	s23 =	smov.u32 s20;
	s21 =	simm.s32 $0xA000;
	[sflag:s10] =	ssyncadd.s32 $0xFFFFA000  }
.LBB2_187:
0x498: {  	v4 =	vld [tilespmem:s22+$0x0];
	_ =	sdelay $0x2  }
0x499: {  	p1 =	sne.s32 s23, $0x1  }
.Ltmp122:
0x49a: {  	_ = 	snop;
	(pc) =	sbr.rel @p1 .LBB2_187-.Ltmp122, $2  }
0x49b: {  	_ =	sdelay $0x2  }
0x49c: {  	s22 =	sadd.s32 $0x10, s22;
	s23 =	sadd.s32 $0xFFFFFFFF, s23;
	[tilespmem:v4+s14+$0x0] =	vst.idx.msk $0xffff, v1  }
0x49d: {  	p2 =	seq.s32 s20, $0x1  }
.Ltmp123:
0x49e: {  	_ = 	snop;
	(pc) =	sbr.rel @p2 .LBB2_189-.Ltmp123, $3  }
0x49f: {  	_ =	sdelay $0x1  }
0x4a0: {  	s23 =	simm.s32 $0xC080  }
0x4a1: {  	s22 =	simm.s32 $0xE100;
	p1 =	por $0x0, $0x0;
	v4 =	vld [tilespmem:s23+$0x0];
	s23 =	sadd.s32 $0xFFFFFFFF, s20  }
0x4a2: {  	_ =	sdelay $0x3  }
0x4a3: {  	v4 =	vadd.s32 $0x2800, v4;
	_ =	sdelay $0x2  }
0x4a4: {  	v5 =	vld [tilespmem:s21+$0x0]  }
0x4a5: {  	v6 =	vld [tilespmem:s22+$0x0]  }
0x4a6: {  	v4 =	vld.idx.msk [tilespmem:v4+s6+$0x0], $0xffff;
	_ =	sdelay $0x2  }
0x4a7: {  	p2 =	seq.s32 s23, $0x1  }
.Ltmp124:
0x4a8: {  	_ = 	snop;
	(pc) =	sbr.rel @p2 .LBB2_191-.Ltmp124, $3  }
0x4a9: {  	v4 =	vmul.f32 v6, v4;
	_ =	sdelay $0x1  }
0x4aa: {  	s25 =	simm.s32 $0xC090;
	s26 =	sadd.s32 $0xFFFFFFFF, s23;
	[tilespmem:v5+s14+$0x0] =	vst.idx.add.f32.msk $0xffff, v4  }
0x4ab: {  	p1 =	por $0x1, $0x1;
	s23 =	simm.s32 $0xA000;
	s24 =	simm.s32 $0xE100;
	v4 =	vld [tilespmem:s25+$0x0]  }
.LBB2_192:
0x4ac: {  	p2 =	seq.s32 s26, $0x1;
	_ =	sdelay $0x3  }
0x4ad: {  	v4 =	vadd.s32 $0x2800, v4;
	_ =	sdelay $0x2  }
0x4ae: {  	s23 =	sadd.s32 $0x10, s23  }
0x4af: {  	v5 =	vld [tilespmem:s23+$0x0]  }
0x4b0: {  	s24 =	sadd.s32 $0x10, s24;
	v4 =	vld.idx.msk [tilespmem:v4+s6+$0x0], $0xffff  }
0x4b1: {  	v6 =	vld [tilespmem:s24+$0x0];
	_ =	sdelay $0x3  }
.Ltmp125:
0x4b2: {  	(pc) =	sbr.rel @!p2 .LBB2_192-.Ltmp125, $3  }
0x4b3: {  	v4 =	vmul.f32 v6, v4;
	_ =	sdelay $0x1  }
0x4b4: {  	s25 =	sadd.s32 $0x10, s25;
	[tilespmem:v5+s14+$0x0] =	vst.idx.add.f32.msk $0xffff, v4  }
0x4b5: {  	s26 =	sadd.s32 $0xFFFFFFFF, s26;
	v4 =	vld [tilespmem:s25+$0x0]  }
.LBB2_193:
0x4b6: {  	_ =	sdelay $0x3  }
0x4b7: {  	s23 =	sadd.s32 @p1 $0x10, s23;
	v4 =	vadd.s32 $0x2800, v4  }
0x4b8: {  	s21 =	smov.u32 @p1 s23  }
0x4b9: {  	v5 =	vld [tilespmem:s21+$0x0];
	s21 =	sadd.s32 @p1 $0x10, s24  }
0x4ba: {  	s22 =	smov.u32 @p1 s21  }
0x4bb: {  	v6 =	vld [tilespmem:s22+$0x0]  }
0x4bc: {  	v4 =	vld.idx.msk [tilespmem:v4+s6+$0x0], $0xffff;
	_ =	sdelay $0x2  }
.Ltmp126:
0x4bd: {  	_ = 	snop;
	(pc) =	sbr.rel .LBB2_195-.Ltmp126, $3  }
0x4be: {  	_ = 	snop  }
0x4bf: {  	v4 =	vmul.f32 v6, v4;
	_ =	sdelay $0x1  }
0x4c0: {  	[tilespmem:v5+s14+$0x0] =	vst.idx.add.f32.msk $0xffff, v4  }
.LBB2_203:
.Ltmp127:
0x4c1: {  	s21 =	rddreg [dreg:$0x19];
	(pc) =	sbr.rel .LBB2_204-.Ltmp127, $4  }
0x4c2: {  	[hbm4b:s21+s15] =	stream.strided.scatter [tilespmem:s14], [sflag:$0x1], $0x6000, s16, s15, $0x38;
	[tilespmem:$0x1C180] =	vst v63  }
0x4c3: {  	_ =	swait.ge [sflag:s18], $0x6000  }
0x4c4: {  	[sflag:s18] =	ssyncset.done $0x0  }
0x4c5: {  	[sflag:s18] =	ssyncadd.s32 $0xFFFFA000  }
.LBB2_194:
0x4c6: {  	s21 =	rddreg [dreg:$0x18]  }
0x4c7: {  	[hbm4b:s21+s15] =	stream.strided.scatter [tilespmem:s17], [sflag:$0x2], $0x6000, s16, s15, $0x38;
	[tilespmem:$0x1C180] =	vst v63  }
0x4c8: {  	_ =	swait.ge [sflag:s10], $0x6000  }
0x4c9: {  	[sflag:s10] =	ssyncset.done $0x0  }
0x4ca: {  	[sflag:s10] =	ssyncadd.s32 $0xFFFFA000  }
.LBB2_195:
.Ltmp128:
0x4cb: {  	s21 =	rddreg [dreg:$0x19];
	(pc) =	sbr.rel @p0 .LBB2_212-.Ltmp128, $4  }
0x4cc: {  	[hbm4b:s21+s15] =	stream.strided.scatter [tilespmem:s14], [sflag:$0x1], $0x6000, s16, s15, $0x38;
	[tilespmem:$0x1C180] =	vst v63  }
0x4cd: {  	_ =	swait.ge [sflag:s18], $0x6000  }
0x4ce: {  	s22 =	simm.s32 $0xA000;
	[sflag:s18] =	ssyncset.done $0x0  }
0x4cf: {  	s23 =	smov.u32 s20;
	s21 =	simm.s32 $0xA000;
	[sflag:s18] =	ssyncadd.s32 $0xFFFFA000  }
.LBB2_196:
0x4d0: {  	v4 =	vld [tilespmem:s22+$0x0];
	_ =	sdelay $0x2  }
0x4d1: {  	p1 =	sne.s32 s23, $0x1  }
.Ltmp129:
0x4d2: {  	_ = 	snop;
	(pc) =	sbr.rel @p1 .LBB2_196-.Ltmp129, $2  }
0x4d3: {  	_ =	sdelay $0x2  }
0x4d4: {  	s22 =	sadd.s32 $0x10, s22;
	s23 =	sadd.s32 $0xFFFFFFFF, s23;
	[tilespmem:v4+s17+$0x0] =	vst.idx.msk $0xffff, v1  }
0x4d5: {  	p2 =	seq.s32 s20, $0x1  }
.Ltmp130:
0x4d6: {  	_ = 	snop;
	(pc) =	sbr.rel @p2 .LBB2_198-.Ltmp130, $3  }
0x4d7: {  	_ =	sdelay $0x1  }
0x4d8: {  	s23 =	simm.s32 $0xC080  }
0x4d9: {  	s22 =	simm.s32 $0xE100;
	p1 =	por $0x0, $0x0;
	v4 =	vld [tilespmem:s23+$0x0];
	s23 =	sadd.s32 $0xFFFFFFFF, s20  }
0x4da: {  	_ =	sdelay $0x3  }
0x4db: {  	v4 =	vadd.s32 $0x2A00, v4;
	_ =	sdelay $0x2  }
0x4dc: {  	v5 =	vld [tilespmem:s21+$0x0]  }
0x4dd: {  	v6 =	vld [tilespmem:s22+$0x0]  }
0x4de: {  	v4 =	vld.idx.msk [tilespmem:v4+s6+$0x0], $0xffff;
	_ =	sdelay $0x2  }
0x4df: {  	p2 =	seq.s32 s23, $0x1  }
.Ltmp131:
0x4e0: {  	_ = 	snop;
	(pc) =	sbr.rel @p2 .LBB2_200-.Ltmp131, $3  }
0x4e1: {  	v4 =	vmul.f32 v6, v4;
	_ =	sdelay $0x1  }
0x4e2: {  	s25 =	simm.s32 $0xC090;
	s26 =	sadd.s32 $0xFFFFFFFF, s23;
	[tilespmem:v5+s17+$0x0] =	vst.idx.add.f32.msk $0xffff, v4  }
0x4e3: {  	p1 =	por $0x1, $0x1;
	s23 =	simm.s32 $0xA000;
	s24 =	simm.s32 $0xE100;
	v4 =	vld [tilespmem:s25+$0x0]  }
.LBB2_201:
0x4e4: {  	p2 =	seq.s32 s26, $0x1;
	_ =	sdelay $0x3  }
0x4e5: {  	v4 =	vadd.s32 $0x2A00, v4;
	_ =	sdelay $0x2  }
0x4e6: {  	s23 =	sadd.s32 $0x10, s23  }
0x4e7: {  	v5 =	vld [tilespmem:s23+$0x0]  }
0x4e8: {  	s24 =	sadd.s32 $0x10, s24;
	v4 =	vld.idx.msk [tilespmem:v4+s6+$0x0], $0xffff  }
0x4e9: {  	v6 =	vld [tilespmem:s24+$0x0];
	_ =	sdelay $0x3  }
.Ltmp132:
0x4ea: {  	(pc) =	sbr.rel @!p2 .LBB2_201-.Ltmp132, $3  }
0x4eb: {  	v4 =	vmul.f32 v6, v4;
	_ =	sdelay $0x1  }
0x4ec: {  	s25 =	sadd.s32 $0x10, s25;
	[tilespmem:v5+s17+$0x0] =	vst.idx.add.f32.msk $0xffff, v4  }
0x4ed: {  	s26 =	sadd.s32 $0xFFFFFFFF, s26;
	v4 =	vld [tilespmem:s25+$0x0]  }
.LBB2_202:
0x4ee: {  	_ =	sdelay $0x3  }
0x4ef: {  	s23 =	sadd.s32 @p1 $0x10, s23;
	v4 =	vadd.s32 $0x2A00, v4  }
0x4f0: {  	s21 =	smov.u32 @p1 s23  }
0x4f1: {  	v5 =	vld [tilespmem:s21+$0x0];
	s21 =	sadd.s32 @p1 $0x10, s24  }
0x4f2: {  	s22 =	smov.u32 @p1 s21  }
0x4f3: {  	v6 =	vld [tilespmem:s22+$0x0]  }
0x4f4: {  	v4 =	vld.idx.msk [tilespmem:v4+s6+$0x0], $0xffff;
	_ =	sdelay $0x4  }
0x4f5: {  	v4 =	vmul.f32 v6, v4;
	_ =	sdelay $0x1  }
0x4f6: {  	[tilespmem:v5+s17+$0x0] =	vst.idx.add.f32.msk $0xffff, v4  }
.LBB2_204:
.Ltmp133:
0x4f7: {  	s21 =	rddreg [dreg:$0x1a];
	(pc) =	sbr.rel @p0 .LBB2_221-.Ltmp133, $4  }
0x4f8: {  	[hbm4b:s21+s15] =	stream.strided.scatter [tilespmem:s17], [sflag:$0x2], $0x6000, s16, s15, $0x38;
	[tilespmem:$0x1C180] =	vst v63  }
0x4f9: {  	_ =	swait.ge [sflag:s10], $0x6000  }
0x4fa: {  	s22 =	simm.s32 $0xA000;
	[sflag:s10] =	ssyncset.done $0x0  }
0x4fb: {  	s23 =	smov.u32 s20;
	s21 =	simm.s32 $0xA000;
	[sflag:s10] =	ssyncadd.s32 $0xFFFFA000  }
.LBB2_205:
0x4fc: {  	v4 =	vld [tilespmem:s22+$0x0];
	_ =	sdelay $0x2  }
0x4fd: {  	p1 =	sne.s32 s23, $0x1  }
.Ltmp134:
0x4fe: {  	_ = 	snop;
	(pc) =	sbr.rel @p1 .LBB2_205-.Ltmp134, $2  }
0x4ff: {  	_ =	sdelay $0x2  }
0x500: {  	s22 =	sadd.s32 $0x10, s22;
	s23 =	sadd.s32 $0xFFFFFFFF, s23;
	[tilespmem:v4+s14+$0x0] =	vst.idx.msk $0xffff, v1  }
0x501: {  	p2 =	seq.s32 s20, $0x1  }
.Ltmp135:
0x502: {  	_ = 	snop;
	(pc) =	sbr.rel @p2 .LBB2_207-.Ltmp135, $3  }
0x503: {  	_ =	sdelay $0x1  }
0x504: {  	s23 =	simm.s32 $0xC080  }
0x505: {  	s22 =	simm.s32 $0xE100;
	p1 =	por $0x0, $0x0;
	v4 =	vld [tilespmem:s23+$0x0];
	s23 =	sadd.s32 $0xFFFFFFFF, s20  }
0x506: {  	_ =	sdelay $0x3  }
0x507: {  	v4 =	vadd.s32 $0x2C00, v4;
	_ =	sdelay $0x2  }
0x508: {  	v5 =	vld [tilespmem:s21+$0x0]  }
0x509: {  	v6 =	vld [tilespmem:s22+$0x0]  }
0x50a: {  	v4 =	vld.idx.msk [tilespmem:v4+s6+$0x0], $0xffff;
	_ =	sdelay $0x2  }
0x50b: {  	p2 =	seq.s32 s23, $0x1  }
.Ltmp136:
0x50c: {  	_ = 	snop;
	(pc) =	sbr.rel @p2 .LBB2_209-.Ltmp136, $3  }
0x50d: {  	v4 =	vmul.f32 v6, v4;
	_ =	sdelay $0x1  }
0x50e: {  	s25 =	simm.s32 $0xC090;
	s26 =	sadd.s32 $0xFFFFFFFF, s23;
	[tilespmem:v5+s14+$0x0] =	vst.idx.add.f32.msk $0xffff, v4  }
0x50f: {  	p1 =	por $0x1, $0x1;
	s23 =	simm.s32 $0xA000;
	s24 =	simm.s32 $0xE100;
	v4 =	vld [tilespmem:s25+$0x0]  }
.LBB2_210:
0x510: {  	p2 =	seq.s32 s26, $0x1;
	_ =	sdelay $0x3  }
0x511: {  	v4 =	vadd.s32 $0x2C00, v4;
	_ =	sdelay $0x2  }
0x512: {  	s23 =	sadd.s32 $0x10, s23  }
0x513: {  	v5 =	vld [tilespmem:s23+$0x0]  }
0x514: {  	s24 =	sadd.s32 $0x10, s24;
	v4 =	vld.idx.msk [tilespmem:v4+s6+$0x0], $0xffff  }
0x515: {  	v6 =	vld [tilespmem:s24+$0x0];
	_ =	sdelay $0x3  }
.Ltmp137:
0x516: {  	(pc) =	sbr.rel @!p2 .LBB2_210-.Ltmp137, $3  }
0x517: {  	v4 =	vmul.f32 v6, v4;
	_ =	sdelay $0x1  }
0x518: {  	s25 =	sadd.s32 $0x10, s25;
	[tilespmem:v5+s14+$0x0] =	vst.idx.add.f32.msk $0xffff, v4  }
0x519: {  	s26 =	sadd.s32 $0xFFFFFFFF, s26;
	v4 =	vld [tilespmem:s25+$0x0]  }
.LBB2_211:
0x51a: {  	_ =	sdelay $0x3  }
0x51b: {  	s23 =	sadd.s32 @p1 $0x10, s23;
	v4 =	vadd.s32 $0x2C00, v4  }
0x51c: {  	s21 =	smov.u32 @p1 s23  }
0x51d: {  	v5 =	vld [tilespmem:s21+$0x0];
	s21 =	sadd.s32 @p1 $0x10, s24  }
0x51e: {  	s22 =	smov.u32 @p1 s21  }
0x51f: {  	v6 =	vld [tilespmem:s22+$0x0]  }
0x520: {  	v4 =	vld.idx.msk [tilespmem:v4+s6+$0x0], $0xffff;
	_ =	sdelay $0x2  }
.Ltmp138:
0x521: {  	_ = 	snop;
	(pc) =	sbr.rel .LBB2_213-.Ltmp138, $3  }
0x522: {  	_ = 	snop  }
0x523: {  	v4 =	vmul.f32 v6, v4;
	_ =	sdelay $0x1  }
0x524: {  	[tilespmem:v5+s14+$0x0] =	vst.idx.add.f32.msk $0xffff, v4  }
.LBB2_221:
.Ltmp139:
0x525: {  	s21 =	rddreg [dreg:$0x1b];
	(pc) =	sbr.rel .LBB2_222-.Ltmp139, $4  }
0x526: {  	[hbm4b:s21+s15] =	stream.strided.scatter [tilespmem:s14], [sflag:$0x1], $0x6000, s16, s15, $0x38;
	[tilespmem:$0x1C180] =	vst v63  }
0x527: {  	_ =	swait.ge [sflag:s18], $0x6000  }
0x528: {  	[sflag:s18] =	ssyncset.done $0x0  }
0x529: {  	[sflag:s18] =	ssyncadd.s32 $0xFFFFA000  }
.LBB2_212:
0x52a: {  	s21 =	rddreg [dreg:$0x1a]  }
0x52b: {  	[hbm4b:s21+s15] =	stream.strided.scatter [tilespmem:s17], [sflag:$0x2], $0x6000, s16, s15, $0x38;
	[tilespmem:$0x1C180] =	vst v63  }
0x52c: {  	_ =	swait.ge [sflag:s10], $0x6000  }
0x52d: {  	[sflag:s10] =	ssyncset.done $0x0  }
0x52e: {  	[sflag:s10] =	ssyncadd.s32 $0xFFFFA000  }
.LBB2_213:
.Ltmp140:
0x52f: {  	s21 =	rddreg [dreg:$0x1b];
	(pc) =	sbr.rel @p0 .LBB2_230-.Ltmp140, $4  }
0x530: {  	[hbm4b:s21+s15] =	stream.strided.scatter [tilespmem:s14], [sflag:$0x1], $0x6000, s16, s15, $0x38;
	[tilespmem:$0x1C180] =	vst v63  }
0x531: {  	_ =	swait.ge [sflag:s18], $0x6000  }
0x532: {  	s22 =	simm.s32 $0xA000;
	[sflag:s18] =	ssyncset.done $0x0  }
0x533: {  	s23 =	smov.u32 s20;
	s21 =	simm.s32 $0xA000;
	[sflag:s18] =	ssyncadd.s32 $0xFFFFA000  }
.LBB2_214:
0x534: {  	v4 =	vld [tilespmem:s22+$0x0];
	_ =	sdelay $0x2  }
0x535: {  	p1 =	sne.s32 s23, $0x1  }
.Ltmp141:
0x536: {  	_ = 	snop;
	(pc) =	sbr.rel @p1 .LBB2_214-.Ltmp141, $2  }
0x537: {  	_ =	sdelay $0x2  }
0x538: {  	s22 =	sadd.s32 $0x10, s22;
	s23 =	sadd.s32 $0xFFFFFFFF, s23;
	[tilespmem:v4+s17+$0x0] =	vst.idx.msk $0xffff, v1  }
0x539: {  	p2 =	seq.s32 s20, $0x1  }
.Ltmp142:
0x53a: {  	_ = 	snop;
	(pc) =	sbr.rel @p2 .LBB2_216-.Ltmp142, $3  }
0x53b: {  	_ =	sdelay $0x1  }
0x53c: {  	s23 =	simm.s32 $0xC080  }
0x53d: {  	s22 =	simm.s32 $0xE100;
	p1 =	por $0x0, $0x0;
	v4 =	vld [tilespmem:s23+$0x0];
	s23 =	sadd.s32 $0xFFFFFFFF, s20  }
0x53e: {  	_ =	sdelay $0x3  }
0x53f: {  	v4 =	vadd.s32 $0x2E00, v4;
	_ =	sdelay $0x2  }
0x540: {  	v5 =	vld [tilespmem:s21+$0x0]  }
0x541: {  	v6 =	vld [tilespmem:s22+$0x0]  }
0x542: {  	v4 =	vld.idx.msk [tilespmem:v4+s6+$0x0], $0xffff;
	_ =	sdelay $0x2  }
0x543: {  	p2 =	seq.s32 s23, $0x1  }
.Ltmp143:
0x544: {  	_ = 	snop;
	(pc) =	sbr.rel @p2 .LBB2_218-.Ltmp143, $3  }
0x545: {  	v4 =	vmul.f32 v6, v4;
	_ =	sdelay $0x1  }
0x546: {  	s25 =	simm.s32 $0xC090;
	s26 =	sadd.s32 $0xFFFFFFFF, s23;
	[tilespmem:v5+s17+$0x0] =	vst.idx.add.f32.msk $0xffff, v4  }
0x547: {  	p1 =	por $0x1, $0x1;
	s23 =	simm.s32 $0xA000;
	s24 =	simm.s32 $0xE100;
	v4 =	vld [tilespmem:s25+$0x0]  }
.LBB2_219:
0x548: {  	p2 =	seq.s32 s26, $0x1;
	_ =	sdelay $0x3  }
0x549: {  	v4 =	vadd.s32 $0x2E00, v4;
	_ =	sdelay $0x2  }
0x54a: {  	s23 =	sadd.s32 $0x10, s23  }
0x54b: {  	v5 =	vld [tilespmem:s23+$0x0]  }
0x54c: {  	s24 =	sadd.s32 $0x10, s24;
	v4 =	vld.idx.msk [tilespmem:v4+s6+$0x0], $0xffff  }
0x54d: {  	v6 =	vld [tilespmem:s24+$0x0];
	_ =	sdelay $0x3  }
.Ltmp144:
0x54e: {  	(pc) =	sbr.rel @!p2 .LBB2_219-.Ltmp144, $3  }
0x54f: {  	v4 =	vmul.f32 v6, v4;
	_ =	sdelay $0x1  }
0x550: {  	s25 =	sadd.s32 $0x10, s25;
	[tilespmem:v5+s17+$0x0] =	vst.idx.add.f32.msk $0xffff, v4  }
0x551: {  	s26 =	sadd.s32 $0xFFFFFFFF, s26;
	v4 =	vld [tilespmem:s25+$0x0]  }
.LBB2_220:
0x552: {  	_ =	sdelay $0x3  }
0x553: {  	s23 =	sadd.s32 @p1 $0x10, s23;
	v4 =	vadd.s32 $0x2E00, v4  }
0x554: {  	s21 =	smov.u32 @p1 s23  }
0x555: {  	v5 =	vld [tilespmem:s21+$0x0];
	s21 =	sadd.s32 @p1 $0x10, s24  }
0x556: {  	s22 =	smov.u32 @p1 s21  }
0x557: {  	v6 =	vld [tilespmem:s22+$0x0]  }
0x558: {  	v4 =	vld.idx.msk [tilespmem:v4+s6+$0x0], $0xffff;
	_ =	sdelay $0x4  }
0x559: {  	v4 =	vmul.f32 v6, v4;
	_ =	sdelay $0x1  }
0x55a: {  	[tilespmem:v5+s17+$0x0] =	vst.idx.add.f32.msk $0xffff, v4  }
.LBB2_222:
.Ltmp145:
0x55b: {  	(pc) =	sbr.rel @p0 .LBB2_239-.Ltmp145, $4  }
0x55c: {  	[hbm4b:s30+s15] =	stream.strided.scatter [tilespmem:s17], [sflag:$0x2], $0x6000, s16, s15, $0x38;
	[tilespmem:$0x1C180] =	vst v63  }
0x55d: {  	_ =	swait.ge [sflag:s10], $0x6000  }
0x55e: {  	s21 =	simm.s32 $0xA000;
	[sflag:s10] =	ssyncset.done $0x0  }
0x55f: {  	s22 =	simm.s32 $0xA000;
	s23 =	smov.u32 s20;
	[sflag:s10] =	ssyncadd.s32 $0xFFFFA000  }
.LBB2_223:
0x560: {  	v4 =	vld [tilespmem:s22+$0x0];
	_ =	sdelay $0x2  }
0x561: {  	p1 =	sne.s32 s23, $0x1  }
.Ltmp146:
0x562: {  	_ = 	snop;
	(pc) =	sbr.rel @p1 .LBB2_223-.Ltmp146, $2  }
0x563: {  	_ =	sdelay $0x2  }
0x564: {  	s22 =	sadd.s32 $0x10, s22;
	s23 =	sadd.s32 $0xFFFFFFFF, s23;
	[tilespmem:v4+s14+$0x0] =	vst.idx.msk $0xffff, v1  }
0x565: {  	p2 =	seq.s32 s20, $0x1  }
.Ltmp147:
0x566: {  	_ = 	snop;
	(pc) =	sbr.rel @p2 .LBB2_225-.Ltmp147, $3  }
0x567: {  	_ =	sdelay $0x1  }
0x568: {  	s23 =	simm.s32 $0xC080  }
0x569: {  	s22 =	simm.s32 $0xE100;
	p1 =	por $0x0, $0x0;
	v4 =	vld [tilespmem:s23+$0x0];
	s23 =	sadd.s32 $0xFFFFFFFF, s20  }
0x56a: {  	_ =	sdelay $0x3  }
0x56b: {  	v4 =	vadd.s32 $0x3000, v4;
	_ =	sdelay $0x2  }
0x56c: {  	v5 =	vld [tilespmem:s21+$0x0]  }
0x56d: {  	v6 =	vld [tilespmem:s22+$0x0]  }
0x56e: {  	v4 =	vld.idx.msk [tilespmem:v4+s6+$0x0], $0xffff;
	_ =	sdelay $0x2  }
0x56f: {  	p2 =	seq.s32 s23, $0x1  }
.Ltmp148:
0x570: {  	_ = 	snop;
	(pc) =	sbr.rel @p2 .LBB2_227-.Ltmp148, $3  }
0x571: {  	v4 =	vmul.f32 v6, v4;
	_ =	sdelay $0x1  }
0x572: {  	s25 =	simm.s32 $0xC090;
	s26 =	sadd.s32 $0xFFFFFFFF, s23;
	[tilespmem:v5+s14+$0x0] =	vst.idx.add.f32.msk $0xffff, v4  }
0x573: {  	p1 =	por $0x1, $0x1;
	s23 =	simm.s32 $0xA000;
	s24 =	simm.s32 $0xE100;
	v4 =	vld [tilespmem:s25+$0x0]  }
.LBB2_228:
0x574: {  	p2 =	seq.s32 s26, $0x1;
	_ =	sdelay $0x3  }
0x575: {  	v4 =	vadd.s32 $0x3000, v4;
	_ =	sdelay $0x2  }
0x576: {  	s23 =	sadd.s32 $0x10, s23  }
0x577: {  	v5 =	vld [tilespmem:s23+$0x0]  }
0x578: {  	s24 =	sadd.s32 $0x10, s24;
	v4 =	vld.idx.msk [tilespmem:v4+s6+$0x0], $0xffff  }
0x579: {  	v6 =	vld [tilespmem:s24+$0x0];
	_ =	sdelay $0x3  }
.Ltmp149:
0x57a: {  	(pc) =	sbr.rel @!p2 .LBB2_228-.Ltmp149, $3  }
0x57b: {  	v4 =	vmul.f32 v6, v4;
	_ =	sdelay $0x1  }
0x57c: {  	s25 =	sadd.s32 $0x10, s25;
	[tilespmem:v5+s14+$0x0] =	vst.idx.add.f32.msk $0xffff, v4  }
0x57d: {  	s26 =	sadd.s32 $0xFFFFFFFF, s26;
	v4 =	vld [tilespmem:s25+$0x0]  }
.LBB2_229:
0x57e: {  	_ =	sdelay $0x3  }
0x57f: {  	s23 =	sadd.s32 @p1 $0x10, s23;
	v4 =	vadd.s32 $0x3000, v4  }
0x580: {  	s21 =	smov.u32 @p1 s23  }
0x581: {  	v5 =	vld [tilespmem:s21+$0x0];
	s21 =	sadd.s32 @p1 $0x10, s24  }
0x582: {  	s22 =	smov.u32 @p1 s21  }
0x583: {  	v6 =	vld [tilespmem:s22+$0x0]  }
0x584: {  	v4 =	vld.idx.msk [tilespmem:v4+s6+$0x0], $0xffff;
	_ =	sdelay $0x2  }
.Ltmp150:
0x585: {  	_ = 	snop;
	(pc) =	sbr.rel .LBB2_231-.Ltmp150, $3  }
0x586: {  	_ = 	snop  }
0x587: {  	v4 =	vmul.f32 v6, v4;
	_ =	sdelay $0x1  }
0x588: {  	[tilespmem:v5+s14+$0x0] =	vst.idx.add.f32.msk $0xffff, v4  }
.LBB2_239:
.Ltmp151:
0x589: {  	(pc) =	sbr.rel .LBB2_240-.Ltmp151, $4  }
0x58a: {  	[hbm4b:s31+s15] =	stream.strided.scatter [tilespmem:s14], [sflag:$0x1], $0x6000, s16, s15, $0x38;
	[tilespmem:$0x1C180] =	vst v63  }
0x58b: {  	_ =	swait.ge [sflag:s18], $0x6000  }
0x58c: {  	[sflag:s18] =	ssyncset.done $0x0  }
0x58d: {  	[sflag:s18] =	ssyncadd.s32 $0xFFFFA000  }
.LBB2_230:
0x58e: {  	[hbm4b:s30+s15] =	stream.strided.scatter [tilespmem:s17], [sflag:$0x2], $0x6000, s16, s15, $0x38;
	[tilespmem:$0x1C180] =	vst v63  }
0x58f: {  	_ =	swait.ge [sflag:s10], $0x6000  }
0x590: {  	[sflag:s10] =	ssyncset.done $0x0  }
0x591: {  	[sflag:s10] =	ssyncadd.s32 $0xFFFFA000  }
.LBB2_231:
.Ltmp152:
0x592: {  	(pc) =	sbr.rel @p0 .LBB2_248-.Ltmp152, $4  }
0x593: {  	[hbm4b:s31+s15] =	stream.strided.scatter [tilespmem:s14], [sflag:$0x1], $0x6000, s16, s15, $0x38;
	[tilespmem:$0x1C180] =	vst v63  }
0x594: {  	_ =	swait.ge [sflag:s18], $0x6000  }
0x595: {  	s21 =	simm.s32 $0xA000;
	[sflag:s18] =	ssyncset.done $0x0  }
0x596: {  	s22 =	simm.s32 $0xA000;
	s23 =	smov.u32 s20;
	[sflag:s18] =	ssyncadd.s32 $0xFFFFA000  }
.LBB2_232:
0x597: {  	v4 =	vld [tilespmem:s22+$0x0];
	_ =	sdelay $0x2  }
0x598: {  	p1 =	sne.s32 s23, $0x1  }
.Ltmp153:
0x599: {  	_ = 	snop;
	(pc) =	sbr.rel @p1 .LBB2_232-.Ltmp153, $2  }
0x59a: {  	_ =	sdelay $0x2  }
0x59b: {  	s22 =	sadd.s32 $0x10, s22;
	s23 =	sadd.s32 $0xFFFFFFFF, s23;
	[tilespmem:v4+s17+$0x0] =	vst.idx.msk $0xffff, v1  }
0x59c: {  	p2 =	seq.s32 s20, $0x1  }
.Ltmp154:
0x59d: {  	_ = 	snop;
	(pc) =	sbr.rel @p2 .LBB2_234-.Ltmp154, $3  }
0x59e: {  	_ =	sdelay $0x1  }
0x59f: {  	s23 =	simm.s32 $0xC080  }
0x5a0: {  	s22 =	simm.s32 $0xE100;
	p1 =	por $0x0, $0x0;
	v4 =	vld [tilespmem:s23+$0x0];
	s23 =	sadd.s32 $0xFFFFFFFF, s20  }
0x5a1: {  	_ =	sdelay $0x3  }
0x5a2: {  	v4 =	vadd.s32 $0x3200, v4;
	_ =	sdelay $0x2  }
0x5a3: {  	v5 =	vld [tilespmem:s21+$0x0]  }
0x5a4: {  	v6 =	vld [tilespmem:s22+$0x0]  }
0x5a5: {  	v4 =	vld.idx.msk [tilespmem:v4+s6+$0x0], $0xffff;
	_ =	sdelay $0x2  }
0x5a6: {  	p2 =	seq.s32 s23, $0x1  }
.Ltmp155:
0x5a7: {  	_ = 	snop;
	(pc) =	sbr.rel @p2 .LBB2_236-.Ltmp155, $3  }
0x5a8: {  	v4 =	vmul.f32 v6, v4;
	_ =	sdelay $0x1  }
0x5a9: {  	s25 =	simm.s32 $0xC090;
	s26 =	sadd.s32 $0xFFFFFFFF, s23;
	[tilespmem:v5+s17+$0x0] =	vst.idx.add.f32.msk $0xffff, v4  }
0x5aa: {  	p1 =	por $0x1, $0x1;
	s23 =	simm.s32 $0xA000;
	s24 =	simm.s32 $0xE100;
	v4 =	vld [tilespmem:s25+$0x0]  }
.LBB2_237:
0x5ab: {  	p2 =	seq.s32 s26, $0x1;
	_ =	sdelay $0x3  }
0x5ac: {  	v4 =	vadd.s32 $0x3200, v4;
	_ =	sdelay $0x2  }
0x5ad: {  	s23 =	sadd.s32 $0x10, s23  }
0x5ae: {  	v5 =	vld [tilespmem:s23+$0x0]  }
0x5af: {  	s24 =	sadd.s32 $0x10, s24;
	v4 =	vld.idx.msk [tilespmem:v4+s6+$0x0], $0xffff  }
0x5b0: {  	v6 =	vld [tilespmem:s24+$0x0];
	_ =	sdelay $0x3  }
.Ltmp156:
0x5b1: {  	(pc) =	sbr.rel @!p2 .LBB2_237-.Ltmp156, $3  }
0x5b2: {  	v4 =	vmul.f32 v6, v4;
	_ =	sdelay $0x1  }
0x5b3: {  	s25 =	sadd.s32 $0x10, s25;
	[tilespmem:v5+s17+$0x0] =	vst.idx.add.f32.msk $0xffff, v4  }
0x5b4: {  	s26 =	sadd.s32 $0xFFFFFFFF, s26;
	v4 =	vld [tilespmem:s25+$0x0]  }
.LBB2_238:
0x5b5: {  	_ =	sdelay $0x3  }
0x5b6: {  	s23 =	sadd.s32 @p1 $0x10, s23;
	v4 =	vadd.s32 $0x3200, v4  }
0x5b7: {  	s21 =	smov.u32 @p1 s23  }
0x5b8: {  	v5 =	vld [tilespmem:s21+$0x0];
	s21 =	sadd.s32 @p1 $0x10, s24  }
0x5b9: {  	s22 =	smov.u32 @p1 s21  }
0x5ba: {  	v6 =	vld [tilespmem:s22+$0x0]  }
0x5bb: {  	v4 =	vld.idx.msk [tilespmem:v4+s6+$0x0], $0xffff;
	_ =	sdelay $0x4  }
0x5bc: {  	v4 =	vmul.f32 v6, v4;
	_ =	sdelay $0x1  }
0x5bd: {  	[tilespmem:v5+s17+$0x0] =	vst.idx.add.f32.msk $0xffff, v4  }
.LBB2_240:
.Ltmp157:
0x5be: {  	(pc) =	sbr.rel @p0 .LBB2_257-.Ltmp157, $4  }
0x5bf: {  	[hbm4b:s4+s15] =	stream.strided.scatter [tilespmem:s17], [sflag:$0x2], $0x6000, s16, s15, $0x38;
	[tilespmem:$0x1C180] =	vst v63  }
0x5c0: {  	_ =	swait.ge [sflag:s10], $0x6000  }
0x5c1: {  	s21 =	simm.s32 $0xA000;
	[sflag:s10] =	ssyncset.done $0x0  }
0x5c2: {  	s22 =	simm.s32 $0xA000;
	s23 =	smov.u32 s20;
	[sflag:s10] =	ssyncadd.s32 $0xFFFFA000  }
.LBB2_241:
0x5c3: {  	v4 =	vld [tilespmem:s22+$0x0];
	_ =	sdelay $0x2  }
0x5c4: {  	p1 =	sne.s32 s23, $0x1  }
.Ltmp158:
0x5c5: {  	_ = 	snop;
	(pc) =	sbr.rel @p1 .LBB2_241-.Ltmp158, $2  }
0x5c6: {  	_ =	sdelay $0x2  }
0x5c7: {  	s22 =	sadd.s32 $0x10, s22;
	s23 =	sadd.s32 $0xFFFFFFFF, s23;
	[tilespmem:v4+s14+$0x0] =	vst.idx.msk $0xffff, v1  }
0x5c8: {  	p2 =	seq.s32 s20, $0x1  }
.Ltmp159:
0x5c9: {  	_ = 	snop;
	(pc) =	sbr.rel @p2 .LBB2_243-.Ltmp159, $3  }
0x5ca: {  	_ =	sdelay $0x1  }
0x5cb: {  	s23 =	simm.s32 $0xC080  }
0x5cc: {  	s22 =	simm.s32 $0xE100;
	p1 =	por $0x0, $0x0;
	v4 =	vld [tilespmem:s23+$0x0];
	s23 =	sadd.s32 $0xFFFFFFFF, s20  }
0x5cd: {  	_ =	sdelay $0x3  }
0x5ce: {  	v4 =	vadd.s32 $0x3400, v4;
	_ =	sdelay $0x2  }
0x5cf: {  	v5 =	vld [tilespmem:s21+$0x0]  }
0x5d0: {  	v6 =	vld [tilespmem:s22+$0x0]  }
0x5d1: {  	v4 =	vld.idx.msk [tilespmem:v4+s6+$0x0], $0xffff;
	_ =	sdelay $0x2  }
0x5d2: {  	p2 =	seq.s32 s23, $0x1  }
.Ltmp160:
0x5d3: {  	_ = 	snop;
	(pc) =	sbr.rel @p2 .LBB2_245-.Ltmp160, $3  }
0x5d4: {  	v4 =	vmul.f32 v6, v4;
	_ =	sdelay $0x1  }
0x5d5: {  	s25 =	simm.s32 $0xC090;
	s26 =	sadd.s32 $0xFFFFFFFF, s23;
	[tilespmem:v5+s14+$0x0] =	vst.idx.add.f32.msk $0xffff, v4  }
0x5d6: {  	p1 =	por $0x1, $0x1;
	s23 =	simm.s32 $0xA000;
	s24 =	simm.s32 $0xE100;
	v4 =	vld [tilespmem:s25+$0x0]  }
.LBB2_246:
0x5d7: {  	p2 =	seq.s32 s26, $0x1;
	_ =	sdelay $0x3  }
0x5d8: {  	v4 =	vadd.s32 $0x3400, v4;
	_ =	sdelay $0x2  }
0x5d9: {  	s23 =	sadd.s32 $0x10, s23  }
0x5da: {  	v5 =	vld [tilespmem:s23+$0x0]  }
0x5db: {  	s24 =	sadd.s32 $0x10, s24;
	v4 =	vld.idx.msk [tilespmem:v4+s6+$0x0], $0xffff  }
0x5dc: {  	v6 =	vld [tilespmem:s24+$0x0];
	_ =	sdelay $0x3  }
.Ltmp161:
0x5dd: {  	(pc) =	sbr.rel @!p2 .LBB2_246-.Ltmp161, $3  }
0x5de: {  	v4 =	vmul.f32 v6, v4;
	_ =	sdelay $0x1  }
0x5df: {  	s25 =	sadd.s32 $0x10, s25;
	[tilespmem:v5+s14+$0x0] =	vst.idx.add.f32.msk $0xffff, v4  }
0x5e0: {  	s26 =	sadd.s32 $0xFFFFFFFF, s26;
	v4 =	vld [tilespmem:s25+$0x0]  }
.LBB2_247:
0x5e1: {  	_ =	sdelay $0x3  }
0x5e2: {  	s23 =	sadd.s32 @p1 $0x10, s23;
	v4 =	vadd.s32 $0x3400, v4  }
0x5e3: {  	s21 =	smov.u32 @p1 s23  }
0x5e4: {  	v5 =	vld [tilespmem:s21+$0x0];
	s21 =	sadd.s32 @p1 $0x10, s24  }
0x5e5: {  	s22 =	smov.u32 @p1 s21  }
0x5e6: {  	v6 =	vld [tilespmem:s22+$0x0]  }
0x5e7: {  	v4 =	vld.idx.msk [tilespmem:v4+s6+$0x0], $0xffff;
	_ =	sdelay $0x2  }
.Ltmp162:
0x5e8: {  	_ = 	snop;
	(pc) =	sbr.rel .LBB2_249-.Ltmp162, $3  }
0x5e9: {  	_ = 	snop  }
0x5ea: {  	v4 =	vmul.f32 v6, v4;
	_ =	sdelay $0x1  }
0x5eb: {  	[tilespmem:v5+s14+$0x0] =	vst.idx.add.f32.msk $0xffff, v4  }
.LBB2_257:
.Ltmp163:
0x5ec: {  	(pc) =	sbr.rel .LBB2_258-.Ltmp163, $4  }
0x5ed: {  	[hbm4b:s0+s15] =	stream.strided.scatter [tilespmem:s14], [sflag:$0x1], $0x6000, s16, s15, $0x38;
	[tilespmem:$0x1C180] =	vst v63  }
0x5ee: {  	_ =	swait.ge [sflag:s18], $0x6000  }
0x5ef: {  	[sflag:s18] =	ssyncset.done $0x0  }
0x5f0: {  	[sflag:s18] =	ssyncadd.s32 $0xFFFFA000  }
.LBB2_248:
0x5f1: {  	[hbm4b:s4+s15] =	stream.strided.scatter [tilespmem:s17], [sflag:$0x2], $0x6000, s16, s15, $0x38;
	[tilespmem:$0x1C180] =	vst v63  }
0x5f2: {  	_ =	swait.ge [sflag:s10], $0x6000  }
0x5f3: {  	[sflag:s10] =	ssyncset.done $0x0  }
0x5f4: {  	[sflag:s10] =	ssyncadd.s32 $0xFFFFA000  }
.LBB2_249:
.Ltmp164:
0x5f5: {  	(pc) =	sbr.rel @p0 .LBB2_266-.Ltmp164, $4  }
0x5f6: {  	[hbm4b:s0+s15] =	stream.strided.scatter [tilespmem:s14], [sflag:$0x1], $0x6000, s16, s15, $0x38;
	[tilespmem:$0x1C180] =	vst v63  }
0x5f7: {  	_ =	swait.ge [sflag:s18], $0x6000  }
0x5f8: {  	s21 =	simm.s32 $0xA000;
	[sflag:s18] =	ssyncset.done $0x0  }
0x5f9: {  	s22 =	simm.s32 $0xA000;
	s23 =	smov.u32 s20;
	[sflag:s18] =	ssyncadd.s32 $0xFFFFA000  }
.LBB2_250:
0x5fa: {  	v4 =	vld [tilespmem:s22+$0x0];
	_ =	sdelay $0x2  }
0x5fb: {  	p1 =	sne.s32 s23, $0x1  }
.Ltmp165:
0x5fc: {  	_ = 	snop;
	(pc) =	sbr.rel @p1 .LBB2_250-.Ltmp165, $2  }
0x5fd: {  	_ =	sdelay $0x2  }
0x5fe: {  	s22 =	sadd.s32 $0x10, s22;
	s23 =	sadd.s32 $0xFFFFFFFF, s23;
	[tilespmem:v4+s17+$0x0] =	vst.idx.msk $0xffff, v1  }
0x5ff: {  	p2 =	seq.s32 s20, $0x1  }
.Ltmp166:
0x600: {  	_ = 	snop;
	(pc) =	sbr.rel @p2 .LBB2_252-.Ltmp166, $3  }
0x601: {  	_ =	sdelay $0x1  }
0x602: {  	s23 =	simm.s32 $0xC080  }
0x603: {  	s22 =	simm.s32 $0xE100;
	p1 =	por $0x0, $0x0;
	v4 =	vld [tilespmem:s23+$0x0];
	s23 =	sadd.s32 $0xFFFFFFFF, s20  }
0x604: {  	_ =	sdelay $0x3  }
0x605: {  	v4 =	vadd.s32 $0x3600, v4;
	_ =	sdelay $0x2  }
0x606: {  	v5 =	vld [tilespmem:s21+$0x0]  }
0x607: {  	v6 =	vld [tilespmem:s22+$0x0]  }
0x608: {  	v4 =	vld.idx.msk [tilespmem:v4+s6+$0x0], $0xffff;
	_ =	sdelay $0x2  }
0x609: {  	p2 =	seq.s32 s23, $0x1  }
.Ltmp167:
0x60a: {  	_ = 	snop;
	(pc) =	sbr.rel @p2 .LBB2_254-.Ltmp167, $3  }
0x60b: {  	v4 =	vmul.f32 v6, v4;
	_ =	sdelay $0x1  }
0x60c: {  	s25 =	simm.s32 $0xC090;
	s26 =	sadd.s32 $0xFFFFFFFF, s23;
	[tilespmem:v5+s17+$0x0] =	vst.idx.add.f32.msk $0xffff, v4  }
0x60d: {  	p1 =	por $0x1, $0x1;
	s23 =	simm.s32 $0xA000;
	s24 =	simm.s32 $0xE100;
	v4 =	vld [tilespmem:s25+$0x0]  }
.LBB2_255:
0x60e: {  	p2 =	seq.s32 s26, $0x1;
	_ =	sdelay $0x3  }
0x60f: {  	v4 =	vadd.s32 $0x3600, v4;
	_ =	sdelay $0x2  }
0x610: {  	s23 =	sadd.s32 $0x10, s23  }
0x611: {  	v5 =	vld [tilespmem:s23+$0x0]  }
0x612: {  	s24 =	sadd.s32 $0x10, s24;
	v4 =	vld.idx.msk [tilespmem:v4+s6+$0x0], $0xffff  }
0x613: {  	v6 =	vld [tilespmem:s24+$0x0];
	_ =	sdelay $0x3  }
.Ltmp168:
0x614: {  	(pc) =	sbr.rel @!p2 .LBB2_255-.Ltmp168, $3  }
0x615: {  	v4 =	vmul.f32 v6, v4;
	_ =	sdelay $0x1  }
0x616: {  	s25 =	sadd.s32 $0x10, s25;
	[tilespmem:v5+s17+$0x0] =	vst.idx.add.f32.msk $0xffff, v4  }
0x617: {  	s26 =	sadd.s32 $0xFFFFFFFF, s26;
	v4 =	vld [tilespmem:s25+$0x0]  }
.LBB2_256:
0x618: {  	_ =	sdelay $0x3  }
0x619: {  	s23 =	sadd.s32 @p1 $0x10, s23;
	v4 =	vadd.s32 $0x3600, v4  }
0x61a: {  	s21 =	smov.u32 @p1 s23  }
0x61b: {  	v5 =	vld [tilespmem:s21+$0x0];
	s21 =	sadd.s32 @p1 $0x10, s24  }
0x61c: {  	s22 =	smov.u32 @p1 s21  }
0x61d: {  	v6 =	vld [tilespmem:s22+$0x0]  }
0x61e: {  	v4 =	vld.idx.msk [tilespmem:v4+s6+$0x0], $0xffff;
	_ =	sdelay $0x4  }
0x61f: {  	v4 =	vmul.f32 v6, v4;
	_ =	sdelay $0x1  }
0x620: {  	[tilespmem:v5+s17+$0x0] =	vst.idx.add.f32.msk $0xffff, v4  }
.LBB2_258:
.Ltmp169:
0x621: {  	(pc) =	sbr.rel @p0 .LBB2_275-.Ltmp169, $4  }
0x622: {  	[hbm4b:s1+s15] =	stream.strided.scatter [tilespmem:s17], [sflag:$0x2], $0x6000, s16, s15, $0x38;
	[tilespmem:$0x1C180] =	vst v63  }
0x623: {  	_ =	swait.ge [sflag:s10], $0x6000  }
0x624: {  	s21 =	simm.s32 $0xA000;
	[sflag:s10] =	ssyncset.done $0x0  }
0x625: {  	s22 =	simm.s32 $0xA000;
	s23 =	smov.u32 s20;
	[sflag:s10] =	ssyncadd.s32 $0xFFFFA000  }
.LBB2_259:
0x626: {  	v4 =	vld [tilespmem:s22+$0x0];
	_ =	sdelay $0x2  }
0x627: {  	p1 =	sne.s32 s23, $0x1  }
.Ltmp170:
0x628: {  	_ = 	snop;
	(pc) =	sbr.rel @p1 .LBB2_259-.Ltmp170, $2  }
0x629: {  	_ =	sdelay $0x2  }
0x62a: {  	s22 =	sadd.s32 $0x10, s22;
	s23 =	sadd.s32 $0xFFFFFFFF, s23;
	[tilespmem:v4+s14+$0x0] =	vst.idx.msk $0xffff, v1  }
0x62b: {  	p2 =	seq.s32 s20, $0x1  }
.Ltmp171:
0x62c: {  	_ = 	snop;
	(pc) =	sbr.rel @p2 .LBB2_261-.Ltmp171, $3  }
0x62d: {  	_ =	sdelay $0x1  }
0x62e: {  	s23 =	simm.s32 $0xC080  }
0x62f: {  	s22 =	simm.s32 $0xE100;
	p1 =	por $0x0, $0x0;
	v4 =	vld [tilespmem:s23+$0x0];
	s23 =	sadd.s32 $0xFFFFFFFF, s20  }
0x630: {  	_ =	sdelay $0x3  }
0x631: {  	v4 =	vadd.s32 $0x3800, v4;
	_ =	sdelay $0x2  }
0x632: {  	v5 =	vld [tilespmem:s21+$0x0]  }
0x633: {  	v6 =	vld [tilespmem:s22+$0x0]  }
0x634: {  	v4 =	vld.idx.msk [tilespmem:v4+s6+$0x0], $0xffff;
	_ =	sdelay $0x2  }
0x635: {  	p2 =	seq.s32 s23, $0x1  }
.Ltmp172:
0x636: {  	_ = 	snop;
	(pc) =	sbr.rel @p2 .LBB2_263-.Ltmp172, $3  }
0x637: {  	v4 =	vmul.f32 v6, v4;
	_ =	sdelay $0x1  }
0x638: {  	s25 =	simm.s32 $0xC090;
	s26 =	sadd.s32 $0xFFFFFFFF, s23;
	[tilespmem:v5+s14+$0x0] =	vst.idx.add.f32.msk $0xffff, v4  }
0x639: {  	p1 =	por $0x1, $0x1;
	s23 =	simm.s32 $0xA000;
	s24 =	simm.s32 $0xE100;
	v4 =	vld [tilespmem:s25+$0x0]  }
.LBB2_264:
0x63a: {  	p2 =	seq.s32 s26, $0x1;
	_ =	sdelay $0x3  }
0x63b: {  	v4 =	vadd.s32 $0x3800, v4;
	_ =	sdelay $0x2  }
0x63c: {  	s23 =	sadd.s32 $0x10, s23  }
0x63d: {  	v5 =	vld [tilespmem:s23+$0x0]  }
0x63e: {  	s24 =	sadd.s32 $0x10, s24;
	v4 =	vld.idx.msk [tilespmem:v4+s6+$0x0], $0xffff  }
0x63f: {  	v6 =	vld [tilespmem:s24+$0x0];
	_ =	sdelay $0x3  }
.Ltmp173:
0x640: {  	(pc) =	sbr.rel @!p2 .LBB2_264-.Ltmp173, $3  }
0x641: {  	v4 =	vmul.f32 v6, v4;
	_ =	sdelay $0x1  }
0x642: {  	s25 =	sadd.s32 $0x10, s25;
	[tilespmem:v5+s14+$0x0] =	vst.idx.add.f32.msk $0xffff, v4  }
0x643: {  	s26 =	sadd.s32 $0xFFFFFFFF, s26;
	v4 =	vld [tilespmem:s25+$0x0]  }
.LBB2_265:
0x644: {  	_ =	sdelay $0x3  }
0x645: {  	s23 =	sadd.s32 @p1 $0x10, s23;
	v4 =	vadd.s32 $0x3800, v4  }
0x646: {  	s21 =	smov.u32 @p1 s23  }
0x647: {  	v5 =	vld [tilespmem:s21+$0x0];
	s21 =	sadd.s32 @p1 $0x10, s24  }
0x648: {  	s22 =	smov.u32 @p1 s21  }
0x649: {  	v6 =	vld [tilespmem:s22+$0x0]  }
0x64a: {  	v4 =	vld.idx.msk [tilespmem:v4+s6+$0x0], $0xffff;
	_ =	sdelay $0x2  }
.Ltmp174:
0x64b: {  	_ = 	snop;
	(pc) =	sbr.rel .LBB2_267-.Ltmp174, $3  }
0x64c: {  	_ = 	snop  }
0x64d: {  	v4 =	vmul.f32 v6, v4;
	_ =	sdelay $0x1  }
0x64e: {  	[tilespmem:v5+s14+$0x0] =	vst.idx.add.f32.msk $0xffff, v4  }
.LBB2_275:
.Ltmp175:
0x64f: {  	(pc) =	sbr.rel .LBB2_276-.Ltmp175, $4  }
0x650: {  	[hbm4b:s2+s15] =	stream.strided.scatter [tilespmem:s14], [sflag:$0x1], $0x6000, s16, s15, $0x38;
	[tilespmem:$0x1C180] =	vst v63  }
0x651: {  	_ =	swait.ge [sflag:s18], $0x6000  }
0x652: {  	[sflag:s18] =	ssyncset.done $0x0  }
0x653: {  	[sflag:s18] =	ssyncadd.s32 $0xFFFFA000  }
.LBB2_266:
0x654: {  	[hbm4b:s1+s15] =	stream.strided.scatter [tilespmem:s17], [sflag:$0x2], $0x6000, s16, s15, $0x38;
	[tilespmem:$0x1C180] =	vst v63  }
0x655: {  	_ =	swait.ge [sflag:s10], $0x6000  }
0x656: {  	[sflag:s10] =	ssyncset.done $0x0  }
0x657: {  	[sflag:s10] =	ssyncadd.s32 $0xFFFFA000  }
.LBB2_267:
.Ltmp176:
0x658: {  	(pc) =	sbr.rel @p0 .LBB2_284-.Ltmp176, $4  }
0x659: {  	[hbm4b:s2+s15] =	stream.strided.scatter [tilespmem:s14], [sflag:$0x1], $0x6000, s16, s15, $0x38;
	[tilespmem:$0x1C180] =	vst v63  }
0x65a: {  	_ =	swait.ge [sflag:s18], $0x6000  }
0x65b: {  	s21 =	simm.s32 $0xA000;
	[sflag:s18] =	ssyncset.done $0x0  }
0x65c: {  	s22 =	simm.s32 $0xA000;
	s23 =	smov.u32 s20;
	[sflag:s18] =	ssyncadd.s32 $0xFFFFA000  }
.LBB2_268:
0x65d: {  	v4 =	vld [tilespmem:s22+$0x0];
	_ =	sdelay $0x2  }
0x65e: {  	p1 =	sne.s32 s23, $0x1  }
.Ltmp177:
0x65f: {  	_ = 	snop;
	(pc) =	sbr.rel @p1 .LBB2_268-.Ltmp177, $2  }
0x660: {  	_ =	sdelay $0x2  }
0x661: {  	s22 =	sadd.s32 $0x10, s22;
	s23 =	sadd.s32 $0xFFFFFFFF, s23;
	[tilespmem:v4+s17+$0x0] =	vst.idx.msk $0xffff, v1  }
0x662: {  	p2 =	seq.s32 s20, $0x1  }
.Ltmp178:
0x663: {  	_ = 	snop;
	(pc) =	sbr.rel @p2 .LBB2_270-.Ltmp178, $3  }
0x664: {  	_ =	sdelay $0x1  }
0x665: {  	s23 =	simm.s32 $0xC080  }
0x666: {  	s22 =	simm.s32 $0xE100;
	p1 =	por $0x0, $0x0;
	v4 =	vld [tilespmem:s23+$0x0];
	s23 =	sadd.s32 $0xFFFFFFFF, s20  }
0x667: {  	_ =	sdelay $0x3  }
0x668: {  	v4 =	vadd.s32 $0x3A00, v4;
	_ =	sdelay $0x2  }
0x669: {  	v5 =	vld [tilespmem:s21+$0x0]  }
0x66a: {  	v6 =	vld [tilespmem:s22+$0x0]  }
0x66b: {  	v4 =	vld.idx.msk [tilespmem:v4+s6+$0x0], $0xffff;
	_ =	sdelay $0x2  }
0x66c: {  	p2 =	seq.s32 s23, $0x1  }
.Ltmp179:
0x66d: {  	_ = 	snop;
	(pc) =	sbr.rel @p2 .LBB2_272-.Ltmp179, $3  }
0x66e: {  	v4 =	vmul.f32 v6, v4;
	_ =	sdelay $0x1  }
0x66f: {  	s25 =	simm.s32 $0xC090;
	s26 =	sadd.s32 $0xFFFFFFFF, s23;
	[tilespmem:v5+s17+$0x0] =	vst.idx.add.f32.msk $0xffff, v4  }
0x670: {  	p1 =	por $0x1, $0x1;
	s23 =	simm.s32 $0xA000;
	s24 =	simm.s32 $0xE100;
	v4 =	vld [tilespmem:s25+$0x0]  }
.LBB2_273:
0x671: {  	p2 =	seq.s32 s26, $0x1;
	_ =	sdelay $0x3  }
0x672: {  	v4 =	vadd.s32 $0x3A00, v4;
	_ =	sdelay $0x2  }
0x673: {  	s23 =	sadd.s32 $0x10, s23  }
0x674: {  	v5 =	vld [tilespmem:s23+$0x0]  }
0x675: {  	s24 =	sadd.s32 $0x10, s24;
	v4 =	vld.idx.msk [tilespmem:v4+s6+$0x0], $0xffff  }
0x676: {  	v6 =	vld [tilespmem:s24+$0x0];
	_ =	sdelay $0x3  }
.Ltmp180:
0x677: {  	(pc) =	sbr.rel @!p2 .LBB2_273-.Ltmp180, $3  }
0x678: {  	v4 =	vmul.f32 v6, v4;
	_ =	sdelay $0x1  }
0x679: {  	s25 =	sadd.s32 $0x10, s25;
	[tilespmem:v5+s17+$0x0] =	vst.idx.add.f32.msk $0xffff, v4  }
0x67a: {  	s26 =	sadd.s32 $0xFFFFFFFF, s26;
	v4 =	vld [tilespmem:s25+$0x0]  }
.LBB2_274:
0x67b: {  	_ =	sdelay $0x3  }
0x67c: {  	s23 =	sadd.s32 @p1 $0x10, s23;
	v4 =	vadd.s32 $0x3A00, v4  }
0x67d: {  	s21 =	smov.u32 @p1 s23  }
0x67e: {  	v5 =	vld [tilespmem:s21+$0x0];
	s21 =	sadd.s32 @p1 $0x10, s24  }
0x67f: {  	s22 =	smov.u32 @p1 s21  }
0x680: {  	v6 =	vld [tilespmem:s22+$0x0]  }
0x681: {  	v4 =	vld.idx.msk [tilespmem:v4+s6+$0x0], $0xffff;
	_ =	sdelay $0x4  }
0x682: {  	v4 =	vmul.f32 v6, v4;
	_ =	sdelay $0x1  }
0x683: {  	[tilespmem:v5+s17+$0x0] =	vst.idx.add.f32.msk $0xffff, v4  }
.LBB2_276:
.Ltmp181:
0x684: {  	(pc) =	sbr.rel @p0 .LBB2_293-.Ltmp181, $4  }
0x685: {  	[hbm4b:s5+s15] =	stream.strided.scatter [tilespmem:s17], [sflag:$0x2], $0x6000, s16, s15, $0x38;
	[tilespmem:$0x1C180] =	vst v63  }
0x686: {  	_ =	swait.ge [sflag:s10], $0x6000  }
0x687: {  	s21 =	simm.s32 $0xA000;
	[sflag:s10] =	ssyncset.done $0x0  }
0x688: {  	s22 =	simm.s32 $0xA000;
	s23 =	smov.u32 s20;
	[sflag:s10] =	ssyncadd.s32 $0xFFFFA000  }
.LBB2_277:
0x689: {  	v4 =	vld [tilespmem:s22+$0x0];
	_ =	sdelay $0x2  }
0x68a: {  	p1 =	sne.s32 s23, $0x1  }
.Ltmp182:
0x68b: {  	_ = 	snop;
	(pc) =	sbr.rel @p1 .LBB2_277-.Ltmp182, $2  }
0x68c: {  	_ =	sdelay $0x2  }
0x68d: {  	s22 =	sadd.s32 $0x10, s22;
	s23 =	sadd.s32 $0xFFFFFFFF, s23;
	[tilespmem:v4+s14+$0x0] =	vst.idx.msk $0xffff, v1  }
0x68e: {  	p2 =	seq.s32 s20, $0x1  }
.Ltmp183:
0x68f: {  	_ = 	snop;
	(pc) =	sbr.rel @p2 .LBB2_279-.Ltmp183, $3  }
0x690: {  	_ =	sdelay $0x1  }
0x691: {  	s23 =	simm.s32 $0xC080  }
0x692: {  	s22 =	simm.s32 $0xE100;
	p1 =	por $0x0, $0x0;
	v4 =	vld [tilespmem:s23+$0x0];
	s23 =	sadd.s32 $0xFFFFFFFF, s20  }
0x693: {  	_ =	sdelay $0x3  }
0x694: {  	v4 =	vadd.s32 $0x3C00, v4;
	_ =	sdelay $0x2  }
0x695: {  	v5 =	vld [tilespmem:s21+$0x0]  }
0x696: {  	v6 =	vld [tilespmem:s22+$0x0]  }
0x697: {  	v4 =	vld.idx.msk [tilespmem:v4+s6+$0x0], $0xffff;
	_ =	sdelay $0x2  }
0x698: {  	p2 =	seq.s32 s23, $0x1  }
.Ltmp184:
0x699: {  	_ = 	snop;
	(pc) =	sbr.rel @p2 .LBB2_281-.Ltmp184, $3  }
0x69a: {  	v4 =	vmul.f32 v6, v4;
	_ =	sdelay $0x1  }
0x69b: {  	s25 =	simm.s32 $0xC090;
	s26 =	sadd.s32 $0xFFFFFFFF, s23;
	[tilespmem:v5+s14+$0x0] =	vst.idx.add.f32.msk $0xffff, v4  }
0x69c: {  	p1 =	por $0x1, $0x1;
	s23 =	simm.s32 $0xA000;
	s24 =	simm.s32 $0xE100;
	v4 =	vld [tilespmem:s25+$0x0]  }
.LBB2_282:
0x69d: {  	p2 =	seq.s32 s26, $0x1;
	_ =	sdelay $0x3  }
0x69e: {  	v4 =	vadd.s32 $0x3C00, v4;
	_ =	sdelay $0x2  }
0x69f: {  	s23 =	sadd.s32 $0x10, s23  }
0x6a0: {  	v5 =	vld [tilespmem:s23+$0x0]  }
0x6a1: {  	s24 =	sadd.s32 $0x10, s24;
	v4 =	vld.idx.msk [tilespmem:v4+s6+$0x0], $0xffff  }
0x6a2: {  	v6 =	vld [tilespmem:s24+$0x0];
	_ =	sdelay $0x3  }
.Ltmp185:
0x6a3: {  	(pc) =	sbr.rel @!p2 .LBB2_282-.Ltmp185, $3  }
0x6a4: {  	v4 =	vmul.f32 v6, v4;
	_ =	sdelay $0x1  }
0x6a5: {  	s25 =	sadd.s32 $0x10, s25;
	[tilespmem:v5+s14+$0x0] =	vst.idx.add.f32.msk $0xffff, v4  }
0x6a6: {  	s26 =	sadd.s32 $0xFFFFFFFF, s26;
	v4 =	vld [tilespmem:s25+$0x0]  }
.LBB2_283:
0x6a7: {  	_ =	sdelay $0x3  }
0x6a8: {  	s23 =	sadd.s32 @p1 $0x10, s23;
	v4 =	vadd.s32 $0x3C00, v4  }
0x6a9: {  	s21 =	smov.u32 @p1 s23  }
0x6aa: {  	v5 =	vld [tilespmem:s21+$0x0];
	s21 =	sadd.s32 @p1 $0x10, s24  }
0x6ab: {  	s22 =	smov.u32 @p1 s21  }
0x6ac: {  	v6 =	vld [tilespmem:s22+$0x0]  }
0x6ad: {  	v4 =	vld.idx.msk [tilespmem:v4+s6+$0x0], $0xffff;
	_ =	sdelay $0x2  }
.Ltmp186:
0x6ae: {  	_ = 	snop;
	(pc) =	sbr.rel .LBB2_285-.Ltmp186, $3  }
0x6af: {  	_ = 	snop  }
0x6b0: {  	v4 =	vmul.f32 v6, v4;
	_ =	sdelay $0x1  }
0x6b1: {  	[tilespmem:v5+s14+$0x0] =	vst.idx.add.f32.msk $0xffff, v4  }
.LBB2_284:
0x6b2: {  	[hbm4b:s5+s15] =	stream.strided.scatter [tilespmem:s17], [sflag:$0x2], $0x6000, s16, s15, $0x38;
	[tilespmem:$0x1C180] =	vst v63  }
0x6b3: {  	_ =	swait.ge [sflag:s10], $0x6000  }
0x6b4: {  	[sflag:s10] =	ssyncset.done $0x0  }
0x6b5: {  	[sflag:s10] =	ssyncadd.s32 $0xFFFFA000  }
.LBB2_285:
.Ltmp187:
0x6b6: {  	(pc) =	sbr.rel @p0 .LBB2_294-.Ltmp187, $4  }
0x6b7: {  	[hbm4b:s7+s15] =	stream.strided.scatter [tilespmem:s14], [sflag:$0x1], $0x6000, s16, s15, $0x38;
	[tilespmem:$0x1C180] =	vst v63  }
0x6b8: {  	_ =	swait.ge [sflag:s18], $0x6000  }
0x6b9: {  	s21 =	simm.s32 $0xA000;
	[sflag:s18] =	ssyncset.done $0x0  }
0x6ba: {  	s22 =	simm.s32 $0xA000;
	s23 =	smov.u32 s20;
	[sflag:s18] =	ssyncadd.s32 $0xFFFFA000  }
.LBB2_286:
0x6bb: {  	v4 =	vld [tilespmem:s22+$0x0];
	_ =	sdelay $0x2  }
0x6bc: {  	p0 =	sne.s32 s23, $0x1  }
.Ltmp188:
0x6bd: {  	_ = 	snop;
	(pc) =	sbr.rel @p0 .LBB2_286-.Ltmp188, $2  }
0x6be: {  	_ =	sdelay $0x2  }
0x6bf: {  	s22 =	sadd.s32 $0x10, s22;
	s23 =	sadd.s32 $0xFFFFFFFF, s23;
	[tilespmem:v4+s17+$0x0] =	vst.idx.msk $0xffff, v1  }
0x6c0: {  	p1 =	seq.s32 s20, $0x1  }
.Ltmp189:
0x6c1: {  	_ = 	snop;
	(pc) =	sbr.rel @p1 .LBB2_288-.Ltmp189, $3  }
0x6c2: {  	_ =	sdelay $0x1  }
0x6c3: {  	s23 =	simm.s32 $0xC080  }
0x6c4: {  	s22 =	simm.s32 $0xE100;
	s20 =	sadd.s32 $0xFFFFFFFF, s20;
	p0 =	por $0x0, $0x0;
	v4 =	vld [tilespmem:s23+$0x0]  }
0x6c5: {  	_ =	sdelay $0x3  }
0x6c6: {  	v4 =	vadd.s32 $0x3E00, v4;
	_ =	sdelay $0x2  }
0x6c7: {  	v5 =	vld [tilespmem:s21+$0x0]  }
0x6c8: {  	v6 =	vld [tilespmem:s22+$0x0]  }
0x6c9: {  	v4 =	vld.idx.msk [tilespmem:v4+s6+$0x0], $0xffff;
	_ =	sdelay $0x2  }
0x6ca: {  	p1 =	seq.s32 s20, $0x1  }
.Ltmp190:
0x6cb: {  	_ = 	snop;
	(pc) =	sbr.rel @p1 .LBB2_290-.Ltmp190, $3  }
0x6cc: {  	v4 =	vmul.f32 v6, v4;
	_ =	sdelay $0x1  }
0x6cd: {  	s24 =	simm.s32 $0xC090;
	s25 =	sadd.s32 $0xFFFFFFFF, s20;
	[tilespmem:v5+s17+$0x0] =	vst.idx.add.f32.msk $0xffff, v4  }
0x6ce: {  	p0 =	por $0x1, $0x1;
	s20 =	simm.s32 $0xA000;
	s23 =	simm.s32 $0xE100;
	v4 =	vld [tilespmem:s24+$0x0]  }
.LBB2_291:
0x6cf: {  	p1 =	seq.s32 s25, $0x1;
	_ =	sdelay $0x3  }
0x6d0: {  	v4 =	vadd.s32 $0x3E00, v4;
	_ =	sdelay $0x2  }
0x6d1: {  	s20 =	sadd.s32 $0x10, s20  }
0x6d2: {  	v5 =	vld [tilespmem:s20+$0x0]  }
0x6d3: {  	s23 =	sadd.s32 $0x10, s23;
	v4 =	vld.idx.msk [tilespmem:v4+s6+$0x0], $0xffff  }
0x6d4: {  	v6 =	vld [tilespmem:s23+$0x0];
	_ =	sdelay $0x3  }
.Ltmp191:
0x6d5: {  	(pc) =	sbr.rel @!p1 .LBB2_291-.Ltmp191, $3  }
0x6d6: {  	v4 =	vmul.f32 v6, v4;
	_ =	sdelay $0x1  }
0x6d7: {  	s24 =	sadd.s32 $0x10, s24;
	[tilespmem:v5+s17+$0x0] =	vst.idx.add.f32.msk $0xffff, v4  }
0x6d8: {  	s25 =	sadd.s32 $0xFFFFFFFF, s25;
	v4 =	vld [tilespmem:s24+$0x0]  }
.LBB2_292:
0x6d9: {  	_ =	sdelay $0x3  }
0x6da: {  	v4 =	vadd.s32 $0x3E00, v4  }
0x6db: {  	s20 =	sadd.s32 @p0 $0x10, s20  }
0x6dc: {  	s21 =	smov.u32 @p0 s20;
	s20 =	sadd.s32 @p0 $0x10, s23  }
0x6dd: {  	v5 =	vld [tilespmem:s21+$0x0];
	s22 =	smov.u32 @p0 s20  }
0x6de: {  	v6 =	vld [tilespmem:s22+$0x0]  }
0x6df: {  	v4 =	vld.idx.msk [tilespmem:v4+s6+$0x0], $0xffff;
	_ =	sdelay $0x2  }
.Ltmp192:
0x6e0: {  	_ = 	snop;
	(pc) =	sbr.rel .LBB2_294-.Ltmp192, $3  }
0x6e1: {  	_ = 	snop  }
0x6e2: {  	v4 =	vmul.f32 v6, v4;
	_ =	sdelay $0x1  }
0x6e3: {  	[tilespmem:v5+s17+$0x0] =	vst.idx.add.f32.msk $0xffff, v4  }
.LBB2_9:
.Ltmp193:
0x6e4: {  	(pc) =	sbr.rel .LBB2_13-.Ltmp193, $2  }
0x6e5: {  	_ =	sdelay $0x2  }
0x6e6: {  	s23 =	simm.s32 $0xE100;
	p2 =	por $0x0, $0x0  }
.LBB2_14:
.Ltmp194:
0x6e7: {  	(pc) =	sbr.rel .LBB2_18-.Ltmp194, $2  }
0x6e8: {  	_ =	sdelay $0x2  }
0x6e9: {  	s23 =	simm.s32 $0xE100  }
.LBB2_21:
.Ltmp195:
0x6ea: {  	(pc) =	sbr.rel .LBB2_25-.Ltmp195, $2  }
0x6eb: {  	_ =	sdelay $0x2  }
0x6ec: {  	s25 =	simm.s32 $0xA000;
	s26 =	simm.s32 $0xE100;
	p2 =	por $0x0, $0x0  }
.LBB2_26:
.Ltmp196:
0x6ed: {  	(pc) =	sbr.rel .LBB2_30-.Ltmp196, $2  }
0x6ee: {  	_ =	sdelay $0x2  }
0x6ef: {  	s21 =	simm.s32 $0xA000;
	s24 =	simm.s32 $0xE100  }
.LBB2_35:
.Ltmp197:
0x6f0: {  	(pc) =	sbr.rel .LBB2_39-.Ltmp197, $2  }
0x6f1: {  	_ =	sdelay $0x2  }
0x6f2: {  	s24 =	simm.s32 $0xA000;
	s25 =	simm.s32 $0xE100  }
.LBB2_42:
.Ltmp198:
0x6f3: {  	(pc) =	sbr.rel .LBB2_46-.Ltmp198, $2  }
0x6f4: {  	_ =	sdelay $0x2  }
0x6f5: {  	s21 =	simm.s32 $0xA000;
	s24 =	simm.s32 $0xE100  }
.LBB2_51:
.Ltmp199:
0x6f6: {  	(pc) =	sbr.rel .LBB2_55-.Ltmp199, $2  }
0x6f7: {  	_ =	sdelay $0x2  }
0x6f8: {  	s24 =	simm.s32 $0xA000;
	s25 =	simm.s32 $0xE100  }
.LBB2_58:
.Ltmp200:
0x6f9: {  	(pc) =	sbr.rel .LBB2_62-.Ltmp200, $2  }
0x6fa: {  	_ =	sdelay $0x2  }
0x6fb: {  	s21 =	simm.s32 $0xA000;
	s24 =	simm.s32 $0xE100  }
.LBB2_67:
.Ltmp201:
0x6fc: {  	(pc) =	sbr.rel .LBB2_71-.Ltmp201, $2  }
0x6fd: {  	_ =	sdelay $0x2  }
0x6fe: {  	s24 =	simm.s32 $0xA000;
	s25 =	simm.s32 $0xE100  }
.LBB2_74:
.Ltmp202:
0x6ff: {  	(pc) =	sbr.rel .LBB2_78-.Ltmp202, $2  }
0x700: {  	_ =	sdelay $0x2  }
0x701: {  	s21 =	simm.s32 $0xA000;
	s24 =	simm.s32 $0xE100  }
.LBB2_83:
.Ltmp203:
0x702: {  	(pc) =	sbr.rel .LBB2_87-.Ltmp203, $2  }
0x703: {  	_ =	sdelay $0x2  }
0x704: {  	s24 =	simm.s32 $0xA000;
	s25 =	simm.s32 $0xE100  }
.LBB2_11:
.Ltmp204:
0x705: {  	(pc) =	sbr.rel .LBB2_13-.Ltmp204, $2  }
0x706: {  	_ =	sdelay $0x2  }
0x707: {  	s23 =	simm.s32 $0xE100  }
.LBB2_16:
.Ltmp205:
0x708: {  	(pc) =	sbr.rel .LBB2_18-.Ltmp205, $2  }
0x709: {  	_ =	sdelay $0x2  }
0x70a: {  	s23 =	simm.s32 $0xE100  }
.LBB2_23:
.Ltmp206:
0x70b: {  	(pc) =	sbr.rel .LBB2_25-.Ltmp206, $2  }
0x70c: {  	_ =	sdelay $0x2  }
0x70d: {  	s25 =	simm.s32 $0xA000;
	s26 =	simm.s32 $0xE100  }
.LBB2_28:
.Ltmp207:
0x70e: {  	(pc) =	sbr.rel .LBB2_30-.Ltmp207, $2  }
0x70f: {  	_ =	sdelay $0x2  }
0x710: {  	s21 =	simm.s32 $0xA000;
	s24 =	simm.s32 $0xE100  }
.LBB2_37:
.Ltmp208:
0x711: {  	(pc) =	sbr.rel .LBB2_39-.Ltmp208, $2  }
0x712: {  	_ =	sdelay $0x2  }
0x713: {  	s24 =	simm.s32 $0xA000;
	s25 =	simm.s32 $0xE100  }
.LBB2_44:
.Ltmp209:
0x714: {  	(pc) =	sbr.rel .LBB2_46-.Ltmp209, $2  }
0x715: {  	_ =	sdelay $0x2  }
0x716: {  	s21 =	simm.s32 $0xA000;
	s24 =	simm.s32 $0xE100  }
.LBB2_53:
.Ltmp210:
0x717: {  	(pc) =	sbr.rel .LBB2_55-.Ltmp210, $2  }
0x718: {  	_ =	sdelay $0x2  }
0x719: {  	s24 =	simm.s32 $0xA000;
	s25 =	simm.s32 $0xE100  }
.LBB2_60:
.Ltmp211:
0x71a: {  	(pc) =	sbr.rel .LBB2_62-.Ltmp211, $2  }
0x71b: {  	_ =	sdelay $0x2  }
0x71c: {  	s21 =	simm.s32 $0xA000;
	s24 =	simm.s32 $0xE100  }
.LBB2_69:
.Ltmp212:
0x71d: {  	(pc) =	sbr.rel .LBB2_71-.Ltmp212, $2  }
0x71e: {  	_ =	sdelay $0x2  }
0x71f: {  	s24 =	simm.s32 $0xA000;
	s25 =	simm.s32 $0xE100  }
.LBB2_76:
.Ltmp213:
0x720: {  	(pc) =	sbr.rel .LBB2_78-.Ltmp213, $2  }
0x721: {  	_ =	sdelay $0x2  }
0x722: {  	s21 =	simm.s32 $0xA000;
	s24 =	simm.s32 $0xE100  }
.LBB2_85:
.Ltmp214:
0x723: {  	(pc) =	sbr.rel .LBB2_87-.Ltmp214, $2  }
0x724: {  	_ =	sdelay $0x2  }
0x725: {  	s24 =	simm.s32 $0xA000;
	s25 =	simm.s32 $0xE100  }
.LBB2_99:
.Ltmp215:
0x726: {  	(pc) =	sbr.rel .LBB2_103-.Ltmp215, $2  }
0x727: {  	_ =	sdelay $0x2  }
0x728: {  	s23 =	simm.s32 $0xA000;
	s24 =	simm.s32 $0xE100  }
.LBB2_101:
.Ltmp216:
0x729: {  	(pc) =	sbr.rel .LBB2_103-.Ltmp216, $2  }
0x72a: {  	_ =	sdelay $0x2  }
0x72b: {  	s23 =	simm.s32 $0xA000;
	s24 =	simm.s32 $0xE100  }
.LBB2_117:
.Ltmp217:
0x72c: {  	(pc) =	sbr.rel .LBB2_121-.Ltmp217, $2  }
0x72d: {  	_ =	sdelay $0x2  }
0x72e: {  	s23 =	simm.s32 $0xA000;
	s24 =	simm.s32 $0xE100  }
.LBB2_119:
.Ltmp218:
0x72f: {  	(pc) =	sbr.rel .LBB2_121-.Ltmp218, $2  }
0x730: {  	_ =	sdelay $0x2  }
0x731: {  	s23 =	simm.s32 $0xA000;
	s24 =	simm.s32 $0xE100  }
.LBB2_135:
.Ltmp219:
0x732: {  	(pc) =	sbr.rel .LBB2_139-.Ltmp219, $2  }
0x733: {  	_ =	sdelay $0x2  }
0x734: {  	s23 =	simm.s32 $0xA000;
	s24 =	simm.s32 $0xE100  }
.LBB2_153:
.Ltmp220:
0x735: {  	(pc) =	sbr.rel .LBB2_157-.Ltmp220, $2  }
0x736: {  	_ =	sdelay $0x2  }
0x737: {  	s23 =	simm.s32 $0xA000;
	s24 =	simm.s32 $0xE100  }
.LBB2_137:
.Ltmp221:
0x738: {  	(pc) =	sbr.rel .LBB2_139-.Ltmp221, $2  }
0x739: {  	_ =	sdelay $0x2  }
0x73a: {  	s23 =	simm.s32 $0xA000;
	s24 =	simm.s32 $0xE100  }
.LBB2_171:
.Ltmp222:
0x73b: {  	(pc) =	sbr.rel .LBB2_175-.Ltmp222, $2  }
0x73c: {  	_ =	sdelay $0x2  }
0x73d: {  	s23 =	simm.s32 $0xA000;
	s24 =	simm.s32 $0xE100  }
.LBB2_189:
.Ltmp223:
0x73e: {  	(pc) =	sbr.rel .LBB2_193-.Ltmp223, $2  }
0x73f: {  	_ =	sdelay $0x2  }
0x740: {  	s23 =	simm.s32 $0xA000;
	s24 =	simm.s32 $0xE100  }
.LBB2_207:
.Ltmp224:
0x741: {  	(pc) =	sbr.rel .LBB2_211-.Ltmp224, $2  }
0x742: {  	_ =	sdelay $0x2  }
0x743: {  	s23 =	simm.s32 $0xA000;
	s24 =	simm.s32 $0xE100  }
.LBB2_225:
.Ltmp225:
0x744: {  	(pc) =	sbr.rel .LBB2_229-.Ltmp225, $2  }
0x745: {  	_ =	sdelay $0x2  }
0x746: {  	s23 =	simm.s32 $0xA000;
	s24 =	simm.s32 $0xE100  }
.LBB2_243:
.Ltmp226:
0x747: {  	(pc) =	sbr.rel .LBB2_247-.Ltmp226, $2  }
0x748: {  	_ =	sdelay $0x2  }
0x749: {  	s23 =	simm.s32 $0xA000;
	s24 =	simm.s32 $0xE100  }
.LBB2_261:
.Ltmp227:
0x74a: {  	(pc) =	sbr.rel .LBB2_265-.Ltmp227, $2  }
0x74b: {  	_ =	sdelay $0x2  }
0x74c: {  	s23 =	simm.s32 $0xA000;
	s24 =	simm.s32 $0xE100  }
.LBB2_279:
.Ltmp228:
0x74d: {  	(pc) =	sbr.rel .LBB2_283-.Ltmp228, $2  }
0x74e: {  	_ =	sdelay $0x2  }
0x74f: {  	s23 =	simm.s32 $0xA000;
	s24 =	simm.s32 $0xE100  }
.LBB2_288:
.Ltmp229:
0x750: {  	(pc) =	sbr.rel .LBB2_292-.Ltmp229, $2  }
0x751: {  	_ =	sdelay $0x2  }
0x752: {  	s20 =	simm.s32 $0xA000;
	s23 =	simm.s32 $0xE100  }
.LBB2_270:
.Ltmp230:
0x753: {  	(pc) =	sbr.rel .LBB2_274-.Ltmp230, $2  }
0x754: {  	_ =	sdelay $0x2  }
0x755: {  	s23 =	simm.s32 $0xA000;
	s24 =	simm.s32 $0xE100  }
.LBB2_252:
.Ltmp231:
0x756: {  	(pc) =	sbr.rel .LBB2_256-.Ltmp231, $2  }
0x757: {  	_ =	sdelay $0x2  }
0x758: {  	s23 =	simm.s32 $0xA000;
	s24 =	simm.s32 $0xE100  }
.LBB2_234:
.Ltmp232:
0x759: {  	(pc) =	sbr.rel .LBB2_238-.Ltmp232, $2  }
0x75a: {  	_ =	sdelay $0x2  }
0x75b: {  	s23 =	simm.s32 $0xA000;
	s24 =	simm.s32 $0xE100  }
.LBB2_216:
.Ltmp233:
0x75c: {  	(pc) =	sbr.rel .LBB2_220-.Ltmp233, $2  }
0x75d: {  	_ =	sdelay $0x2  }
0x75e: {  	s23 =	simm.s32 $0xA000;
	s24 =	simm.s32 $0xE100  }
.LBB2_198:
.Ltmp234:
0x75f: {  	(pc) =	sbr.rel .LBB2_202-.Ltmp234, $2  }
0x760: {  	_ =	sdelay $0x2  }
0x761: {  	s23 =	simm.s32 $0xA000;
	s24 =	simm.s32 $0xE100  }
.LBB2_180:
.Ltmp235:
0x762: {  	(pc) =	sbr.rel .LBB2_184-.Ltmp235, $2  }
0x763: {  	_ =	sdelay $0x2  }
0x764: {  	s23 =	simm.s32 $0xA000;
	s24 =	simm.s32 $0xE100  }
.LBB2_162:
.Ltmp236:
0x765: {  	(pc) =	sbr.rel .LBB2_166-.Ltmp236, $2  }
0x766: {  	_ =	sdelay $0x2  }
0x767: {  	s23 =	simm.s32 $0xA000;
	s24 =	simm.s32 $0xE100  }
.LBB2_144:
.Ltmp237:
0x768: {  	(pc) =	sbr.rel .LBB2_148-.Ltmp237, $2  }
0x769: {  	_ =	sdelay $0x2  }
0x76a: {  	s23 =	simm.s32 $0xA000;
	s24 =	simm.s32 $0xE100  }
.LBB2_155:
.Ltmp238:
0x76b: {  	(pc) =	sbr.rel .LBB2_157-.Ltmp238, $2  }
0x76c: {  	_ =	sdelay $0x2  }
0x76d: {  	s23 =	simm.s32 $0xA000;
	s24 =	simm.s32 $0xE100  }
.LBB2_173:
.Ltmp239:
0x76e: {  	(pc) =	sbr.rel .LBB2_175-.Ltmp239, $2  }
0x76f: {  	_ =	sdelay $0x2  }
0x770: {  	s23 =	simm.s32 $0xA000;
	s24 =	simm.s32 $0xE100  }
.LBB2_191:
.Ltmp240:
0x771: {  	(pc) =	sbr.rel .LBB2_193-.Ltmp240, $2  }
0x772: {  	_ =	sdelay $0x2  }
0x773: {  	s23 =	simm.s32 $0xA000;
	s24 =	simm.s32 $0xE100  }
.LBB2_209:
.Ltmp241:
0x774: {  	(pc) =	sbr.rel .LBB2_211-.Ltmp241, $2  }
0x775: {  	_ =	sdelay $0x2  }
0x776: {  	s23 =	simm.s32 $0xA000;
	s24 =	simm.s32 $0xE100  }
.LBB2_227:
.Ltmp242:
0x777: {  	(pc) =	sbr.rel .LBB2_229-.Ltmp242, $2  }
0x778: {  	_ =	sdelay $0x2  }
0x779: {  	s23 =	simm.s32 $0xA000;
	s24 =	simm.s32 $0xE100  }
.LBB2_245:
.Ltmp243:
0x77a: {  	(pc) =	sbr.rel .LBB2_247-.Ltmp243, $2  }
0x77b: {  	_ =	sdelay $0x2  }
0x77c: {  	s23 =	simm.s32 $0xA000;
	s24 =	simm.s32 $0xE100  }
.LBB2_263:
.Ltmp244:
0x77d: {  	(pc) =	sbr.rel .LBB2_265-.Ltmp244, $2  }
0x77e: {  	_ =	sdelay $0x2  }
0x77f: {  	s23 =	simm.s32 $0xA000;
	s24 =	simm.s32 $0xE100  }
.LBB2_281:
.Ltmp245:
0x780: {  	(pc) =	sbr.rel .LBB2_283-.Ltmp245, $2  }
0x781: {  	_ =	sdelay $0x2  }
0x782: {  	s23 =	simm.s32 $0xA000;
	s24 =	simm.s32 $0xE100  }
.LBB2_290:
.Ltmp246:
0x783: {  	(pc) =	sbr.rel .LBB2_292-.Ltmp246, $2  }
0x784: {  	_ =	sdelay $0x2  }
0x785: {  	s20 =	simm.s32 $0xA000;
	s23 =	simm.s32 $0xE100  }
.LBB2_272:
.Ltmp247:
0x786: {  	(pc) =	sbr.rel .LBB2_274-.Ltmp247, $2  }
0x787: {  	_ =	sdelay $0x2  }
0x788: {  	s23 =	simm.s32 $0xA000;
	s24 =	simm.s32 $0xE100  }
.LBB2_254:
.Ltmp248:
0x789: {  	(pc) =	sbr.rel .LBB2_256-.Ltmp248, $2  }
0x78a: {  	_ =	sdelay $0x2  }
0x78b: {  	s23 =	simm.s32 $0xA000;
	s24 =	simm.s32 $0xE100  }
.LBB2_236:
.Ltmp249:
0x78c: {  	(pc) =	sbr.rel .LBB2_238-.Ltmp249, $2  }
0x78d: {  	_ =	sdelay $0x2  }
0x78e: {  	s23 =	simm.s32 $0xA000;
	s24 =	simm.s32 $0xE100  }
.LBB2_218:
.Ltmp250:
0x78f: {  	(pc) =	sbr.rel .LBB2_220-.Ltmp250, $2  }
0x790: {  	_ =	sdelay $0x2  }
0x791: {  	s23 =	simm.s32 $0xA000;
	s24 =	simm.s32 $0xE100  }
.LBB2_200:
.Ltmp251:
0x792: {  	(pc) =	sbr.rel .LBB2_202-.Ltmp251, $2  }
0x793: {  	_ =	sdelay $0x2  }
0x794: {  	s23 =	simm.s32 $0xA000;
	s24 =	simm.s32 $0xE100  }
.LBB2_182:
.Ltmp252:
0x795: {  	(pc) =	sbr.rel .LBB2_184-.Ltmp252, $2  }
0x796: {  	_ =	sdelay $0x2  }
0x797: {  	s23 =	simm.s32 $0xA000;
	s24 =	simm.s32 $0xE100  }
.LBB2_164:
.Ltmp253:
0x798: {  	(pc) =	sbr.rel .LBB2_166-.Ltmp253, $2  }
0x799: {  	_ =	sdelay $0x2  }
0x79a: {  	s23 =	simm.s32 $0xA000;
	s24 =	simm.s32 $0xE100  }
.LBB2_146:
.Ltmp254:
0x79b: {  	(pc) =	sbr.rel .LBB2_148-.Ltmp254, $2  }
0x79c: {  	_ =	sdelay $0x2  }
0x79d: {  	s23 =	simm.s32 $0xA000;
	s24 =	simm.s32 $0xE100  }
.LBB2_126:
.Ltmp255:
0x79e: {  	(pc) =	sbr.rel .LBB2_130-.Ltmp255, $2  }
0x79f: {  	_ =	sdelay $0x2  }
0x7a0: {  	s23 =	simm.s32 $0xA000;
	s24 =	simm.s32 $0xE100  }
.LBB2_128:
.Ltmp256:
0x7a1: {  	(pc) =	sbr.rel .LBB2_130-.Ltmp256, $2  }
0x7a2: {  	_ =	sdelay $0x2  }
0x7a3: {  	s23 =	simm.s32 $0xA000;
	s24 =	simm.s32 $0xE100  }
.LBB2_108:
.Ltmp257:
0x7a4: {  	(pc) =	sbr.rel .LBB2_112-.Ltmp257, $2  }
0x7a5: {  	_ =	sdelay $0x2  }
0x7a6: {  	s23 =	simm.s32 $0xA000;
	s24 =	simm.s32 $0xE100  }
.LBB2_110:
.Ltmp258:
0x7a7: {  	(pc) =	sbr.rel .LBB2_112-.Ltmp258, $2  }
0x7a8: {  	_ =	sdelay $0x2  }
0x7a9: {  	s23 =	simm.s32 $0xA000;
	s24 =	simm.s32 $0xE100  }
.LBB2_90:
.Ltmp259:
0x7aa: {  	(pc) =	sbr.rel .LBB2_94-.Ltmp259, $2  }
0x7ab: {  	_ =	sdelay $0x2  }
0x7ac: {  	s21 =	simm.s32 $0xA000;
	s24 =	simm.s32 $0xE100  }
.LBB2_92:
.Ltmp260:
0x7ad: {  	(pc) =	sbr.rel .LBB2_94-.Ltmp260, $2  }
0x7ae: {  	_ =	sdelay $0x2  }
0x7af: {  	s21 =	simm.s32 $0xA000;
	s24 =	simm.s32 $0xE100  }
.LBB2_295:
0x7b0: {  	_ =	sfence.sel $0x180000  }
0x7b1: {  	[bflag:$0x0] =	sbarrier.arrive $0xFFFF  }
0x7b2: {  	_ =	strace $0x90000047  }
0x7b3: {  	s0 =	stileid.u32;
	[bflag:$0x2] =	sbarrier.arrive $0xFFFF  }
0x7b4: {  	p0 =	sne.s32 s0, $0x0;
	s0 =	rddreg [dreg:$0x5]  }
0x7b5: {  	s0 =	sadd.s32 @!p0 $0x100000, s0  }
0x7b6: {  	[sflag:s0] =	ssyncadd.tile.s32 @!p0 $0x1;
	_ =	shalt  }
.Lfunc_end2:
_tile_overlayer_lowered:
.L_overlay_start_2:
0x7b7: {  	(tag) =	ssettag $0x2  }
0x7b8: {  	s0 =	rddreg [dreg:$0x0];
	s2 =	stileid.u32  }
0x7b9: {  	s1 =	rddreg [dreg:$0x1];
	p0 =	sne.s32 s2, $0x0  }
0x7ba: {  	s3 =	rddreg [dreg:$0x2];
	[bflag:$0x3] =	sbarrier.arrive $0xFFFF;
	s2 =	simm.s32 @!p0 $0x1C03  }
0x7bb: {  	[timem:s3], [sflag:s2] =	dma.local @!p0 [hbm:s0], s1  }
0x7bc: {  	s0 =	simm.s32 @!p0 $0x3  }
0x7bd: {  	_ =	swait.ge @!p0 [sflag:s0], s1  }
0x7be: {  	s1 =	ssub.s32 @!p0 $0x0, s1;
	[sflag:s0] =	ssyncset.done @!p0 $0x0  }
0x7bf: {  	[sflag:s0] =	ssyncadd.s32 @!p0 s1  }
0x7c0: {  	[bflag:$0x3] =	sbarrier.arrive $0xFFFF  }
0x7c1: {  	_ =	shalt  }

</sc_bundles>
